<compile_context>
chip_gen: v7x
topology: tpu7x:2x2x1
jax: 0.10.2.dev20260603
libtpu: 0.0.44.dev20260713+nightly
codegen_flags: <defaults>
</compile_context>

<pallas_src>
import functools

import jax
import jax.numpy as jnp
from jax import lax
from jax.experimental import pallas as pl
from jax.experimental.pallas import tpu as pltpu
from jax.experimental.pallas import tpu_sc as plsc

_N_DOCS = 10
_LAYER = 256
_EMB = 16
_N_USERS = 2
_BATCH = 4096
_VOCAB = 1000000
_X_DIM = _N_DOCS * 8 + 2 * _N_DOCS * 768 + _N_USERS * 4
_TOT = _N_USERS * _EMB + _N_DOCS * _EMB + _X_DIM
_U_TOT = _BATCH * _N_USERS
_I_TOT = _BATCH * _N_DOCS
_E_DIM = _N_USERS * _EMB + _N_DOCS * _EMB

_G8_ROWS = _VOCAB // 8
_CB = 8192
_G8_BLK = _CB // 8
_G8_STEPS = -(-_VOCAB // _CB)

_CHUNK = 128


def _g8_body(ut_ref, it_ref, uo_ref, io_ref):
    for ref, o_ref in ((ut_ref, uo_ref), (it_ref, io_ref)):
        t3 = ref[...].T.reshape(_G8_BLK, 8, _EMB)
        for j8 in range(8):
            o_ref[:, j8 * _EMB:(j8 + 1) * _EMB] = t3[:, j8, :]


def _g8_call(ut_t, it_t):
    return pl.pallas_call(
        _g8_body,
        grid=(_G8_STEPS,),
        in_specs=[
            pl.BlockSpec((_EMB, _CB), lambda i: (0, i)),
            pl.BlockSpec((_EMB, _CB), lambda i: (0, i)),
        ],
        out_specs=[
            pl.BlockSpec((_G8_BLK, 128), lambda i: (i, 0)),
            pl.BlockSpec((_G8_BLK, 128), lambda i: (i, 0)),
        ],
        out_shape=[
            jax.ShapeDtypeStruct((_G8_ROWS, 128), jnp.float32),
            jax.ShapeDtypeStruct((_G8_ROWS, 128), jnp.float32),
        ],
    )(ut_t, it_t)


@functools.cache
def _make_sc_gather():
    info = plsc.get_sparse_core_info()
    nw = info.num_cores * info.num_subcores
    u_pw = _U_TOT // nw
    i_pw = _I_TOT // nw
    cu = u_pw // _CHUNK
    ci = i_pw // _CHUNK
    mesh = plsc.VectorSubcoreMesh(core_axis_name="c", subcore_axis_name="s")

    @functools.partial(
        pl.kernel,
        mesh=mesh,
        out_type=(
            jax.ShapeDtypeStruct((_N_USERS * _EMB, _BATCH), jnp.float32),
            jax.ShapeDtypeStruct((_N_DOCS * _EMB, _BATCH), jnp.float32),
        ),
        scratch_types=[
            pltpu.VMEM((u_pw,), jnp.int32),
            pltpu.VMEM((i_pw,), jnp.int32),
            pltpu.VMEM((_CHUNK,), jnp.int32),
            pltpu.VMEM((_CHUNK, 128), jnp.float32),
            pltpu.VMEM((_N_USERS * _EMB, _BATCH // nw), jnp.float32),
            pltpu.VMEM((_N_DOCS * _EMB, _BATCH // nw), jnp.float32),
            pltpu.SemaphoreType.DMA,
        ],
        compiler_params=pltpu.CompilerParams(needs_layout_passes=False),
    )
    def sc_gather(uidx_hbm, iidx_hbm, ug8_hbm, ig8_hbm, uout_hbm, iout_hbm,
                  uidx_v, iidx_v, gidx_v, rows_v, uout_v, iout_v, sem):
        wid = lax.axis_index("s") * info.num_cores + lax.axis_index("c")
        ub = wid * u_pw
        ib = wid * i_pw
        bcols = _BATCH // nw
        pltpu.sync_copy(uidx_hbm.at[pl.ds(ub, u_pw)], uidx_v)
        pltpu.sync_copy(iidx_hbm.at[pl.ds(ib, i_pw)], iidx_v)
        lane = lax.iota(jnp.int32, 16)

        def do_chunks(idx_v, nchunks, nslot, tab_hbm, out_v):
            def body(c, carry):
                base = c * _CHUNK
                for k in range(8):
                    iv = idx_v[pl.ds(base + k * 16, 16)]
                    gidx_v[pl.ds(k * 16, 16)] = lax.shift_right_logical(iv, 3)
                pltpu.async_copy(tab_hbm.at[gidx_v], rows_v, sem).wait()
                for k in range(8):
                    iv = idx_v[pl.ds(base + k * 16, 16)]
                    col0 = lax.bitwise_and(iv, 7) * 16
                    row = lane + (k * 16)
                    j = row + base
                    orow0 = lax.rem(j, nslot) * 16
                    ocol = lax.div(j, nslot)
                    for f in range(16):
                        vals = plsc.load_gather(rows_v, [row, col0 + f])
                        plsc.store_scatter(out_v, [orow0 + f, ocol], vals)
                return carry
            lax.fori_loop(0, nchunks, body, 0)

        do_chunks(uidx_v, cu, _N_USERS, ug8_hbm, uout_v)
        do_chunks(iidx_v, ci, _N_DOCS, ig8_hbm, iout_v)
        pltpu.sync_copy(uout_v, uout_hbm.at[:, pl.ds(wid * bcols, bcols)])
        pltpu.sync_copy(iout_v, iout_hbm.at[:, pl.ds(wid * bcols, bcols)])

    return sc_gather


_BM = 256
_G = _BATCH // _BM


def _xw1_body(x_ref, w1_ref, out_ref):
    out_ref[...] = jnp.dot(x_ref[...], w1_ref[192:, :],
                           preferred_element_type=jnp.float32)


def _xw1_call(x, W1):
    return pl.pallas_call(
        _xw1_body,
        grid=(_G,),
        in_specs=[
            pl.BlockSpec((_BM, _X_DIM), lambda i: (i, 0)),
            pl.BlockSpec((_TOT, _LAYER), lambda i: (0, 0)),
        ],
        out_specs=pl.BlockSpec((_BM, _LAYER), lambda i: (i, 0)),
        out_shape=jax.ShapeDtypeStruct((_BATCH, _LAYER), jnp.float32),
    )(x, W1)


def _head_body(h1p_ref, ue_ref, ie_ref, w1e_ref, b1_ref, g1_ref, be1_ref,
               w2_ref, b2_ref, g2_ref, be2_ref, w3_ref, b3_ref, out_ref):
    hh = h1p_ref[...]
    dn = (((0,), (0,)), ((), ()))
    hh += lax.dot_general(ue_ref[...], w1e_ref[0:32, :], dn,
                          preferred_element_type=jnp.float32)
    hh += lax.dot_general(ie_ref[...], w1e_ref[32:192, :], dn,
                          preferred_element_type=jnp.float32)
    hh += b1_ref[...]
    m1 = jnp.mean(hh, axis=0, keepdims=True)
    v1 = jnp.mean((hh - m1) ** 2, axis=0, keepdims=True)
    hn = (hh - m1) * lax.rsqrt(v1 + 1e-5) * g1_ref[...] + be1_ref[...]
    hn = jnp.maximum(hn, 0.0)
    h2 = jnp.dot(hn, w2_ref[...], preferred_element_type=jnp.float32)
    h2 += b2_ref[...]
    m2 = jnp.mean(h2, axis=0, keepdims=True)
    v2 = jnp.mean((h2 - m2) ** 2, axis=0, keepdims=True)
    h2n = (h2 - m2) * lax.rsqrt(v2 + 1e-5) * g2_ref[...] + be2_ref[...]
    h2n = jnp.maximum(h2n, 0.0)
    out_ref[...] = jnp.dot(h2n, w3_ref[...],
                           preferred_element_type=jnp.float32) + b3_ref[...]


def _head_call(h1p, ue, ie, W1e, b1, g1, be1, W2, b2, g2, be2, W3, b3):
    full = lambda s: pl.BlockSpec(s, lambda: (0,) * len(s))
    return pl.pallas_call(
        _head_body,
        in_specs=[
            full((_BATCH, _LAYER)),
            full((_N_USERS * _EMB, _BATCH)),
            full((_N_DOCS * _EMB, _BATCH)),
            full((_E_DIM, _LAYER)),
            full((1, _LAYER)),
            full((1, _LAYER)),
            full((1, _LAYER)),
            full((_LAYER, _LAYER)),
            full((1, _LAYER)),
            full((1, _LAYER)),
            full((1, _LAYER)),
            full((_LAYER, _N_DOCS)),
            full((1, _N_DOCS)),
        ],
        out_specs=full((_BATCH, _N_DOCS)),
        out_shape=jax.ShapeDtypeStruct((_BATCH, _N_DOCS), jnp.float32),
    )(h1p, ue, ie, W1e, b1, g1, be1, W2, b2, g2, be2, W3, b3)


def kernel(x, u_cats, i_cats, user_table, item_table,
           W1, b1, g1, be1, W2, b2, g2, be2, W3, b3):
    uidx = u_cats.reshape(_U_TOT)
    iidx = i_cats.reshape(_I_TOT)
    ug8, ig8 = _g8_call(user_table.T, item_table.T)
    u_flat, i_flat = _make_sc_gather()(uidx, iidx, ug8, ig8)
    h1p = _xw1_call(x, W1)
    return _head_call(
        h1p, u_flat, i_flat, W1[:_E_DIM],
        b1.reshape(1, -1), g1.reshape(1, -1), be1.reshape(1, -1),
        W2, b2.reshape(1, -1), g2.reshape(1, -1), be2.reshape(1, -1),
        W3, b3.reshape(1, -1))

# --- scband reference (transcript-rebuilt; emitter-appended) ---
"""Pipeline reference for scband-embedding-ranking-model-3152505995388 (READ-ONLY COPY).

The authoritative reference and input builder live on the scoring server;
editing this copy changes nothing except your own understanding.
"""

import jax, jax.numpy as jnp
import numpy as np

N_DOCS = 10
LAYER = 256
EMB = 16
N_USERS = 2
N_USER_FEAT = 4
N_ITEM_FEAT = 8
N_TEXT_FEAT = 2
N_TEXT_SIZE = 768
VOCAB = 1000000
BATCH = 4096
X_DIM = N_DOCS * N_ITEM_FEAT + N_TEXT_FEAT * N_DOCS * N_TEXT_SIZE + N_USERS * N_USER_FEAT
TOT = N_USERS * EMB + N_DOCS * EMB + X_DIM


def setup_inputs(seed: int = 0):
    key = jax.random.key(seed)
    ks = jax.random.split(key, 16)
    x = jax.random.normal(ks[0], (BATCH, X_DIM), dtype=jnp.float32)
    u_cats = jax.random.randint(ks[1], (BATCH, N_USERS), 0, VOCAB, dtype=jnp.int32)
    i_cats = jax.random.randint(ks[2], (BATCH, N_DOCS), 0, VOCAB, dtype=jnp.int32)
    user_table = jax.random.normal(ks[3], (VOCAB, EMB), dtype=jnp.float32) * 0.02
    item_table = jax.random.normal(ks[4], (VOCAB, EMB), dtype=jnp.float32) * 0.02
    W1 = jax.random.normal(ks[5], (TOT, LAYER), dtype=jnp.float32) * 0.02
    b1 = jnp.zeros((LAYER,), dtype=jnp.float32)
    g1 = jnp.ones((LAYER,), dtype=jnp.float32)
    be1 = jnp.zeros((LAYER,), dtype=jnp.float32)
    W2 = jax.random.normal(ks[6], (LAYER, LAYER), dtype=jnp.float32) * 0.02
    b2 = jnp.zeros((LAYER,), dtype=jnp.float32)
    g2 = jnp.ones((LAYER,), dtype=jnp.float32)
    be2 = jnp.zeros((LAYER,), dtype=jnp.float32)
    W3 = jax.random.normal(ks[7], (LAYER, N_DOCS), dtype=jnp.float32) * 0.02
    b3 = jnp.zeros((N_DOCS,), dtype=jnp.float32)
    return {"x": x, "u_cats": u_cats, "i_cats": i_cats, "user_table": user_table,
            "item_table": item_table, "W1": W1, "b1": b1, "g1": g1, "be1": be1,
            "W2": W2, "b2": b2, "g2": g2, "be2": be2, "W3": W3, "b3": b3}


def _batchnorm(h, g, b):
    m = jnp.mean(h, axis=0)
    v = jnp.var(h, axis=0)
    return (h - m) / jnp.sqrt(v + 1e-5) * g + b


def reference(x, u_cats, i_cats, user_table, item_table, W1, b1, g1, be1, W2, b2, g2, be2, W3, b3):
    u_embs = jnp.take(user_table, u_cats, axis=0).reshape(BATCH, -1)
    i_embs = jnp.take(item_table, i_cats, axis=0).reshape(BATCH, -1)
    h = jnp.concatenate([u_embs, i_embs, x], axis=1)
    h = h @ W1 + b1
    h = jax.nn.relu(_batchnorm(h, g1, be1))
    h = h @ W2 + b2
    h = jax.nn.relu(_batchnorm(h, g2, be2))
    out = h @ W3 + b3
    return out

if __name__ == "__main__":
    import jax
    _d = setup_inputs()
    print(jax.jit(kernel)(*tuple(_d.values())))

</pallas_src>

<mosaic_0001>
#map = affine_map<(d0, d1) -> (0)>
#map1 = affine_map<(d0, d1) -> (0, 0)>
module attributes {stable_mosaic.version = 14 : i64} {
  func.func @sc_gather(%arg0: i32, %arg1: i32, %arg2: memref<8192xi32, #tpu.memory_space<hbm>>, %arg3: memref<40960xi32, #tpu.memory_space<hbm>>, %arg4: memref<125000x128xf32, #tpu.memory_space<hbm>>, %arg5: memref<125000x128xf32, #tpu.memory_space<hbm>>, %arg6: memref<32x4096xf32, #tpu.memory_space<hbm>>, %arg7: memref<160x4096xf32, #tpu.memory_space<hbm>>, %arg8: memref<256xi32, #tpu.memory_space<vmem>>, %arg9: memref<1280xi32, #tpu.memory_space<vmem>>, %arg10: memref<128xi32, #tpu.memory_space<vmem>>, %arg11: memref<128x128xf32, #tpu.memory_space<vmem>>, %arg12: memref<32x128xf32, #tpu.memory_space<vmem>>, %arg13: memref<160x128xf32, #tpu.memory_space<vmem>>, %arg14: memref<!tpu.dma_semaphore, #tpu.memory_space<semaphore_mem>>) attributes {dimension_semantics = [#tpu.dimension_semantics<core_parallel>, #tpu.dimension_semantics<subcore_parallel>], iteration_bounds = array<i64: 2, 16>, scalar_prefetch = 0 : i64, scratch_operands = 7 : i64, tpu.core_type = #tpu.core_type<sc_vector_subcore>, window_params = [{transform_indices = #map}, {transform_indices = #map}, {transform_indices = #map1}, {transform_indices = #map1}, {transform_indices = #map1}, {transform_indices = #map1}]} {
    %mul3A = arith.constant 2 : i32
    %mul3A_0 = arith.muli %arg1, %mul3A : i32
    %add3A = arith.addi %mul3A_0, %arg0 : i32
    %mul3A_1 = arith.constant 256 : i32
    %mul3A_2 = arith.muli %add3A, %mul3A_1 : i32
    %mul3A_3 = arith.constant 1280 : i32
    %mul3A_4 = arith.muli %add3A, %mul3A_3 : i32
    "tpu.region"() ({
      %run_scoped3A = tpu.sem_alloc : memref<!tpu.dma_semaphore, #tpu.memory_space<semaphore_mem>>
      %dma_start3A = tpu.memref_slice %arg2[%mul3A_2] : memref<8192xi32, #tpu.memory_space<hbm>> -> memref<256xi32, #tpu.memory_space<hbm>>
      %dma_start3A_20 = tpu.memref_slice %arg2[%mul3A_2] : memref<8192xi32, #tpu.memory_space<hbm>> -> memref<256xi32, #tpu.memory_space<hbm>>
      tpu.enqueue_dma source(%dma_start3A_20 : memref<256xi32, #tpu.memory_space<hbm>>) target(%arg8 : memref<256xi32, #tpu.memory_space<vmem>>) target_semaphore(%run_scoped3A : memref<!tpu.dma_semaphore, #tpu.memory_space<semaphore_mem>>)
      %dma_wait3A = tpu.memref_slice %arg2[%mul3A_2] : memref<8192xi32, #tpu.memory_space<hbm>> -> memref<256xi32, #tpu.memory_space<hbm>>
      %dma_wait3A_21 = tpu.memref_slice %arg2[%mul3A_2] : memref<8192xi32, #tpu.memory_space<hbm>> -> memref<256xi32, #tpu.memory_space<hbm>>
      tpu.wait_dma2 semaphore(%run_scoped3A : memref<!tpu.dma_semaphore, #tpu.memory_space<semaphore_mem>>) src(%dma_wait3A_21 : memref<256xi32, #tpu.memory_space<hbm>>) dst(%arg8 : memref<256xi32, #tpu.memory_space<vmem>>)
      tpu.yield
    }) : () -> ()
    "tpu.region"() ({
      %run_scoped3A = tpu.sem_alloc : memref<!tpu.dma_semaphore, #tpu.memory_space<semaphore_mem>>
      %dma_start3A = tpu.memref_slice %arg3[%mul3A_4] : memref<40960xi32, #tpu.memory_space<hbm>> -> memref<1280xi32, #tpu.memory_space<hbm>>
      %dma_start3A_20 = tpu.memref_slice %arg3[%mul3A_4] : memref<40960xi32, #tpu.memory_space<hbm>> -> memref<1280xi32, #tpu.memory_space<hbm>>
      tpu.enqueue_dma source(%dma_start3A_20 : memref<1280xi32, #tpu.memory_space<hbm>>) target(%arg9 : memref<1280xi32, #tpu.memory_space<vmem>>) target_semaphore(%run_scoped3A : memref<!tpu.dma_semaphore, #tpu.memory_space<semaphore_mem>>)
      %dma_wait3A = tpu.memref_slice %arg3[%mul3A_4] : memref<40960xi32, #tpu.memory_space<hbm>> -> memref<1280xi32, #tpu.memory_space<hbm>>
      %dma_wait3A_21 = tpu.memref_slice %arg3[%mul3A_4] : memref<40960xi32, #tpu.memory_space<hbm>> -> memref<1280xi32, #tpu.memory_space<hbm>>
      tpu.wait_dma2 semaphore(%run_scoped3A : memref<!tpu.dma_semaphore, #tpu.memory_space<semaphore_mem>>) src(%dma_wait3A_21 : memref<1280xi32, #tpu.memory_space<hbm>>) dst(%arg9 : memref<1280xi32, #tpu.memory_space<vmem>>)
      tpu.yield
    }) : () -> ()
    %iota3A = tpu.iota {dimensions = array<i32: 0>} : vector<16xi32>
    %scan3A = arith.constant 0 : i32
    %scan3A_5 = arith.constant 0 : i32
    %scan3A_6 = arith.constant 2 : i32
    %scan3A_7 = arith.addi %scan3A_5, %scan3A_6 : i32
    %scan3A_8 = arith.constant 1 : i32
    scf.for %scan3A_20 = %scan3A_5 to %scan3A_7 step %scan3A_8  : i32 {
      %mul3A_21 = arith.constant 128 : i32
      %mul3A_22 = arith.muli %scan3A_20, %mul3A_21 : i32
      %add3A_23 = arith.constant 0 : i32
      %add3A_24 = arith.addi %mul3A_22, %add3A_23 : i32
      %get3A = arith.index_cast %add3A_24 : i32 to index
      %get3A_25 = tpu.vector_load %arg8[%get3A] {strides = array<i32>} : memref<256xi32, #tpu.memory_space<vmem>>, vector<16xi32>,
      %shift_right_logical3A = arith.constant 3 : i32
      %shift_right_logical3A_26 = vector.broadcast %shift_right_logical3A : i32 to vector<16xi32>
      %shift_right_logical3A_27 = arith.shrui %get3A_25, %shift_right_logical3A_26 : vector<16xi32>
      %swap3A = arith.constant 0 : index
      %swap3A_28 = tpu.vector_load %arg10[%swap3A] {strides = array<i32>} : memref<128xi32, #tpu.memory_space<vmem>>, vector<16xi32>,
      tpu.vector_store %arg10[%swap3A], %shift_right_logical3A_27 {strides = array<i32>} : memref<128xi32, #tpu.memory_space<vmem>>, vector<16xi32>,
      %add3A_29 = arith.constant 16 : i32
      %add3A_30 = arith.addi %mul3A_22, %add3A_29 : i32
      %get3A_31 = arith.index_cast %add3A_30 : i32 to index
      %get3A_32 = tpu.vector_load %arg8[%get3A_31] {strides = array<i32>} : memref<256xi32, #tpu.memory_space<vmem>>, vector<16xi32>,
      %shift_right_logical3A_33 = arith.constant 3 : i32
      %shift_right_logical3A_34 = vector.broadcast %shift_right_logical3A_33 : i32 to vector<16xi32>
      %shift_right_logical3A_35 = arith.shrui %get3A_32, %shift_right_logical3A_34 : vector<16xi32>
      %swap3A_36 = arith.constant 16 : index
      %swap3A_37 = tpu.vector_load %arg10[%swap3A_36] {strides = array<i32>} : memref<128xi32, #tpu.memory_space<vmem>>, vector<16xi32>,
      tpu.vector_store %arg10[%swap3A_36], %shift_right_logical3A_35 {strides = array<i32>} : memref<128xi32, #tpu.memory_space<vmem>>, vector<16xi32>,
      %add3A_38 = arith.constant 32 : i32
      %add3A_39 = arith.addi %mul3A_22, %add3A_38 : i32
      %get3A_40 = arith.index_cast %add3A_39 : i32 to index
      %get3A_41 = tpu.vector_load %arg8[%get3A_40] {strides = array<i32>} : memref<256xi32, #tpu.memory_space<vmem>>, vector<16xi32>,
      %shift_right_logical3A_42 = arith.constant 3 : i32
      %shift_right_logical3A_43 = vector.broadcast %shift_right_logical3A_42 : i32 to vector<16xi32>
      %shift_right_logical3A_44 = arith.shrui %get3A_41, %shift_right_logical3A_43 : vector<16xi32>
      %swap3A_45 = arith.constant 32 : index
      %swap3A_46 = tpu.vector_load %arg10[%swap3A_45] {strides = array<i32>} : memref<128xi32, #tpu.memory_space<vmem>>, vector<16xi32>,
      tpu.vector_store %arg10[%swap3A_45], %shift_right_logical3A_44 {strides = array<i32>} : memref<128xi32, #tpu.memory_space<vmem>>, vector<16xi32>,
      %add3A_47 = arith.constant 48 : i32
      %add3A_48 = arith.addi %mul3A_22, %add3A_47 : i32
      %get3A_49 = arith.index_cast %add3A_48 : i32 to index
      %get3A_50 = tpu.vector_load %arg8[%get3A_49] {strides = array<i32>} : memref<256xi32, #tpu.memory_space<vmem>>, vector<16xi32>,
      %shift_right_logical3A_51 = arith.constant 3 : i32
      %shift_right_logical3A_52 = vector.broadcast %shift_right_logical3A_51 : i32 to vector<16xi32>
      %shift_right_logical3A_53 = arith.shrui %get3A_50, %shift_right_logical3A_52 : vector<16xi32>
      %swap3A_54 = arith.constant 48 : index
      %swap3A_55 = tpu.vector_load %arg10[%swap3A_54] {strides = array<i32>} : memref<128xi32, #tpu.memory_space<vmem>>, vector<16xi32>,
      tpu.vector_store %arg10[%swap3A_54], %shift_right_logical3A_53 {strides = array<i32>} : memref<128xi32, #tpu.memory_space<vmem>>, vector<16xi32>,
      %add3A_56 = arith.constant 64 : i32
      %add3A_57 = arith.addi %mul3A_22, %add3A_56 : i32
      %get3A_58 = arith.index_cast %add3A_57 : i32 to index
      %get3A_59 = tpu.vector_load %arg8[%get3A_58] {strides = array<i32>} : memref<256xi32, #tpu.memory_space<vmem>>, vector<16xi32>,
      %shift_right_logical3A_60 = arith.constant 3 : i32
      %shift_right_logical3A_61 = vector.broadcast %shift_right_logical3A_60 : i32 to vector<16xi32>
      %shift_right_logical3A_62 = arith.shrui %get3A_59, %shift_right_logical3A_61 : vector<16xi32>
      %swap3A_63 = arith.constant 64 : index
      %swap3A_64 = tpu.vector_load %arg10[%swap3A_63] {strides = array<i32>} : memref<128xi32, #tpu.memory_space<vmem>>, vector<16xi32>,
      tpu.vector_store %arg10[%swap3A_63], %shift_right_logical3A_62 {strides = array<i32>} : memref<128xi32, #tpu.memory_space<vmem>>, vector<16xi32>,
      %add3A_65 = arith.constant 80 : i32
      %add3A_66 = arith.addi %mul3A_22, %add3A_65 : i32
      %get3A_67 = arith.index_cast %add3A_66 : i32 to index
      %get3A_68 = tpu.vector_load %arg8[%get3A_67] {strides = array<i32>} : memref<256xi32, #tpu.memory_space<vmem>>, vector<16xi32>,
      %shift_right_logical3A_69 = arith.constant 3 : i32
      %shift_right_logical3A_70 = vector.broadcast %shift_right_logical3A_69 : i32 to vector<16xi32>
      %shift_right_logical3A_71 = arith.shrui %get3A_68, %shift_right_logical3A_70 : vector<16xi32>
      %swap3A_72 = arith.constant 80 : index
      %swap3A_73 = tpu.vector_load %arg10[%swap3A_72] {strides = array<i32>} : memref<128xi32, #tpu.memory_space<vmem>>, vector<16xi32>,
      tpu.vector_store %arg10[%swap3A_72], %shift_right_logical3A_71 {strides = array<i32>} : memref<128xi32, #tpu.memory_space<vmem>>, vector<16xi32>,
      %add3A_74 = arith.constant 96 : i32
      %add3A_75 = arith.addi %mul3A_22, %add3A_74 : i32
      %get3A_76 = arith.index_cast %add3A_75 : i32 to index
      %get3A_77 = tpu.vector_load %arg8[%get3A_76] {strides = array<i32>} : memref<256xi32, #tpu.memory_space<vmem>>, vector<16xi32>,
      %shift_right_logical3A_78 = arith.constant 3 : i32
      %shift_right_logical3A_79 = vector.broadcast %shift_right_logical3A_78 : i32 to vector<16xi32>
      %shift_right_logical3A_80 = arith.shrui %get3A_77, %shift_right_logical3A_79 : vector<16xi32>
      %swap3A_81 = arith.constant 96 : index
      %swap3A_82 = tpu.vector_load %arg10[%swap3A_81] {strides = array<i32>} : memref<128xi32, #tpu.memory_space<vmem>>, vector<16xi32>,
      tpu.vector_store %arg10[%swap3A_81], %shift_right_logical3A_80 {strides = array<i32>} : memref<128xi32, #tpu.memory_space<vmem>>, vector<16xi32>,
      %add3A_83 = arith.constant 112 : i32
      %add3A_84 = arith.addi %mul3A_22, %add3A_83 : i32
      %get3A_85 = arith.index_cast %add3A_84 : i32 to index
      %get3A_86 = tpu.vector_load %arg8[%get3A_85] {strides = array<i32>} : memref<256xi32, #tpu.memory_space<vmem>>, vector<16xi32>,
      %shift_right_logical3A_87 = arith.constant 3 : i32
      %shift_right_logical3A_88 = vector.broadcast %shift_right_logical3A_87 : i32 to vector<16xi32>
      %shift_right_logical3A_89 = arith.shrui %get3A_86, %shift_right_logical3A_88 : vector<16xi32>
      %swap3A_90 = arith.constant 112 : index
      %swap3A_91 = tpu.vector_load %arg10[%swap3A_90] {strides = array<i32>} : memref<128xi32, #tpu.memory_space<vmem>>, vector<16xi32>,
      tpu.vector_store %arg10[%swap3A_90], %shift_right_logical3A_89 {strides = array<i32>} : memref<128xi32, #tpu.memory_space<vmem>>, vector<16xi32>,
      %dma_start3A = arith.constant 0 : i32
      %dma_start3A_92 = arith.constant 0 : i32
      %dma_start3A_93 = tpu.memref_slice %arg4[%dma_start3A, %dma_start3A_92] : memref<125000x128xf32, #tpu.memory_space<hbm>> -> memref<125000x128xf32, #tpu.memory_space<hbm>>
      tpu.enqueue_indirect_dma source(%dma_start3A_93 : memref<125000x128xf32, #tpu.memory_space<hbm>>) target(%arg11 : memref<128x128xf32, #tpu.memory_space<vmem>>) offsets(%arg10 : memref<128xi32, #tpu.memory_space<vmem>>) semaphore(%arg14 : memref<!tpu.dma_semaphore, #tpu.memory_space<semaphore_mem>>)
      %dma_wait3A = arith.constant 0 : i32
      %dma_wait3A_94 = arith.constant 0 : i32
      %dma_wait3A_95 = tpu.memref_slice %arg4[%dma_wait3A, %dma_wait3A_94] : memref<125000x128xf32, #tpu.memory_space<hbm>> -> memref<125000x128xf32, #tpu.memory_space<hbm>>
      tpu.wait_indirect_dma semaphore(%arg14 : memref<!tpu.dma_semaphore, #tpu.memory_space<semaphore_mem>>) src(%dma_wait3A_95 : memref<125000x128xf32, #tpu.memory_space<hbm>>) dst(%arg11 : memref<128x128xf32, #tpu.memory_space<vmem>>)
      %add3A_96 = arith.constant 0 : i32
      %add3A_97 = arith.addi %mul3A_22, %add3A_96 : i32
      %get3A_98 = arith.index_cast %add3A_97 : i32 to index
      %get3A_99 = tpu.vector_load %arg8[%get3A_98] {strides = array<i32>} : memref<256xi32, #tpu.memory_space<vmem>>, vector<16xi32>,
      %and3A = arith.constant 7 : i32
      %and3A_100 = vector.broadcast %and3A : i32 to vector<16xi32>
      %and3A_101 = arith.andi %get3A_99, %and3A_100 : vector<16xi32>
      %mul3A_102 = arith.constant 16 : i32
      %mul3A_103 = vector.broadcast %mul3A_102 : i32 to vector<16xi32>
      %mul3A_104 = arith.muli %and3A_101, %mul3A_103 : vector<16xi32>
      %add3A_105 = arith.constant 0 : i32
      %add3A_106 = vector.broadcast %add3A_105 : i32 to vector<16xi32>
      %add3A_107 = arith.addi %iota3A, %add3A_106 : vector<16xi32>
      %add3A_108 = vector.broadcast %mul3A_22 : i32 to vector<16xi32>
      %add3A_109 = arith.addi %add3A_107, %add3A_108 : vector<16xi32>
      %rem3A = arith.constant 2 : i32
      %rem3A_110 = vector.broadcast %rem3A : i32 to vector<16xi32>
      %rem3A_111 = arith.remsi %add3A_109, %rem3A_110 : vector<16xi32>
      %mul3A_112 = arith.constant 16 : i32
      %mul3A_113 = vector.broadcast %mul3A_112 : i32 to vector<16xi32>
      %mul3A_114 = arith.muli %rem3A_111, %mul3A_113 : vector<16xi32>
      %div3A = arith.constant 2 : i32
      %div3A_115 = vector.broadcast %div3A : i32 to vector<16xi32>
      %div3A_116 = arith.divsi %add3A_109, %div3A_115 : vector<16xi32>
      %add3A_117 = arith.constant 0 : i32
      %add3A_118 = vector.broadcast %add3A_117 : i32 to vector<16xi32>
      %add3A_119 = arith.addi %mul3A_104, %add3A_118 : vector<16xi32>
      %gather3A = tpu.vector_load_idx %arg11[%add3A_107, %add3A_119] : memref<128x128xf32, #tpu.memory_space<vmem>>[vector<16xi32>, vector<16xi32>], vector<16xf32>,
      %add3A_120 = arith.constant 0 : i32
      %add3A_121 = vector.broadcast %add3A_120 : i32 to vector<16xi32>
      %add3A_122 = arith.addi %mul3A_114, %add3A_121 : vector<16xi32>
      tpu.vector_store_idx %arg12[%add3A_122, %div3A_116], %gather3A : memref<32x128xf32, #tpu.memory_space<vmem>>[vector<16xi32>, vector<16xi32>], vector<16xf32>,
      %add3A_123 = arith.constant 1 : i32
      %add3A_124 = vector.broadcast %add3A_123 : i32 to vector<16xi32>
      %add3A_125 = arith.addi %mul3A_104, %add3A_124 : vector<16xi32>
      %gather3A_126 = tpu.vector_load_idx %arg11[%add3A_107, %add3A_125] : memref<128x128xf32, #tpu.memory_space<vmem>>[vector<16xi32>, vector<16xi32>], vector<16xf32>,
      %add3A_127 = arith.constant 1 : i32
      %add3A_128 = vector.broadcast %add3A_127 : i32 to vector<16xi32>
      %add3A_129 = arith.addi %mul3A_114, %add3A_128 : vector<16xi32>
      tpu.vector_store_idx %arg12[%add3A_129, %div3A_116], %gather3A_126 : memref<32x128xf32, #tpu.memory_space<vmem>>[vector<16xi32>, vector<16xi32>], vector<16xf32>,
      %add3A_130 = arith.constant 2 : i32
      %add3A_131 = vector.broadcast %add3A_130 : i32 to vector<16xi32>
      %add3A_132 = arith.addi %mul3A_104, %add3A_131 : vector<16xi32>
      %gather3A_133 = tpu.vector_load_idx %arg11[%add3A_107, %add3A_132] : memref<128x128xf32, #tpu.memory_space<vmem>>[vector<16xi32>, vector<16xi32>], vector<16xf32>,
      %add3A_134 = arith.constant 2 : i32
      %add3A_135 = vector.broadcast %add3A_134 : i32 to vector<16xi32>
      %add3A_136 = arith.addi %mul3A_114, %add3A_135 : vector<16xi32>
      tpu.vector_store_idx %arg12[%add3A_136, %div3A_116], %gather3A_133 : memref<32x128xf32, #tpu.memory_space<vmem>>[vector<16xi32>, vector<16xi32>], vector<16xf32>,
      %add3A_137 = arith.constant 3 : i32
      %add3A_138 = vector.broadcast %add3A_137 : i32 to vector<16xi32>
      %add3A_139 = arith.addi %mul3A_104, %add3A_138 : vector<16xi32>
      %gather3A_140 = tpu.vector_load_idx %arg11[%add3A_107, %add3A_139] : memref<128x128xf32, #tpu.memory_space<vmem>>[vector<16xi32>, vector<16xi32>], vector<16xf32>,
      %add3A_141 = arith.constant 3 : i32
      %add3A_142 = vector.broadcast %add3A_141 : i32 to vector<16xi32>
      %add3A_143 = arith.addi %mul3A_114, %add3A_142 : vector<16xi32>
      tpu.vector_store_idx %arg12[%add3A_143, %div3A_116], %gather3A_140 : memref<32x128xf32, #tpu.memory_space<vmem>>[vector<16xi32>, vector<16xi32>], vector<16xf32>,
      %add3A_144 = arith.constant 4 : i32
      %add3A_145 = vector.broadcast %add3A_144 : i32 to vector<16xi32>
      %add3A_146 = arith.addi %mul3A_104, %add3A_145 : vector<16xi32>
      %gather3A_147 = tpu.vector_load_idx %arg11[%add3A_107, %add3A_146] : memref<128x128xf32, #tpu.memory_space<vmem>>[vector<16xi32>, vector<16xi32>], vector<16xf32>,
      %add3A_148 = arith.constant 4 : i32
      %add3A_149 = vector.broadcast %add3A_148 : i32 to vector<16xi32>
      %add3A_150 = arith.addi %mul3A_114, %add3A_149 : vector<16xi32>
      tpu.vector_store_idx %arg12[%add3A_150, %div3A_116], %gather3A_147 : memref<32x128xf32, #tpu.memory_space<vmem>>[vector<16xi32>, vector<16xi32>], vector<16xf32>,
      %add3A_151 = arith.constant 5 : i32
      %add3A_152 = vector.broadcast %add3A_151 : i32 to vector<16xi32>
      %add3A_153 = arith.addi %mul3A_104, %add3A_152 : vector<16xi32>
      %gather3A_154 = tpu.vector_load_idx %arg11[%add3A_107, %add3A_153] : memref<128x128xf32, #tpu.memory_space<vmem>>[vector<16xi32>, vector<16xi32>], vector<16xf32>,
      %add3A_155 = arith.constant 5 : i32
      %add3A_156 = vector.broadcast %add3A_155 : i32 to vector<16xi32>
      %add3A_157 = arith.addi %mul3A_114, %add3A_156 : vector<16xi32>
      tpu.vector_store_idx %arg12[%add3A_157, %div3A_116], %gather3A_154 : memref<32x128xf32, #tpu.memory_space<vmem>>[vector<16xi32>, vector<16xi32>], vector<16xf32>,
      %add3A_158 = arith.constant 6 : i32
      %add3A_159 = vector.broadcast %add3A_158 : i32 to vector<16xi32>
      %add3A_160 = arith.addi %mul3A_104, %add3A_159 : vector<16xi32>
      %gather3A_161 = tpu.vector_load_idx %arg11[%add3A_107, %add3A_160] : memref<128x128xf32, #tpu.memory_space<vmem>>[vector<16xi32>, vector<16xi32>], vector<16xf32>,
      %add3A_162 = arith.constant 6 : i32
      %add3A_163 = vector.broadcast %add3A_162 : i32 to vector<16xi32>
      %add3A_164 = arith.addi %mul3A_114, %add3A_163 : vector<16xi32>
      tpu.vector_store_idx %arg12[%add3A_164, %div3A_116], %gather3A_161 : memref<32x128xf32, #tpu.memory_space<vmem>>[vector<16xi32>, vector<16xi32>], vector<16xf32>,
      %add3A_165 = arith.constant 7 : i32
      %add3A_166 = vector.broadcast %add3A_165 : i32 to vector<16xi32>
      %add3A_167 = arith.addi %mul3A_104, %add3A_166 : vector<16xi32>
      %gather3A_168 = tpu.vector_load_idx %arg11[%add3A_107, %add3A_167] : memref<128x128xf32, #tpu.memory_space<vmem>>[vector<16xi32>, vector<16xi32>], vector<16xf32>,
      %add3A_169 = arith.constant 7 : i32
      %add3A_170 = vector.broadcast %add3A_169 : i32 to vector<16xi32>
      %add3A_171 = arith.addi %mul3A_114, %add3A_170 : vector<16xi32>
      tpu.vector_store_idx %arg12[%add3A_171, %div3A_116], %gather3A_168 : memref<32x128xf32, #tpu.memory_space<vmem>>[vector<16xi32>, vector<16xi32>], vector<16xf32>,
      %add3A_172 = arith.constant 8 : i32
      %add3A_173 = vector.broadcast %add3A_172 : i32 to vector<16xi32>
      %add3A_174 = arith.addi %mul3A_104, %add3A_173 : vector<16xi32>
      %gather3A_175 = tpu.vector_load_idx %arg11[%add3A_107, %add3A_174] : memref<128x128xf32, #tpu.memory_space<vmem>>[vector<16xi32>, vector<16xi32>], vector<16xf32>,
      %add3A_176 = arith.constant 8 : i32
      %add3A_177 = vector.broadcast %add3A_176 : i32 to vector<16xi32>
      %add3A_178 = arith.addi %mul3A_114, %add3A_177 : vector<16xi32>
      tpu.vector_store_idx %arg12[%add3A_178, %div3A_116], %gather3A_175 : memref<32x128xf32, #tpu.memory_space<vmem>>[vector<16xi32>, vector<16xi32>], vector<16xf32>,
      %add3A_179 = arith.constant 9 : i32
      %add3A_180 = vector.broadcast %add3A_179 : i32 to vector<16xi32>
      %add3A_181 = arith.addi %mul3A_104, %add3A_180 : vector<16xi32>
      %gather3A_182 = tpu.vector_load_idx %arg11[%add3A_107, %add3A_181] : memref<128x128xf32, #tpu.memory_space<vmem>>[vector<16xi32>, vector<16xi32>], vector<16xf32>,
      %add3A_183 = arith.constant 9 : i32
      %add3A_184 = vector.broadcast %add3A_183 : i32 to vector<16xi32>
      %add3A_185 = arith.addi %mul3A_114, %add3A_184 : vector<16xi32>
      tpu.vector_store_idx %arg12[%add3A_185, %div3A_116], %gather3A_182 : memref<32x128xf32, #tpu.memory_space<vmem>>[vector<16xi32>, vector<16xi32>], vector<16xf32>,
      %add3A_186 = arith.constant 10 : i32
      %add3A_187 = vector.broadcast %add3A_186 : i32 to vector<16xi32>
      %add3A_188 = arith.addi %mul3A_104, %add3A_187 : vector<16xi32>
      %gather3A_189 = tpu.vector_load_idx %arg11[%add3A_107, %add3A_188] : memref<128x128xf32, #tpu.memory_space<vmem>>[vector<16xi32>, vector<16xi32>], vector<16xf32>,
      %add3A_190 = arith.constant 10 : i32
      %add3A_191 = vector.broadcast %add3A_190 : i32 to vector<16xi32>
      %add3A_192 = arith.addi %mul3A_114, %add3A_191 : vector<16xi32>
      tpu.vector_store_idx %arg12[%add3A_192, %div3A_116], %gather3A_189 : memref<32x128xf32, #tpu.memory_space<vmem>>[vector<16xi32>, vector<16xi32>], vector<16xf32>,
      %add3A_193 = arith.constant 11 : i32
      %add3A_194 = vector.broadcast %add3A_193 : i32 to vector<16xi32>
      %add3A_195 = arith.addi %mul3A_104, %add3A_194 : vector<16xi32>
      %gather3A_196 = tpu.vector_load_idx %arg11[%add3A_107, %add3A_195] : memref<128x128xf32, #tpu.memory_space<vmem>>[vector<16xi32>, vector<16xi32>], vector<16xf32>,
      %add3A_197 = arith.constant 11 : i32
      %add3A_198 = vector.broadcast %add3A_197 : i32 to vector<16xi32>
      %add3A_199 = arith.addi %mul3A_114, %add3A_198 : vector<16xi32>
      tpu.vector_store_idx %arg12[%add3A_199, %div3A_116], %gather3A_196 : memref<32x128xf32, #tpu.memory_space<vmem>>[vector<16xi32>, vector<16xi32>], vector<16xf32>,
      %add3A_200 = arith.constant 12 : i32
      %add3A_201 = vector.broadcast %add3A_200 : i32 to vector<16xi32>
      %add3A_202 = arith.addi %mul3A_104, %add3A_201 : vector<16xi32>
      %gather3A_203 = tpu.vector_load_idx %arg11[%add3A_107, %add3A_202] : memref<128x128xf32, #tpu.memory_space<vmem>>[vector<16xi32>, vector<16xi32>], vector<16xf32>,
      %add3A_204 = arith.constant 12 : i32
      %add3A_205 = vector.broadcast %add3A_204 : i32 to vector<16xi32>
      %add3A_206 = arith.addi %mul3A_114, %add3A_205 : vector<16xi32>
      tpu.vector_store_idx %arg12[%add3A_206, %div3A_116], %gather3A_203 : memref<32x128xf32, #tpu.memory_space<vmem>>[vector<16xi32>, vector<16xi32>], vector<16xf32>,
      %add3A_207 = arith.constant 13 : i32
      %add3A_208 = vector.broadcast %add3A_207 : i32 to vector<16xi32>
      %add3A_209 = arith.addi %mul3A_104, %add3A_208 : vector<16xi32>
      %gather3A_210 = tpu.vector_load_idx %arg11[%add3A_107, %add3A_209] : memref<128x128xf32, #tpu.memory_space<vmem>>[vector<16xi32>, vector<16xi32>], vector<16xf32>,
      %add3A_211 = arith.constant 13 : i32
      %add3A_212 = vector.broadcast %add3A_211 : i32 to vector<16xi32>
      %add3A_213 = arith.addi %mul3A_114, %add3A_212 : vector<16xi32>
      tpu.vector_store_idx %arg12[%add3A_213, %div3A_116], %gather3A_210 : memref<32x128xf32, #tpu.memory_space<vmem>>[vector<16xi32>, vector<16xi32>], vector<16xf32>,
      %add3A_214 = arith.constant 14 : i32
      %add3A_215 = vector.broadcast %add3A_214 : i32 to vector<16xi32>
      %add3A_216 = arith.addi %mul3A_104, %add3A_215 : vector<16xi32>
      %gather3A_217 = tpu.vector_load_idx %arg11[%add3A_107, %add3A_216] : memref<128x128xf32, #tpu.memory_space<vmem>>[vector<16xi32>, vector<16xi32>], vector<16xf32>,
      %add3A_218 = arith.constant 14 : i32
      %add3A_219 = vector.broadcast %add3A_218 : i32 to vector<16xi32>
      %add3A_220 = arith.addi %mul3A_114, %add3A_219 : vector<16xi32>
      tpu.vector_store_idx %arg12[%add3A_220, %div3A_116], %gather3A_217 : memref<32x128xf32, #tpu.memory_space<vmem>>[vector<16xi32>, vector<16xi32>], vector<16xf32>,
      %add3A_221 = arith.constant 15 : i32
      %add3A_222 = vector.broadcast %add3A_221 : i32 to vector<16xi32>
      %add3A_223 = arith.addi %mul3A_104, %add3A_222 : vector<16xi32>
      %gather3A_224 = tpu.vector_load_idx %arg11[%add3A_107, %add3A_223] : memref<128x128xf32, #tpu.memory_space<vmem>>[vector<16xi32>, vector<16xi32>], vector<16xf32>,
      %add3A_225 = arith.constant 15 : i32
      %add3A_226 = vector.broadcast %add3A_225 : i32 to vector<16xi32>
      %add3A_227 = arith.addi %mul3A_114, %add3A_226 : vector<16xi32>
      tpu.vector_store_idx %arg12[%add3A_227, %div3A_116], %gather3A_224 : memref<32x128xf32, #tpu.memory_space<vmem>>[vector<16xi32>, vector<16xi32>], vector<16xf32>,
      %add3A_228 = arith.constant 16 : i32
      %add3A_229 = arith.addi %mul3A_22, %add3A_228 : i32
      %get3A_230 = arith.index_cast %add3A_229 : i32 to index
      %get3A_231 = tpu.vector_load %arg8[%get3A_230] {strides = array<i32>} : memref<256xi32, #tpu.memory_space<vmem>>, vector<16xi32>,
      %and3A_232 = arith.constant 7 : i32
      %and3A_233 = vector.broadcast %and3A_232 : i32 to vector<16xi32>
      %and3A_234 = arith.andi %get3A_231, %and3A_233 : vector<16xi32>
      %mul3A_235 = arith.constant 16 : i32
      %mul3A_236 = vector.broadcast %mul3A_235 : i32 to vector<16xi32>
      %mul3A_237 = arith.muli %and3A_234, %mul3A_236 : vector<16xi32>
      %add3A_238 = arith.constant 16 : i32
      %add3A_239 = vector.broadcast %add3A_238 : i32 to vector<16xi32>
      %add3A_240 = arith.addi %iota3A, %add3A_239 : vector<16xi32>
      %add3A_241 = vector.broadcast %mul3A_22 : i32 to vector<16xi32>
      %add3A_242 = arith.addi %add3A_240, %add3A_241 : vector<16xi32>
      %rem3A_243 = arith.constant 2 : i32
      %rem3A_244 = vector.broadcast %rem3A_243 : i32 to vector<16xi32>
      %rem3A_245 = arith.remsi %add3A_242, %rem3A_244 : vector<16xi32>
      %mul3A_246 = arith.constant 16 : i32
      %mul3A_247 = vector.broadcast %mul3A_246 : i32 to vector<16xi32>
      %mul3A_248 = arith.muli %rem3A_245, %mul3A_247 : vector<16xi32>
      %div3A_249 = arith.constant 2 : i32
      %div3A_250 = vector.broadcast %div3A_249 : i32 to vector<16xi32>
      %div3A_251 = arith.divsi %add3A_242, %div3A_250 : vector<16xi32>
      %add3A_252 = arith.constant 0 : i32
      %add3A_253 = vector.broadcast %add3A_252 : i32 to vector<16xi32>
      %add3A_254 = arith.addi %mul3A_237, %add3A_253 : vector<16xi32>
      %gather3A_255 = tpu.vector_load_idx %arg11[%add3A_240, %add3A_254] : memref<128x128xf32, #tpu.memory_space<vmem>>[vector<16xi32>, vector<16xi32>], vector<16xf32>,
      %add3A_256 = arith.constant 0 : i32
      %add3A_257 = vector.broadcast %add3A_256 : i32 to vector<16xi32>
      %add3A_258 = arith.addi %mul3A_248, %add3A_257 : vector<16xi32>
      tpu.vector_store_idx %arg12[%add3A_258, %div3A_251], %gather3A_255 : memref<32x128xf32, #tpu.memory_space<vmem>>[vector<16xi32>, vector<16xi32>], vector<16xf32>,
      %add3A_259 = arith.constant 1 : i32
      %add3A_260 = vector.broadcast %add3A_259 : i32 to vector<16xi32>
      %add3A_261 = arith.addi %mul3A_237, %add3A_260 : vector<16xi32>
      %gather3A_262 = tpu.vector_load_idx %arg11[%add3A_240, %add3A_261] : memref<128x128xf32, #tpu.memory_space<vmem>>[vector<16xi32>, vector<16xi32>], vector<16xf32>,
      %add3A_263 = arith.constant 1 : i32
      %add3A_264 = vector.broadcast %add3A_263 : i32 to vector<16xi32>
      %add3A_265 = arith.addi %mul3A_248, %add3A_264 : vector<16xi32>
      tpu.vector_store_idx %arg12[%add3A_265, %div3A_251], %gather3A_262 : memref<32x128xf32, #tpu.memory_space<vmem>>[vector<16xi32>, vector<16xi32>], vector<16xf32>,
      %add3A_266 = arith.constant 2 : i32
      %add3A_267 = vector.broadcast %add3A_266 : i32 to vector<16xi32>
      %add3A_268 = arith.addi %mul3A_237, %add3A_267 : vector<16xi32>
      %gather3A_269 = tpu.vector_load_idx %arg11[%add3A_240, %add3A_268] : memref<128x128xf32, #tpu.memory_space<vmem>>[vector<16xi32>, vector<16xi32>], vector<16xf32>,
      %add3A_270 = arith.constant 2 : i32
      %add3A_271 = vector.broadcast %add3A_270 : i32 to vector<16xi32>
      %add3A_272 = arith.addi %mul3A_248, %add3A_271 : vector<16xi32>
      tpu.vector_store_idx %arg12[%add3A_272, %div3A_251], %gather3A_269 : memref<32x128xf32, #tpu.memory_space<vmem>>[vector<16xi32>, vector<16xi32>], vector<16xf32>,
      %add3A_273 = arith.constant 3 : i32
      %add3A_274 = vector.broadcast %add3A_273 : i32 to vector<16xi32>
      %add3A_275 = arith.addi %mul3A_237, %add3A_274 : vector<16xi32>
      %gather3A_276 = tpu.vector_load_idx %arg11[%add3A_240, %add3A_275] : memref<128x128xf32, #tpu.memory_space<vmem>>[vector<16xi32>, vector<16xi32>], vector<16xf32>,
      %add3A_277 = arith.constant 3 : i32
      %add3A_278 = vector.broadcast %add3A_277 : i32 to vector<16xi32>
      %add3A_279 = arith.addi %mul3A_248, %add3A_278 : vector<16xi32>
      tpu.vector_store_idx %arg12[%add3A_279, %div3A_251], %gather3A_276 : memref<32x128xf32, #tpu.memory_space<vmem>>[vector<16xi32>, vector<16xi32>], vector<16xf32>,
      %add3A_280 = arith.constant 4 : i32
      %add3A_281 = vector.broadcast %add3A_280 : i32 to vector<16xi32>
      %add3A_282 = arith.addi %mul3A_237, %add3A_281 : vector<16xi32>
      %gather3A_283 = tpu.vector_load_idx %arg11[%add3A_240, %add3A_282] : memref<128x128xf32, #tpu.memory_space<vmem>>[vector<16xi32>, vector<16xi32>], vector<16xf32>,
      %add3A_284 = arith.constant 4 : i32
      %add3A_285 = vector.broadcast %add3A_284 : i32 to vector<16xi32>
      %add3A_286 = arith.addi %mul3A_248, %add3A_285 : vector<16xi32>
      tpu.vector_store_idx %arg12[%add3A_286, %div3A_251], %gather3A_283 : memref<32x128xf32, #tpu.memory_space<vmem>>[vector<16xi32>, vector<16xi32>], vector<16xf32>,
      %add3A_287 = arith.constant 5 : i32
      %add3A_288 = vector.broadcast %add3A_287 : i32 to vector<16xi32>
      %add3A_289 = arith.addi %mul3A_237, %add3A_288 : vector<16xi32>
      %gather3A_290 = tpu.vector_load_idx %arg11[%add3A_240, %add3A_289] : memref<128x128xf32, #tpu.memory_space<vmem>>[vector<16xi32>, vector<16xi32>], vector<16xf32>,
      %add3A_291 = arith.constant 5 : i32
      %add3A_292 = vector.broadcast %add3A_291 : i32 to vector<16xi32>
      %add3A_293 = arith.addi %mul3A_248, %add3A_292 : vector<16xi32>
      tpu.vector_store_idx %arg12[%add3A_293, %div3A_251], %gather3A_290 : memref<32x128xf32, #tpu.memory_space<vmem>>[vector<16xi32>, vector<16xi32>], vector<16xf32>,
      %add3A_294 = arith.constant 6 : i32
      %add3A_295 = vector.broadcast %add3A_294 : i32 to vector<16xi32>
      %add3A_296 = arith.addi %mul3A_237, %add3A_295 : vector<16xi32>
      %gather3A_297 = tpu.vector_load_idx %arg11[%add3A_240, %add3A_296] : memref<128x128xf32, #tpu.memory_space<vmem>>[vector<16xi32>, vector<16xi32>], vector<16xf32>,
      %add3A_298 = arith.constant 6 : i32
      %add3A_299 = vector.broadcast %add3A_298 : i32 to vector<16xi32>
      %add3A_300 = arith.addi %mul3A_248, %add3A_299 : vector<16xi32>
      tpu.vector_store_idx %arg12[%add3A_300, %div3A_251], %gather3A_297 : memref<32x128xf32, #tpu.memory_space<vmem>>[vector<16xi32>, vector<16xi32>], vector<16xf32>,
      %add3A_301 = arith.constant 7 : i32
      %add3A_302 = vector.broadcast %add3A_301 : i32 to vector<16xi32>
      %add3A_303 = arith.addi %mul3A_237, %add3A_302 : vector<16xi32>
      %gather3A_304 = tpu.vector_load_idx %arg11[%add3A_240, %add3A_303] : memref<128x128xf32, #tpu.memory_space<vmem>>[vector<16xi32>, vector<16xi32>], vector<16xf32>,
      %add3A_305 = arith.constant 7 : i32
      %add3A_306 = vector.broadcast %add3A_305 : i32 to vector<16xi32>
      %add3A_307 = arith.addi %mul3A_248, %add3A_306 : vector<16xi32>
      tpu.vector_store_idx %arg12[%add3A_307, %div3A_251], %gather3A_304 : memref<32x128xf32, #tpu.memory_space<vmem>>[vector<16xi32>, vector<16xi32>], vector<16xf32>,
      %add3A_308 = arith.constant 8 : i32
      %add3A_309 = vector.broadcast %add3A_308 : i32 to vector<16xi32>
      %add3A_310 = arith.addi %mul3A_237, %add3A_309 : vector<16xi32>
      %gather3A_311 = tpu.vector_load_idx %arg11[%add3A_240, %add3A_310] : memref<128x128xf32, #tpu.memory_space<vmem>>[vector<16xi32>, vector<16xi32>], vector<16xf32>,
      %add3A_312 = arith.constant 8 : i32
      %add3A_313 = vector.broadcast %add3A_312 : i32 to vector<16xi32>
      %add3A_314 = arith.addi %mul3A_248, %add3A_313 : vector<16xi32>
      tpu.vector_store_idx %arg12[%add3A_314, %div3A_251], %gather3A_311 : memref<32x128xf32, #tpu.memory_space<vmem>>[vector<16xi32>, vector<16xi32>], vector<16xf32>,
      %add3A_315 = arith.constant 9 : i32
      %add3A_316 = vector.broadcast %add3A_315 : i32 to vector<16xi32>
      %add3A_317 = arith.addi %mul3A_237, %add3A_316 : vector<16xi32>
      %gather3A_318 = tpu.vector_load_idx %arg11[%add3A_240, %add3A_317] : memref<128x128xf32, #tpu.memory_space<vmem>>[vector<16xi32>, vector<16xi32>], vector<16xf32>,
      %add3A_319 = arith.constant 9 : i32
      %add3A_320 = vector.broadcast %add3A_319 : i32 to vector<16xi32>
      %add3A_321 = arith.addi %mul3A_248, %add3A_320 : vector<16xi32>
      tpu.vector_store_idx %arg12[%add3A_321, %div3A_251], %gather3A_318 : memref<32x128xf32, #tpu.memory_space<vmem>>[vector<16xi32>, vector<16xi32>], vector<16xf32>,
      %add3A_322 = arith.constant 10 : i32
      %add3A_323 = vector.broadcast %add3A_322 : i32 to vector<16xi32>
      %add3A_324 = arith.addi %mul3A_237, %add3A_323 : vector<16xi32>
      %gather3A_325 = tpu.vector_load_idx %arg11[%add3A_240, %add3A_324] : memref<128x128xf32, #tpu.memory_space<vmem>>[vector<16xi32>, vector<16xi32>], vector<16xf32>,
      %add3A_326 = arith.constant 10 : i32
      %add3A_327 = vector.broadcast %add3A_326 : i32 to vector<16xi32>
      %add3A_328 = arith.addi %mul3A_248, %add3A_327 : vector<16xi32>
      tpu.vector_store_idx %arg12[%add3A_328, %div3A_251], %gather3A_325 : memref<32x128xf32, #tpu.memory_space<vmem>>[vector<16xi32>, vector<16xi32>], vector<16xf32>,
      %add3A_329 = arith.constant 11 : i32
      %add3A_330 = vector.broadcast %add3A_329 : i32 to vector<16xi32>
      %add3A_331 = arith.addi %mul3A_237, %add3A_330 : vector<16xi32>
      %gather3A_332 = tpu.vector_load_idx %arg11[%add3A_240, %add3A_331] : memref<128x128xf32, #tpu.memory_space<vmem>>[vector<16xi32>, vector<16xi32>], vector<16xf32>,
      %add3A_333 = arith.constant 11 : i32
      %add3A_334 = vector.broadcast %add3A_333 : i32 to vector<16xi32>
      %add3A_335 = arith.addi %mul3A_248, %add3A_334 : vector<16xi32>
      tpu.vector_store_idx %arg12[%add3A_335, %div3A_251], %gather3A_332 : memref<32x128xf32, #tpu.memory_space<vmem>>[vector<16xi32>, vector<16xi32>], vector<16xf32>,
      %add3A_336 = arith.constant 12 : i32
      %add3A_337 = vector.broadcast %add3A_336 : i32 to vector<16xi32>
      %add3A_338 = arith.addi %mul3A_237, %add3A_337 : vector<16xi32>
      %gather3A_339 = tpu.vector_load_idx %arg11[%add3A_240, %add3A_338] : memref<128x128xf32, #tpu.memory_space<vmem>>[vector<16xi32>, vector<16xi32>], vector<16xf32>,
      %add3A_340 = arith.constant 12 : i32
      %add3A_341 = vector.broadcast %add3A_340 : i32 to vector<16xi32>
      %add3A_342 = arith.addi %mul3A_248, %add3A_341 : vector<16xi32>
      tpu.vector_store_idx %arg12[%add3A_342, %div3A_251], %gather3A_339 : memref<32x128xf32, #tpu.memory_space<vmem>>[vector<16xi32>, vector<16xi32>], vector<16xf32>,
      %add3A_343 = arith.constant 13 : i32
      %add3A_344 = vector.broadcast %add3A_343 : i32 to vector<16xi32>
      %add3A_345 = arith.addi %mul3A_237, %add3A_344 : vector<16xi32>
      %gather3A_346 = tpu.vector_load_idx %arg11[%add3A_240, %add3A_345] : memref<128x128xf32, #tpu.memory_space<vmem>>[vector<16xi32>, vector<16xi32>], vector<16xf32>,
      %add3A_347 = arith.constant 13 : i32
      %add3A_348 = vector.broadcast %add3A_347 : i32 to vector<16xi32>
      %add3A_349 = arith.addi %mul3A_248, %add3A_348 : vector<16xi32>
      tpu.vector_store_idx %arg12[%add3A_349, %div3A_251], %gather3A_346 : memref<32x128xf32, #tpu.memory_space<vmem>>[vector<16xi32>, vector<16xi32>], vector<16xf32>,
      %add3A_350 = arith.constant 14 : i32
      %add3A_351 = vector.broadcast %add3A_350 : i32 to vector<16xi32>
      %add3A_352 = arith.addi %mul3A_237, %add3A_351 : vector<16xi32>
      %gather3A_353 = tpu.vector_load_idx %arg11[%add3A_240, %add3A_352] : memref<128x128xf32, #tpu.memory_space<vmem>>[vector<16xi32>, vector<16xi32>], vector<16xf32>,
      %add3A_354 = arith.constant 14 : i32
      %add3A_355 = vector.broadcast %add3A_354 : i32 to vector<16xi32>
      %add3A_356 = arith.addi %mul3A_248, %add3A_355 : vector<16xi32>
      tpu.vector_store_idx %arg12[%add3A_356, %div3A_251], %gather3A_353 : memref<32x128xf32, #tpu.memory_space<vmem>>[vector<16xi32>, vector<16xi32>], vector<16xf32>,
      %add3A_357 = arith.constant 15 : i32
      %add3A_358 = vector.broadcast %add3A_357 : i32 to vector<16xi32>
      %add3A_359 = arith.addi %mul3A_237, %add3A_358 : vector<16xi32>
      %gather3A_360 = tpu.vector_load_idx %arg11[%add3A_240, %add3A_359] : memref<128x128xf32, #tpu.memory_space<vmem>>[vector<16xi32>, vector<16xi32>], vector<16xf32>,
      %add3A_361 = arith.constant 15 : i32
      %add3A_362 = vector.broadcast %add3A_361 : i32 to vector<16xi32>
      %add3A_363 = arith.addi %mul3A_248, %add3A_362 : vector<16xi32>
      tpu.vector_store_idx %arg12[%add3A_363, %div3A_251], %gather3A_360 : memref<32x128xf32, #tpu.memory_space<vmem>>[vector<16xi32>, vector<16xi32>], vector<16xf32>,
      %add3A_364 = arith.constant 32 : i32
      %add3A_365 = arith.addi %mul3A_22, %add3A_364 : i32
      %get3A_366 = arith.index_cast %add3A_365 : i32 to index
      %get3A_367 = tpu.vector_load %arg8[%get3A_366] {strides = array<i32>} : memref<256xi32, #tpu.memory_space<vmem>>, vector<16xi32>,
      %and3A_368 = arith.constant 7 : i32
      %and3A_369 = vector.broadcast %and3A_368 : i32 to vector<16xi32>
      %and3A_370 = arith.andi %get3A_367, %and3A_369 : vector<16xi32>
      %mul3A_371 = arith.constant 16 : i32
      %mul3A_372 = vector.broadcast %mul3A_371 : i32 to vector<16xi32>
      %mul3A_373 = arith.muli %and3A_370, %mul3A_372 : vector<16xi32>
      %add3A_374 = arith.constant 32 : i32
      %add3A_375 = vector.broadcast %add3A_374 : i32 to vector<16xi32>
      %add3A_376 = arith.addi %iota3A, %add3A_375 : vector<16xi32>
      %add3A_377 = vector.broadcast %mul3A_22 : i32 to vector<16xi32>
      %add3A_378 = arith.addi %add3A_376, %add3A_377 : vector<16xi32>
      %rem3A_379 = arith.constant 2 : i32
      %rem3A_380 = vector.broadcast %rem3A_379 : i32 to vector<16xi32>
      %rem3A_381 = arith.remsi %add3A_378, %rem3A_380 : vector<16xi32>
      %mul3A_382 = arith.constant 16 : i32
      %mul3A_383 = vector.broadcast %mul3A_382 : i32 to vector<16xi32>
      %mul3A_384 = arith.muli %rem3A_381, %mul3A_383 : vector<16xi32>
      %div3A_385 = arith.constant 2 : i32
      %div3A_386 = vector.broadcast %div3A_385 : i32 to vector<16xi32>
      %div3A_387 = arith.divsi %add3A_378, %div3A_386 : vector<16xi32>
      %add3A_388 = arith.constant 0 : i32
      %add3A_389 = vector.broadcast %add3A_388 : i32 to vector<16xi32>
      %add3A_390 = arith.addi %mul3A_373, %add3A_389 : vector<16xi32>
      %gather3A_391 = tpu.vector_load_idx %arg11[%add3A_376, %add3A_390] : memref<128x128xf32, #tpu.memory_space<vmem>>[vector<16xi32>, vector<16xi32>], vector<16xf32>,
      %add3A_392 = arith.constant 0 : i32
      %add3A_393 = vector.broadcast %add3A_392 : i32 to vector<16xi32>
      %add3A_394 = arith.addi %mul3A_384, %add3A_393 : vector<16xi32>
      tpu.vector_store_idx %arg12[%add3A_394, %div3A_387], %gather3A_391 : memref<32x128xf32, #tpu.memory_space<vmem>>[vector<16xi32>, vector<16xi32>], vector<16xf32>,
      %add3A_395 = arith.constant 1 : i32
      %add3A_396 = vector.broadcast %add3A_395 : i32 to vector<16xi32>
      %add3A_397 = arith.addi %mul3A_373, %add3A_396 : vector<16xi32>
      %gather3A_398 = tpu.vector_load_idx %arg11[%add3A_376, %add3A_397] : memref<128x128xf32, #tpu.memory_space<vmem>>[vector<16xi32>, vector<16xi32>], vector<16xf32>,
      %add3A_399 = arith.constant 1 : i32
      %add3A_400 = vector.broadcast %add3A_399 : i32 to vector<16xi32>
      %add3A_401 = arith.addi %mul3A_384, %add3A_400 : vector<16xi32>
      tpu.vector_store_idx %arg12[%add3A_401, %div3A_387], %gather3A_398 : memref<32x128xf32, #tpu.memory_space<vmem>>[vector<16xi32>, vector<16xi32>], vector<16xf32>,
      %add3A_402 = arith.constant 2 : i32
      %add3A_403 = vector.broadcast %add3A_402 : i32 to vector<16xi32>
      %add3A_404 = arith.addi %mul3A_373, %add3A_403 : vector<16xi32>
      %gather3A_405 = tpu.vector_load_idx %arg11[%add3A_376, %add3A_404] : memref<128x128xf32, #tpu.memory_space<vmem>>[vector<16xi32>, vector<16xi32>], vector<16xf32>,
      %add3A_406 = arith.constant 2 : i32
      %add3A_407 = vector.broadcast %add3A_406 : i32 to vector<16xi32>
      %add3A_408 = arith.addi %mul3A_384, %add3A_407 : vector<16xi32>
      tpu.vector_store_idx %arg12[%add3A_408, %div3A_387], %gather3A_405 : memref<32x128xf32, #tpu.memory_space<vmem>>[vector<16xi32>, vector<16xi32>], vector<16xf32>,
      %add3A_409 = arith.constant 3 : i32
      %add3A_410 = vector.broadcast %add3A_409 : i32 to vector<16xi32>
      %add3A_411 = arith.addi %mul3A_373, %add3A_410 : vector<16xi32>
      %gather3A_412 = tpu.vector_load_idx %arg11[%add3A_376, %add3A_411] : memref<128x128xf32, #tpu.memory_space<vmem>>[vector<16xi32>, vector<16xi32>], vector<16xf32>,
      %add3A_413 = arith.constant 3 : i32
      %add3A_414 = vector.broadcast %add3A_413 : i32 to vector<16xi32>
      %add3A_415 = arith.addi %mul3A_384, %add3A_414 : vector<16xi32>
      tpu.vector_store_idx %arg12[%add3A_415, %div3A_387], %gather3A_412 : memref<32x128xf32, #tpu.memory_space<vmem>>[vector<16xi32>, vector<16xi32>], vector<16xf32>,
      %add3A_416 = arith.constant 4 : i32
      %add3A_417 = vector.broadcast %add3A_416 : i32 to vector<16xi32>
      %add3A_418 = arith.addi %mul3A_373, %add3A_417 : vector<16xi32>
      %gather3A_419 = tpu.vector_load_idx %arg11[%add3A_376, %add3A_418] : memref<128x128xf32, #tpu.memory_space<vmem>>[vector<16xi32>, vector<16xi32>], vector<16xf32>,
      %add3A_420 = arith.constant 4 : i32
      %add3A_421 = vector.broadcast %add3A_420 : i32 to vector<16xi32>
      %add3A_422 = arith.addi %mul3A_384, %add3A_421 : vector<16xi32>
      tpu.vector_store_idx %arg12[%add3A_422, %div3A_387], %gather3A_419 : memref<32x128xf32, #tpu.memory_space<vmem>>[vector<16xi32>, vector<16xi32>], vector<16xf32>,
      %add3A_423 = arith.constant 5 : i32
      %add3A_424 = vector.broadcast %add3A_423 : i32 to vector<16xi32>
      %add3A_425 = arith.addi %mul3A_373, %add3A_424 : vector<16xi32>
      %gather3A_426 = tpu.vector_load_idx %arg11[%add3A_376, %add3A_425] : memref<128x128xf32, #tpu.memory_space<vmem>>[vector<16xi32>, vector<16xi32>], vector<16xf32>,
      %add3A_427 = arith.constant 5 : i32
      %add3A_428 = vector.broadcast %add3A_427 : i32 to vector<16xi32>
      %add3A_429 = arith.addi %mul3A_384, %add3A_428 : vector<16xi32>
      tpu.vector_store_idx %arg12[%add3A_429, %div3A_387], %gather3A_426 : memref<32x128xf32, #tpu.memory_space<vmem>>[vector<16xi32>, vector<16xi32>], vector<16xf32>,
      %add3A_430 = arith.constant 6 : i32
      %add3A_431 = vector.broadcast %add3A_430 : i32 to vector<16xi32>
      %add3A_432 = arith.addi %mul3A_373, %add3A_431 : vector<16xi32>
      %gather3A_433 = tpu.vector_load_idx %arg11[%add3A_376, %add3A_432] : memref<128x128xf32, #tpu.memory_space<vmem>>[vector<16xi32>, vector<16xi32>], vector<16xf32>,
      %add3A_434 = arith.constant 6 : i32
      %add3A_435 = vector.broadcast %add3A_434 : i32 to vector<16xi32>
      %add3A_436 = arith.addi %mul3A_384, %add3A_435 : vector<16xi32>
      tpu.vector_store_idx %arg12[%add3A_436, %div3A_387], %gather3A_433 : memref<32x128xf32, #tpu.memory_space<vmem>>[vector<16xi32>, vector<16xi32>], vector<16xf32>,
      %add3A_437 = arith.constant 7 : i32
      %add3A_438 = vector.broadcast %add3A_437 : i32 to vector<16xi32>
      %add3A_439 = arith.addi %mul3A_373, %add3A_438 : vector<16xi32>
      %gather3A_440 = tpu.vector_load_idx %arg11[%add3A_376, %add3A_439] : memref<128x128xf32, #tpu.memory_space<vmem>>[vector<16xi32>, vector<16xi32>], vector<16xf32>,
      %add3A_441 = arith.constant 7 : i32
      %add3A_442 = vector.broadcast %add3A_441 : i32 to vector<16xi32>
      %add3A_443 = arith.addi %mul3A_384, %add3A_442 : vector<16xi32>
      tpu.vector_store_idx %arg12[%add3A_443, %div3A_387], %gather3A_440 : memref<32x128xf32, #tpu.memory_space<vmem>>[vector<16xi32>, vector<16xi32>], vector<16xf32>,
      %add3A_444 = arith.constant 8 : i32
      %add3A_445 = vector.broadcast %add3A_444 : i32 to vector<16xi32>
      %add3A_446 = arith.addi %mul3A_373, %add3A_445 : vector<16xi32>
      %gather3A_447 = tpu.vector_load_idx %arg11[%add3A_376, %add3A_446] : memref<128x128xf32, #tpu.memory_space<vmem>>[vector<16xi32>, vector<16xi32>], vector<16xf32>,
      %add3A_448 = arith.constant 8 : i32
      %add3A_449 = vector.broadcast %add3A_448 : i32 to vector<16xi32>
      %add3A_450 = arith.addi %mul3A_384, %add3A_449 : vector<16xi32>
      tpu.vector_store_idx %arg12[%add3A_450, %div3A_387], %gather3A_447 : memref<32x128xf32, #tpu.memory_space<vmem>>[vector<16xi32>, vector<16xi32>], vector<16xf32>,
      %add3A_451 = arith.constant 9 : i32
      %add3A_452 = vector.broadcast %add3A_451 : i32 to vector<16xi32>
      %add3A_453 = arith.addi %mul3A_373, %add3A_452 : vector<16xi32>
      %gather3A_454 = tpu.vector_load_idx %arg11[%add3A_376, %add3A_453] : memref<128x128xf32, #tpu.memory_space<vmem>>[vector<16xi32>, vector<16xi32>], vector<16xf32>,
      %add3A_455 = arith.constant 9 : i32
      %add3A_456 = vector.broadcast %add3A_455 : i32 to vector<16xi32>
      %add3A_457 = arith.addi %mul3A_384, %add3A_456 : vector<16xi32>
      tpu.vector_store_idx %arg12[%add3A_457, %div3A_387], %gather3A_454 : memref<32x128xf32, #tpu.memory_space<vmem>>[vector<16xi32>, vector<16xi32>], vector<16xf32>,
      %add3A_458 = arith.constant 10 : i32
      %add3A_459 = vector.broadcast %add3A_458 : i32 to vector<16xi32>
      %add3A_460 = arith.addi %mul3A_373, %add3A_459 : vector<16xi32>
      %gather3A_461 = tpu.vector_load_idx %arg11[%add3A_376, %add3A_460] : memref<128x128xf32, #tpu.memory_space<vmem>>[vector<16xi32>, vector<16xi32>], vector<16xf32>,
      %add3A_462 = arith.constant 10 : i32
      %add3A_463 = vector.broadcast %add3A_462 : i32 to vector<16xi32>
      %add3A_464 = arith.addi %mul3A_384, %add3A_463 : vector<16xi32>
      tpu.vector_store_idx %arg12[%add3A_464, %div3A_387], %gather3A_461 : memref<32x128xf32, #tpu.memory_space<vmem>>[vector<16xi32>, vector<16xi32>], vector<16xf32>,
      %add3A_465 = arith.constant 11 : i32
      %add3A_466 = vector.broadcast %add3A_465 : i32 to vector<16xi32>
      %add3A_467 = arith.addi %mul3A_373, %add3A_466 : vector<16xi32>
      %gather3A_468 = tpu.vector_load_idx %arg11[%add3A_376, %add3A_467] : memref<128x128xf32, #tpu.memory_space<vmem>>[vector<16xi32>, vector<16xi32>], vector<16xf32>,
      %add3A_469 = arith.constant 11 : i32
      %add3A_470 = vector.broadcast %add3A_469 : i32 to vector<16xi32>
      %add3A_471 = arith.addi %mul3A_384, %add3A_470 : vector<16xi32>
      tpu.vector_store_idx %arg12[%add3A_471, %div3A_387], %gather3A_468 : memref<32x128xf32, #tpu.memory_space<vmem>>[vector<16xi32>, vector<16xi32>], vector<16xf32>,
      %add3A_472 = arith.constant 12 : i32
      %add3A_473 = vector.broadcast %add3A_472 : i32 to vector<16xi32>
      %add3A_474 = arith.addi %mul3A_373, %add3A_473 : vector<16xi32>
      %gather3A_475 = tpu.vector_load_idx %arg11[%add3A_376, %add3A_474] : memref<128x128xf32, #tpu.memory_space<vmem>>[vector<16xi32>, vector<16xi32>], vector<16xf32>,
      %add3A_476 = arith.constant 12 : i32
      %add3A_477 = vector.broadcast %add3A_476 : i32 to vector<16xi32>
      %add3A_478 = arith.addi %mul3A_384, %add3A_477 : vector<16xi32>
      tpu.vector_store_idx %arg12[%add3A_478, %div3A_387], %gather3A_475 : memref<32x128xf32, #tpu.memory_space<vmem>>[vector<16xi32>, vector<16xi32>], vector<16xf32>,
      %add3A_479 = arith.constant 13 : i32
      %add3A_480 = vector.broadcast %add3A_479 : i32 to vector<16xi32>
      %add3A_481 = arith.addi %mul3A_373, %add3A_480 : vector<16xi32>
      %gather3A_482 = tpu.vector_load_idx %arg11[%add3A_376, %add3A_481] : memref<128x128xf32, #tpu.memory_space<vmem>>[vector<16xi32>, vector<16xi32>], vector<16xf32>,
      %add3A_483 = arith.constant 13 : i32
      %add3A_484 = vector.broadcast %add3A_483 : i32 to vector<16xi32>
      %add3A_485 = arith.addi %mul3A_384, %add3A_484 : vector<16xi32>
      tpu.vector_store_idx %arg12[%add3A_485, %div3A_387], %gather3A_482 : memref<32x128xf32, #tpu.memory_space<vmem>>[vector<16xi32>, vector<16xi32>], vector<16xf32>,
      %add3A_486 = arith.constant 14 : i32
      %add3A_487 = vector.broadcast %add3A_486 : i32 to vector<16xi32>
      %add3A_488 = arith.addi %mul3A_373, %add3A_487 : vector<16xi32>
      %gather3A_489 = tpu.vector_load_idx %arg11[%add3A_376, %add3A_488] : memref<128x128xf32, #tpu.memory_space<vmem>>[vector<16xi32>, vector<16xi32>], vector<16xf32>,
      %add3A_490 = arith.constant 14 : i32
      %add3A_491 = vector.broadcast %add3A_490 : i32 to vector<16xi32>
      %add3A_492 = arith.addi %mul3A_384, %add3A_491 : vector<16xi32>
      tpu.vector_store_idx %arg12[%add3A_492, %div3A_387], %gather3A_489 : memref<32x128xf32, #tpu.memory_space<vmem>>[vector<16xi32>, vector<16xi32>], vector<16xf32>,
      %add3A_493 = arith.constant 15 : i32
      %add3A_494 = vector.broadcast %add3A_493 : i32 to vector<16xi32>
      %add3A_495 = arith.addi %mul3A_373, %add3A_494 : vector<16xi32>
      %gather3A_496 = tpu.vector_load_idx %arg11[%add3A_376, %add3A_495] : memref<128x128xf32, #tpu.memory_space<vmem>>[vector<16xi32>, vector<16xi32>], vector<16xf32>,
      %add3A_497 = arith.constant 15 : i32
      %add3A_498 = vector.broadcast %add3A_497 : i32 to vector<16xi32>
      %add3A_499 = arith.addi %mul3A_384, %add3A_498 : vector<16xi32>
      tpu.vector_store_idx %arg12[%add3A_499, %div3A_387], %gather3A_496 : memref<32x128xf32, #tpu.memory_space<vmem>>[vector<16xi32>, vector<16xi32>], vector<16xf32>,
      %add3A_500 = arith.constant 48 : i32
      %add3A_501 = arith.addi %mul3A_22, %add3A_500 : i32
      %get3A_502 = arith.index_cast %add3A_501 : i32 to index
      %get3A_503 = tpu.vector_load %arg8[%get3A_502] {strides = array<i32>} : memref<256xi32, #tpu.memory_space<vmem>>, vector<16xi32>,
      %and3A_504 = arith.constant 7 : i32
      %and3A_505 = vector.broadcast %and3A_504 : i32 to vector<16xi32>
      %and3A_506 = arith.andi %get3A_503, %and3A_505 : vector<16xi32>
      %mul3A_507 = arith.constant 16 : i32
      %mul3A_508 = vector.broadcast %mul3A_507 : i32 to vector<16xi32>
      %mul3A_509 = arith.muli %and3A_506, %mul3A_508 : vector<16xi32>
      %add3A_510 = arith.constant 48 : i32
      %add3A_511 = vector.broadcast %add3A_510 : i32 to vector<16xi32>
      %add3A_512 = arith.addi %iota3A, %add3A_511 : vector<16xi32>
      %add3A_513 = vector.broadcast %mul3A_22 : i32 to vector<16xi32>
      %add3A_514 = arith.addi %add3A_512, %add3A_513 : vector<16xi32>
      %rem3A_515 = arith.constant 2 : i32
      %rem3A_516 = vector.broadcast %rem3A_515 : i32 to vector<16xi32>
      %rem3A_517 = arith.remsi %add3A_514, %rem3A_516 : vector<16xi32>
      %mul3A_518 = arith.constant 16 : i32
      %mul3A_519 = vector.broadcast %mul3A_518 : i32 to vector<16xi32>
      %mul3A_520 = arith.muli %rem3A_517, %mul3A_519 : vector<16xi32>
      %div3A_521 = arith.constant 2 : i32
      %div3A_522 = vector.broadcast %div3A_521 : i32 to vector<16xi32>
      %div3A_523 = arith.divsi %add3A_514, %div3A_522 : vector<16xi32>
      %add3A_524 = arith.constant 0 : i32
      %add3A_525 = vector.broadcast %add3A_524 : i32 to vector<16xi32>
      %add3A_526 = arith.addi %mul3A_509, %add3A_525 : vector<16xi32>
      %gather3A_527 = tpu.vector_load_idx %arg11[%add3A_512, %add3A_526] : memref<128x128xf32, #tpu.memory_space<vmem>>[vector<16xi32>, vector<16xi32>], vector<16xf32>,
      %add3A_528 = arith.constant 0 : i32
      %add3A_529 = vector.broadcast %add3A_528 : i32 to vector<16xi32>
      %add3A_530 = arith.addi %mul3A_520, %add3A_529 : vector<16xi32>
      tpu.vector_store_idx %arg12[%add3A_530, %div3A_523], %gather3A_527 : memref<32x128xf32, #tpu.memory_space<vmem>>[vector<16xi32>, vector<16xi32>], vector<16xf32>,
      %add3A_531 = arith.constant 1 : i32
      %add3A_532 = vector.broadcast %add3A_531 : i32 to vector<16xi32>
      %add3A_533 = arith.addi %mul3A_509, %add3A_532 : vector<16xi32>
      %gather3A_534 = tpu.vector_load_idx %arg11[%add3A_512, %add3A_533] : memref<128x128xf32, #tpu.memory_space<vmem>>[vector<16xi32>, vector<16xi32>], vector<16xf32>,
      %add3A_535 = arith.constant 1 : i32
      %add3A_536 = vector.broadcast %add3A_535 : i32 to vector<16xi32>
      %add3A_537 = arith.addi %mul3A_520, %add3A_536 : vector<16xi32>
      tpu.vector_store_idx %arg12[%add3A_537, %div3A_523], %gather3A_534 : memref<32x128xf32, #tpu.memory_space<vmem>>[vector<16xi32>, vector<16xi32>], vector<16xf32>,
      %add3A_538 = arith.constant 2 : i32
      %add3A_539 = vector.broadcast %add3A_538 : i32 to vector<16xi32>
      %add3A_540 = arith.addi %mul3A_509, %add3A_539 : vector<16xi32>
      %gather3A_541 = tpu.vector_load_idx %arg11[%add3A_512, %add3A_540] : memref<128x128xf32, #tpu.memory_space<vmem>>[vector<16xi32>, vector<16xi32>], vector<16xf32>,
      %add3A_542 = arith.constant 2 : i32
      %add3A_543 = vector.broadcast %add3A_542 : i32 to vector<16xi32>
      %add3A_544 = arith.addi %mul3A_520, %add3A_543 : vector<16xi32>
      tpu.vector_store_idx %arg12[%add3A_544, %div3A_523], %gather3A_541 : memref<32x128xf32, #tpu.memory_space<vmem>>[vector<16xi32>, vector<16xi32>], vector<16xf32>,
      %add3A_545 = arith.constant 3 : i32
      %add3A_546 = vector.broadcast %add3A_545 : i32 to vector<16xi32>
      %add3A_547 = arith.addi %mul3A_509, %add3A_546 : vector<16xi32>
      %gather3A_548 = tpu.vector_load_idx %arg11[%add3A_512, %add3A_547] : memref<128x128xf32, #tpu.memory_space<vmem>>[vector<16xi32>, vector<16xi32>], vector<16xf32>,
      %add3A_549 = arith.constant 3 : i32
      %add3A_550 = vector.broadcast %add3A_549 : i32 to vector<16xi32>
      %add3A_551 = arith.addi %mul3A_520, %add3A_550 : vector<16xi32>
      tpu.vector_store_idx %arg12[%add3A_551, %div3A_523], %gather3A_548 : memref<32x128xf32, #tpu.memory_space<vmem>>[vector<16xi32>, vector<16xi32>], vector<16xf32>,
      %add3A_552 = arith.constant 4 : i32
      %add3A_553 = vector.broadcast %add3A_552 : i32 to vector<16xi32>
      %add3A_554 = arith.addi %mul3A_509, %add3A_553 : vector<16xi32>
      %gather3A_555 = tpu.vector_load_idx %arg11[%add3A_512, %add3A_554] : memref<128x128xf32, #tpu.memory_space<vmem>>[vector<16xi32>, vector<16xi32>], vector<16xf32>,
      %add3A_556 = arith.constant 4 : i32
      %add3A_557 = vector.broadcast %add3A_556 : i32 to vector<16xi32>
      %add3A_558 = arith.addi %mul3A_520, %add3A_557 : vector<16xi32>
      tpu.vector_store_idx %arg12[%add3A_558, %div3A_523], %gather3A_555 : memref<32x128xf32, #tpu.memory_space<vmem>>[vector<16xi32>, vector<16xi32>], vector<16xf32>,
      %add3A_559 = arith.constant 5 : i32
      %add3A_560 = vector.broadcast %add3A_559 : i32 to vector<16xi32>
      %add3A_561 = arith.addi %mul3A_509, %add3A_560 : vector<16xi32>
      %gather3A_562 = tpu.vector_load_idx %arg11[%add3A_512, %add3A_561] : memref<128x128xf32, #tpu.memory_space<vmem>>[vector<16xi32>, vector<16xi32>], vector<16xf32>,
      %add3A_563 = arith.constant 5 : i32
      %add3A_564 = vector.broadcast %add3A_563 : i32 to vector<16xi32>
      %add3A_565 = arith.addi %mul3A_520, %add3A_564 : vector<16xi32>
      tpu.vector_store_idx %arg12[%add3A_565, %div3A_523], %gather3A_562 : memref<32x128xf32, #tpu.memory_space<vmem>>[vector<16xi32>, vector<16xi32>], vector<16xf32>,
      %add3A_566 = arith.constant 6 : i32
      %add3A_567 = vector.broadcast %add3A_566 : i32 to vector<16xi32>
      %add3A_568 = arith.addi %mul3A_509, %add3A_567 : vector<16xi32>
      %gather3A_569 = tpu.vector_load_idx %arg11[%add3A_512, %add3A_568] : memref<128x128xf32, #tpu.memory_space<vmem>>[vector<16xi32>, vector<16xi32>], vector<16xf32>,
      %add3A_570 = arith.constant 6 : i32
      %add3A_571 = vector.broadcast %add3A_570 : i32 to vector<16xi32>
      %add3A_572 = arith.addi %mul3A_520, %add3A_571 : vector<16xi32>
      tpu.vector_store_idx %arg12[%add3A_572, %div3A_523], %gather3A_569 : memref<32x128xf32, #tpu.memory_space<vmem>>[vector<16xi32>, vector<16xi32>], vector<16xf32>,
      %add3A_573 = arith.constant 7 : i32
      %add3A_574 = vector.broadcast %add3A_573 : i32 to vector<16xi32>
      %add3A_575 = arith.addi %mul3A_509, %add3A_574 : vector<16xi32>
      %gather3A_576 = tpu.vector_load_idx %arg11[%add3A_512, %add3A_575] : memref<128x128xf32, #tpu.memory_space<vmem>>[vector<16xi32>, vector<16xi32>], vector<16xf32>,
      %add3A_577 = arith.constant 7 : i32
      %add3A_578 = vector.broadcast %add3A_577 : i32 to vector<16xi32>
      %add3A_579 = arith.addi %mul3A_520, %add3A_578 : vector<16xi32>
      tpu.vector_store_idx %arg12[%add3A_579, %div3A_523], %gather3A_576 : memref<32x128xf32, #tpu.memory_space<vmem>>[vector<16xi32>, vector<16xi32>], vector<16xf32>,
      %add3A_580 = arith.constant 8 : i32
      %add3A_581 = vector.broadcast %add3A_580 : i32 to vector<16xi32>
      %add3A_582 = arith.addi %mul3A_509, %add3A_581 : vector<16xi32>
      %gather3A_583 = tpu.vector_load_idx %arg11[%add3A_512, %add3A_582] : memref<128x128xf32, #tpu.memory_space<vmem>>[vector<16xi32>, vector<16xi32>], vector<16xf32>,
      %add3A_584 = arith.constant 8 : i32
      %add3A_585 = vector.broadcast %add3A_584 : i32 to vector<16xi32>
      %add3A_586 = arith.addi %mul3A_520, %add3A_585 : vector<16xi32>
      tpu.vector_store_idx %arg12[%add3A_586, %div3A_523], %gather3A_583 : memref<32x128xf32, #tpu.memory_space<vmem>>[vector<16xi32>, vector<16xi32>], vector<16xf32>,
      %add3A_587 = arith.constant 9 : i32
      %add3A_588 = vector.broadcast %add3A_587 : i32 to vector<16xi32>
      %add3A_589 = arith.addi %mul3A_509, %add3A_588 : vector<16xi32>
      %gather3A_590 = tpu.vector_load_idx %arg11[%add3A_512, %add3A_589] : memref<128x128xf32, #tpu.memory_space<vmem>>[vector<16xi32>, vector<16xi32>], vector<16xf32>,
      %add3A_591 = arith.constant 9 : i32
      %add3A_592 = vector.broadcast %add3A_591 : i32 to vector<16xi32>
      %add3A_593 = arith.addi %mul3A_520, %add3A_592 : vector<16xi32>
      tpu.vector_store_idx %arg12[%add3A_593, %div3A_523], %gather3A_590 : memref<32x128xf32, #tpu.memory_space<vmem>>[vector<16xi32>, vector<16xi32>], vector<16xf32>,
      %add3A_594 = arith.constant 10 : i32
      %add3A_595 = vector.broadcast %add3A_594 : i32 to vector<16xi32>
      %add3A_596 = arith.addi %mul3A_509, %add3A_595 : vector<16xi32>
      %gather3A_597 = tpu.vector_load_idx %arg11[%add3A_512, %add3A_596] : memref<128x128xf32, #tpu.memory_space<vmem>>[vector<16xi32>, vector<16xi32>], vector<16xf32>,
      %add3A_598 = arith.constant 10 : i32
      %add3A_599 = vector.broadcast %add3A_598 : i32 to vector<16xi32>
      %add3A_600 = arith.addi %mul3A_520, %add3A_599 : vector<16xi32>
      tpu.vector_store_idx %arg12[%add3A_600, %div3A_523], %gather3A_597 : memref<32x128xf32, #tpu.memory_space<vmem>>[vector<16xi32>, vector<16xi32>], vector<16xf32>,
      %add3A_601 = arith.constant 11 : i32
      %add3A_602 = vector.broadcast %add3A_601 : i32 to vector<16xi32>
      %add3A_603 = arith.addi %mul3A_509, %add3A_602 : vector<16xi32>
      %gather3A_604 = tpu.vector_load_idx %arg11[%add3A_512, %add3A_603] : memref<128x128xf32, #tpu.memory_space<vmem>>[vector<16xi32>, vector<16xi32>], vector<16xf32>,
      %add3A_605 = arith.constant 11 : i32
      %add3A_606 = vector.broadcast %add3A_605 : i32 to vector<16xi32>
      %add3A_607 = arith.addi %mul3A_520, %add3A_606 : vector<16xi32>
      tpu.vector_store_idx %arg12[%add3A_607, %div3A_523], %gather3A_604 : memref<32x128xf32, #tpu.memory_space<vmem>>[vector<16xi32>, vector<16xi32>], vector<16xf32>,
      %add3A_608 = arith.constant 12 : i32
      %add3A_609 = vector.broadcast %add3A_608 : i32 to vector<16xi32>
      %add3A_610 = arith.addi %mul3A_509, %add3A_609 : vector<16xi32>
      %gather3A_611 = tpu.vector_load_idx %arg11[%add3A_512, %add3A_610] : memref<128x128xf32, #tpu.memory_space<vmem>>[vector<16xi32>, vector<16xi32>], vector<16xf32>,
      %add3A_612 = arith.constant 12 : i32
      %add3A_613 = vector.broadcast %add3A_612 : i32 to vector<16xi32>
      %add3A_614 = arith.addi %mul3A_520, %add3A_613 : vector<16xi32>
      tpu.vector_store_idx %arg12[%add3A_614, %div3A_523], %gather3A_611 : memref<32x128xf32, #tpu.memory_space<vmem>>[vector<16xi32>, vector<16xi32>], vector<16xf32>,
      %add3A_615 = arith.constant 13 : i32
      %add3A_616 = vector.broadcast %add3A_615 : i32 to vector<16xi32>
      %add3A_617 = arith.addi %mul3A_509, %add3A_616 : vector<16xi32>
      %gather3A_618 = tpu.vector_load_idx %arg11[%add3A_512, %add3A_617] : memref<128x128xf32, #tpu.memory_space<vmem>>[vector<16xi32>, vector<16xi32>], vector<16xf32>,
      %add3A_619 = arith.constant 13 : i32
      %add3A_620 = vector.broadcast %add3A_619 : i32 to vector<16xi32>
      %add3A_621 = arith.addi %mul3A_520, %add3A_620 : vector<16xi32>
      tpu.vector_store_idx %arg12[%add3A_621, %div3A_523], %gather3A_618 : memref<32x128xf32, #tpu.memory_space<vmem>>[vector<16xi32>, vector<16xi32>], vector<16xf32>,
      %add3A_622 = arith.constant 14 : i32
      %add3A_623 = vector.broadcast %add3A_622 : i32 to vector<16xi32>
      %add3A_624 = arith.addi %mul3A_509, %add3A_623 : vector<16xi32>
      %gather3A_625 = tpu.vector_load_idx %arg11[%add3A_512, %add3A_624] : memref<128x128xf32, #tpu.memory_space<vmem>>[vector<16xi32>, vector<16xi32>], vector<16xf32>,
      %add3A_626 = arith.constant 14 : i32
      %add3A_627 = vector.broadcast %add3A_626 : i32 to vector<16xi32>
      %add3A_628 = arith.addi %mul3A_520, %add3A_627 : vector<16xi32>
      tpu.vector_store_idx %arg12[%add3A_628, %div3A_523], %gather3A_625 : memref<32x128xf32, #tpu.memory_space<vmem>>[vector<16xi32>, vector<16xi32>], vector<16xf32>,
      %add3A_629 = arith.constant 15 : i32
      %add3A_630 = vector.broadcast %add3A_629 : i32 to vector<16xi32>
      %add3A_631 = arith.addi %mul3A_509, %add3A_630 : vector<16xi32>
      %gather3A_632 = tpu.vector_load_idx %arg11[%add3A_512, %add3A_631] : memref<128x128xf32, #tpu.memory_space<vmem>>[vector<16xi32>, vector<16xi32>], vector<16xf32>,
      %add3A_633 = arith.constant 15 : i32
      %add3A_634 = vector.broadcast %add3A_633 : i32 to vector<16xi32>
      %add3A_635 = arith.addi %mul3A_520, %add3A_634 : vector<16xi32>
      tpu.vector_store_idx %arg12[%add3A_635, %div3A_523], %gather3A_632 : memref<32x128xf32, #tpu.memory_space<vmem>>[vector<16xi32>, vector<16xi32>], vector<16xf32>,
      %add3A_636 = arith.constant 64 : i32
      %add3A_637 = arith.addi %mul3A_22, %add3A_636 : i32
      %get3A_638 = arith.index_cast %add3A_637 : i32 to index
      %get3A_639 = tpu.vector_load %arg8[%get3A_638] {strides = array<i32>} : memref<256xi32, #tpu.memory_space<vmem>>, vector<16xi32>,
      %and3A_640 = arith.constant 7 : i32
      %and3A_641 = vector.broadcast %and3A_640 : i32 to vector<16xi32>
      %and3A_642 = arith.andi %get3A_639, %and3A_641 : vector<16xi32>
      %mul3A_643 = arith.constant 16 : i32
      %mul3A_644 = vector.broadcast %mul3A_643 : i32 to vector<16xi32>
      %mul3A_645 = arith.muli %and3A_642, %mul3A_644 : vector<16xi32>
      %add3A_646 = arith.constant 64 : i32
      %add3A_647 = vector.broadcast %add3A_646 : i32 to vector<16xi32>
      %add3A_648 = arith.addi %iota3A, %add3A_647 : vector<16xi32>
      %add3A_649 = vector.broadcast %mul3A_22 : i32 to vector<16xi32>
      %add3A_650 = arith.addi %add3A_648, %add3A_649 : vector<16xi32>
      %rem3A_651 = arith.constant 2 : i32
      %rem3A_652 = vector.broadcast %rem3A_651 : i32 to vector<16xi32>
      %rem3A_653 = arith.remsi %add3A_650, %rem3A_652 : vector<16xi32>
      %mul3A_654 = arith.constant 16 : i32
      %mul3A_655 = vector.broadcast %mul3A_654 : i32 to vector<16xi32>
      %mul3A_656 = arith.muli %rem3A_653, %mul3A_655 : vector<16xi32>
      %div3A_657 = arith.constant 2 : i32
      %div3A_658 = vector.broadcast %div3A_657 : i32 to vector<16xi32>
      %div3A_659 = arith.divsi %add3A_650, %div3A_658 : vector<16xi32>
      %add3A_660 = arith.constant 0 : i32
      %add3A_661 = vector.broadcast %add3A_660 : i32 to vector<16xi32>
      %add3A_662 = arith.addi %mul3A_645, %add3A_661 : vector<16xi32>
      %gather3A_663 = tpu.vector_load_idx %arg11[%add3A_648, %add3A_662] : memref<128x128xf32, #tpu.memory_space<vmem>>[vector<16xi32>, vector<16xi32>], vector<16xf32>,
      %add3A_664 = arith.constant 0 : i32
      %add3A_665 = vector.broadcast %add3A_664 : i32 to vector<16xi32>
      %add3A_666 = arith.addi %mul3A_656, %add3A_665 : vector<16xi32>
      tpu.vector_store_idx %arg12[%add3A_666, %div3A_659], %gather3A_663 : memref<32x128xf32, #tpu.memory_space<vmem>>[vector<16xi32>, vector<16xi32>], vector<16xf32>,
      %add3A_667 = arith.constant 1 : i32
      %add3A_668 = vector.broadcast %add3A_667 : i32 to vector<16xi32>
      %add3A_669 = arith.addi %mul3A_645, %add3A_668 : vector<16xi32>
      %gather3A_670 = tpu.vector_load_idx %arg11[%add3A_648, %add3A_669] : memref<128x128xf32, #tpu.memory_space<vmem>>[vector<16xi32>, vector<16xi32>], vector<16xf32>,
      %add3A_671 = arith.constant 1 : i32
      %add3A_672 = vector.broadcast %add3A_671 : i32 to vector<16xi32>
      %add3A_673 = arith.addi %mul3A_656, %add3A_672 : vector<16xi32>
      tpu.vector_store_idx %arg12[%add3A_673, %div3A_659], %gather3A_670 : memref<32x128xf32, #tpu.memory_space<vmem>>[vector<16xi32>, vector<16xi32>], vector<16xf32>,
      %add3A_674 = arith.constant 2 : i32
      %add3A_675 = vector.broadcast %add3A_674 : i32 to vector<16xi32>
      %add3A_676 = arith.addi %mul3A_645, %add3A_675 : vector<16xi32>
      %gather3A_677 = tpu.vector_load_idx %arg11[%add3A_648, %add3A_676] : memref<128x128xf32, #tpu.memory_space<vmem>>[vector<16xi32>, vector<16xi32>], vector<16xf32>,
      %add3A_678 = arith.constant 2 : i32
      %add3A_679 = vector.broadcast %add3A_678 : i32 to vector<16xi32>
      %add3A_680 = arith.addi %mul3A_656, %add3A_679 : vector<16xi32>
      tpu.vector_store_idx %arg12[%add3A_680, %div3A_659], %gather3A_677 : memref<32x128xf32, #tpu.memory_space<vmem>>[vector<16xi32>, vector<16xi32>], vector<16xf32>,
      %add3A_681 = arith.constant 3 : i32
      %add3A_682 = vector.broadcast %add3A_681 : i32 to vector<16xi32>
      %add3A_683 = arith.addi %mul3A_645, %add3A_682 : vector<16xi32>
      %gather3A_684 = tpu.vector_load_idx %arg11[%add3A_648, %add3A_683] : memref<128x128xf32, #tpu.memory_space<vmem>>[vector<16xi32>, vector<16xi32>], vector<16xf32>,
      %add3A_685 = arith.constant 3 : i32
      %add3A_686 = vector.broadcast %add3A_685 : i32 to vector<16xi32>
      %add3A_687 = arith.addi %mul3A_656, %add3A_686 : vector<16xi32>
      tpu.vector_store_idx %arg12[%add3A_687, %div3A_659], %gather3A_684 : memref<32x128xf32, #tpu.memory_space<vmem>>[vector<16xi32>, vector<16xi32>], vector<16xf32>,
      %add3A_688 = arith.constant 4 : i32
      %add3A_689 = vector.broadcast %add3A_688 : i32 to vector<16xi32>
      %add3A_690 = arith.addi %mul3A_645, %add3A_689 : vector<16xi32>
      %gather3A_691 = tpu.vector_load_idx %arg11[%add3A_648, %add3A_690] : memref<128x128xf32, #tpu.memory_space<vmem>>[vector<16xi32>, vector<16xi32>], vector<16xf32>,
      %add3A_692 = arith.constant 4 : i32
      %add3A_693 = vector.broadcast %add3A_692 : i32 to vector<16xi32>
      %add3A_694 = arith.addi %mul3A_656, %add3A_693 : vector<16xi32>
      tpu.vector_store_idx %arg12[%add3A_694, %div3A_659], %gather3A_691 : memref<32x128xf32, #tpu.memory_space<vmem>>[vector<16xi32>, vector<16xi32>], vector<16xf32>,
      %add3A_695 = arith.constant 5 : i32
      %add3A_696 = vector.broadcast %add3A_695 : i32 to vector<16xi32>
      %add3A_697 = arith.addi %mul3A_645, %add3A_696 : vector<16xi32>
      %gather3A_698 = tpu.vector_load_idx %arg11[%add3A_648, %add3A_697] : memref<128x128xf32, #tpu.memory_space<vmem>>[vector<16xi32>, vector<16xi32>], vector<16xf32>,
      %add3A_699 = arith.constant 5 : i32
      %add3A_700 = vector.broadcast %add3A_699 : i32 to vector<16xi32>
      %add3A_701 = arith.addi %mul3A_656, %add3A_700 : vector<16xi32>
      tpu.vector_store_idx %arg12[%add3A_701, %div3A_659], %gather3A_698 : memref<32x128xf32, #tpu.memory_space<vmem>>[vector<16xi32>, vector<16xi32>], vector<16xf32>,
      %add3A_702 = arith.constant 6 : i32
      %add3A_703 = vector.broadcast %add3A_702 : i32 to vector<16xi32>
      %add3A_704 = arith.addi %mul3A_645, %add3A_703 : vector<16xi32>
      %gather3A_705 = tpu.vector_load_idx %arg11[%add3A_648, %add3A_704] : memref<128x128xf32, #tpu.memory_space<vmem>>[vector<16xi32>, vector<16xi32>], vector<16xf32>,
      %add3A_706 = arith.constant 6 : i32
      %add3A_707 = vector.broadcast %add3A_706 : i32 to vector<16xi32>
      %add3A_708 = arith.addi %mul3A_656, %add3A_707 : vector<16xi32>
      tpu.vector_store_idx %arg12[%add3A_708, %div3A_659], %gather3A_705 : memref<32x128xf32, #tpu.memory_space<vmem>>[vector<16xi32>, vector<16xi32>], vector<16xf32>,
      %add3A_709 = arith.constant 7 : i32
      %add3A_710 = vector.broadcast %add3A_709 : i32 to vector<16xi32>
      %add3A_711 = arith.addi %mul3A_645, %add3A_710 : vector<16xi32>
      %gather3A_712 = tpu.vector_load_idx %arg11[%add3A_648, %add3A_711] : memref<128x128xf32, #tpu.memory_space<vmem>>[vector<16xi32>, vector<16xi32>], vector<16xf32>,
      %add3A_713 = arith.constant 7 : i32
      %add3A_714 = vector.broadcast %add3A_713 : i32 to vector<16xi32>
      %add3A_715 = arith.addi %mul3A_656, %add3A_714 : vector<16xi32>
      tpu.vector_store_idx %arg12[%add3A_715, %div3A_659], %gather3A_712 : memref<32x128xf32, #tpu.memory_space<vmem>>[vector<16xi32>, vector<16xi32>], vector<16xf32>,
      %add3A_716 = arith.constant 8 : i32
      %add3A_717 = vector.broadcast %add3A_716 : i32 to vector<16xi32>
      %add3A_718 = arith.addi %mul3A_645, %add3A_717 : vector<16xi32>
      %gather3A_719 = tpu.vector_load_idx %arg11[%add3A_648, %add3A_718] : memref<128x128xf32, #tpu.memory_space<vmem>>[vector<16xi32>, vector<16xi32>], vector<16xf32>,
      %add3A_720 = arith.constant 8 : i32
      %add3A_721 = vector.broadcast %add3A_720 : i32 to vector<16xi32>
      %add3A_722 = arith.addi %mul3A_656, %add3A_721 : vector<16xi32>
      tpu.vector_store_idx %arg12[%add3A_722, %div3A_659], %gather3A_719 : memref<32x128xf32, #tpu.memory_space<vmem>>[vector<16xi32>, vector<16xi32>], vector<16xf32>,
      %add3A_723 = arith.constant 9 : i32
      %add3A_724 = vector.broadcast %add3A_723 : i32 to vector<16xi32>
      %add3A_725 = arith.addi %mul3A_645, %add3A_724 : vector<16xi32>
      %gather3A_726 = tpu.vector_load_idx %arg11[%add3A_648, %add3A_725] : memref<128x128xf32, #tpu.memory_space<vmem>>[vector<16xi32>, vector<16xi32>], vector<16xf32>,
      %add3A_727 = arith.constant 9 : i32
      %add3A_728 = vector.broadcast %add3A_727 : i32 to vector<16xi32>
      %add3A_729 = arith.addi %mul3A_656, %add3A_728 : vector<16xi32>
      tpu.vector_store_idx %arg12[%add3A_729, %div3A_659], %gather3A_726 : memref<32x128xf32, #tpu.memory_space<vmem>>[vector<16xi32>, vector<16xi32>], vector<16xf32>,
      %add3A_730 = arith.constant 10 : i32
      %add3A_731 = vector.broadcast %add3A_730 : i32 to vector<16xi32>
      %add3A_732 = arith.addi %mul3A_645, %add3A_731 : vector<16xi32>
      %gather3A_733 = tpu.vector_load_idx %arg11[%add3A_648, %add3A_732] : memref<128x128xf32, #tpu.memory_space<vmem>>[vector<16xi32>, vector<16xi32>], vector<16xf32>,
      %add3A_734 = arith.constant 10 : i32
      %add3A_735 = vector.broadcast %add3A_734 : i32 to vector<16xi32>
      %add3A_736 = arith.addi %mul3A_656, %add3A_735 : vector<16xi32>
      tpu.vector_store_idx %arg12[%add3A_736, %div3A_659], %gather3A_733 : memref<32x128xf32, #tpu.memory_space<vmem>>[vector<16xi32>, vector<16xi32>], vector<16xf32>,
      %add3A_737 = arith.constant 11 : i32
      %add3A_738 = vector.broadcast %add3A_737 : i32 to vector<16xi32>
      %add3A_739 = arith.addi %mul3A_645, %add3A_738 : vector<16xi32>
      %gather3A_740 = tpu.vector_load_idx %arg11[%add3A_648, %add3A_739] : memref<128x128xf32, #tpu.memory_space<vmem>>[vector<16xi32>, vector<16xi32>], vector<16xf32>,
      %add3A_741 = arith.constant 11 : i32
      %add3A_742 = vector.broadcast %add3A_741 : i32 to vector<16xi32>
      %add3A_743 = arith.addi %mul3A_656, %add3A_742 : vector<16xi32>
      tpu.vector_store_idx %arg12[%add3A_743, %div3A_659], %gather3A_740 : memref<32x128xf32, #tpu.memory_space<vmem>>[vector<16xi32>, vector<16xi32>], vector<16xf32>,
      %add3A_744 = arith.constant 12 : i32
      %add3A_745 = vector.broadcast %add3A_744 : i32 to vector<16xi32>
      %add3A_746 = arith.addi %mul3A_645, %add3A_745 : vector<16xi32>
      %gather3A_747 = tpu.vector_load_idx %arg11[%add3A_648, %add3A_746] : memref<128x128xf32, #tpu.memory_space<vmem>>[vector<16xi32>, vector<16xi32>], vector<16xf32>,
      %add3A_748 = arith.constant 12 : i32
      %add3A_749 = vector.broadcast %add3A_748 : i32 to vector<16xi32>
      %add3A_750 = arith.addi %mul3A_656, %add3A_749 : vector<16xi32>
      tpu.vector_store_idx %arg12[%add3A_750, %div3A_659], %gather3A_747 : memref<32x128xf32, #tpu.memory_space<vmem>>[vector<16xi32>, vector<16xi32>], vector<16xf32>,
      %add3A_751 = arith.constant 13 : i32
      %add3A_752 = vector.broadcast %add3A_751 : i32 to vector<16xi32>
      %add3A_753 = arith.addi %mul3A_645, %add3A_752 : vector<16xi32>
      %gather3A_754 = tpu.vector_load_idx %arg11[%add3A_648, %add3A_753] : memref<128x128xf32, #tpu.memory_space<vmem>>[vector<16xi32>, vector<16xi32>], vector<16xf32>,
      %add3A_755 = arith.constant 13 : i32
      %add3A_756 = vector.broadcast %add3A_755 : i32 to vector<16xi32>
      %add3A_757 = arith.addi %mul3A_656, %add3A_756 : vector<16xi32>
      tpu.vector_store_idx %arg12[%add3A_757, %div3A_659], %gather3A_754 : memref<32x128xf32, #tpu.memory_space<vmem>>[vector<16xi32>, vector<16xi32>], vector<16xf32>,
      %add3A_758 = arith.constant 14 : i32
      %add3A_759 = vector.broadcast %add3A_758 : i32 to vector<16xi32>
      %add3A_760 = arith.addi %mul3A_645, %add3A_759 : vector<16xi32>
      %gather3A_761 = tpu.vector_load_idx %arg11[%add3A_648, %add3A_760] : memref<128x128xf32, #tpu.memory_space<vmem>>[vector<16xi32>, vector<16xi32>], vector<16xf32>,
      %add3A_762 = arith.constant 14 : i32
      %add3A_763 = vector.broadcast %add3A_762 : i32 to vector<16xi32>
      %add3A_764 = arith.addi %mul3A_656, %add3A_763 : vector<16xi32>
      tpu.vector_store_idx %arg12[%add3A_764, %div3A_659], %gather3A_761 : memref<32x128xf32, #tpu.memory_space<vmem>>[vector<16xi32>, vector<16xi32>], vector<16xf32>,
      %add3A_765 = arith.constant 15 : i32
      %add3A_766 = vector.broadcast %add3A_765 : i32 to vector<16xi32>
      %add3A_767 = arith.addi %mul3A_645, %add3A_766 : vector<16xi32>
      %gather3A_768 = tpu.vector_load_idx %arg11[%add3A_648, %add3A_767] : memref<128x128xf32, #tpu.memory_space<vmem>>[vector<16xi32>, vector<16xi32>], vector<16xf32>,
      %add3A_769 = arith.constant 15 : i32
      %add3A_770 = vector.broadcast %add3A_769 : i32 to vector<16xi32>
      %add3A_771 = arith.addi %mul3A_656, %add3A_770 : vector<16xi32>
      tpu.vector_store_idx %arg12[%add3A_771, %div3A_659], %gather3A_768 : memref<32x128xf32, #tpu.memory_space<vmem>>[vector<16xi32>, vector<16xi32>], vector<16xf32>,
      %add3A_772 = arith.constant 80 : i32
      %add3A_773 = arith.addi %mul3A_22, %add3A_772 : i32
      %get3A_774 = arith.index_cast %add3A_773 : i32 to index
      %get3A_775 = tpu.vector_load %arg8[%get3A_774] {strides = array<i32>} : memref<256xi32, #tpu.memory_space<vmem>>, vector<16xi32>,
      %and3A_776 = arith.constant 7 : i32
      %and3A_777 = vector.broadcast %and3A_776 : i32 to vector<16xi32>
      %and3A_778 = arith.andi %get3A_775, %and3A_777 : vector<16xi32>
      %mul3A_779 = arith.constant 16 : i32
      %mul3A_780 = vector.broadcast %mul3A_779 : i32 to vector<16xi32>
      %mul3A_781 = arith.muli %and3A_778, %mul3A_780 : vector<16xi32>
      %add3A_782 = arith.constant 80 : i32
      %add3A_783 = vector.broadcast %add3A_782 : i32 to vector<16xi32>
      %add3A_784 = arith.addi %iota3A, %add3A_783 : vector<16xi32>
      %add3A_785 = vector.broadcast %mul3A_22 : i32 to vector<16xi32>
      %add3A_786 = arith.addi %add3A_784, %add3A_785 : vector<16xi32>
      %rem3A_787 = arith.constant 2 : i32
      %rem3A_788 = vector.broadcast %rem3A_787 : i32 to vector<16xi32>
      %rem3A_789 = arith.remsi %add3A_786, %rem3A_788 : vector<16xi32>
      %mul3A_790 = arith.constant 16 : i32
      %mul3A_791 = vector.broadcast %mul3A_790 : i32 to vector<16xi32>
      %mul3A_792 = arith.muli %rem3A_789, %mul3A_791 : vector<16xi32>
      %div3A_793 = arith.constant 2 : i32
      %div3A_794 = vector.broadcast %div3A_793 : i32 to vector<16xi32>
      %div3A_795 = arith.divsi %add3A_786, %div3A_794 : vector<16xi32>
      %add3A_796 = arith.constant 0 : i32
      %add3A_797 = vector.broadcast %add3A_796 : i32 to vector<16xi32>
      %add3A_798 = arith.addi %mul3A_781, %add3A_797 : vector<16xi32>
      %gather3A_799 = tpu.vector_load_idx %arg11[%add3A_784, %add3A_798] : memref<128x128xf32, #tpu.memory_space<vmem>>[vector<16xi32>, vector<16xi32>], vector<16xf32>,
      %add3A_800 = arith.constant 0 : i32
      %add3A_801 = vector.broadcast %add3A_800 : i32 to vector<16xi32>
      %add3A_802 = arith.addi %mul3A_792, %add3A_801 : vector<16xi32>
      tpu.vector_store_idx %arg12[%add3A_802, %div3A_795], %gather3A_799 : memref<32x128xf32, #tpu.memory_space<vmem>>[vector<16xi32>, vector<16xi32>], vector<16xf32>,
      %add3A_803 = arith.constant 1 : i32
      %add3A_804 = vector.broadcast %add3A_803 : i32 to vector<16xi32>
      %add3A_805 = arith.addi %mul3A_781, %add3A_804 : vector<16xi32>
      %gather3A_806 = tpu.vector_load_idx %arg11[%add3A_784, %add3A_805] : memref<128x128xf32, #tpu.memory_space<vmem>>[vector<16xi32>, vector<16xi32>], vector<16xf32>,
      %add3A_807 = arith.constant 1 : i32
      %add3A_808 = vector.broadcast %add3A_807 : i32 to vector<16xi32>
      %add3A_809 = arith.addi %mul3A_792, %add3A_808 : vector<16xi32>
      tpu.vector_store_idx %arg12[%add3A_809, %div3A_795], %gather3A_806 : memref<32x128xf32, #tpu.memory_space<vmem>>[vector<16xi32>, vector<16xi32>], vector<16xf32>,
      %add3A_810 = arith.constant 2 : i32
      %add3A_811 = vector.broadcast %add3A_810 : i32 to vector<16xi32>
      %add3A_812 = arith.addi %mul3A_781, %add3A_811 : vector<16xi32>
      %gather3A_813 = tpu.vector_load_idx %arg11[%add3A_784, %add3A_812] : memref<128x128xf32, #tpu.memory_space<vmem>>[vector<16xi32>, vector<16xi32>], vector<16xf32>,
      %add3A_814 = arith.constant 2 : i32
      %add3A_815 = vector.broadcast %add3A_814 : i32 to vector<16xi32>
      %add3A_816 = arith.addi %mul3A_792, %add3A_815 : vector<16xi32>
      tpu.vector_store_idx %arg12[%add3A_816, %div3A_795], %gather3A_813 : memref<32x128xf32, #tpu.memory_space<vmem>>[vector<16xi32>, vector<16xi32>], vector<16xf32>,
      %add3A_817 = arith.constant 3 : i32
      %add3A_818 = vector.broadcast %add3A_817 : i32 to vector<16xi32>
      %add3A_819 = arith.addi %mul3A_781, %add3A_818 : vector<16xi32>
      %gather3A_820 = tpu.vector_load_idx %arg11[%add3A_784, %add3A_819] : memref<128x128xf32, #tpu.memory_space<vmem>>[vector<16xi32>, vector<16xi32>], vector<16xf32>,
      %add3A_821 = arith.constant 3 : i32
      %add3A_822 = vector.broadcast %add3A_821 : i32 to vector<16xi32>
      %add3A_823 = arith.addi %mul3A_792, %add3A_822 : vector<16xi32>
      tpu.vector_store_idx %arg12[%add3A_823, %div3A_795], %gather3A_820 : memref<32x128xf32, #tpu.memory_space<vmem>>[vector<16xi32>, vector<16xi32>], vector<16xf32>,
      %add3A_824 = arith.constant 4 : i32
      %add3A_825 = vector.broadcast %add3A_824 : i32 to vector<16xi32>
      %add3A_826 = arith.addi %mul3A_781, %add3A_825 : vector<16xi32>
      %gather3A_827 = tpu.vector_load_idx %arg11[%add3A_784, %add3A_826] : memref<128x128xf32, #tpu.memory_space<vmem>>[vector<16xi32>, vector<16xi32>], vector<16xf32>,
      %add3A_828 = arith.constant 4 : i32
      %add3A_829 = vector.broadcast %add3A_828 : i32 to vector<16xi32>
      %add3A_830 = arith.addi %mul3A_792, %add3A_829 : vector<16xi32>
      tpu.vector_store_idx %arg12[%add3A_830, %div3A_795], %gather3A_827 : memref<32x128xf32, #tpu.memory_space<vmem>>[vector<16xi32>, vector<16xi32>], vector<16xf32>,
      %add3A_831 = arith.constant 5 : i32
      %add3A_832 = vector.broadcast %add3A_831 : i32 to vector<16xi32>
      %add3A_833 = arith.addi %mul3A_781, %add3A_832 : vector<16xi32>
      %gather3A_834 = tpu.vector_load_idx %arg11[%add3A_784, %add3A_833] : memref<128x128xf32, #tpu.memory_space<vmem>>[vector<16xi32>, vector<16xi32>], vector<16xf32>,
      %add3A_835 = arith.constant 5 : i32
      %add3A_836 = vector.broadcast %add3A_835 : i32 to vector<16xi32>
      %add3A_837 = arith.addi %mul3A_792, %add3A_836 : vector<16xi32>
      tpu.vector_store_idx %arg12[%add3A_837, %div3A_795], %gather3A_834 : memref<32x128xf32, #tpu.memory_space<vmem>>[vector<16xi32>, vector<16xi32>], vector<16xf32>,
      %add3A_838 = arith.constant 6 : i32
      %add3A_839 = vector.broadcast %add3A_838 : i32 to vector<16xi32>
      %add3A_840 = arith.addi %mul3A_781, %add3A_839 : vector<16xi32>
      %gather3A_841 = tpu.vector_load_idx %arg11[%add3A_784, %add3A_840] : memref<128x128xf32, #tpu.memory_space<vmem>>[vector<16xi32>, vector<16xi32>], vector<16xf32>,
      %add3A_842 = arith.constant 6 : i32
      %add3A_843 = vector.broadcast %add3A_842 : i32 to vector<16xi32>
      %add3A_844 = arith.addi %mul3A_792, %add3A_843 : vector<16xi32>
      tpu.vector_store_idx %arg12[%add3A_844, %div3A_795], %gather3A_841 : memref<32x128xf32, #tpu.memory_space<vmem>>[vector<16xi32>, vector<16xi32>], vector<16xf32>,
      %add3A_845 = arith.constant 7 : i32
      %add3A_846 = vector.broadcast %add3A_845 : i32 to vector<16xi32>
      %add3A_847 = arith.addi %mul3A_781, %add3A_846 : vector<16xi32>
      %gather3A_848 = tpu.vector_load_idx %arg11[%add3A_784, %add3A_847] : memref<128x128xf32, #tpu.memory_space<vmem>>[vector<16xi32>, vector<16xi32>], vector<16xf32>,
      %add3A_849 = arith.constant 7 : i32
      %add3A_850 = vector.broadcast %add3A_849 : i32 to vector<16xi32>
      %add3A_851 = arith.addi %mul3A_792, %add3A_850 : vector<16xi32>
      tpu.vector_store_idx %arg12[%add3A_851, %div3A_795], %gather3A_848 : memref<32x128xf32, #tpu.memory_space<vmem>>[vector<16xi32>, vector<16xi32>], vector<16xf32>,
      %add3A_852 = arith.constant 8 : i32
      %add3A_853 = vector.broadcast %add3A_852 : i32 to vector<16xi32>
      %add3A_854 = arith.addi %mul3A_781, %add3A_853 : vector<16xi32>
      %gather3A_855 = tpu.vector_load_idx %arg11[%add3A_784, %add3A_854] : memref<128x128xf32, #tpu.memory_space<vmem>>[vector<16xi32>, vector<16xi32>], vector<16xf32>,
      %add3A_856 = arith.constant 8 : i32
      %add3A_857 = vector.broadcast %add3A_856 : i32 to vector<16xi32>
      %add3A_858 = arith.addi %mul3A_792, %add3A_857 : vector<16xi32>
      tpu.vector_store_idx %arg12[%add3A_858, %div3A_795], %gather3A_855 : memref<32x128xf32, #tpu.memory_space<vmem>>[vector<16xi32>, vector<16xi32>], vector<16xf32>,
      %add3A_859 = arith.constant 9 : i32
      %add3A_860 = vector.broadcast %add3A_859 : i32 to vector<16xi32>
      %add3A_861 = arith.addi %mul3A_781, %add3A_860 : vector<16xi32>
      %gather3A_862 = tpu.vector_load_idx %arg11[%add3A_784, %add3A_861] : memref<128x128xf32, #tpu.memory_space<vmem>>[vector<16xi32>, vector<16xi32>], vector<16xf32>,
      %add3A_863 = arith.constant 9 : i32
      %add3A_864 = vector.broadcast %add3A_863 : i32 to vector<16xi32>
      %add3A_865 = arith.addi %mul3A_792, %add3A_864 : vector<16xi32>
      tpu.vector_store_idx %arg12[%add3A_865, %div3A_795], %gather3A_862 : memref<32x128xf32, #tpu.memory_space<vmem>>[vector<16xi32>, vector<16xi32>], vector<16xf32>,
      %add3A_866 = arith.constant 10 : i32
      %add3A_867 = vector.broadcast %add3A_866 : i32 to vector<16xi32>
      %add3A_868 = arith.addi %mul3A_781, %add3A_867 : vector<16xi32>
      %gather3A_869 = tpu.vector_load_idx %arg11[%add3A_784, %add3A_868] : memref<128x128xf32, #tpu.memory_space<vmem>>[vector<16xi32>, vector<16xi32>], vector<16xf32>,
      %add3A_870 = arith.constant 10 : i32
      %add3A_871 = vector.broadcast %add3A_870 : i32 to vector<16xi32>
      %add3A_872 = arith.addi %mul3A_792, %add3A_871 : vector<16xi32>
      tpu.vector_store_idx %arg12[%add3A_872, %div3A_795], %gather3A_869 : memref<32x128xf32, #tpu.memory_space<vmem>>[vector<16xi32>, vector<16xi32>], vector<16xf32>,
      %add3A_873 = arith.constant 11 : i32
      %add3A_874 = vector.broadcast %add3A_873 : i32 to vector<16xi32>
      %add3A_875 = arith.addi %mul3A_781, %add3A_874 : vector<16xi32>
      %gather3A_876 = tpu.vector_load_idx %arg11[%add3A_784, %add3A_875] : memref<128x128xf32, #tpu.memory_space<vmem>>[vector<16xi32>, vector<16xi32>], vector<16xf32>,
      %add3A_877 = arith.constant 11 : i32
      %add3A_878 = vector.broadcast %add3A_877 : i32 to vector<16xi32>
      %add3A_879 = arith.addi %mul3A_792, %add3A_878 : vector<16xi32>
      tpu.vector_store_idx %arg12[%add3A_879, %div3A_795], %gather3A_876 : memref<32x128xf32, #tpu.memory_space<vmem>>[vector<16xi32>, vector<16xi32>], vector<16xf32>,
      %add3A_880 = arith.constant 12 : i32
      %add3A_881 = vector.broadcast %add3A_880 : i32 to vector<16xi32>
      %add3A_882 = arith.addi %mul3A_781, %add3A_881 : vector<16xi32>
      %gather3A_883 = tpu.vector_load_idx %arg11[%add3A_784, %add3A_882] : memref<128x128xf32, #tpu.memory_space<vmem>>[vector<16xi32>, vector<16xi32>], vector<16xf32>,
      %add3A_884 = arith.constant 12 : i32
      %add3A_885 = vector.broadcast %add3A_884 : i32 to vector<16xi32>
      %add3A_886 = arith.addi %mul3A_792, %add3A_885 : vector<16xi32>
      tpu.vector_store_idx %arg12[%add3A_886, %div3A_795], %gather3A_883 : memref<32x128xf32, #tpu.memory_space<vmem>>[vector<16xi32>, vector<16xi32>], vector<16xf32>,
      %add3A_887 = arith.constant 13 : i32
      %add3A_888 = vector.broadcast %add3A_887 : i32 to vector<16xi32>
      %add3A_889 = arith.addi %mul3A_781, %add3A_888 : vector<16xi32>
      %gather3A_890 = tpu.vector_load_idx %arg11[%add3A_784, %add3A_889] : memref<128x128xf32, #tpu.memory_space<vmem>>[vector<16xi32>, vector<16xi32>], vector<16xf32>,
      %add3A_891 = arith.constant 13 : i32
      %add3A_892 = vector.broadcast %add3A_891 : i32 to vector<16xi32>
      %add3A_893 = arith.addi %mul3A_792, %add3A_892 : vector<16xi32>
      tpu.vector_store_idx %arg12[%add3A_893, %div3A_795], %gather3A_890 : memref<32x128xf32, #tpu.memory_space<vmem>>[vector<16xi32>, vector<16xi32>], vector<16xf32>,
      %add3A_894 = arith.constant 14 : i32
      %add3A_895 = vector.broadcast %add3A_894 : i32 to vector<16xi32>
      %add3A_896 = arith.addi %mul3A_781, %add3A_895 : vector<16xi32>
      %gather3A_897 = tpu.vector_load_idx %arg11[%add3A_784, %add3A_896] : memref<128x128xf32, #tpu.memory_space<vmem>>[vector<16xi32>, vector<16xi32>], vector<16xf32>,
      %add3A_898 = arith.constant 14 : i32
      %add3A_899 = vector.broadcast %add3A_898 : i32 to vector<16xi32>
      %add3A_900 = arith.addi %mul3A_792, %add3A_899 : vector<16xi32>
      tpu.vector_store_idx %arg12[%add3A_900, %div3A_795], %gather3A_897 : memref<32x128xf32, #tpu.memory_space<vmem>>[vector<16xi32>, vector<16xi32>], vector<16xf32>,
      %add3A_901 = arith.constant 15 : i32
      %add3A_902 = vector.broadcast %add3A_901 : i32 to vector<16xi32>
      %add3A_903 = arith.addi %mul3A_781, %add3A_902 : vector<16xi32>
      %gather3A_904 = tpu.vector_load_idx %arg11[%add3A_784, %add3A_903] : memref<128x128xf32, #tpu.memory_space<vmem>>[vector<16xi32>, vector<16xi32>], vector<16xf32>,
      %add3A_905 = arith.constant 15 : i32
      %add3A_906 = vector.broadcast %add3A_905 : i32 to vector<16xi32>
      %add3A_907 = arith.addi %mul3A_792, %add3A_906 : vector<16xi32>
      tpu.vector_store_idx %arg12[%add3A_907, %div3A_795], %gather3A_904 : memref<32x128xf32, #tpu.memory_space<vmem>>[vector<16xi32>, vector<16xi32>], vector<16xf32>,
      %add3A_908 = arith.constant 96 : i32
      %add3A_909 = arith.addi %mul3A_22, %add3A_908 : i32
      %get3A_910 = arith.index_cast %add3A_909 : i32 to index
      %get3A_911 = tpu.vector_load %arg8[%get3A_910] {strides = array<i32>} : memref<256xi32, #tpu.memory_space<vmem>>, vector<16xi32>,
      %and3A_912 = arith.constant 7 : i32
      %and3A_913 = vector.broadcast %and3A_912 : i32 to vector<16xi32>
      %and3A_914 = arith.andi %get3A_911, %and3A_913 : vector<16xi32>
      %mul3A_915 = arith.constant 16 : i32
      %mul3A_916 = vector.broadcast %mul3A_915 : i32 to vector<16xi32>
      %mul3A_917 = arith.muli %and3A_914, %mul3A_916 : vector<16xi32>
      %add3A_918 = arith.constant 96 : i32
      %add3A_919 = vector.broadcast %add3A_918 : i32 to vector<16xi32>
      %add3A_920 = arith.addi %iota3A, %add3A_919 : vector<16xi32>
      %add3A_921 = vector.broadcast %mul3A_22 : i32 to vector<16xi32>
      %add3A_922 = arith.addi %add3A_920, %add3A_921 : vector<16xi32>
      %rem3A_923 = arith.constant 2 : i32
      %rem3A_924 = vector.broadcast %rem3A_923 : i32 to vector<16xi32>
      %rem3A_925 = arith.remsi %add3A_922, %rem3A_924 : vector<16xi32>
      %mul3A_926 = arith.constant 16 : i32
      %mul3A_927 = vector.broadcast %mul3A_926 : i32 to vector<16xi32>
      %mul3A_928 = arith.muli %rem3A_925, %mul3A_927 : vector<16xi32>
      %div3A_929 = arith.constant 2 : i32
      %div3A_930 = vector.broadcast %div3A_929 : i32 to vector<16xi32>
      %div3A_931 = arith.divsi %add3A_922, %div3A_930 : vector<16xi32>
      %add3A_932 = arith.constant 0 : i32
      %add3A_933 = vector.broadcast %add3A_932 : i32 to vector<16xi32>
      %add3A_934 = arith.addi %mul3A_917, %add3A_933 : vector<16xi32>
      %gather3A_935 = tpu.vector_load_idx %arg11[%add3A_920, %add3A_934] : memref<128x128xf32, #tpu.memory_space<vmem>>[vector<16xi32>, vector<16xi32>], vector<16xf32>,
      %add3A_936 = arith.constant 0 : i32
      %add3A_937 = vector.broadcast %add3A_936 : i32 to vector<16xi32>
      %add3A_938 = arith.addi %mul3A_928, %add3A_937 : vector<16xi32>
      tpu.vector_store_idx %arg12[%add3A_938, %div3A_931], %gather3A_935 : memref<32x128xf32, #tpu.memory_space<vmem>>[vector<16xi32>, vector<16xi32>], vector<16xf32>,
      %add3A_939 = arith.constant 1 : i32
      %add3A_940 = vector.broadcast %add3A_939 : i32 to vector<16xi32>
      %add3A_941 = arith.addi %mul3A_917, %add3A_940 : vector<16xi32>
      %gather3A_942 = tpu.vector_load_idx %arg11[%add3A_920, %add3A_941] : memref<128x128xf32, #tpu.memory_space<vmem>>[vector<16xi32>, vector<16xi32>], vector<16xf32>,
      %add3A_943 = arith.constant 1 : i32
      %add3A_944 = vector.broadcast %add3A_943 : i32 to vector<16xi32>
      %add3A_945 = arith.addi %mul3A_928, %add3A_944 : vector<16xi32>
      tpu.vector_store_idx %arg12[%add3A_945, %div3A_931], %gather3A_942 : memref<32x128xf32, #tpu.memory_space<vmem>>[vector<16xi32>, vector<16xi32>], vector<16xf32>,
      %add3A_946 = arith.constant 2 : i32
      %add3A_947 = vector.broadcast %add3A_946 : i32 to vector<16xi32>
      %add3A_948 = arith.addi %mul3A_917, %add3A_947 : vector<16xi32>
      %gather3A_949 = tpu.vector_load_idx %arg11[%add3A_920, %add3A_948] : memref<128x128xf32, #tpu.memory_space<vmem>>[vector<16xi32>, vector<16xi32>], vector<16xf32>,
      %add3A_950 = arith.constant 2 : i32
      %add3A_951 = vector.broadcast %add3A_950 : i32 to vector<16xi32>
      %add3A_952 = arith.addi %mul3A_928, %add3A_951 : vector<16xi32>
      tpu.vector_store_idx %arg12[%add3A_952, %div3A_931], %gather3A_949 : memref<32x128xf32, #tpu.memory_space<vmem>>[vector<16xi32>, vector<16xi32>], vector<16xf32>,
      %add3A_953 = arith.constant 3 : i32
      %add3A_954 = vector.broadcast %add3A_953 : i32 to vector<16xi32>
      %add3A_955 = arith.addi %mul3A_917, %add3A_954 : vector<16xi32>
      %gather3A_956 = tpu.vector_load_idx %arg11[%add3A_920, %add3A_955] : memref<128x128xf32, #tpu.memory_space<vmem>>[vector<16xi32>, vector<16xi32>], vector<16xf32>,
      %add3A_957 = arith.constant 3 : i32
      %add3A_958 = vector.broadcast %add3A_957 : i32 to vector<16xi32>
      %add3A_959 = arith.addi %mul3A_928, %add3A_958 : vector<16xi32>
      tpu.vector_store_idx %arg12[%add3A_959, %div3A_931], %gather3A_956 : memref<32x128xf32, #tpu.memory_space<vmem>>[vector<16xi32>, vector<16xi32>], vector<16xf32>,
      %add3A_960 = arith.constant 4 : i32
      %add3A_961 = vector.broadcast %add3A_960 : i32 to vector<16xi32>
      %add3A_962 = arith.addi %mul3A_917, %add3A_961 : vector<16xi32>
      %gather3A_963 = tpu.vector_load_idx %arg11[%add3A_920, %add3A_962] : memref<128x128xf32, #tpu.memory_space<vmem>>[vector<16xi32>, vector<16xi32>], vector<16xf32>,
      %add3A_964 = arith.constant 4 : i32
      %add3A_965 = vector.broadcast %add3A_964 : i32 to vector<16xi32>
      %add3A_966 = arith.addi %mul3A_928, %add3A_965 : vector<16xi32>
      tpu.vector_store_idx %arg12[%add3A_966, %div3A_931], %gather3A_963 : memref<32x128xf32, #tpu.memory_space<vmem>>[vector<16xi32>, vector<16xi32>], vector<16xf32>,
      %add3A_967 = arith.constant 5 : i32
      %add3A_968 = vector.broadcast %add3A_967 : i32 to vector<16xi32>
      %add3A_969 = arith.addi %mul3A_917, %add3A_968 : vector<16xi32>
      %gather3A_970 = tpu.vector_load_idx %arg11[%add3A_920, %add3A_969] : memref<128x128xf32, #tpu.memory_space<vmem>>[vector<16xi32>, vector<16xi32>], vector<16xf32>,
      %add3A_971 = arith.constant 5 : i32
      %add3A_972 = vector.broadcast %add3A_971 : i32 to vector<16xi32>
      %add3A_973 = arith.addi %mul3A_928, %add3A_972 : vector<16xi32>
      tpu.vector_store_idx %arg12[%add3A_973, %div3A_931], %gather3A_970 : memref<32x128xf32, #tpu.memory_space<vmem>>[vector<16xi32>, vector<16xi32>], vector<16xf32>,
      %add3A_974 = arith.constant 6 : i32
      %add3A_975 = vector.broadcast %add3A_974 : i32 to vector<16xi32>
      %add3A_976 = arith.addi %mul3A_917, %add3A_975 : vector<16xi32>
      %gather3A_977 = tpu.vector_load_idx %arg11[%add3A_920, %add3A_976] : memref<128x128xf32, #tpu.memory_space<vmem>>[vector<16xi32>, vector<16xi32>], vector<16xf32>,
      %add3A_978 = arith.constant 6 : i32
      %add3A_979 = vector.broadcast %add3A_978 : i32 to vector<16xi32>
      %add3A_980 = arith.addi %mul3A_928, %add3A_979 : vector<16xi32>
      tpu.vector_store_idx %arg12[%add3A_980, %div3A_931], %gather3A_977 : memref<32x128xf32, #tpu.memory_space<vmem>>[vector<16xi32>, vector<16xi32>], vector<16xf32>,
      %add3A_981 = arith.constant 7 : i32
      %add3A_982 = vector.broadcast %add3A_981 : i32 to vector<16xi32>
      %add3A_983 = arith.addi %mul3A_917, %add3A_982 : vector<16xi32>
      %gather3A_984 = tpu.vector_load_idx %arg11[%add3A_920, %add3A_983] : memref<128x128xf32, #tpu.memory_space<vmem>>[vector<16xi32>, vector<16xi32>], vector<16xf32>,
      %add3A_985 = arith.constant 7 : i32
      %add3A_986 = vector.broadcast %add3A_985 : i32 to vector<16xi32>
      %add3A_987 = arith.addi %mul3A_928, %add3A_986 : vector<16xi32>
      tpu.vector_store_idx %arg12[%add3A_987, %div3A_931], %gather3A_984 : memref<32x128xf32, #tpu.memory_space<vmem>>[vector<16xi32>, vector<16xi32>], vector<16xf32>,
      %add3A_988 = arith.constant 8 : i32
      %add3A_989 = vector.broadcast %add3A_988 : i32 to vector<16xi32>
      %add3A_990 = arith.addi %mul3A_917, %add3A_989 : vector<16xi32>
      %gather3A_991 = tpu.vector_load_idx %arg11[%add3A_920, %add3A_990] : memref<128x128xf32, #tpu.memory_space<vmem>>[vector<16xi32>, vector<16xi32>], vector<16xf32>,
      %add3A_992 = arith.constant 8 : i32
      %add3A_993 = vector.broadcast %add3A_992 : i32 to vector<16xi32>
      %add3A_994 = arith.addi %mul3A_928, %add3A_993 : vector<16xi32>
      tpu.vector_store_idx %arg12[%add3A_994, %div3A_931], %gather3A_991 : memref<32x128xf32, #tpu.memory_space<vmem>>[vector<16xi32>, vector<16xi32>], vector<16xf32>,
      %add3A_995 = arith.constant 9 : i32
      %add3A_996 = vector.broadcast %add3A_995 : i32 to vector<16xi32>
      %add3A_997 = arith.addi %mul3A_917, %add3A_996 : vector<16xi32>
      %gather3A_998 = tpu.vector_load_idx %arg11[%add3A_920, %add3A_997] : memref<128x128xf32, #tpu.memory_space<vmem>>[vector<16xi32>, vector<16xi32>], vector<16xf32>,
      %add3A_999 = arith.constant 9 : i32
      %add3A_1000 = vector.broadcast %add3A_999 : i32 to vector<16xi32>
      %add3A_1001 = arith.addi %mul3A_928, %add3A_1000 : vector<16xi32>
      tpu.vector_store_idx %arg12[%add3A_1001, %div3A_931], %gather3A_998 : memref<32x128xf32, #tpu.memory_space<vmem>>[vector<16xi32>, vector<16xi32>], vector<16xf32>,
      %add3A_1002 = arith.constant 10 : i32
      %add3A_1003 = vector.broadcast %add3A_1002 : i32 to vector<16xi32>
      %add3A_1004 = arith.addi %mul3A_917, %add3A_1003 : vector<16xi32>
      %gather3A_1005 = tpu.vector_load_idx %arg11[%add3A_920, %add3A_1004] : memref<128x128xf32, #tpu.memory_space<vmem>>[vector<16xi32>, vector<16xi32>], vector<16xf32>,
      %add3A_1006 = arith.constant 10 : i32
      %add3A_1007 = vector.broadcast %add3A_1006 : i32 to vector<16xi32>
      %add3A_1008 = arith.addi %mul3A_928, %add3A_1007 : vector<16xi32>
      tpu.vector_store_idx %arg12[%add3A_1008, %div3A_931], %gather3A_1005 : memref<32x128xf32, #tpu.memory_space<vmem>>[vector<16xi32>, vector<16xi32>], vector<16xf32>,
      %add3A_1009 = arith.constant 11 : i32
      %add3A_1010 = vector.broadcast %add3A_1009 : i32 to vector<16xi32>
      %add3A_1011 = arith.addi %mul3A_917, %add3A_1010 : vector<16xi32>
      %gather3A_1012 = tpu.vector_load_idx %arg11[%add3A_920, %add3A_1011] : memref<128x128xf32, #tpu.memory_space<vmem>>[vector<16xi32>, vector<16xi32>], vector<16xf32>,
      %add3A_1013 = arith.constant 11 : i32
      %add3A_1014 = vector.broadcast %add3A_1013 : i32 to vector<16xi32>
      %add3A_1015 = arith.addi %mul3A_928, %add3A_1014 : vector<16xi32>
      tpu.vector_store_idx %arg12[%add3A_1015, %div3A_931], %gather3A_1012 : memref<32x128xf32, #tpu.memory_space<vmem>>[vector<16xi32>, vector<16xi32>], vector<16xf32>,
      %add3A_1016 = arith.constant 12 : i32
      %add3A_1017 = vector.broadcast %add3A_1016 : i32 to vector<16xi32>
      %add3A_1018 = arith.addi %mul3A_917, %add3A_1017 : vector<16xi32>
      %gather3A_1019 = tpu.vector_load_idx %arg11[%add3A_920, %add3A_1018] : memref<128x128xf32, #tpu.memory_space<vmem>>[vector<16xi32>, vector<16xi32>], vector<16xf32>,
      %add3A_1020 = arith.constant 12 : i32
      %add3A_1021 = vector.broadcast %add3A_1020 : i32 to vector<16xi32>
      %add3A_1022 = arith.addi %mul3A_928, %add3A_1021 : vector<16xi32>
      tpu.vector_store_idx %arg12[%add3A_1022, %div3A_931], %gather3A_1019 : memref<32x128xf32, #tpu.memory_space<vmem>>[vector<16xi32>, vector<16xi32>], vector<16xf32>,
      %add3A_1023 = arith.constant 13 : i32
      %add3A_1024 = vector.broadcast %add3A_1023 : i32 to vector<16xi32>
      %add3A_1025 = arith.addi %mul3A_917, %add3A_1024 : vector<16xi32>
      %gather3A_1026 = tpu.vector_load_idx %arg11[%add3A_920, %add3A_1025] : memref<128x128xf32, #tpu.memory_space<vmem>>[vector<16xi32>, vector<16xi32>], vector<16xf32>,
      %add3A_1027 = arith.constant 13 : i32
      %add3A_1028 = vector.broadcast %add3A_1027 : i32 to vector<16xi32>
      %add3A_1029 = arith.addi %mul3A_928, %add3A_1028 : vector<16xi32>
      tpu.vector_store_idx %arg12[%add3A_1029, %div3A_931], %gather3A_1026 : memref<32x128xf32, #tpu.memory_space<vmem>>[vector<16xi32>, vector<16xi32>], vector<16xf32>,
      %add3A_1030 = arith.constant 14 : i32
      %add3A_1031 = vector.broadcast %add3A_1030 : i32 to vector<16xi32>
      %add3A_1032 = arith.addi %mul3A_917, %add3A_1031 : vector<16xi32>
      %gather3A_1033 = tpu.vector_load_idx %arg11[%add3A_920, %add3A_1032] : memref<128x128xf32, #tpu.memory_space<vmem>>[vector<16xi32>, vector<16xi32>], vector<16xf32>,
      %add3A_1034 = arith.constant 14 : i32
      %add3A_1035 = vector.broadcast %add3A_1034 : i32 to vector<16xi32>
      %add3A_1036 = arith.addi %mul3A_928, %add3A_1035 : vector<16xi32>
      tpu.vector_store_idx %arg12[%add3A_1036, %div3A_931], %gather3A_1033 : memref<32x128xf32, #tpu.memory_space<vmem>>[vector<16xi32>, vector<16xi32>], vector<16xf32>,
      %add3A_1037 = arith.constant 15 : i32
      %add3A_1038 = vector.broadcast %add3A_1037 : i32 to vector<16xi32>
      %add3A_1039 = arith.addi %mul3A_917, %add3A_1038 : vector<16xi32>
      %gather3A_1040 = tpu.vector_load_idx %arg11[%add3A_920, %add3A_1039] : memref<128x128xf32, #tpu.memory_space<vmem>>[vector<16xi32>, vector<16xi32>], vector<16xf32>,
      %add3A_1041 = arith.constant 15 : i32
      %add3A_1042 = vector.broadcast %add3A_1041 : i32 to vector<16xi32>
      %add3A_1043 = arith.addi %mul3A_928, %add3A_1042 : vector<16xi32>
      tpu.vector_store_idx %arg12[%add3A_1043, %div3A_931], %gather3A_1040 : memref<32x128xf32, #tpu.memory_space<vmem>>[vector<16xi32>, vector<16xi32>], vector<16xf32>,
      %add3A_1044 = arith.constant 112 : i32
      %add3A_1045 = arith.addi %mul3A_22, %add3A_1044 : i32
      %get3A_1046 = arith.index_cast %add3A_1045 : i32 to index
      %get3A_1047 = tpu.vector_load %arg8[%get3A_1046] {strides = array<i32>} : memref<256xi32, #tpu.memory_space<vmem>>, vector<16xi32>,
      %and3A_1048 = arith.constant 7 : i32
      %and3A_1049 = vector.broadcast %and3A_1048 : i32 to vector<16xi32>
      %and3A_1050 = arith.andi %get3A_1047, %and3A_1049 : vector<16xi32>
      %mul3A_1051 = arith.constant 16 : i32
      %mul3A_1052 = vector.broadcast %mul3A_1051 : i32 to vector<16xi32>
      %mul3A_1053 = arith.muli %and3A_1050, %mul3A_1052 : vector<16xi32>
      %add3A_1054 = arith.constant 112 : i32
      %add3A_1055 = vector.broadcast %add3A_1054 : i32 to vector<16xi32>
      %add3A_1056 = arith.addi %iota3A, %add3A_1055 : vector<16xi32>
      %add3A_1057 = vector.broadcast %mul3A_22 : i32 to vector<16xi32>
      %add3A_1058 = arith.addi %add3A_1056, %add3A_1057 : vector<16xi32>
      %rem3A_1059 = arith.constant 2 : i32
      %rem3A_1060 = vector.broadcast %rem3A_1059 : i32 to vector<16xi32>
      %rem3A_1061 = arith.remsi %add3A_1058, %rem3A_1060 : vector<16xi32>
      %mul3A_1062 = arith.constant 16 : i32
      %mul3A_1063 = vector.broadcast %mul3A_1062 : i32 to vector<16xi32>
      %mul3A_1064 = arith.muli %rem3A_1061, %mul3A_1063 : vector<16xi32>
      %div3A_1065 = arith.constant 2 : i32
      %div3A_1066 = vector.broadcast %div3A_1065 : i32 to vector<16xi32>
      %div3A_1067 = arith.divsi %add3A_1058, %div3A_1066 : vector<16xi32>
      %add3A_1068 = arith.constant 0 : i32
      %add3A_1069 = vector.broadcast %add3A_1068 : i32 to vector<16xi32>
      %add3A_1070 = arith.addi %mul3A_1053, %add3A_1069 : vector<16xi32>
      %gather3A_1071 = tpu.vector_load_idx %arg11[%add3A_1056, %add3A_1070] : memref<128x128xf32, #tpu.memory_space<vmem>>[vector<16xi32>, vector<16xi32>], vector<16xf32>,
      %add3A_1072 = arith.constant 0 : i32
      %add3A_1073 = vector.broadcast %add3A_1072 : i32 to vector<16xi32>
      %add3A_1074 = arith.addi %mul3A_1064, %add3A_1073 : vector<16xi32>
      tpu.vector_store_idx %arg12[%add3A_1074, %div3A_1067], %gather3A_1071 : memref<32x128xf32, #tpu.memory_space<vmem>>[vector<16xi32>, vector<16xi32>], vector<16xf32>,
      %add3A_1075 = arith.constant 1 : i32
      %add3A_1076 = vector.broadcast %add3A_1075 : i32 to vector<16xi32>
      %add3A_1077 = arith.addi %mul3A_1053, %add3A_1076 : vector<16xi32>
      %gather3A_1078 = tpu.vector_load_idx %arg11[%add3A_1056, %add3A_1077] : memref<128x128xf32, #tpu.memory_space<vmem>>[vector<16xi32>, vector<16xi32>], vector<16xf32>,
      %add3A_1079 = arith.constant 1 : i32
      %add3A_1080 = vector.broadcast %add3A_1079 : i32 to vector<16xi32>
      %add3A_1081 = arith.addi %mul3A_1064, %add3A_1080 : vector<16xi32>
      tpu.vector_store_idx %arg12[%add3A_1081, %div3A_1067], %gather3A_1078 : memref<32x128xf32, #tpu.memory_space<vmem>>[vector<16xi32>, vector<16xi32>], vector<16xf32>,
      %add3A_1082 = arith.constant 2 : i32
      %add3A_1083 = vector.broadcast %add3A_1082 : i32 to vector<16xi32>
      %add3A_1084 = arith.addi %mul3A_1053, %add3A_1083 : vector<16xi32>
      %gather3A_1085 = tpu.vector_load_idx %arg11[%add3A_1056, %add3A_1084] : memref<128x128xf32, #tpu.memory_space<vmem>>[vector<16xi32>, vector<16xi32>], vector<16xf32>,
      %add3A_1086 = arith.constant 2 : i32
      %add3A_1087 = vector.broadcast %add3A_1086 : i32 to vector<16xi32>
      %add3A_1088 = arith.addi %mul3A_1064, %add3A_1087 : vector<16xi32>
      tpu.vector_store_idx %arg12[%add3A_1088, %div3A_1067], %gather3A_1085 : memref<32x128xf32, #tpu.memory_space<vmem>>[vector<16xi32>, vector<16xi32>], vector<16xf32>,
      %add3A_1089 = arith.constant 3 : i32
      %add3A_1090 = vector.broadcast %add3A_1089 : i32 to vector<16xi32>
      %add3A_1091 = arith.addi %mul3A_1053, %add3A_1090 : vector<16xi32>
      %gather3A_1092 = tpu.vector_load_idx %arg11[%add3A_1056, %add3A_1091] : memref<128x128xf32, #tpu.memory_space<vmem>>[vector<16xi32>, vector<16xi32>], vector<16xf32>,
      %add3A_1093 = arith.constant 3 : i32
      %add3A_1094 = vector.broadcast %add3A_1093 : i32 to vector<16xi32>
      %add3A_1095 = arith.addi %mul3A_1064, %add3A_1094 : vector<16xi32>
      tpu.vector_store_idx %arg12[%add3A_1095, %div3A_1067], %gather3A_1092 : memref<32x128xf32, #tpu.memory_space<vmem>>[vector<16xi32>, vector<16xi32>], vector<16xf32>,
      %add3A_1096 = arith.constant 4 : i32
      %add3A_1097 = vector.broadcast %add3A_1096 : i32 to vector<16xi32>
      %add3A_1098 = arith.addi %mul3A_1053, %add3A_1097 : vector<16xi32>
      %gather3A_1099 = tpu.vector_load_idx %arg11[%add3A_1056, %add3A_1098] : memref<128x128xf32, #tpu.memory_space<vmem>>[vector<16xi32>, vector<16xi32>], vector<16xf32>,
      %add3A_1100 = arith.constant 4 : i32
      %add3A_1101 = vector.broadcast %add3A_1100 : i32 to vector<16xi32>
      %add3A_1102 = arith.addi %mul3A_1064, %add3A_1101 : vector<16xi32>
      tpu.vector_store_idx %arg12[%add3A_1102, %div3A_1067], %gather3A_1099 : memref<32x128xf32, #tpu.memory_space<vmem>>[vector<16xi32>, vector<16xi32>], vector<16xf32>,
      %add3A_1103 = arith.constant 5 : i32
      %add3A_1104 = vector.broadcast %add3A_1103 : i32 to vector<16xi32>
      %add3A_1105 = arith.addi %mul3A_1053, %add3A_1104 : vector<16xi32>
      %gather3A_1106 = tpu.vector_load_idx %arg11[%add3A_1056, %add3A_1105] : memref<128x128xf32, #tpu.memory_space<vmem>>[vector<16xi32>, vector<16xi32>], vector<16xf32>,
      %add3A_1107 = arith.constant 5 : i32
      %add3A_1108 = vector.broadcast %add3A_1107 : i32 to vector<16xi32>
      %add3A_1109 = arith.addi %mul3A_1064, %add3A_1108 : vector<16xi32>
      tpu.vector_store_idx %arg12[%add3A_1109, %div3A_1067], %gather3A_1106 : memref<32x128xf32, #tpu.memory_space<vmem>>[vector<16xi32>, vector<16xi32>], vector<16xf32>,
      %add3A_1110 = arith.constant 6 : i32
      %add3A_1111 = vector.broadcast %add3A_1110 : i32 to vector<16xi32>
      %add3A_1112 = arith.addi %mul3A_1053, %add3A_1111 : vector<16xi32>
      %gather3A_1113 = tpu.vector_load_idx %arg11[%add3A_1056, %add3A_1112] : memref<128x128xf32, #tpu.memory_space<vmem>>[vector<16xi32>, vector<16xi32>], vector<16xf32>,
      %add3A_1114 = arith.constant 6 : i32
      %add3A_1115 = vector.broadcast %add3A_1114 : i32 to vector<16xi32>
      %add3A_1116 = arith.addi %mul3A_1064, %add3A_1115 : vector<16xi32>
      tpu.vector_store_idx %arg12[%add3A_1116, %div3A_1067], %gather3A_1113 : memref<32x128xf32, #tpu.memory_space<vmem>>[vector<16xi32>, vector<16xi32>], vector<16xf32>,
      %add3A_1117 = arith.constant 7 : i32
      %add3A_1118 = vector.broadcast %add3A_1117 : i32 to vector<16xi32>
      %add3A_1119 = arith.addi %mul3A_1053, %add3A_1118 : vector<16xi32>
      %gather3A_1120 = tpu.vector_load_idx %arg11[%add3A_1056, %add3A_1119] : memref<128x128xf32, #tpu.memory_space<vmem>>[vector<16xi32>, vector<16xi32>], vector<16xf32>,
      %add3A_1121 = arith.constant 7 : i32
      %add3A_1122 = vector.broadcast %add3A_1121 : i32 to vector<16xi32>
      %add3A_1123 = arith.addi %mul3A_1064, %add3A_1122 : vector<16xi32>
      tpu.vector_store_idx %arg12[%add3A_1123, %div3A_1067], %gather3A_1120 : memref<32x128xf32, #tpu.memory_space<vmem>>[vector<16xi32>, vector<16xi32>], vector<16xf32>,
      %add3A_1124 = arith.constant 8 : i32
      %add3A_1125 = vector.broadcast %add3A_1124 : i32 to vector<16xi32>
      %add3A_1126 = arith.addi %mul3A_1053, %add3A_1125 : vector<16xi32>
      %gather3A_1127 = tpu.vector_load_idx %arg11[%add3A_1056, %add3A_1126] : memref<128x128xf32, #tpu.memory_space<vmem>>[vector<16xi32>, vector<16xi32>], vector<16xf32>,
      %add3A_1128 = arith.constant 8 : i32
      %add3A_1129 = vector.broadcast %add3A_1128 : i32 to vector<16xi32>
      %add3A_1130 = arith.addi %mul3A_1064, %add3A_1129 : vector<16xi32>
      tpu.vector_store_idx %arg12[%add3A_1130, %div3A_1067], %gather3A_1127 : memref<32x128xf32, #tpu.memory_space<vmem>>[vector<16xi32>, vector<16xi32>], vector<16xf32>,
      %add3A_1131 = arith.constant 9 : i32
      %add3A_1132 = vector.broadcast %add3A_1131 : i32 to vector<16xi32>
      %add3A_1133 = arith.addi %mul3A_1053, %add3A_1132 : vector<16xi32>
      %gather3A_1134 = tpu.vector_load_idx %arg11[%add3A_1056, %add3A_1133] : memref<128x128xf32, #tpu.memory_space<vmem>>[vector<16xi32>, vector<16xi32>], vector<16xf32>,
      %add3A_1135 = arith.constant 9 : i32
      %add3A_1136 = vector.broadcast %add3A_1135 : i32 to vector<16xi32>
      %add3A_1137 = arith.addi %mul3A_1064, %add3A_1136 : vector<16xi32>
      tpu.vector_store_idx %arg12[%add3A_1137, %div3A_1067], %gather3A_1134 : memref<32x128xf32, #tpu.memory_space<vmem>>[vector<16xi32>, vector<16xi32>], vector<16xf32>,
      %add3A_1138 = arith.constant 10 : i32
      %add3A_1139 = vector.broadcast %add3A_1138 : i32 to vector<16xi32>
      %add3A_1140 = arith.addi %mul3A_1053, %add3A_1139 : vector<16xi32>
      %gather3A_1141 = tpu.vector_load_idx %arg11[%add3A_1056, %add3A_1140] : memref<128x128xf32, #tpu.memory_space<vmem>>[vector<16xi32>, vector<16xi32>], vector<16xf32>,
      %add3A_1142 = arith.constant 10 : i32
      %add3A_1143 = vector.broadcast %add3A_1142 : i32 to vector<16xi32>
      %add3A_1144 = arith.addi %mul3A_1064, %add3A_1143 : vector<16xi32>
      tpu.vector_store_idx %arg12[%add3A_1144, %div3A_1067], %gather3A_1141 : memref<32x128xf32, #tpu.memory_space<vmem>>[vector<16xi32>, vector<16xi32>], vector<16xf32>,
      %add3A_1145 = arith.constant 11 : i32
      %add3A_1146 = vector.broadcast %add3A_1145 : i32 to vector<16xi32>
      %add3A_1147 = arith.addi %mul3A_1053, %add3A_1146 : vector<16xi32>
      %gather3A_1148 = tpu.vector_load_idx %arg11[%add3A_1056, %add3A_1147] : memref<128x128xf32, #tpu.memory_space<vmem>>[vector<16xi32>, vector<16xi32>], vector<16xf32>,
      %add3A_1149 = arith.constant 11 : i32
      %add3A_1150 = vector.broadcast %add3A_1149 : i32 to vector<16xi32>
      %add3A_1151 = arith.addi %mul3A_1064, %add3A_1150 : vector<16xi32>
      tpu.vector_store_idx %arg12[%add3A_1151, %div3A_1067], %gather3A_1148 : memref<32x128xf32, #tpu.memory_space<vmem>>[vector<16xi32>, vector<16xi32>], vector<16xf32>,
      %add3A_1152 = arith.constant 12 : i32
      %add3A_1153 = vector.broadcast %add3A_1152 : i32 to vector<16xi32>
      %add3A_1154 = arith.addi %mul3A_1053, %add3A_1153 : vector<16xi32>
      %gather3A_1155 = tpu.vector_load_idx %arg11[%add3A_1056, %add3A_1154] : memref<128x128xf32, #tpu.memory_space<vmem>>[vector<16xi32>, vector<16xi32>], vector<16xf32>,
      %add3A_1156 = arith.constant 12 : i32
      %add3A_1157 = vector.broadcast %add3A_1156 : i32 to vector<16xi32>
      %add3A_1158 = arith.addi %mul3A_1064, %add3A_1157 : vector<16xi32>
      tpu.vector_store_idx %arg12[%add3A_1158, %div3A_1067], %gather3A_1155 : memref<32x128xf32, #tpu.memory_space<vmem>>[vector<16xi32>, vector<16xi32>], vector<16xf32>,
      %add3A_1159 = arith.constant 13 : i32
      %add3A_1160 = vector.broadcast %add3A_1159 : i32 to vector<16xi32>
      %add3A_1161 = arith.addi %mul3A_1053, %add3A_1160 : vector<16xi32>
      %gather3A_1162 = tpu.vector_load_idx %arg11[%add3A_1056, %add3A_1161] : memref<128x128xf32, #tpu.memory_space<vmem>>[vector<16xi32>, vector<16xi32>], vector<16xf32>,
      %add3A_1163 = arith.constant 13 : i32
      %add3A_1164 = vector.broadcast %add3A_1163 : i32 to vector<16xi32>
      %add3A_1165 = arith.addi %mul3A_1064, %add3A_1164 : vector<16xi32>
      tpu.vector_store_idx %arg12[%add3A_1165, %div3A_1067], %gather3A_1162 : memref<32x128xf32, #tpu.memory_space<vmem>>[vector<16xi32>, vector<16xi32>], vector<16xf32>,
      %add3A_1166 = arith.constant 14 : i32
      %add3A_1167 = vector.broadcast %add3A_1166 : i32 to vector<16xi32>
      %add3A_1168 = arith.addi %mul3A_1053, %add3A_1167 : vector<16xi32>
      %gather3A_1169 = tpu.vector_load_idx %arg11[%add3A_1056, %add3A_1168] : memref<128x128xf32, #tpu.memory_space<vmem>>[vector<16xi32>, vector<16xi32>], vector<16xf32>,
      %add3A_1170 = arith.constant 14 : i32
      %add3A_1171 = vector.broadcast %add3A_1170 : i32 to vector<16xi32>
      %add3A_1172 = arith.addi %mul3A_1064, %add3A_1171 : vector<16xi32>
      tpu.vector_store_idx %arg12[%add3A_1172, %div3A_1067], %gather3A_1169 : memref<32x128xf32, #tpu.memory_space<vmem>>[vector<16xi32>, vector<16xi32>], vector<16xf32>,
      %add3A_1173 = arith.constant 15 : i32
      %add3A_1174 = vector.broadcast %add3A_1173 : i32 to vector<16xi32>
      %add3A_1175 = arith.addi %mul3A_1053, %add3A_1174 : vector<16xi32>
      %gather3A_1176 = tpu.vector_load_idx %arg11[%add3A_1056, %add3A_1175] : memref<128x128xf32, #tpu.memory_space<vmem>>[vector<16xi32>, vector<16xi32>], vector<16xf32>,
      %add3A_1177 = arith.constant 15 : i32
      %add3A_1178 = vector.broadcast %add3A_1177 : i32 to vector<16xi32>
      %add3A_1179 = arith.addi %mul3A_1064, %add3A_1178 : vector<16xi32>
      tpu.vector_store_idx %arg12[%add3A_1179, %div3A_1067], %gather3A_1176 : memref<32x128xf32, #tpu.memory_space<vmem>>[vector<16xi32>, vector<16xi32>], vector<16xf32>,
    }
    %scan3A_9 = arith.constant 2 : i32
    %scan3A_10 = arith.constant 0 : i32
    %scan3A_11 = arith.constant 0 : i32
    %scan3A_12 = arith.constant 10 : i32
    %scan3A_13 = arith.addi %scan3A_11, %scan3A_12 : i32
    %scan3A_14 = arith.constant 1 : i32
    scf.for %scan3A_20 = %scan3A_11 to %scan3A_13 step %scan3A_14  : i32 {
      %mul3A_21 = arith.constant 128 : i32
      %mul3A_22 = arith.muli %scan3A_20, %mul3A_21 : i32
      %add3A_23 = arith.constant 0 : i32
      %add3A_24 = arith.addi %mul3A_22, %add3A_23 : i32
      %get3A = arith.index_cast %add3A_24 : i32 to index
      %get3A_25 = tpu.vector_load %arg9[%get3A] {strides = array<i32>} : memref<1280xi32, #tpu.memory_space<vmem>>, vector<16xi32>,
      %shift_right_logical3A = arith.constant 3 : i32
      %shift_right_logical3A_26 = vector.broadcast %shift_right_logical3A : i32 to vector<16xi32>
      %shift_right_logical3A_27 = arith.shrui %get3A_25, %shift_right_logical3A_26 : vector<16xi32>
      %swap3A = arith.constant 0 : index
      %swap3A_28 = tpu.vector_load %arg10[%swap3A] {strides = array<i32>} : memref<128xi32, #tpu.memory_space<vmem>>, vector<16xi32>,
      tpu.vector_store %arg10[%swap3A], %shift_right_logical3A_27 {strides = array<i32>} : memref<128xi32, #tpu.memory_space<vmem>>, vector<16xi32>,
      %add3A_29 = arith.constant 16 : i32
      %add3A_30 = arith.addi %mul3A_22, %add3A_29 : i32
      %get3A_31 = arith.index_cast %add3A_30 : i32 to index
      %get3A_32 = tpu.vector_load %arg9[%get3A_31] {strides = array<i32>} : memref<1280xi32, #tpu.memory_space<vmem>>, vector<16xi32>,
      %shift_right_logical3A_33 = arith.constant 3 : i32
      %shift_right_logical3A_34 = vector.broadcast %shift_right_logical3A_33 : i32 to vector<16xi32>
      %shift_right_logical3A_35 = arith.shrui %get3A_32, %shift_right_logical3A_34 : vector<16xi32>
      %swap3A_36 = arith.constant 16 : index
      %swap3A_37 = tpu.vector_load %arg10[%swap3A_36] {strides = array<i32>} : memref<128xi32, #tpu.memory_space<vmem>>, vector<16xi32>,
      tpu.vector_store %arg10[%swap3A_36], %shift_right_logical3A_35 {strides = array<i32>} : memref<128xi32, #tpu.memory_space<vmem>>, vector<16xi32>,
      %add3A_38 = arith.constant 32 : i32
      %add3A_39 = arith.addi %mul3A_22, %add3A_38 : i32
      %get3A_40 = arith.index_cast %add3A_39 : i32 to index
      %get3A_41 = tpu.vector_load %arg9[%get3A_40] {strides = array<i32>} : memref<1280xi32, #tpu.memory_space<vmem>>, vector<16xi32>,
      %shift_right_logical3A_42 = arith.constant 3 : i32
      %shift_right_logical3A_43 = vector.broadcast %shift_right_logical3A_42 : i32 to vector<16xi32>
      %shift_right_logical3A_44 = arith.shrui %get3A_41, %shift_right_logical3A_43 : vector<16xi32>
      %swap3A_45 = arith.constant 32 : index
      %swap3A_46 = tpu.vector_load %arg10[%swap3A_45] {strides = array<i32>} : memref<128xi32, #tpu.memory_space<vmem>>, vector<16xi32>,
      tpu.vector_store %arg10[%swap3A_45], %shift_right_logical3A_44 {strides = array<i32>} : memref<128xi32, #tpu.memory_space<vmem>>, vector<16xi32>,
      %add3A_47 = arith.constant 48 : i32
      %add3A_48 = arith.addi %mul3A_22, %add3A_47 : i32
      %get3A_49 = arith.index_cast %add3A_48 : i32 to index
      %get3A_50 = tpu.vector_load %arg9[%get3A_49] {strides = array<i32>} : memref<1280xi32, #tpu.memory_space<vmem>>, vector<16xi32>,
      %shift_right_logical3A_51 = arith.constant 3 : i32
      %shift_right_logical3A_52 = vector.broadcast %shift_right_logical3A_51 : i32 to vector<16xi32>
      %shift_right_logical3A_53 = arith.shrui %get3A_50, %shift_right_logical3A_52 : vector<16xi32>
      %swap3A_54 = arith.constant 48 : index
      %swap3A_55 = tpu.vector_load %arg10[%swap3A_54] {strides = array<i32>} : memref<128xi32, #tpu.memory_space<vmem>>, vector<16xi32>,
      tpu.vector_store %arg10[%swap3A_54], %shift_right_logical3A_53 {strides = array<i32>} : memref<128xi32, #tpu.memory_space<vmem>>, vector<16xi32>,
      %add3A_56 = arith.constant 64 : i32
      %add3A_57 = arith.addi %mul3A_22, %add3A_56 : i32
      %get3A_58 = arith.index_cast %add3A_57 : i32 to index
      %get3A_59 = tpu.vector_load %arg9[%get3A_58] {strides = array<i32>} : memref<1280xi32, #tpu.memory_space<vmem>>, vector<16xi32>,
      %shift_right_logical3A_60 = arith.constant 3 : i32
      %shift_right_logical3A_61 = vector.broadcast %shift_right_logical3A_60 : i32 to vector<16xi32>
      %shift_right_logical3A_62 = arith.shrui %get3A_59, %shift_right_logical3A_61 : vector<16xi32>
      %swap3A_63 = arith.constant 64 : index
      %swap3A_64 = tpu.vector_load %arg10[%swap3A_63] {strides = array<i32>} : memref<128xi32, #tpu.memory_space<vmem>>, vector<16xi32>,
      tpu.vector_store %arg10[%swap3A_63], %shift_right_logical3A_62 {strides = array<i32>} : memref<128xi32, #tpu.memory_space<vmem>>, vector<16xi32>,
      %add3A_65 = arith.constant 80 : i32
      %add3A_66 = arith.addi %mul3A_22, %add3A_65 : i32
      %get3A_67 = arith.index_cast %add3A_66 : i32 to index
      %get3A_68 = tpu.vector_load %arg9[%get3A_67] {strides = array<i32>} : memref<1280xi32, #tpu.memory_space<vmem>>, vector<16xi32>,
      %shift_right_logical3A_69 = arith.constant 3 : i32
      %shift_right_logical3A_70 = vector.broadcast %shift_right_logical3A_69 : i32 to vector<16xi32>
      %shift_right_logical3A_71 = arith.shrui %get3A_68, %shift_right_logical3A_70 : vector<16xi32>
      %swap3A_72 = arith.constant 80 : index
      %swap3A_73 = tpu.vector_load %arg10[%swap3A_72] {strides = array<i32>} : memref<128xi32, #tpu.memory_space<vmem>>, vector<16xi32>,
      tpu.vector_store %arg10[%swap3A_72], %shift_right_logical3A_71 {strides = array<i32>} : memref<128xi32, #tpu.memory_space<vmem>>, vector<16xi32>,
      %add3A_74 = arith.constant 96 : i32
      %add3A_75 = arith.addi %mul3A_22, %add3A_74 : i32
      %get3A_76 = arith.index_cast %add3A_75 : i32 to index
      %get3A_77 = tpu.vector_load %arg9[%get3A_76] {strides = array<i32>} : memref<1280xi32, #tpu.memory_space<vmem>>, vector<16xi32>,
      %shift_right_logical3A_78 = arith.constant 3 : i32
      %shift_right_logical3A_79 = vector.broadcast %shift_right_logical3A_78 : i32 to vector<16xi32>
      %shift_right_logical3A_80 = arith.shrui %get3A_77, %shift_right_logical3A_79 : vector<16xi32>
      %swap3A_81 = arith.constant 96 : index
      %swap3A_82 = tpu.vector_load %arg10[%swap3A_81] {strides = array<i32>} : memref<128xi32, #tpu.memory_space<vmem>>, vector<16xi32>,
      tpu.vector_store %arg10[%swap3A_81], %shift_right_logical3A_80 {strides = array<i32>} : memref<128xi32, #tpu.memory_space<vmem>>, vector<16xi32>,
      %add3A_83 = arith.constant 112 : i32
      %add3A_84 = arith.addi %mul3A_22, %add3A_83 : i32
      %get3A_85 = arith.index_cast %add3A_84 : i32 to index
      %get3A_86 = tpu.vector_load %arg9[%get3A_85] {strides = array<i32>} : memref<1280xi32, #tpu.memory_space<vmem>>, vector<16xi32>,
      %shift_right_logical3A_87 = arith.constant 3 : i32
      %shift_right_logical3A_88 = vector.broadcast %shift_right_logical3A_87 : i32 to vector<16xi32>
      %shift_right_logical3A_89 = arith.shrui %get3A_86, %shift_right_logical3A_88 : vector<16xi32>
      %swap3A_90 = arith.constant 112 : index
      %swap3A_91 = tpu.vector_load %arg10[%swap3A_90] {strides = array<i32>} : memref<128xi32, #tpu.memory_space<vmem>>, vector<16xi32>,
      tpu.vector_store %arg10[%swap3A_90], %shift_right_logical3A_89 {strides = array<i32>} : memref<128xi32, #tpu.memory_space<vmem>>, vector<16xi32>,
      %dma_start3A = arith.constant 0 : i32
      %dma_start3A_92 = arith.constant 0 : i32
      %dma_start3A_93 = tpu.memref_slice %arg5[%dma_start3A, %dma_start3A_92] : memref<125000x128xf32, #tpu.memory_space<hbm>> -> memref<125000x128xf32, #tpu.memory_space<hbm>>
      tpu.enqueue_indirect_dma source(%dma_start3A_93 : memref<125000x128xf32, #tpu.memory_space<hbm>>) target(%arg11 : memref<128x128xf32, #tpu.memory_space<vmem>>) offsets(%arg10 : memref<128xi32, #tpu.memory_space<vmem>>) semaphore(%arg14 : memref<!tpu.dma_semaphore, #tpu.memory_space<semaphore_mem>>)
      %dma_wait3A = arith.constant 0 : i32
      %dma_wait3A_94 = arith.constant 0 : i32
      %dma_wait3A_95 = tpu.memref_slice %arg5[%dma_wait3A, %dma_wait3A_94] : memref<125000x128xf32, #tpu.memory_space<hbm>> -> memref<125000x128xf32, #tpu.memory_space<hbm>>
      tpu.wait_indirect_dma semaphore(%arg14 : memref<!tpu.dma_semaphore, #tpu.memory_space<semaphore_mem>>) src(%dma_wait3A_95 : memref<125000x128xf32, #tpu.memory_space<hbm>>) dst(%arg11 : memref<128x128xf32, #tpu.memory_space<vmem>>)
      %add3A_96 = arith.constant 0 : i32
      %add3A_97 = arith.addi %mul3A_22, %add3A_96 : i32
      %get3A_98 = arith.index_cast %add3A_97 : i32 to index
      %get3A_99 = tpu.vector_load %arg9[%get3A_98] {strides = array<i32>} : memref<1280xi32, #tpu.memory_space<vmem>>, vector<16xi32>,
      %and3A = arith.constant 7 : i32
      %and3A_100 = vector.broadcast %and3A : i32 to vector<16xi32>
      %and3A_101 = arith.andi %get3A_99, %and3A_100 : vector<16xi32>
      %mul3A_102 = arith.constant 16 : i32
      %mul3A_103 = vector.broadcast %mul3A_102 : i32 to vector<16xi32>
      %mul3A_104 = arith.muli %and3A_101, %mul3A_103 : vector<16xi32>
      %add3A_105 = arith.constant 0 : i32
      %add3A_106 = vector.broadcast %add3A_105 : i32 to vector<16xi32>
      %add3A_107 = arith.addi %iota3A, %add3A_106 : vector<16xi32>
      %add3A_108 = vector.broadcast %mul3A_22 : i32 to vector<16xi32>
      %add3A_109 = arith.addi %add3A_107, %add3A_108 : vector<16xi32>
      %rem3A = arith.constant 10 : i32
      %rem3A_110 = vector.broadcast %rem3A : i32 to vector<16xi32>
      %rem3A_111 = arith.remsi %add3A_109, %rem3A_110 : vector<16xi32>
      %mul3A_112 = arith.constant 16 : i32
      %mul3A_113 = vector.broadcast %mul3A_112 : i32 to vector<16xi32>
      %mul3A_114 = arith.muli %rem3A_111, %mul3A_113 : vector<16xi32>
      %div3A = arith.constant 10 : i32
      %div3A_115 = vector.broadcast %div3A : i32 to vector<16xi32>
      %div3A_116 = arith.divsi %add3A_109, %div3A_115 : vector<16xi32>
      %add3A_117 = arith.constant 0 : i32
      %add3A_118 = vector.broadcast %add3A_117 : i32 to vector<16xi32>
      %add3A_119 = arith.addi %mul3A_104, %add3A_118 : vector<16xi32>
      %gather3A = tpu.vector_load_idx %arg11[%add3A_107, %add3A_119] : memref<128x128xf32, #tpu.memory_space<vmem>>[vector<16xi32>, vector<16xi32>], vector<16xf32>,
      %add3A_120 = arith.constant 0 : i32
      %add3A_121 = vector.broadcast %add3A_120 : i32 to vector<16xi32>
      %add3A_122 = arith.addi %mul3A_114, %add3A_121 : vector<16xi32>
      tpu.vector_store_idx %arg13[%add3A_122, %div3A_116], %gather3A : memref<160x128xf32, #tpu.memory_space<vmem>>[vector<16xi32>, vector<16xi32>], vector<16xf32>,
      %add3A_123 = arith.constant 1 : i32
      %add3A_124 = vector.broadcast %add3A_123 : i32 to vector<16xi32>
      %add3A_125 = arith.addi %mul3A_104, %add3A_124 : vector<16xi32>
      %gather3A_126 = tpu.vector_load_idx %arg11[%add3A_107, %add3A_125] : memref<128x128xf32, #tpu.memory_space<vmem>>[vector<16xi32>, vector<16xi32>], vector<16xf32>,
      %add3A_127 = arith.constant 1 : i32
      %add3A_128 = vector.broadcast %add3A_127 : i32 to vector<16xi32>
      %add3A_129 = arith.addi %mul3A_114, %add3A_128 : vector<16xi32>
      tpu.vector_store_idx %arg13[%add3A_129, %div3A_116], %gather3A_126 : memref<160x128xf32, #tpu.memory_space<vmem>>[vector<16xi32>, vector<16xi32>], vector<16xf32>,
      %add3A_130 = arith.constant 2 : i32
      %add3A_131 = vector.broadcast %add3A_130 : i32 to vector<16xi32>
      %add3A_132 = arith.addi %mul3A_104, %add3A_131 : vector<16xi32>
      %gather3A_133 = tpu.vector_load_idx %arg11[%add3A_107, %add3A_132] : memref<128x128xf32, #tpu.memory_space<vmem>>[vector<16xi32>, vector<16xi32>], vector<16xf32>,
      %add3A_134 = arith.constant 2 : i32
      %add3A_135 = vector.broadcast %add3A_134 : i32 to vector<16xi32>
      %add3A_136 = arith.addi %mul3A_114, %add3A_135 : vector<16xi32>
      tpu.vector_store_idx %arg13[%add3A_136, %div3A_116], %gather3A_133 : memref<160x128xf32, #tpu.memory_space<vmem>>[vector<16xi32>, vector<16xi32>], vector<16xf32>,
      %add3A_137 = arith.constant 3 : i32
      %add3A_138 = vector.broadcast %add3A_137 : i32 to vector<16xi32>
      %add3A_139 = arith.addi %mul3A_104, %add3A_138 : vector<16xi32>
      %gather3A_140 = tpu.vector_load_idx %arg11[%add3A_107, %add3A_139] : memref<128x128xf32, #tpu.memory_space<vmem>>[vector<16xi32>, vector<16xi32>], vector<16xf32>,
      %add3A_141 = arith.constant 3 : i32
      %add3A_142 = vector.broadcast %add3A_141 : i32 to vector<16xi32>
      %add3A_143 = arith.addi %mul3A_114, %add3A_142 : vector<16xi32>
      tpu.vector_store_idx %arg13[%add3A_143, %div3A_116], %gather3A_140 : memref<160x128xf32, #tpu.memory_space<vmem>>[vector<16xi32>, vector<16xi32>], vector<16xf32>,
      %add3A_144 = arith.constant 4 : i32
      %add3A_145 = vector.broadcast %add3A_144 : i32 to vector<16xi32>
      %add3A_146 = arith.addi %mul3A_104, %add3A_145 : vector<16xi32>
      %gather3A_147 = tpu.vector_load_idx %arg11[%add3A_107, %add3A_146] : memref<128x128xf32, #tpu.memory_space<vmem>>[vector<16xi32>, vector<16xi32>], vector<16xf32>,
      %add3A_148 = arith.constant 4 : i32
      %add3A_149 = vector.broadcast %add3A_148 : i32 to vector<16xi32>
      %add3A_150 = arith.addi %mul3A_114, %add3A_149 : vector<16xi32>
      tpu.vector_store_idx %arg13[%add3A_150, %div3A_116], %gather3A_147 : memref<160x128xf32, #tpu.memory_space<vmem>>[vector<16xi32>, vector<16xi32>], vector<16xf32>,
      %add3A_151 = arith.constant 5 : i32
      %add3A_152 = vector.broadcast %add3A_151 : i32 to vector<16xi32>
      %add3A_153 = arith.addi %mul3A_104, %add3A_152 : vector<16xi32>
      %gather3A_154 = tpu.vector_load_idx %arg11[%add3A_107, %add3A_153] : memref<128x128xf32, #tpu.memory_space<vmem>>[vector<16xi32>, vector<16xi32>], vector<16xf32>,
      %add3A_155 = arith.constant 5 : i32
      %add3A_156 = vector.broadcast %add3A_155 : i32 to vector<16xi32>
      %add3A_157 = arith.addi %mul3A_114, %add3A_156 : vector<16xi32>
      tpu.vector_store_idx %arg13[%add3A_157, %div3A_116], %gather3A_154 : memref<160x128xf32, #tpu.memory_space<vmem>>[vector<16xi32>, vector<16xi32>], vector<16xf32>,
      %add3A_158 = arith.constant 6 : i32
      %add3A_159 = vector.broadcast %add3A_158 : i32 to vector<16xi32>
      %add3A_160 = arith.addi %mul3A_104, %add3A_159 : vector<16xi32>
      %gather3A_161 = tpu.vector_load_idx %arg11[%add3A_107, %add3A_160] : memref<128x128xf32, #tpu.memory_space<vmem>>[vector<16xi32>, vector<16xi32>], vector<16xf32>,
      %add3A_162 = arith.constant 6 : i32
      %add3A_163 = vector.broadcast %add3A_162 : i32 to vector<16xi32>
      %add3A_164 = arith.addi %mul3A_114, %add3A_163 : vector<16xi32>
      tpu.vector_store_idx %arg13[%add3A_164, %div3A_116], %gather3A_161 : memref<160x128xf32, #tpu.memory_space<vmem>>[vector<16xi32>, vector<16xi32>], vector<16xf32>,
      %add3A_165 = arith.constant 7 : i32
      %add3A_166 = vector.broadcast %add3A_165 : i32 to vector<16xi32>
      %add3A_167 = arith.addi %mul3A_104, %add3A_166 : vector<16xi32>
      %gather3A_168 = tpu.vector_load_idx %arg11[%add3A_107, %add3A_167] : memref<128x128xf32, #tpu.memory_space<vmem>>[vector<16xi32>, vector<16xi32>], vector<16xf32>,
      %add3A_169 = arith.constant 7 : i32
      %add3A_170 = vector.broadcast %add3A_169 : i32 to vector<16xi32>
      %add3A_171 = arith.addi %mul3A_114, %add3A_170 : vector<16xi32>
      tpu.vector_store_idx %arg13[%add3A_171, %div3A_116], %gather3A_168 : memref<160x128xf32, #tpu.memory_space<vmem>>[vector<16xi32>, vector<16xi32>], vector<16xf32>,
      %add3A_172 = arith.constant 8 : i32
      %add3A_173 = vector.broadcast %add3A_172 : i32 to vector<16xi32>
      %add3A_174 = arith.addi %mul3A_104, %add3A_173 : vector<16xi32>
      %gather3A_175 = tpu.vector_load_idx %arg11[%add3A_107, %add3A_174] : memref<128x128xf32, #tpu.memory_space<vmem>>[vector<16xi32>, vector<16xi32>], vector<16xf32>,
      %add3A_176 = arith.constant 8 : i32
      %add3A_177 = vector.broadcast %add3A_176 : i32 to vector<16xi32>
      %add3A_178 = arith.addi %mul3A_114, %add3A_177 : vector<16xi32>
      tpu.vector_store_idx %arg13[%add3A_178, %div3A_116], %gather3A_175 : memref<160x128xf32, #tpu.memory_space<vmem>>[vector<16xi32>, vector<16xi32>], vector<16xf32>,
      %add3A_179 = arith.constant 9 : i32
      %add3A_180 = vector.broadcast %add3A_179 : i32 to vector<16xi32>
      %add3A_181 = arith.addi %mul3A_104, %add3A_180 : vector<16xi32>
      %gather3A_182 = tpu.vector_load_idx %arg11[%add3A_107, %add3A_181] : memref<128x128xf32, #tpu.memory_space<vmem>>[vector<16xi32>, vector<16xi32>], vector<16xf32>,
      %add3A_183 = arith.constant 9 : i32
      %add3A_184 = vector.broadcast %add3A_183 : i32 to vector<16xi32>
      %add3A_185 = arith.addi %mul3A_114, %add3A_184 : vector<16xi32>
      tpu.vector_store_idx %arg13[%add3A_185, %div3A_116], %gather3A_182 : memref<160x128xf32, #tpu.memory_space<vmem>>[vector<16xi32>, vector<16xi32>], vector<16xf32>,
      %add3A_186 = arith.constant 10 : i32
      %add3A_187 = vector.broadcast %add3A_186 : i32 to vector<16xi32>
      %add3A_188 = arith.addi %mul3A_104, %add3A_187 : vector<16xi32>
      %gather3A_189 = tpu.vector_load_idx %arg11[%add3A_107, %add3A_188] : memref<128x128xf32, #tpu.memory_space<vmem>>[vector<16xi32>, vector<16xi32>], vector<16xf32>,
      %add3A_190 = arith.constant 10 : i32
      %add3A_191 = vector.broadcast %add3A_190 : i32 to vector<16xi32>
      %add3A_192 = arith.addi %mul3A_114, %add3A_191 : vector<16xi32>
      tpu.vector_store_idx %arg13[%add3A_192, %div3A_116], %gather3A_189 : memref<160x128xf32, #tpu.memory_space<vmem>>[vector<16xi32>, vector<16xi32>], vector<16xf32>,
      %add3A_193 = arith.constant 11 : i32
      %add3A_194 = vector.broadcast %add3A_193 : i32 to vector<16xi32>
      %add3A_195 = arith.addi %mul3A_104, %add3A_194 : vector<16xi32>
      %gather3A_196 = tpu.vector_load_idx %arg11[%add3A_107, %add3A_195] : memref<128x128xf32, #tpu.memory_space<vmem>>[vector<16xi32>, vector<16xi32>], vector<16xf32>,
      %add3A_197 = arith.constant 11 : i32
      %add3A_198 = vector.broadcast %add3A_197 : i32 to vector<16xi32>
      %add3A_199 = arith.addi %mul3A_114, %add3A_198 : vector<16xi32>
      tpu.vector_store_idx %arg13[%add3A_199, %div3A_116], %gather3A_196 : memref<160x128xf32, #tpu.memory_space<vmem>>[vector<16xi32>, vector<16xi32>], vector<16xf32>,
      %add3A_200 = arith.constant 12 : i32
      %add3A_201 = vector.broadcast %add3A_200 : i32 to vector<16xi32>
      %add3A_202 = arith.addi %mul3A_104, %add3A_201 : vector<16xi32>
      %gather3A_203 = tpu.vector_load_idx %arg11[%add3A_107, %add3A_202] : memref<128x128xf32, #tpu.memory_space<vmem>>[vector<16xi32>, vector<16xi32>], vector<16xf32>,
      %add3A_204 = arith.constant 12 : i32
      %add3A_205 = vector.broadcast %add3A_204 : i32 to vector<16xi32>
      %add3A_206 = arith.addi %mul3A_114, %add3A_205 : vector<16xi32>
      tpu.vector_store_idx %arg13[%add3A_206, %div3A_116], %gather3A_203 : memref<160x128xf32, #tpu.memory_space<vmem>>[vector<16xi32>, vector<16xi32>], vector<16xf32>,
      %add3A_207 = arith.constant 13 : i32
      %add3A_208 = vector.broadcast %add3A_207 : i32 to vector<16xi32>
      %add3A_209 = arith.addi %mul3A_104, %add3A_208 : vector<16xi32>
      %gather3A_210 = tpu.vector_load_idx %arg11[%add3A_107, %add3A_209] : memref<128x128xf32, #tpu.memory_space<vmem>>[vector<16xi32>, vector<16xi32>], vector<16xf32>,
      %add3A_211 = arith.constant 13 : i32
      %add3A_212 = vector.broadcast %add3A_211 : i32 to vector<16xi32>
      %add3A_213 = arith.addi %mul3A_114, %add3A_212 : vector<16xi32>
      tpu.vector_store_idx %arg13[%add3A_213, %div3A_116], %gather3A_210 : memref<160x128xf32, #tpu.memory_space<vmem>>[vector<16xi32>, vector<16xi32>], vector<16xf32>,
      %add3A_214 = arith.constant 14 : i32
      %add3A_215 = vector.broadcast %add3A_214 : i32 to vector<16xi32>
      %add3A_216 = arith.addi %mul3A_104, %add3A_215 : vector<16xi32>
      %gather3A_217 = tpu.vector_load_idx %arg11[%add3A_107, %add3A_216] : memref<128x128xf32, #tpu.memory_space<vmem>>[vector<16xi32>, vector<16xi32>], vector<16xf32>,
      %add3A_218 = arith.constant 14 : i32
      %add3A_219 = vector.broadcast %add3A_218 : i32 to vector<16xi32>
      %add3A_220 = arith.addi %mul3A_114, %add3A_219 : vector<16xi32>
      tpu.vector_store_idx %arg13[%add3A_220, %div3A_116], %gather3A_217 : memref<160x128xf32, #tpu.memory_space<vmem>>[vector<16xi32>, vector<16xi32>], vector<16xf32>,
      %add3A_221 = arith.constant 15 : i32
      %add3A_222 = vector.broadcast %add3A_221 : i32 to vector<16xi32>
      %add3A_223 = arith.addi %mul3A_104, %add3A_222 : vector<16xi32>
      %gather3A_224 = tpu.vector_load_idx %arg11[%add3A_107, %add3A_223] : memref<128x128xf32, #tpu.memory_space<vmem>>[vector<16xi32>, vector<16xi32>], vector<16xf32>,
      %add3A_225 = arith.constant 15 : i32
      %add3A_226 = vector.broadcast %add3A_225 : i32 to vector<16xi32>
      %add3A_227 = arith.addi %mul3A_114, %add3A_226 : vector<16xi32>
      tpu.vector_store_idx %arg13[%add3A_227, %div3A_116], %gather3A_224 : memref<160x128xf32, #tpu.memory_space<vmem>>[vector<16xi32>, vector<16xi32>], vector<16xf32>,
      %add3A_228 = arith.constant 16 : i32
      %add3A_229 = arith.addi %mul3A_22, %add3A_228 : i32
      %get3A_230 = arith.index_cast %add3A_229 : i32 to index
      %get3A_231 = tpu.vector_load %arg9[%get3A_230] {strides = array<i32>} : memref<1280xi32, #tpu.memory_space<vmem>>, vector<16xi32>,
      %and3A_232 = arith.constant 7 : i32
      %and3A_233 = vector.broadcast %and3A_232 : i32 to vector<16xi32>
      %and3A_234 = arith.andi %get3A_231, %and3A_233 : vector<16xi32>
      %mul3A_235 = arith.constant 16 : i32
      %mul3A_236 = vector.broadcast %mul3A_235 : i32 to vector<16xi32>
      %mul3A_237 = arith.muli %and3A_234, %mul3A_236 : vector<16xi32>
      %add3A_238 = arith.constant 16 : i32
      %add3A_239 = vector.broadcast %add3A_238 : i32 to vector<16xi32>
      %add3A_240 = arith.addi %iota3A, %add3A_239 : vector<16xi32>
      %add3A_241 = vector.broadcast %mul3A_22 : i32 to vector<16xi32>
      %add3A_242 = arith.addi %add3A_240, %add3A_241 : vector<16xi32>
      %rem3A_243 = arith.constant 10 : i32
      %rem3A_244 = vector.broadcast %rem3A_243 : i32 to vector<16xi32>
      %rem3A_245 = arith.remsi %add3A_242, %rem3A_244 : vector<16xi32>
      %mul3A_246 = arith.constant 16 : i32
      %mul3A_247 = vector.broadcast %mul3A_246 : i32 to vector<16xi32>
      %mul3A_248 = arith.muli %rem3A_245, %mul3A_247 : vector<16xi32>
      %div3A_249 = arith.constant 10 : i32
      %div3A_250 = vector.broadcast %div3A_249 : i32 to vector<16xi32>
      %div3A_251 = arith.divsi %add3A_242, %div3A_250 : vector<16xi32>
      %add3A_252 = arith.constant 0 : i32
      %add3A_253 = vector.broadcast %add3A_252 : i32 to vector<16xi32>
      %add3A_254 = arith.addi %mul3A_237, %add3A_253 : vector<16xi32>
      %gather3A_255 = tpu.vector_load_idx %arg11[%add3A_240, %add3A_254] : memref<128x128xf32, #tpu.memory_space<vmem>>[vector<16xi32>, vector<16xi32>], vector<16xf32>,
      %add3A_256 = arith.constant 0 : i32
      %add3A_257 = vector.broadcast %add3A_256 : i32 to vector<16xi32>
      %add3A_258 = arith.addi %mul3A_248, %add3A_257 : vector<16xi32>
      tpu.vector_store_idx %arg13[%add3A_258, %div3A_251], %gather3A_255 : memref<160x128xf32, #tpu.memory_space<vmem>>[vector<16xi32>, vector<16xi32>], vector<16xf32>,
      %add3A_259 = arith.constant 1 : i32
      %add3A_260 = vector.broadcast %add3A_259 : i32 to vector<16xi32>
      %add3A_261 = arith.addi %mul3A_237, %add3A_260 : vector<16xi32>
      %gather3A_262 = tpu.vector_load_idx %arg11[%add3A_240, %add3A_261] : memref<128x128xf32, #tpu.memory_space<vmem>>[vector<16xi32>, vector<16xi32>], vector<16xf32>,
      %add3A_263 = arith.constant 1 : i32
      %add3A_264 = vector.broadcast %add3A_263 : i32 to vector<16xi32>
      %add3A_265 = arith.addi %mul3A_248, %add3A_264 : vector<16xi32>
      tpu.vector_store_idx %arg13[%add3A_265, %div3A_251], %gather3A_262 : memref<160x128xf32, #tpu.memory_space<vmem>>[vector<16xi32>, vector<16xi32>], vector<16xf32>,
      %add3A_266 = arith.constant 2 : i32
      %add3A_267 = vector.broadcast %add3A_266 : i32 to vector<16xi32>
      %add3A_268 = arith.addi %mul3A_237, %add3A_267 : vector<16xi32>
      %gather3A_269 = tpu.vector_load_idx %arg11[%add3A_240, %add3A_268] : memref<128x128xf32, #tpu.memory_space<vmem>>[vector<16xi32>, vector<16xi32>], vector<16xf32>,
      %add3A_270 = arith.constant 2 : i32
      %add3A_271 = vector.broadcast %add3A_270 : i32 to vector<16xi32>
      %add3A_272 = arith.addi %mul3A_248, %add3A_271 : vector<16xi32>
      tpu.vector_store_idx %arg13[%add3A_272, %div3A_251], %gather3A_269 : memref<160x128xf32, #tpu.memory_space<vmem>>[vector<16xi32>, vector<16xi32>], vector<16xf32>,
      %add3A_273 = arith.constant 3 : i32
      %add3A_274 = vector.broadcast %add3A_273 : i32 to vector<16xi32>
      %add3A_275 = arith.addi %mul3A_237, %add3A_274 : vector<16xi32>
      %gather3A_276 = tpu.vector_load_idx %arg11[%add3A_240, %add3A_275] : memref<128x128xf32, #tpu.memory_space<vmem>>[vector<16xi32>, vector<16xi32>], vector<16xf32>,
      %add3A_277 = arith.constant 3 : i32
      %add3A_278 = vector.broadcast %add3A_277 : i32 to vector<16xi32>
      %add3A_279 = arith.addi %mul3A_248, %add3A_278 : vector<16xi32>
      tpu.vector_store_idx %arg13[%add3A_279, %div3A_251], %gather3A_276 : memref<160x128xf32, #tpu.memory_space<vmem>>[vector<16xi32>, vector<16xi32>], vector<16xf32>,
      %add3A_280 = arith.constant 4 : i32
      %add3A_281 = vector.broadcast %add3A_280 : i32 to vector<16xi32>
      %add3A_282 = arith.addi %mul3A_237, %add3A_281 : vector<16xi32>
      %gather3A_283 = tpu.vector_load_idx %arg11[%add3A_240, %add3A_282] : memref<128x128xf32, #tpu.memory_space<vmem>>[vector<16xi32>, vector<16xi32>], vector<16xf32>,
      %add3A_284 = arith.constant 4 : i32
      %add3A_285 = vector.broadcast %add3A_284 : i32 to vector<16xi32>
      %add3A_286 = arith.addi %mul3A_248, %add3A_285 : vector<16xi32>
      tpu.vector_store_idx %arg13[%add3A_286, %div3A_251], %gather3A_283 : memref<160x128xf32, #tpu.memory_space<vmem>>[vector<16xi32>, vector<16xi32>], vector<16xf32>,
      %add3A_287 = arith.constant 5 : i32
      %add3A_288 = vector.broadcast %add3A_287 : i32 to vector<16xi32>
      %add3A_289 = arith.addi %mul3A_237, %add3A_288 : vector<16xi32>
      %gather3A_290 = tpu.vector_load_idx %arg11[%add3A_240, %add3A_289] : memref<128x128xf32, #tpu.memory_space<vmem>>[vector<16xi32>, vector<16xi32>], vector<16xf32>,
      %add3A_291 = arith.constant 5 : i32
      %add3A_292 = vector.broadcast %add3A_291 : i32 to vector<16xi32>
      %add3A_293 = arith.addi %mul3A_248, %add3A_292 : vector<16xi32>
      tpu.vector_store_idx %arg13[%add3A_293, %div3A_251], %gather3A_290 : memref<160x128xf32, #tpu.memory_space<vmem>>[vector<16xi32>, vector<16xi32>], vector<16xf32>,
      %add3A_294 = arith.constant 6 : i32
      %add3A_295 = vector.broadcast %add3A_294 : i32 to vector<16xi32>
      %add3A_296 = arith.addi %mul3A_237, %add3A_295 : vector<16xi32>
      %gather3A_297 = tpu.vector_load_idx %arg11[%add3A_240, %add3A_296] : memref<128x128xf32, #tpu.memory_space<vmem>>[vector<16xi32>, vector<16xi32>], vector<16xf32>,
      %add3A_298 = arith.constant 6 : i32
      %add3A_299 = vector.broadcast %add3A_298 : i32 to vector<16xi32>
      %add3A_300 = arith.addi %mul3A_248, %add3A_299 : vector<16xi32>
      tpu.vector_store_idx %arg13[%add3A_300, %div3A_251], %gather3A_297 : memref<160x128xf32, #tpu.memory_space<vmem>>[vector<16xi32>, vector<16xi32>], vector<16xf32>,
      %add3A_301 = arith.constant 7 : i32
      %add3A_302 = vector.broadcast %add3A_301 : i32 to vector<16xi32>
      %add3A_303 = arith.addi %mul3A_237, %add3A_302 : vector<16xi32>
      %gather3A_304 = tpu.vector_load_idx %arg11[%add3A_240, %add3A_303] : memref<128x128xf32, #tpu.memory_space<vmem>>[vector<16xi32>, vector<16xi32>], vector<16xf32>,
      %add3A_305 = arith.constant 7 : i32
      %add3A_306 = vector.broadcast %add3A_305 : i32 to vector<16xi32>
      %add3A_307 = arith.addi %mul3A_248, %add3A_306 : vector<16xi32>
      tpu.vector_store_idx %arg13[%add3A_307, %div3A_251], %gather3A_304 : memref<160x128xf32, #tpu.memory_space<vmem>>[vector<16xi32>, vector<16xi32>], vector<16xf32>,
      %add3A_308 = arith.constant 8 : i32
      %add3A_309 = vector.broadcast %add3A_308 : i32 to vector<16xi32>
      %add3A_310 = arith.addi %mul3A_237, %add3A_309 : vector<16xi32>
      %gather3A_311 = tpu.vector_load_idx %arg11[%add3A_240, %add3A_310] : memref<128x128xf32, #tpu.memory_space<vmem>>[vector<16xi32>, vector<16xi32>], vector<16xf32>,
      %add3A_312 = arith.constant 8 : i32
      %add3A_313 = vector.broadcast %add3A_312 : i32 to vector<16xi32>
      %add3A_314 = arith.addi %mul3A_248, %add3A_313 : vector<16xi32>
      tpu.vector_store_idx %arg13[%add3A_314, %div3A_251], %gather3A_311 : memref<160x128xf32, #tpu.memory_space<vmem>>[vector<16xi32>, vector<16xi32>], vector<16xf32>,
      %add3A_315 = arith.constant 9 : i32
      %add3A_316 = vector.broadcast %add3A_315 : i32 to vector<16xi32>
      %add3A_317 = arith.addi %mul3A_237, %add3A_316 : vector<16xi32>
      %gather3A_318 = tpu.vector_load_idx %arg11[%add3A_240, %add3A_317] : memref<128x128xf32, #tpu.memory_space<vmem>>[vector<16xi32>, vector<16xi32>], vector<16xf32>,
      %add3A_319 = arith.constant 9 : i32
      %add3A_320 = vector.broadcast %add3A_319 : i32 to vector<16xi32>
      %add3A_321 = arith.addi %mul3A_248, %add3A_320 : vector<16xi32>
      tpu.vector_store_idx %arg13[%add3A_321, %div3A_251], %gather3A_318 : memref<160x128xf32, #tpu.memory_space<vmem>>[vector<16xi32>, vector<16xi32>], vector<16xf32>,
      %add3A_322 = arith.constant 10 : i32
      %add3A_323 = vector.broadcast %add3A_322 : i32 to vector<16xi32>
      %add3A_324 = arith.addi %mul3A_237, %add3A_323 : vector<16xi32>
      %gather3A_325 = tpu.vector_load_idx %arg11[%add3A_240, %add3A_324] : memref<128x128xf32, #tpu.memory_space<vmem>>[vector<16xi32>, vector<16xi32>], vector<16xf32>,
      %add3A_326 = arith.constant 10 : i32
      %add3A_327 = vector.broadcast %add3A_326 : i32 to vector<16xi32>
      %add3A_328 = arith.addi %mul3A_248, %add3A_327 : vector<16xi32>
      tpu.vector_store_idx %arg13[%add3A_328, %div3A_251], %gather3A_325 : memref<160x128xf32, #tpu.memory_space<vmem>>[vector<16xi32>, vector<16xi32>], vector<16xf32>,
      %add3A_329 = arith.constant 11 : i32
      %add3A_330 = vector.broadcast %add3A_329 : i32 to vector<16xi32>
      %add3A_331 = arith.addi %mul3A_237, %add3A_330 : vector<16xi32>
      %gather3A_332 = tpu.vector_load_idx %arg11[%add3A_240, %add3A_331] : memref<128x128xf32, #tpu.memory_space<vmem>>[vector<16xi32>, vector<16xi32>], vector<16xf32>,
      %add3A_333 = arith.constant 11 : i32
      %add3A_334 = vector.broadcast %add3A_333 : i32 to vector<16xi32>
      %add3A_335 = arith.addi %mul3A_248, %add3A_334 : vector<16xi32>
      tpu.vector_store_idx %arg13[%add3A_335, %div3A_251], %gather3A_332 : memref<160x128xf32, #tpu.memory_space<vmem>>[vector<16xi32>, vector<16xi32>], vector<16xf32>,
      %add3A_336 = arith.constant 12 : i32
      %add3A_337 = vector.broadcast %add3A_336 : i32 to vector<16xi32>
      %add3A_338 = arith.addi %mul3A_237, %add3A_337 : vector<16xi32>
      %gather3A_339 = tpu.vector_load_idx %arg11[%add3A_240, %add3A_338] : memref<128x128xf32, #tpu.memory_space<vmem>>[vector<16xi32>, vector<16xi32>], vector<16xf32>,
      %add3A_340 = arith.constant 12 : i32
      %add3A_341 = vector.broadcast %add3A_340 : i32 to vector<16xi32>
      %add3A_342 = arith.addi %mul3A_248, %add3A_341 : vector<16xi32>
      tpu.vector_store_idx %arg13[%add3A_342, %div3A_251], %gather3A_339 : memref<160x128xf32, #tpu.memory_space<vmem>>[vector<16xi32>, vector<16xi32>], vector<16xf32>,
      %add3A_343 = arith.constant 13 : i32
      %add3A_344 = vector.broadcast %add3A_343 : i32 to vector<16xi32>
      %add3A_345 = arith.addi %mul3A_237, %add3A_344 : vector<16xi32>
      %gather3A_346 = tpu.vector_load_idx %arg11[%add3A_240, %add3A_345] : memref<128x128xf32, #tpu.memory_space<vmem>>[vector<16xi32>, vector<16xi32>], vector<16xf32>,
      %add3A_347 = arith.constant 13 : i32
      %add3A_348 = vector.broadcast %add3A_347 : i32 to vector<16xi32>
      %add3A_349 = arith.addi %mul3A_248, %add3A_348 : vector<16xi32>
      tpu.vector_store_idx %arg13[%add3A_349, %div3A_251], %gather3A_346 : memref<160x128xf32, #tpu.memory_space<vmem>>[vector<16xi32>, vector<16xi32>], vector<16xf32>,
      %add3A_350 = arith.constant 14 : i32
      %add3A_351 = vector.broadcast %add3A_350 : i32 to vector<16xi32>
      %add3A_352 = arith.addi %mul3A_237, %add3A_351 : vector<16xi32>
      %gather3A_353 = tpu.vector_load_idx %arg11[%add3A_240, %add3A_352] : memref<128x128xf32, #tpu.memory_space<vmem>>[vector<16xi32>, vector<16xi32>], vector<16xf32>,
      %add3A_354 = arith.constant 14 : i32
      %add3A_355 = vector.broadcast %add3A_354 : i32 to vector<16xi32>
      %add3A_356 = arith.addi %mul3A_248, %add3A_355 : vector<16xi32>
      tpu.vector_store_idx %arg13[%add3A_356, %div3A_251], %gather3A_353 : memref<160x128xf32, #tpu.memory_space<vmem>>[vector<16xi32>, vector<16xi32>], vector<16xf32>,
      %add3A_357 = arith.constant 15 : i32
      %add3A_358 = vector.broadcast %add3A_357 : i32 to vector<16xi32>
      %add3A_359 = arith.addi %mul3A_237, %add3A_358 : vector<16xi32>
      %gather3A_360 = tpu.vector_load_idx %arg11[%add3A_240, %add3A_359] : memref<128x128xf32, #tpu.memory_space<vmem>>[vector<16xi32>, vector<16xi32>], vector<16xf32>,
      %add3A_361 = arith.constant 15 : i32
      %add3A_362 = vector.broadcast %add3A_361 : i32 to vector<16xi32>
      %add3A_363 = arith.addi %mul3A_248, %add3A_362 : vector<16xi32>
      tpu.vector_store_idx %arg13[%add3A_363, %div3A_251], %gather3A_360 : memref<160x128xf32, #tpu.memory_space<vmem>>[vector<16xi32>, vector<16xi32>], vector<16xf32>,
      %add3A_364 = arith.constant 32 : i32
      %add3A_365 = arith.addi %mul3A_22, %add3A_364 : i32
      %get3A_366 = arith.index_cast %add3A_365 : i32 to index
      %get3A_367 = tpu.vector_load %arg9[%get3A_366] {strides = array<i32>} : memref<1280xi32, #tpu.memory_space<vmem>>, vector<16xi32>,
      %and3A_368 = arith.constant 7 : i32
      %and3A_369 = vector.broadcast %and3A_368 : i32 to vector<16xi32>
      %and3A_370 = arith.andi %get3A_367, %and3A_369 : vector<16xi32>
      %mul3A_371 = arith.constant 16 : i32
      %mul3A_372 = vector.broadcast %mul3A_371 : i32 to vector<16xi32>
      %mul3A_373 = arith.muli %and3A_370, %mul3A_372 : vector<16xi32>
      %add3A_374 = arith.constant 32 : i32
      %add3A_375 = vector.broadcast %add3A_374 : i32 to vector<16xi32>
      %add3A_376 = arith.addi %iota3A, %add3A_375 : vector<16xi32>
      %add3A_377 = vector.broadcast %mul3A_22 : i32 to vector<16xi32>
      %add3A_378 = arith.addi %add3A_376, %add3A_377 : vector<16xi32>
      %rem3A_379 = arith.constant 10 : i32
      %rem3A_380 = vector.broadcast %rem3A_379 : i32 to vector<16xi32>
      %rem3A_381 = arith.remsi %add3A_378, %rem3A_380 : vector<16xi32>
      %mul3A_382 = arith.constant 16 : i32
      %mul3A_383 = vector.broadcast %mul3A_382 : i32 to vector<16xi32>
      %mul3A_384 = arith.muli %rem3A_381, %mul3A_383 : vector<16xi32>
      %div3A_385 = arith.constant 10 : i32
      %div3A_386 = vector.broadcast %div3A_385 : i32 to vector<16xi32>
      %div3A_387 = arith.divsi %add3A_378, %div3A_386 : vector<16xi32>
      %add3A_388 = arith.constant 0 : i32
      %add3A_389 = vector.broadcast %add3A_388 : i32 to vector<16xi32>
      %add3A_390 = arith.addi %mul3A_373, %add3A_389 : vector<16xi32>
      %gather3A_391 = tpu.vector_load_idx %arg11[%add3A_376, %add3A_390] : memref<128x128xf32, #tpu.memory_space<vmem>>[vector<16xi32>, vector<16xi32>], vector<16xf32>,
      %add3A_392 = arith.constant 0 : i32
      %add3A_393 = vector.broadcast %add3A_392 : i32 to vector<16xi32>
      %add3A_394 = arith.addi %mul3A_384, %add3A_393 : vector<16xi32>
      tpu.vector_store_idx %arg13[%add3A_394, %div3A_387], %gather3A_391 : memref<160x128xf32, #tpu.memory_space<vmem>>[vector<16xi32>, vector<16xi32>], vector<16xf32>,
      %add3A_395 = arith.constant 1 : i32
      %add3A_396 = vector.broadcast %add3A_395 : i32 to vector<16xi32>
      %add3A_397 = arith.addi %mul3A_373, %add3A_396 : vector<16xi32>
      %gather3A_398 = tpu.vector_load_idx %arg11[%add3A_376, %add3A_397] : memref<128x128xf32, #tpu.memory_space<vmem>>[vector<16xi32>, vector<16xi32>], vector<16xf32>,
      %add3A_399 = arith.constant 1 : i32
      %add3A_400 = vector.broadcast %add3A_399 : i32 to vector<16xi32>
      %add3A_401 = arith.addi %mul3A_384, %add3A_400 : vector<16xi32>
      tpu.vector_store_idx %arg13[%add3A_401, %div3A_387], %gather3A_398 : memref<160x128xf32, #tpu.memory_space<vmem>>[vector<16xi32>, vector<16xi32>], vector<16xf32>,
      %add3A_402 = arith.constant 2 : i32
      %add3A_403 = vector.broadcast %add3A_402 : i32 to vector<16xi32>
      %add3A_404 = arith.addi %mul3A_373, %add3A_403 : vector<16xi32>
      %gather3A_405 = tpu.vector_load_idx %arg11[%add3A_376, %add3A_404] : memref<128x128xf32, #tpu.memory_space<vmem>>[vector<16xi32>, vector<16xi32>], vector<16xf32>,
      %add3A_406 = arith.constant 2 : i32
      %add3A_407 = vector.broadcast %add3A_406 : i32 to vector<16xi32>
      %add3A_408 = arith.addi %mul3A_384, %add3A_407 : vector<16xi32>
      tpu.vector_store_idx %arg13[%add3A_408, %div3A_387], %gather3A_405 : memref<160x128xf32, #tpu.memory_space<vmem>>[vector<16xi32>, vector<16xi32>], vector<16xf32>,
      %add3A_409 = arith.constant 3 : i32
      %add3A_410 = vector.broadcast %add3A_409 : i32 to vector<16xi32>
      %add3A_411 = arith.addi %mul3A_373, %add3A_410 : vector<16xi32>
      %gather3A_412 = tpu.vector_load_idx %arg11[%add3A_376, %add3A_411] : memref<128x128xf32, #tpu.memory_space<vmem>>[vector<16xi32>, vector<16xi32>], vector<16xf32>,
      %add3A_413 = arith.constant 3 : i32
      %add3A_414 = vector.broadcast %add3A_413 : i32 to vector<16xi32>
      %add3A_415 = arith.addi %mul3A_384, %add3A_414 : vector<16xi32>
      tpu.vector_store_idx %arg13[%add3A_415, %div3A_387], %gather3A_412 : memref<160x128xf32, #tpu.memory_space<vmem>>[vector<16xi32>, vector<16xi32>], vector<16xf32>,
      %add3A_416 = arith.constant 4 : i32
      %add3A_417 = vector.broadcast %add3A_416 : i32 to vector<16xi32>
      %add3A_418 = arith.addi %mul3A_373, %add3A_417 : vector<16xi32>
      %gather3A_419 = tpu.vector_load_idx %arg11[%add3A_376, %add3A_418] : memref<128x128xf32, #tpu.memory_space<vmem>>[vector<16xi32>, vector<16xi32>], vector<16xf32>,
      %add3A_420 = arith.constant 4 : i32
      %add3A_421 = vector.broadcast %add3A_420 : i32 to vector<16xi32>
      %add3A_422 = arith.addi %mul3A_384, %add3A_421 : vector<16xi32>
      tpu.vector_store_idx %arg13[%add3A_422, %div3A_387], %gather3A_419 : memref<160x128xf32, #tpu.memory_space<vmem>>[vector<16xi32>, vector<16xi32>], vector<16xf32>,
      %add3A_423 = arith.constant 5 : i32
      %add3A_424 = vector.broadcast %add3A_423 : i32 to vector<16xi32>
      %add3A_425 = arith.addi %mul3A_373, %add3A_424 : vector<16xi32>
      %gather3A_426 = tpu.vector_load_idx %arg11[%add3A_376, %add3A_425] : memref<128x128xf32, #tpu.memory_space<vmem>>[vector<16xi32>, vector<16xi32>], vector<16xf32>,
      %add3A_427 = arith.constant 5 : i32
      %add3A_428 = vector.broadcast %add3A_427 : i32 to vector<16xi32>
      %add3A_429 = arith.addi %mul3A_384, %add3A_428 : vector<16xi32>
      tpu.vector_store_idx %arg13[%add3A_429, %div3A_387], %gather3A_426 : memref<160x128xf32, #tpu.memory_space<vmem>>[vector<16xi32>, vector<16xi32>], vector<16xf32>,
      %add3A_430 = arith.constant 6 : i32
      %add3A_431 = vector.broadcast %add3A_430 : i32 to vector<16xi32>
      %add3A_432 = arith.addi %mul3A_373, %add3A_431 : vector<16xi32>
      %gather3A_433 = tpu.vector_load_idx %arg11[%add3A_376, %add3A_432] : memref<128x128xf32, #tpu.memory_space<vmem>>[vector<16xi32>, vector<16xi32>], vector<16xf32>,
      %add3A_434 = arith.constant 6 : i32
      %add3A_435 = vector.broadcast %add3A_434 : i32 to vector<16xi32>
      %add3A_436 = arith.addi %mul3A_384, %add3A_435 : vector<16xi32>
      tpu.vector_store_idx %arg13[%add3A_436, %div3A_387], %gather3A_433 : memref<160x128xf32, #tpu.memory_space<vmem>>[vector<16xi32>, vector<16xi32>], vector<16xf32>,
      %add3A_437 = arith.constant 7 : i32
      %add3A_438 = vector.broadcast %add3A_437 : i32 to vector<16xi32>
      %add3A_439 = arith.addi %mul3A_373, %add3A_438 : vector<16xi32>
      %gather3A_440 = tpu.vector_load_idx %arg11[%add3A_376, %add3A_439] : memref<128x128xf32, #tpu.memory_space<vmem>>[vector<16xi32>, vector<16xi32>], vector<16xf32>,
      %add3A_441 = arith.constant 7 : i32
      %add3A_442 = vector.broadcast %add3A_441 : i32 to vector<16xi32>
      %add3A_443 = arith.addi %mul3A_384, %add3A_442 : vector<16xi32>
      tpu.vector_store_idx %arg13[%add3A_443, %div3A_387], %gather3A_440 : memref<160x128xf32, #tpu.memory_space<vmem>>[vector<16xi32>, vector<16xi32>], vector<16xf32>,
      %add3A_444 = arith.constant 8 : i32
      %add3A_445 = vector.broadcast %add3A_444 : i32 to vector<16xi32>
      %add3A_446 = arith.addi %mul3A_373, %add3A_445 : vector<16xi32>
      %gather3A_447 = tpu.vector_load_idx %arg11[%add3A_376, %add3A_446] : memref<128x128xf32, #tpu.memory_space<vmem>>[vector<16xi32>, vector<16xi32>], vector<16xf32>,
      %add3A_448 = arith.constant 8 : i32
      %add3A_449 = vector.broadcast %add3A_448 : i32 to vector<16xi32>
      %add3A_450 = arith.addi %mul3A_384, %add3A_449 : vector<16xi32>
      tpu.vector_store_idx %arg13[%add3A_450, %div3A_387], %gather3A_447 : memref<160x128xf32, #tpu.memory_space<vmem>>[vector<16xi32>, vector<16xi32>], vector<16xf32>,
      %add3A_451 = arith.constant 9 : i32
      %add3A_452 = vector.broadcast %add3A_451 : i32 to vector<16xi32>
      %add3A_453 = arith.addi %mul3A_373, %add3A_452 : vector<16xi32>
      %gather3A_454 = tpu.vector_load_idx %arg11[%add3A_376, %add3A_453] : memref<128x128xf32, #tpu.memory_space<vmem>>[vector<16xi32>, vector<16xi32>], vector<16xf32>,
      %add3A_455 = arith.constant 9 : i32
      %add3A_456 = vector.broadcast %add3A_455 : i32 to vector<16xi32>
      %add3A_457 = arith.addi %mul3A_384, %add3A_456 : vector<16xi32>
      tpu.vector_store_idx %arg13[%add3A_457, %div3A_387], %gather3A_454 : memref<160x128xf32, #tpu.memory_space<vmem>>[vector<16xi32>, vector<16xi32>], vector<16xf32>,
      %add3A_458 = arith.constant 10 : i32
      %add3A_459 = vector.broadcast %add3A_458 : i32 to vector<16xi32>
      %add3A_460 = arith.addi %mul3A_373, %add3A_459 : vector<16xi32>
      %gather3A_461 = tpu.vector_load_idx %arg11[%add3A_376, %add3A_460] : memref<128x128xf32, #tpu.memory_space<vmem>>[vector<16xi32>, vector<16xi32>], vector<16xf32>,
      %add3A_462 = arith.constant 10 : i32
      %add3A_463 = vector.broadcast %add3A_462 : i32 to vector<16xi32>
      %add3A_464 = arith.addi %mul3A_384, %add3A_463 : vector<16xi32>
      tpu.vector_store_idx %arg13[%add3A_464, %div3A_387], %gather3A_461 : memref<160x128xf32, #tpu.memory_space<vmem>>[vector<16xi32>, vector<16xi32>], vector<16xf32>,
      %add3A_465 = arith.constant 11 : i32
      %add3A_466 = vector.broadcast %add3A_465 : i32 to vector<16xi32>
      %add3A_467 = arith.addi %mul3A_373, %add3A_466 : vector<16xi32>
      %gather3A_468 = tpu.vector_load_idx %arg11[%add3A_376, %add3A_467] : memref<128x128xf32, #tpu.memory_space<vmem>>[vector<16xi32>, vector<16xi32>], vector<16xf32>,
      %add3A_469 = arith.constant 11 : i32
      %add3A_470 = vector.broadcast %add3A_469 : i32 to vector<16xi32>
      %add3A_471 = arith.addi %mul3A_384, %add3A_470 : vector<16xi32>
      tpu.vector_store_idx %arg13[%add3A_471, %div3A_387], %gather3A_468 : memref<160x128xf32, #tpu.memory_space<vmem>>[vector<16xi32>, vector<16xi32>], vector<16xf32>,
      %add3A_472 = arith.constant 12 : i32
      %add3A_473 = vector.broadcast %add3A_472 : i32 to vector<16xi32>
      %add3A_474 = arith.addi %mul3A_373, %add3A_473 : vector<16xi32>
      %gather3A_475 = tpu.vector_load_idx %arg11[%add3A_376, %add3A_474] : memref<128x128xf32, #tpu.memory_space<vmem>>[vector<16xi32>, vector<16xi32>], vector<16xf32>,
      %add3A_476 = arith.constant 12 : i32
      %add3A_477 = vector.broadcast %add3A_476 : i32 to vector<16xi32>
      %add3A_478 = arith.addi %mul3A_384, %add3A_477 : vector<16xi32>
      tpu.vector_store_idx %arg13[%add3A_478, %div3A_387], %gather3A_475 : memref<160x128xf32, #tpu.memory_space<vmem>>[vector<16xi32>, vector<16xi32>], vector<16xf32>,
      %add3A_479 = arith.constant 13 : i32
      %add3A_480 = vector.broadcast %add3A_479 : i32 to vector<16xi32>
      %add3A_481 = arith.addi %mul3A_373, %add3A_480 : vector<16xi32>
      %gather3A_482 = tpu.vector_load_idx %arg11[%add3A_376, %add3A_481] : memref<128x128xf32, #tpu.memory_space<vmem>>[vector<16xi32>, vector<16xi32>], vector<16xf32>,
      %add3A_483 = arith.constant 13 : i32
      %add3A_484 = vector.broadcast %add3A_483 : i32 to vector<16xi32>
      %add3A_485 = arith.addi %mul3A_384, %add3A_484 : vector<16xi32>
      tpu.vector_store_idx %arg13[%add3A_485, %div3A_387], %gather3A_482 : memref<160x128xf32, #tpu.memory_space<vmem>>[vector<16xi32>, vector<16xi32>], vector<16xf32>,
      %add3A_486 = arith.constant 14 : i32
      %add3A_487 = vector.broadcast %add3A_486 : i32 to vector<16xi32>
      %add3A_488 = arith.addi %mul3A_373, %add3A_487 : vector<16xi32>
      %gather3A_489 = tpu.vector_load_idx %arg11[%add3A_376, %add3A_488] : memref<128x128xf32, #tpu.memory_space<vmem>>[vector<16xi32>, vector<16xi32>], vector<16xf32>,
      %add3A_490 = arith.constant 14 : i32
      %add3A_491 = vector.broadcast %add3A_490 : i32 to vector<16xi32>
      %add3A_492 = arith.addi %mul3A_384, %add3A_491 : vector<16xi32>
      tpu.vector_store_idx %arg13[%add3A_492, %div3A_387], %gather3A_489 : memref<160x128xf32, #tpu.memory_space<vmem>>[vector<16xi32>, vector<16xi32>], vector<16xf32>,
      %add3A_493 = arith.constant 15 : i32
      %add3A_494 = vector.broadcast %add3A_493 : i32 to vector<16xi32>
      %add3A_495 = arith.addi %mul3A_373, %add3A_494 : vector<16xi32>
      %gather3A_496 = tpu.vector_load_idx %arg11[%add3A_376, %add3A_495] : memref<128x128xf32, #tpu.memory_space<vmem>>[vector<16xi32>, vector<16xi32>], vector<16xf32>,
      %add3A_497 = arith.constant 15 : i32
      %add3A_498 = vector.broadcast %add3A_497 : i32 to vector<16xi32>
      %add3A_499 = arith.addi %mul3A_384, %add3A_498 : vector<16xi32>
      tpu.vector_store_idx %arg13[%add3A_499, %div3A_387], %gather3A_496 : memref<160x128xf32, #tpu.memory_space<vmem>>[vector<16xi32>, vector<16xi32>], vector<16xf32>,
      %add3A_500 = arith.constant 48 : i32
      %add3A_501 = arith.addi %mul3A_22, %add3A_500 : i32
      %get3A_502 = arith.index_cast %add3A_501 : i32 to index
      %get3A_503 = tpu.vector_load %arg9[%get3A_502] {strides = array<i32>} : memref<1280xi32, #tpu.memory_space<vmem>>, vector<16xi32>,
      %and3A_504 = arith.constant 7 : i32
      %and3A_505 = vector.broadcast %and3A_504 : i32 to vector<16xi32>
      %and3A_506 = arith.andi %get3A_503, %and3A_505 : vector<16xi32>
      %mul3A_507 = arith.constant 16 : i32
      %mul3A_508 = vector.broadcast %mul3A_507 : i32 to vector<16xi32>
      %mul3A_509 = arith.muli %and3A_506, %mul3A_508 : vector<16xi32>
      %add3A_510 = arith.constant 48 : i32
      %add3A_511 = vector.broadcast %add3A_510 : i32 to vector<16xi32>
      %add3A_512 = arith.addi %iota3A, %add3A_511 : vector<16xi32>
      %add3A_513 = vector.broadcast %mul3A_22 : i32 to vector<16xi32>
      %add3A_514 = arith.addi %add3A_512, %add3A_513 : vector<16xi32>
      %rem3A_515 = arith.constant 10 : i32
      %rem3A_516 = vector.broadcast %rem3A_515 : i32 to vector<16xi32>
      %rem3A_517 = arith.remsi %add3A_514, %rem3A_516 : vector<16xi32>
      %mul3A_518 = arith.constant 16 : i32
      %mul3A_519 = vector.broadcast %mul3A_518 : i32 to vector<16xi32>
      %mul3A_520 = arith.muli %rem3A_517, %mul3A_519 : vector<16xi32>
      %div3A_521 = arith.constant 10 : i32
      %div3A_522 = vector.broadcast %div3A_521 : i32 to vector<16xi32>
      %div3A_523 = arith.divsi %add3A_514, %div3A_522 : vector<16xi32>
      %add3A_524 = arith.constant 0 : i32
      %add3A_525 = vector.broadcast %add3A_524 : i32 to vector<16xi32>
      %add3A_526 = arith.addi %mul3A_509, %add3A_525 : vector<16xi32>
      %gather3A_527 = tpu.vector_load_idx %arg11[%add3A_512, %add3A_526] : memref<128x128xf32, #tpu.memory_space<vmem>>[vector<16xi32>, vector<16xi32>], vector<16xf32>,
      %add3A_528 = arith.constant 0 : i32
      %add3A_529 = vector.broadcast %add3A_528 : i32 to vector<16xi32>
      %add3A_530 = arith.addi %mul3A_520, %add3A_529 : vector<16xi32>
      tpu.vector_store_idx %arg13[%add3A_530, %div3A_523], %gather3A_527 : memref<160x128xf32, #tpu.memory_space<vmem>>[vector<16xi32>, vector<16xi32>], vector<16xf32>,
      %add3A_531 = arith.constant 1 : i32
      %add3A_532 = vector.broadcast %add3A_531 : i32 to vector<16xi32>
      %add3A_533 = arith.addi %mul3A_509, %add3A_532 : vector<16xi32>
      %gather3A_534 = tpu.vector_load_idx %arg11[%add3A_512, %add3A_533] : memref<128x128xf32, #tpu.memory_space<vmem>>[vector<16xi32>, vector<16xi32>], vector<16xf32>,
      %add3A_535 = arith.constant 1 : i32
      %add3A_536 = vector.broadcast %add3A_535 : i32 to vector<16xi32>
      %add3A_537 = arith.addi %mul3A_520, %add3A_536 : vector<16xi32>
      tpu.vector_store_idx %arg13[%add3A_537, %div3A_523], %gather3A_534 : memref<160x128xf32, #tpu.memory_space<vmem>>[vector<16xi32>, vector<16xi32>], vector<16xf32>,
      %add3A_538 = arith.constant 2 : i32
      %add3A_539 = vector.broadcast %add3A_538 : i32 to vector<16xi32>
      %add3A_540 = arith.addi %mul3A_509, %add3A_539 : vector<16xi32>
      %gather3A_541 = tpu.vector_load_idx %arg11[%add3A_512, %add3A_540] : memref<128x128xf32, #tpu.memory_space<vmem>>[vector<16xi32>, vector<16xi32>], vector<16xf32>,
      %add3A_542 = arith.constant 2 : i32
      %add3A_543 = vector.broadcast %add3A_542 : i32 to vector<16xi32>
      %add3A_544 = arith.addi %mul3A_520, %add3A_543 : vector<16xi32>
      tpu.vector_store_idx %arg13[%add3A_544, %div3A_523], %gather3A_541 : memref<160x128xf32, #tpu.memory_space<vmem>>[vector<16xi32>, vector<16xi32>], vector<16xf32>,
      %add3A_545 = arith.constant 3 : i32
      %add3A_546 = vector.broadcast %add3A_545 : i32 to vector<16xi32>
      %add3A_547 = arith.addi %mul3A_509, %add3A_546 : vector<16xi32>
      %gather3A_548 = tpu.vector_load_idx %arg11[%add3A_512, %add3A_547] : memref<128x128xf32, #tpu.memory_space<vmem>>[vector<16xi32>, vector<16xi32>], vector<16xf32>,
      %add3A_549 = arith.constant 3 : i32
      %add3A_550 = vector.broadcast %add3A_549 : i32 to vector<16xi32>
      %add3A_551 = arith.addi %mul3A_520, %add3A_550 : vector<16xi32>
      tpu.vector_store_idx %arg13[%add3A_551, %div3A_523], %gather3A_548 : memref<160x128xf32, #tpu.memory_space<vmem>>[vector<16xi32>, vector<16xi32>], vector<16xf32>,
      %add3A_552 = arith.constant 4 : i32
      %add3A_553 = vector.broadcast %add3A_552 : i32 to vector<16xi32>
      %add3A_554 = arith.addi %mul3A_509, %add3A_553 : vector<16xi32>
      %gather3A_555 = tpu.vector_load_idx %arg11[%add3A_512, %add3A_554] : memref<128x128xf32, #tpu.memory_space<vmem>>[vector<16xi32>, vector<16xi32>], vector<16xf32>,
      %add3A_556 = arith.constant 4 : i32
      %add3A_557 = vector.broadcast %add3A_556 : i32 to vector<16xi32>
      %add3A_558 = arith.addi %mul3A_520, %add3A_557 : vector<16xi32>
      tpu.vector_store_idx %arg13[%add3A_558, %div3A_523], %gather3A_555 : memref<160x128xf32, #tpu.memory_space<vmem>>[vector<16xi32>, vector<16xi32>], vector<16xf32>,
      %add3A_559 = arith.constant 5 : i32
      %add3A_560 = vector.broadcast %add3A_559 : i32 to vector<16xi32>
      %add3A_561 = arith.addi %mul3A_509, %add3A_560 : vector<16xi32>
      %gather3A_562 = tpu.vector_load_idx %arg11[%add3A_512, %add3A_561] : memref<128x128xf32, #tpu.memory_space<vmem>>[vector<16xi32>, vector<16xi32>], vector<16xf32>,
      %add3A_563 = arith.constant 5 : i32
      %add3A_564 = vector.broadcast %add3A_563 : i32 to vector<16xi32>
      %add3A_565 = arith.addi %mul3A_520, %add3A_564 : vector<16xi32>
      tpu.vector_store_idx %arg13[%add3A_565, %div3A_523], %gather3A_562 : memref<160x128xf32, #tpu.memory_space<vmem>>[vector<16xi32>, vector<16xi32>], vector<16xf32>,
      %add3A_566 = arith.constant 6 : i32
      %add3A_567 = vector.broadcast %add3A_566 : i32 to vector<16xi32>
      %add3A_568 = arith.addi %mul3A_509, %add3A_567 : vector<16xi32>
      %gather3A_569 = tpu.vector_load_idx %arg11[%add3A_512, %add3A_568] : memref<128x128xf32, #tpu.memory_space<vmem>>[vector<16xi32>, vector<16xi32>], vector<16xf32>,
      %add3A_570 = arith.constant 6 : i32
      %add3A_571 = vector.broadcast %add3A_570 : i32 to vector<16xi32>
      %add3A_572 = arith.addi %mul3A_520, %add3A_571 : vector<16xi32>
      tpu.vector_store_idx %arg13[%add3A_572, %div3A_523], %gather3A_569 : memref<160x128xf32, #tpu.memory_space<vmem>>[vector<16xi32>, vector<16xi32>], vector<16xf32>,
      %add3A_573 = arith.constant 7 : i32
      %add3A_574 = vector.broadcast %add3A_573 : i32 to vector<16xi32>
      %add3A_575 = arith.addi %mul3A_509, %add3A_574 : vector<16xi32>
      %gather3A_576 = tpu.vector_load_idx %arg11[%add3A_512, %add3A_575] : memref<128x128xf32, #tpu.memory_space<vmem>>[vector<16xi32>, vector<16xi32>], vector<16xf32>,
      %add3A_577 = arith.constant 7 : i32
      %add3A_578 = vector.broadcast %add3A_577 : i32 to vector<16xi32>
      %add3A_579 = arith.addi %mul3A_520, %add3A_578 : vector<16xi32>
      tpu.vector_store_idx %arg13[%add3A_579, %div3A_523], %gather3A_576 : memref<160x128xf32, #tpu.memory_space<vmem>>[vector<16xi32>, vector<16xi32>], vector<16xf32>,
      %add3A_580 = arith.constant 8 : i32
      %add3A_581 = vector.broadcast %add3A_580 : i32 to vector<16xi32>
      %add3A_582 = arith.addi %mul3A_509, %add3A_581 : vector<16xi32>
      %gather3A_583 = tpu.vector_load_idx %arg11[%add3A_512, %add3A_582] : memref<128x128xf32, #tpu.memory_space<vmem>>[vector<16xi32>, vector<16xi32>], vector<16xf32>,
      %add3A_584 = arith.constant 8 : i32
      %add3A_585 = vector.broadcast %add3A_584 : i32 to vector<16xi32>
      %add3A_586 = arith.addi %mul3A_520, %add3A_585 : vector<16xi32>
      tpu.vector_store_idx %arg13[%add3A_586, %div3A_523], %gather3A_583 : memref<160x128xf32, #tpu.memory_space<vmem>>[vector<16xi32>, vector<16xi32>], vector<16xf32>,
      %add3A_587 = arith.constant 9 : i32
      %add3A_588 = vector.broadcast %add3A_587 : i32 to vector<16xi32>
      %add3A_589 = arith.addi %mul3A_509, %add3A_588 : vector<16xi32>
      %gather3A_590 = tpu.vector_load_idx %arg11[%add3A_512, %add3A_589] : memref<128x128xf32, #tpu.memory_space<vmem>>[vector<16xi32>, vector<16xi32>], vector<16xf32>,
      %add3A_591 = arith.constant 9 : i32
      %add3A_592 = vector.broadcast %add3A_591 : i32 to vector<16xi32>
      %add3A_593 = arith.addi %mul3A_520, %add3A_592 : vector<16xi32>
      tpu.vector_store_idx %arg13[%add3A_593, %div3A_523], %gather3A_590 : memref<160x128xf32, #tpu.memory_space<vmem>>[vector<16xi32>, vector<16xi32>], vector<16xf32>,
      %add3A_594 = arith.constant 10 : i32
      %add3A_595 = vector.broadcast %add3A_594 : i32 to vector<16xi32>
      %add3A_596 = arith.addi %mul3A_509, %add3A_595 : vector<16xi32>
      %gather3A_597 = tpu.vector_load_idx %arg11[%add3A_512, %add3A_596] : memref<128x128xf32, #tpu.memory_space<vmem>>[vector<16xi32>, vector<16xi32>], vector<16xf32>,
      %add3A_598 = arith.constant 10 : i32
      %add3A_599 = vector.broadcast %add3A_598 : i32 to vector<16xi32>
      %add3A_600 = arith.addi %mul3A_520, %add3A_599 : vector<16xi32>
      tpu.vector_store_idx %arg13[%add3A_600, %div3A_523], %gather3A_597 : memref<160x128xf32, #tpu.memory_space<vmem>>[vector<16xi32>, vector<16xi32>], vector<16xf32>,
      %add3A_601 = arith.constant 11 : i32
      %add3A_602 = vector.broadcast %add3A_601 : i32 to vector<16xi32>
      %add3A_603 = arith.addi %mul3A_509, %add3A_602 : vector<16xi32>
      %gather3A_604 = tpu.vector_load_idx %arg11[%add3A_512, %add3A_603] : memref<128x128xf32, #tpu.memory_space<vmem>>[vector<16xi32>, vector<16xi32>], vector<16xf32>,
      %add3A_605 = arith.constant 11 : i32
      %add3A_606 = vector.broadcast %add3A_605 : i32 to vector<16xi32>
      %add3A_607 = arith.addi %mul3A_520, %add3A_606 : vector<16xi32>
      tpu.vector_store_idx %arg13[%add3A_607, %div3A_523], %gather3A_604 : memref<160x128xf32, #tpu.memory_space<vmem>>[vector<16xi32>, vector<16xi32>], vector<16xf32>,
      %add3A_608 = arith.constant 12 : i32
      %add3A_609 = vector.broadcast %add3A_608 : i32 to vector<16xi32>
      %add3A_610 = arith.addi %mul3A_509, %add3A_609 : vector<16xi32>
      %gather3A_611 = tpu.vector_load_idx %arg11[%add3A_512, %add3A_610] : memref<128x128xf32, #tpu.memory_space<vmem>>[vector<16xi32>, vector<16xi32>], vector<16xf32>,
      %add3A_612 = arith.constant 12 : i32
      %add3A_613 = vector.broadcast %add3A_612 : i32 to vector<16xi32>
      %add3A_614 = arith.addi %mul3A_520, %add3A_613 : vector<16xi32>
      tpu.vector_store_idx %arg13[%add3A_614, %div3A_523], %gather3A_611 : memref<160x128xf32, #tpu.memory_space<vmem>>[vector<16xi32>, vector<16xi32>], vector<16xf32>,
      %add3A_615 = arith.constant 13 : i32
      %add3A_616 = vector.broadcast %add3A_615 : i32 to vector<16xi32>
      %add3A_617 = arith.addi %mul3A_509, %add3A_616 : vector<16xi32>
      %gather3A_618 = tpu.vector_load_idx %arg11[%add3A_512, %add3A_617] : memref<128x128xf32, #tpu.memory_space<vmem>>[vector<16xi32>, vector<16xi32>], vector<16xf32>,
      %add3A_619 = arith.constant 13 : i32
      %add3A_620 = vector.broadcast %add3A_619 : i32 to vector<16xi32>
      %add3A_621 = arith.addi %mul3A_520, %add3A_620 : vector<16xi32>
      tpu.vector_store_idx %arg13[%add3A_621, %div3A_523], %gather3A_618 : memref<160x128xf32, #tpu.memory_space<vmem>>[vector<16xi32>, vector<16xi32>], vector<16xf32>,
      %add3A_622 = arith.constant 14 : i32
      %add3A_623 = vector.broadcast %add3A_622 : i32 to vector<16xi32>
      %add3A_624 = arith.addi %mul3A_509, %add3A_623 : vector<16xi32>
      %gather3A_625 = tpu.vector_load_idx %arg11[%add3A_512, %add3A_624] : memref<128x128xf32, #tpu.memory_space<vmem>>[vector<16xi32>, vector<16xi32>], vector<16xf32>,
      %add3A_626 = arith.constant 14 : i32
      %add3A_627 = vector.broadcast %add3A_626 : i32 to vector<16xi32>
      %add3A_628 = arith.addi %mul3A_520, %add3A_627 : vector<16xi32>
      tpu.vector_store_idx %arg13[%add3A_628, %div3A_523], %gather3A_625 : memref<160x128xf32, #tpu.memory_space<vmem>>[vector<16xi32>, vector<16xi32>], vector<16xf32>,
      %add3A_629 = arith.constant 15 : i32
      %add3A_630 = vector.broadcast %add3A_629 : i32 to vector<16xi32>
      %add3A_631 = arith.addi %mul3A_509, %add3A_630 : vector<16xi32>
      %gather3A_632 = tpu.vector_load_idx %arg11[%add3A_512, %add3A_631] : memref<128x128xf32, #tpu.memory_space<vmem>>[vector<16xi32>, vector<16xi32>], vector<16xf32>,
      %add3A_633 = arith.constant 15 : i32
      %add3A_634 = vector.broadcast %add3A_633 : i32 to vector<16xi32>
      %add3A_635 = arith.addi %mul3A_520, %add3A_634 : vector<16xi32>
      tpu.vector_store_idx %arg13[%add3A_635, %div3A_523], %gather3A_632 : memref<160x128xf32, #tpu.memory_space<vmem>>[vector<16xi32>, vector<16xi32>], vector<16xf32>,
      %add3A_636 = arith.constant 64 : i32
      %add3A_637 = arith.addi %mul3A_22, %add3A_636 : i32
      %get3A_638 = arith.index_cast %add3A_637 : i32 to index
      %get3A_639 = tpu.vector_load %arg9[%get3A_638] {strides = array<i32>} : memref<1280xi32, #tpu.memory_space<vmem>>, vector<16xi32>,
      %and3A_640 = arith.constant 7 : i32
      %and3A_641 = vector.broadcast %and3A_640 : i32 to vector<16xi32>
      %and3A_642 = arith.andi %get3A_639, %and3A_641 : vector<16xi32>
      %mul3A_643 = arith.constant 16 : i32
      %mul3A_644 = vector.broadcast %mul3A_643 : i32 to vector<16xi32>
      %mul3A_645 = arith.muli %and3A_642, %mul3A_644 : vector<16xi32>
      %add3A_646 = arith.constant 64 : i32
      %add3A_647 = vector.broadcast %add3A_646 : i32 to vector<16xi32>
      %add3A_648 = arith.addi %iota3A, %add3A_647 : vector<16xi32>
      %add3A_649 = vector.broadcast %mul3A_22 : i32 to vector<16xi32>
      %add3A_650 = arith.addi %add3A_648, %add3A_649 : vector<16xi32>
      %rem3A_651 = arith.constant 10 : i32
      %rem3A_652 = vector.broadcast %rem3A_651 : i32 to vector<16xi32>
      %rem3A_653 = arith.remsi %add3A_650, %rem3A_652 : vector<16xi32>
      %mul3A_654 = arith.constant 16 : i32
      %mul3A_655 = vector.broadcast %mul3A_654 : i32 to vector<16xi32>
      %mul3A_656 = arith.muli %rem3A_653, %mul3A_655 : vector<16xi32>
      %div3A_657 = arith.constant 10 : i32
      %div3A_658 = vector.broadcast %div3A_657 : i32 to vector<16xi32>
      %div3A_659 = arith.divsi %add3A_650, %div3A_658 : vector<16xi32>
      %add3A_660 = arith.constant 0 : i32
      %add3A_661 = vector.broadcast %add3A_660 : i32 to vector<16xi32>
      %add3A_662 = arith.addi %mul3A_645, %add3A_661 : vector<16xi32>
      %gather3A_663 = tpu.vector_load_idx %arg11[%add3A_648, %add3A_662] : memref<128x128xf32, #tpu.memory_space<vmem>>[vector<16xi32>, vector<16xi32>], vector<16xf32>,
      %add3A_664 = arith.constant 0 : i32
      %add3A_665 = vector.broadcast %add3A_664 : i32 to vector<16xi32>
      %add3A_666 = arith.addi %mul3A_656, %add3A_665 : vector<16xi32>
      tpu.vector_store_idx %arg13[%add3A_666, %div3A_659], %gather3A_663 : memref<160x128xf32, #tpu.memory_space<vmem>>[vector<16xi32>, vector<16xi32>], vector<16xf32>,
      %add3A_667 = arith.constant 1 : i32
      %add3A_668 = vector.broadcast %add3A_667 : i32 to vector<16xi32>
      %add3A_669 = arith.addi %mul3A_645, %add3A_668 : vector<16xi32>
      %gather3A_670 = tpu.vector_load_idx %arg11[%add3A_648, %add3A_669] : memref<128x128xf32, #tpu.memory_space<vmem>>[vector<16xi32>, vector<16xi32>], vector<16xf32>,
      %add3A_671 = arith.constant 1 : i32
      %add3A_672 = vector.broadcast %add3A_671 : i32 to vector<16xi32>
      %add3A_673 = arith.addi %mul3A_656, %add3A_672 : vector<16xi32>
      tpu.vector_store_idx %arg13[%add3A_673, %div3A_659], %gather3A_670 : memref<160x128xf32, #tpu.memory_space<vmem>>[vector<16xi32>, vector<16xi32>], vector<16xf32>,
      %add3A_674 = arith.constant 2 : i32
      %add3A_675 = vector.broadcast %add3A_674 : i32 to vector<16xi32>
      %add3A_676 = arith.addi %mul3A_645, %add3A_675 : vector<16xi32>
      %gather3A_677 = tpu.vector_load_idx %arg11[%add3A_648, %add3A_676] : memref<128x128xf32, #tpu.memory_space<vmem>>[vector<16xi32>, vector<16xi32>], vector<16xf32>,
      %add3A_678 = arith.constant 2 : i32
      %add3A_679 = vector.broadcast %add3A_678 : i32 to vector<16xi32>
      %add3A_680 = arith.addi %mul3A_656, %add3A_679 : vector<16xi32>
      tpu.vector_store_idx %arg13[%add3A_680, %div3A_659], %gather3A_677 : memref<160x128xf32, #tpu.memory_space<vmem>>[vector<16xi32>, vector<16xi32>], vector<16xf32>,
      %add3A_681 = arith.constant 3 : i32
      %add3A_682 = vector.broadcast %add3A_681 : i32 to vector<16xi32>
      %add3A_683 = arith.addi %mul3A_645, %add3A_682 : vector<16xi32>
      %gather3A_684 = tpu.vector_load_idx %arg11[%add3A_648, %add3A_683] : memref<128x128xf32, #tpu.memory_space<vmem>>[vector<16xi32>, vector<16xi32>], vector<16xf32>,
      %add3A_685 = arith.constant 3 : i32
      %add3A_686 = vector.broadcast %add3A_685 : i32 to vector<16xi32>
      %add3A_687 = arith.addi %mul3A_656, %add3A_686 : vector<16xi32>
      tpu.vector_store_idx %arg13[%add3A_687, %div3A_659], %gather3A_684 : memref<160x128xf32, #tpu.memory_space<vmem>>[vector<16xi32>, vector<16xi32>], vector<16xf32>,
      %add3A_688 = arith.constant 4 : i32
      %add3A_689 = vector.broadcast %add3A_688 : i32 to vector<16xi32>
      %add3A_690 = arith.addi %mul3A_645, %add3A_689 : vector<16xi32>
      %gather3A_691 = tpu.vector_load_idx %arg11[%add3A_648, %add3A_690] : memref<128x128xf32, #tpu.memory_space<vmem>>[vector<16xi32>, vector<16xi32>], vector<16xf32>,
      %add3A_692 = arith.constant 4 : i32
      %add3A_693 = vector.broadcast %add3A_692 : i32 to vector<16xi32>
      %add3A_694 = arith.addi %mul3A_656, %add3A_693 : vector<16xi32>
      tpu.vector_store_idx %arg13[%add3A_694, %div3A_659], %gather3A_691 : memref<160x128xf32, #tpu.memory_space<vmem>>[vector<16xi32>, vector<16xi32>], vector<16xf32>,
      %add3A_695 = arith.constant 5 : i32
      %add3A_696 = vector.broadcast %add3A_695 : i32 to vector<16xi32>
      %add3A_697 = arith.addi %mul3A_645, %add3A_696 : vector<16xi32>
      %gather3A_698 = tpu.vector_load_idx %arg11[%add3A_648, %add3A_697] : memref<128x128xf32, #tpu.memory_space<vmem>>[vector<16xi32>, vector<16xi32>], vector<16xf32>,
      %add3A_699 = arith.constant 5 : i32
      %add3A_700 = vector.broadcast %add3A_699 : i32 to vector<16xi32>
      %add3A_701 = arith.addi %mul3A_656, %add3A_700 : vector<16xi32>
      tpu.vector_store_idx %arg13[%add3A_701, %div3A_659], %gather3A_698 : memref<160x128xf32, #tpu.memory_space<vmem>>[vector<16xi32>, vector<16xi32>], vector<16xf32>,
      %add3A_702 = arith.constant 6 : i32
      %add3A_703 = vector.broadcast %add3A_702 : i32 to vector<16xi32>
      %add3A_704 = arith.addi %mul3A_645, %add3A_703 : vector<16xi32>
      %gather3A_705 = tpu.vector_load_idx %arg11[%add3A_648, %add3A_704] : memref<128x128xf32, #tpu.memory_space<vmem>>[vector<16xi32>, vector<16xi32>], vector<16xf32>,
      %add3A_706 = arith.constant 6 : i32
      %add3A_707 = vector.broadcast %add3A_706 : i32 to vector<16xi32>
      %add3A_708 = arith.addi %mul3A_656, %add3A_707 : vector<16xi32>
      tpu.vector_store_idx %arg13[%add3A_708, %div3A_659], %gather3A_705 : memref<160x128xf32, #tpu.memory_space<vmem>>[vector<16xi32>, vector<16xi32>], vector<16xf32>,
      %add3A_709 = arith.constant 7 : i32
      %add3A_710 = vector.broadcast %add3A_709 : i32 to vector<16xi32>
      %add3A_711 = arith.addi %mul3A_645, %add3A_710 : vector<16xi32>
      %gather3A_712 = tpu.vector_load_idx %arg11[%add3A_648, %add3A_711] : memref<128x128xf32, #tpu.memory_space<vmem>>[vector<16xi32>, vector<16xi32>], vector<16xf32>,
      %add3A_713 = arith.constant 7 : i32
      %add3A_714 = vector.broadcast %add3A_713 : i32 to vector<16xi32>
      %add3A_715 = arith.addi %mul3A_656, %add3A_714 : vector<16xi32>
      tpu.vector_store_idx %arg13[%add3A_715, %div3A_659], %gather3A_712 : memref<160x128xf32, #tpu.memory_space<vmem>>[vector<16xi32>, vector<16xi32>], vector<16xf32>,
      %add3A_716 = arith.constant 8 : i32
      %add3A_717 = vector.broadcast %add3A_716 : i32 to vector<16xi32>
      %add3A_718 = arith.addi %mul3A_645, %add3A_717 : vector<16xi32>
      %gather3A_719 = tpu.vector_load_idx %arg11[%add3A_648, %add3A_718] : memref<128x128xf32, #tpu.memory_space<vmem>>[vector<16xi32>, vector<16xi32>], vector<16xf32>,
      %add3A_720 = arith.constant 8 : i32
      %add3A_721 = vector.broadcast %add3A_720 : i32 to vector<16xi32>
      %add3A_722 = arith.addi %mul3A_656, %add3A_721 : vector<16xi32>
      tpu.vector_store_idx %arg13[%add3A_722, %div3A_659], %gather3A_719 : memref<160x128xf32, #tpu.memory_space<vmem>>[vector<16xi32>, vector<16xi32>], vector<16xf32>,
      %add3A_723 = arith.constant 9 : i32
      %add3A_724 = vector.broadcast %add3A_723 : i32 to vector<16xi32>
      %add3A_725 = arith.addi %mul3A_645, %add3A_724 : vector<16xi32>
      %gather3A_726 = tpu.vector_load_idx %arg11[%add3A_648, %add3A_725] : memref<128x128xf32, #tpu.memory_space<vmem>>[vector<16xi32>, vector<16xi32>], vector<16xf32>,
      %add3A_727 = arith.constant 9 : i32
      %add3A_728 = vector.broadcast %add3A_727 : i32 to vector<16xi32>
      %add3A_729 = arith.addi %mul3A_656, %add3A_728 : vector<16xi32>
      tpu.vector_store_idx %arg13[%add3A_729, %div3A_659], %gather3A_726 : memref<160x128xf32, #tpu.memory_space<vmem>>[vector<16xi32>, vector<16xi32>], vector<16xf32>,
      %add3A_730 = arith.constant 10 : i32
      %add3A_731 = vector.broadcast %add3A_730 : i32 to vector<16xi32>
      %add3A_732 = arith.addi %mul3A_645, %add3A_731 : vector<16xi32>
      %gather3A_733 = tpu.vector_load_idx %arg11[%add3A_648, %add3A_732] : memref<128x128xf32, #tpu.memory_space<vmem>>[vector<16xi32>, vector<16xi32>], vector<16xf32>,
      %add3A_734 = arith.constant 10 : i32
      %add3A_735 = vector.broadcast %add3A_734 : i32 to vector<16xi32>
      %add3A_736 = arith.addi %mul3A_656, %add3A_735 : vector<16xi32>
      tpu.vector_store_idx %arg13[%add3A_736, %div3A_659], %gather3A_733 : memref<160x128xf32, #tpu.memory_space<vmem>>[vector<16xi32>, vector<16xi32>], vector<16xf32>,
      %add3A_737 = arith.constant 11 : i32
      %add3A_738 = vector.broadcast %add3A_737 : i32 to vector<16xi32>
      %add3A_739 = arith.addi %mul3A_645, %add3A_738 : vector<16xi32>
      %gather3A_740 = tpu.vector_load_idx %arg11[%add3A_648, %add3A_739] : memref<128x128xf32, #tpu.memory_space<vmem>>[vector<16xi32>, vector<16xi32>], vector<16xf32>,
      %add3A_741 = arith.constant 11 : i32
      %add3A_742 = vector.broadcast %add3A_741 : i32 to vector<16xi32>
      %add3A_743 = arith.addi %mul3A_656, %add3A_742 : vector<16xi32>
      tpu.vector_store_idx %arg13[%add3A_743, %div3A_659], %gather3A_740 : memref<160x128xf32, #tpu.memory_space<vmem>>[vector<16xi32>, vector<16xi32>], vector<16xf32>,
      %add3A_744 = arith.constant 12 : i32
      %add3A_745 = vector.broadcast %add3A_744 : i32 to vector<16xi32>
      %add3A_746 = arith.addi %mul3A_645, %add3A_745 : vector<16xi32>
      %gather3A_747 = tpu.vector_load_idx %arg11[%add3A_648, %add3A_746] : memref<128x128xf32, #tpu.memory_space<vmem>>[vector<16xi32>, vector<16xi32>], vector<16xf32>,
      %add3A_748 = arith.constant 12 : i32
      %add3A_749 = vector.broadcast %add3A_748 : i32 to vector<16xi32>
      %add3A_750 = arith.addi %mul3A_656, %add3A_749 : vector<16xi32>
      tpu.vector_store_idx %arg13[%add3A_750, %div3A_659], %gather3A_747 : memref<160x128xf32, #tpu.memory_space<vmem>>[vector<16xi32>, vector<16xi32>], vector<16xf32>,
      %add3A_751 = arith.constant 13 : i32
      %add3A_752 = vector.broadcast %add3A_751 : i32 to vector<16xi32>
      %add3A_753 = arith.addi %mul3A_645, %add3A_752 : vector<16xi32>
      %gather3A_754 = tpu.vector_load_idx %arg11[%add3A_648, %add3A_753] : memref<128x128xf32, #tpu.memory_space<vmem>>[vector<16xi32>, vector<16xi32>], vector<16xf32>,
      %add3A_755 = arith.constant 13 : i32
      %add3A_756 = vector.broadcast %add3A_755 : i32 to vector<16xi32>
      %add3A_757 = arith.addi %mul3A_656, %add3A_756 : vector<16xi32>
      tpu.vector_store_idx %arg13[%add3A_757, %div3A_659], %gather3A_754 : memref<160x128xf32, #tpu.memory_space<vmem>>[vector<16xi32>, vector<16xi32>], vector<16xf32>,
      %add3A_758 = arith.constant 14 : i32
      %add3A_759 = vector.broadcast %add3A_758 : i32 to vector<16xi32>
      %add3A_760 = arith.addi %mul3A_645, %add3A_759 : vector<16xi32>
      %gather3A_761 = tpu.vector_load_idx %arg11[%add3A_648, %add3A_760] : memref<128x128xf32, #tpu.memory_space<vmem>>[vector<16xi32>, vector<16xi32>], vector<16xf32>,
      %add3A_762 = arith.constant 14 : i32
      %add3A_763 = vector.broadcast %add3A_762 : i32 to vector<16xi32>
      %add3A_764 = arith.addi %mul3A_656, %add3A_763 : vector<16xi32>
      tpu.vector_store_idx %arg13[%add3A_764, %div3A_659], %gather3A_761 : memref<160x128xf32, #tpu.memory_space<vmem>>[vector<16xi32>, vector<16xi32>], vector<16xf32>,
      %add3A_765 = arith.constant 15 : i32
      %add3A_766 = vector.broadcast %add3A_765 : i32 to vector<16xi32>
      %add3A_767 = arith.addi %mul3A_645, %add3A_766 : vector<16xi32>
      %gather3A_768 = tpu.vector_load_idx %arg11[%add3A_648, %add3A_767] : memref<128x128xf32, #tpu.memory_space<vmem>>[vector<16xi32>, vector<16xi32>], vector<16xf32>,
      %add3A_769 = arith.constant 15 : i32
      %add3A_770 = vector.broadcast %add3A_769 : i32 to vector<16xi32>
      %add3A_771 = arith.addi %mul3A_656, %add3A_770 : vector<16xi32>
      tpu.vector_store_idx %arg13[%add3A_771, %div3A_659], %gather3A_768 : memref<160x128xf32, #tpu.memory_space<vmem>>[vector<16xi32>, vector<16xi32>], vector<16xf32>,
      %add3A_772 = arith.constant 80 : i32
      %add3A_773 = arith.addi %mul3A_22, %add3A_772 : i32
      %get3A_774 = arith.index_cast %add3A_773 : i32 to index
      %get3A_775 = tpu.vector_load %arg9[%get3A_774] {strides = array<i32>} : memref<1280xi32, #tpu.memory_space<vmem>>, vector<16xi32>,
      %and3A_776 = arith.constant 7 : i32
      %and3A_777 = vector.broadcast %and3A_776 : i32 to vector<16xi32>
      %and3A_778 = arith.andi %get3A_775, %and3A_777 : vector<16xi32>
      %mul3A_779 = arith.constant 16 : i32
      %mul3A_780 = vector.broadcast %mul3A_779 : i32 to vector<16xi32>
      %mul3A_781 = arith.muli %and3A_778, %mul3A_780 : vector<16xi32>
      %add3A_782 = arith.constant 80 : i32
      %add3A_783 = vector.broadcast %add3A_782 : i32 to vector<16xi32>
      %add3A_784 = arith.addi %iota3A, %add3A_783 : vector<16xi32>
      %add3A_785 = vector.broadcast %mul3A_22 : i32 to vector<16xi32>
      %add3A_786 = arith.addi %add3A_784, %add3A_785 : vector<16xi32>
      %rem3A_787 = arith.constant 10 : i32
      %rem3A_788 = vector.broadcast %rem3A_787 : i32 to vector<16xi32>
      %rem3A_789 = arith.remsi %add3A_786, %rem3A_788 : vector<16xi32>
      %mul3A_790 = arith.constant 16 : i32
      %mul3A_791 = vector.broadcast %mul3A_790 : i32 to vector<16xi32>
      %mul3A_792 = arith.muli %rem3A_789, %mul3A_791 : vector<16xi32>
      %div3A_793 = arith.constant 10 : i32
      %div3A_794 = vector.broadcast %div3A_793 : i32 to vector<16xi32>
      %div3A_795 = arith.divsi %add3A_786, %div3A_794 : vector<16xi32>
      %add3A_796 = arith.constant 0 : i32
      %add3A_797 = vector.broadcast %add3A_796 : i32 to vector<16xi32>
      %add3A_798 = arith.addi %mul3A_781, %add3A_797 : vector<16xi32>
      %gather3A_799 = tpu.vector_load_idx %arg11[%add3A_784, %add3A_798] : memref<128x128xf32, #tpu.memory_space<vmem>>[vector<16xi32>, vector<16xi32>], vector<16xf32>,
      %add3A_800 = arith.constant 0 : i32
      %add3A_801 = vector.broadcast %add3A_800 : i32 to vector<16xi32>
      %add3A_802 = arith.addi %mul3A_792, %add3A_801 : vector<16xi32>
      tpu.vector_store_idx %arg13[%add3A_802, %div3A_795], %gather3A_799 : memref<160x128xf32, #tpu.memory_space<vmem>>[vector<16xi32>, vector<16xi32>], vector<16xf32>,
      %add3A_803 = arith.constant 1 : i32
      %add3A_804 = vector.broadcast %add3A_803 : i32 to vector<16xi32>
      %add3A_805 = arith.addi %mul3A_781, %add3A_804 : vector<16xi32>
      %gather3A_806 = tpu.vector_load_idx %arg11[%add3A_784, %add3A_805] : memref<128x128xf32, #tpu.memory_space<vmem>>[vector<16xi32>, vector<16xi32>], vector<16xf32>,
      %add3A_807 = arith.constant 1 : i32
      %add3A_808 = vector.broadcast %add3A_807 : i32 to vector<16xi32>
      %add3A_809 = arith.addi %mul3A_792, %add3A_808 : vector<16xi32>
      tpu.vector_store_idx %arg13[%add3A_809, %div3A_795], %gather3A_806 : memref<160x128xf32, #tpu.memory_space<vmem>>[vector<16xi32>, vector<16xi32>], vector<16xf32>,
      %add3A_810 = arith.constant 2 : i32
      %add3A_811 = vector.broadcast %add3A_810 : i32 to vector<16xi32>
      %add3A_812 = arith.addi %mul3A_781, %add3A_811 : vector<16xi32>
      %gather3A_813 = tpu.vector_load_idx %arg11[%add3A_784, %add3A_812] : memref<128x128xf32, #tpu.memory_space<vmem>>[vector<16xi32>, vector<16xi32>], vector<16xf32>,
      %add3A_814 = arith.constant 2 : i32
      %add3A_815 = vector.broadcast %add3A_814 : i32 to vector<16xi32>
      %add3A_816 = arith.addi %mul3A_792, %add3A_815 : vector<16xi32>
      tpu.vector_store_idx %arg13[%add3A_816, %div3A_795], %gather3A_813 : memref<160x128xf32, #tpu.memory_space<vmem>>[vector<16xi32>, vector<16xi32>], vector<16xf32>,
      %add3A_817 = arith.constant 3 : i32
      %add3A_818 = vector.broadcast %add3A_817 : i32 to vector<16xi32>
      %add3A_819 = arith.addi %mul3A_781, %add3A_818 : vector<16xi32>
      %gather3A_820 = tpu.vector_load_idx %arg11[%add3A_784, %add3A_819] : memref<128x128xf32, #tpu.memory_space<vmem>>[vector<16xi32>, vector<16xi32>], vector<16xf32>,
      %add3A_821 = arith.constant 3 : i32
      %add3A_822 = vector.broadcast %add3A_821 : i32 to vector<16xi32>
      %add3A_823 = arith.addi %mul3A_792, %add3A_822 : vector<16xi32>
      tpu.vector_store_idx %arg13[%add3A_823, %div3A_795], %gather3A_820 : memref<160x128xf32, #tpu.memory_space<vmem>>[vector<16xi32>, vector<16xi32>], vector<16xf32>,
      %add3A_824 = arith.constant 4 : i32
      %add3A_825 = vector.broadcast %add3A_824 : i32 to vector<16xi32>
      %add3A_826 = arith.addi %mul3A_781, %add3A_825 : vector<16xi32>
      %gather3A_827 = tpu.vector_load_idx %arg11[%add3A_784, %add3A_826] : memref<128x128xf32, #tpu.memory_space<vmem>>[vector<16xi32>, vector<16xi32>], vector<16xf32>,
      %add3A_828 = arith.constant 4 : i32
      %add3A_829 = vector.broadcast %add3A_828 : i32 to vector<16xi32>
      %add3A_830 = arith.addi %mul3A_792, %add3A_829 : vector<16xi32>
      tpu.vector_store_idx %arg13[%add3A_830, %div3A_795], %gather3A_827 : memref<160x128xf32, #tpu.memory_space<vmem>>[vector<16xi32>, vector<16xi32>], vector<16xf32>,
      %add3A_831 = arith.constant 5 : i32
      %add3A_832 = vector.broadcast %add3A_831 : i32 to vector<16xi32>
      %add3A_833 = arith.addi %mul3A_781, %add3A_832 : vector<16xi32>
      %gather3A_834 = tpu.vector_load_idx %arg11[%add3A_784, %add3A_833] : memref<128x128xf32, #tpu.memory_space<vmem>>[vector<16xi32>, vector<16xi32>], vector<16xf32>,
      %add3A_835 = arith.constant 5 : i32
      %add3A_836 = vector.broadcast %add3A_835 : i32 to vector<16xi32>
      %add3A_837 = arith.addi %mul3A_792, %add3A_836 : vector<16xi32>
      tpu.vector_store_idx %arg13[%add3A_837, %div3A_795], %gather3A_834 : memref<160x128xf32, #tpu.memory_space<vmem>>[vector<16xi32>, vector<16xi32>], vector<16xf32>,
      %add3A_838 = arith.constant 6 : i32
      %add3A_839 = vector.broadcast %add3A_838 : i32 to vector<16xi32>
      %add3A_840 = arith.addi %mul3A_781, %add3A_839 : vector<16xi32>
      %gather3A_841 = tpu.vector_load_idx %arg11[%add3A_784, %add3A_840] : memref<128x128xf32, #tpu.memory_space<vmem>>[vector<16xi32>, vector<16xi32>], vector<16xf32>,
      %add3A_842 = arith.constant 6 : i32
      %add3A_843 = vector.broadcast %add3A_842 : i32 to vector<16xi32>
      %add3A_844 = arith.addi %mul3A_792, %add3A_843 : vector<16xi32>
      tpu.vector_store_idx %arg13[%add3A_844, %div3A_795], %gather3A_841 : memref<160x128xf32, #tpu.memory_space<vmem>>[vector<16xi32>, vector<16xi32>], vector<16xf32>,
      %add3A_845 = arith.constant 7 : i32
      %add3A_846 = vector.broadcast %add3A_845 : i32 to vector<16xi32>
      %add3A_847 = arith.addi %mul3A_781, %add3A_846 : vector<16xi32>
      %gather3A_848 = tpu.vector_load_idx %arg11[%add3A_784, %add3A_847] : memref<128x128xf32, #tpu.memory_space<vmem>>[vector<16xi32>, vector<16xi32>], vector<16xf32>,
      %add3A_849 = arith.constant 7 : i32
      %add3A_850 = vector.broadcast %add3A_849 : i32 to vector<16xi32>
      %add3A_851 = arith.addi %mul3A_792, %add3A_850 : vector<16xi32>
      tpu.vector_store_idx %arg13[%add3A_851, %div3A_795], %gather3A_848 : memref<160x128xf32, #tpu.memory_space<vmem>>[vector<16xi32>, vector<16xi32>], vector<16xf32>,
      %add3A_852 = arith.constant 8 : i32
      %add3A_853 = vector.broadcast %add3A_852 : i32 to vector<16xi32>
      %add3A_854 = arith.addi %mul3A_781, %add3A_853 : vector<16xi32>
      %gather3A_855 = tpu.vector_load_idx %arg11[%add3A_784, %add3A_854] : memref<128x128xf32, #tpu.memory_space<vmem>>[vector<16xi32>, vector<16xi32>], vector<16xf32>,
      %add3A_856 = arith.constant 8 : i32
      %add3A_857 = vector.broadcast %add3A_856 : i32 to vector<16xi32>
      %add3A_858 = arith.addi %mul3A_792, %add3A_857 : vector<16xi32>
      tpu.vector_store_idx %arg13[%add3A_858, %div3A_795], %gather3A_855 : memref<160x128xf32, #tpu.memory_space<vmem>>[vector<16xi32>, vector<16xi32>], vector<16xf32>,
      %add3A_859 = arith.constant 9 : i32
      %add3A_860 = vector.broadcast %add3A_859 : i32 to vector<16xi32>
      %add3A_861 = arith.addi %mul3A_781, %add3A_860 : vector<16xi32>
      %gather3A_862 = tpu.vector_load_idx %arg11[%add3A_784, %add3A_861] : memref<128x128xf32, #tpu.memory_space<vmem>>[vector<16xi32>, vector<16xi32>], vector<16xf32>,
      %add3A_863 = arith.constant 9 : i32
      %add3A_864 = vector.broadcast %add3A_863 : i32 to vector<16xi32>
      %add3A_865 = arith.addi %mul3A_792, %add3A_864 : vector<16xi32>
      tpu.vector_store_idx %arg13[%add3A_865, %div3A_795], %gather3A_862 : memref<160x128xf32, #tpu.memory_space<vmem>>[vector<16xi32>, vector<16xi32>], vector<16xf32>,
      %add3A_866 = arith.constant 10 : i32
      %add3A_867 = vector.broadcast %add3A_866 : i32 to vector<16xi32>
      %add3A_868 = arith.addi %mul3A_781, %add3A_867 : vector<16xi32>
      %gather3A_869 = tpu.vector_load_idx %arg11[%add3A_784, %add3A_868] : memref<128x128xf32, #tpu.memory_space<vmem>>[vector<16xi32>, vector<16xi32>], vector<16xf32>,
      %add3A_870 = arith.constant 10 : i32
      %add3A_871 = vector.broadcast %add3A_870 : i32 to vector<16xi32>
      %add3A_872 = arith.addi %mul3A_792, %add3A_871 : vector<16xi32>
      tpu.vector_store_idx %arg13[%add3A_872, %div3A_795], %gather3A_869 : memref<160x128xf32, #tpu.memory_space<vmem>>[vector<16xi32>, vector<16xi32>], vector<16xf32>,
      %add3A_873 = arith.constant 11 : i32
      %add3A_874 = vector.broadcast %add3A_873 : i32 to vector<16xi32>
      %add3A_875 = arith.addi %mul3A_781, %add3A_874 : vector<16xi32>
      %gather3A_876 = tpu.vector_load_idx %arg11[%add3A_784, %add3A_875] : memref<128x128xf32, #tpu.memory_space<vmem>>[vector<16xi32>, vector<16xi32>], vector<16xf32>,
      %add3A_877 = arith.constant 11 : i32
      %add3A_878 = vector.broadcast %add3A_877 : i32 to vector<16xi32>
      %add3A_879 = arith.addi %mul3A_792, %add3A_878 : vector<16xi32>
      tpu.vector_store_idx %arg13[%add3A_879, %div3A_795], %gather3A_876 : memref<160x128xf32, #tpu.memory_space<vmem>>[vector<16xi32>, vector<16xi32>], vector<16xf32>,
      %add3A_880 = arith.constant 12 : i32
      %add3A_881 = vector.broadcast %add3A_880 : i32 to vector<16xi32>
      %add3A_882 = arith.addi %mul3A_781, %add3A_881 : vector<16xi32>
      %gather3A_883 = tpu.vector_load_idx %arg11[%add3A_784, %add3A_882] : memref<128x128xf32, #tpu.memory_space<vmem>>[vector<16xi32>, vector<16xi32>], vector<16xf32>,
      %add3A_884 = arith.constant 12 : i32
      %add3A_885 = vector.broadcast %add3A_884 : i32 to vector<16xi32>
      %add3A_886 = arith.addi %mul3A_792, %add3A_885 : vector<16xi32>
      tpu.vector_store_idx %arg13[%add3A_886, %div3A_795], %gather3A_883 : memref<160x128xf32, #tpu.memory_space<vmem>>[vector<16xi32>, vector<16xi32>], vector<16xf32>,
      %add3A_887 = arith.constant 13 : i32
      %add3A_888 = vector.broadcast %add3A_887 : i32 to vector<16xi32>
      %add3A_889 = arith.addi %mul3A_781, %add3A_888 : vector<16xi32>
      %gather3A_890 = tpu.vector_load_idx %arg11[%add3A_784, %add3A_889] : memref<128x128xf32, #tpu.memory_space<vmem>>[vector<16xi32>, vector<16xi32>], vector<16xf32>,
      %add3A_891 = arith.constant 13 : i32
      %add3A_892 = vector.broadcast %add3A_891 : i32 to vector<16xi32>
      %add3A_893 = arith.addi %mul3A_792, %add3A_892 : vector<16xi32>
      tpu.vector_store_idx %arg13[%add3A_893, %div3A_795], %gather3A_890 : memref<160x128xf32, #tpu.memory_space<vmem>>[vector<16xi32>, vector<16xi32>], vector<16xf32>,
      %add3A_894 = arith.constant 14 : i32
      %add3A_895 = vector.broadcast %add3A_894 : i32 to vector<16xi32>
      %add3A_896 = arith.addi %mul3A_781, %add3A_895 : vector<16xi32>
      %gather3A_897 = tpu.vector_load_idx %arg11[%add3A_784, %add3A_896] : memref<128x128xf32, #tpu.memory_space<vmem>>[vector<16xi32>, vector<16xi32>], vector<16xf32>,
      %add3A_898 = arith.constant 14 : i32
      %add3A_899 = vector.broadcast %add3A_898 : i32 to vector<16xi32>
      %add3A_900 = arith.addi %mul3A_792, %add3A_899 : vector<16xi32>
      tpu.vector_store_idx %arg13[%add3A_900, %div3A_795], %gather3A_897 : memref<160x128xf32, #tpu.memory_space<vmem>>[vector<16xi32>, vector<16xi32>], vector<16xf32>,
      %add3A_901 = arith.constant 15 : i32
      %add3A_902 = vector.broadcast %add3A_901 : i32 to vector<16xi32>
      %add3A_903 = arith.addi %mul3A_781, %add3A_902 : vector<16xi32>
      %gather3A_904 = tpu.vector_load_idx %arg11[%add3A_784, %add3A_903] : memref<128x128xf32, #tpu.memory_space<vmem>>[vector<16xi32>, vector<16xi32>], vector<16xf32>,
      %add3A_905 = arith.constant 15 : i32
      %add3A_906 = vector.broadcast %add3A_905 : i32 to vector<16xi32>
      %add3A_907 = arith.addi %mul3A_792, %add3A_906 : vector<16xi32>
      tpu.vector_store_idx %arg13[%add3A_907, %div3A_795], %gather3A_904 : memref<160x128xf32, #tpu.memory_space<vmem>>[vector<16xi32>, vector<16xi32>], vector<16xf32>,
      %add3A_908 = arith.constant 96 : i32
      %add3A_909 = arith.addi %mul3A_22, %add3A_908 : i32
      %get3A_910 = arith.index_cast %add3A_909 : i32 to index
      %get3A_911 = tpu.vector_load %arg9[%get3A_910] {strides = array<i32>} : memref<1280xi32, #tpu.memory_space<vmem>>, vector<16xi32>,
      %and3A_912 = arith.constant 7 : i32
      %and3A_913 = vector.broadcast %and3A_912 : i32 to vector<16xi32>
      %and3A_914 = arith.andi %get3A_911, %and3A_913 : vector<16xi32>
      %mul3A_915 = arith.constant 16 : i32
      %mul3A_916 = vector.broadcast %mul3A_915 : i32 to vector<16xi32>
      %mul3A_917 = arith.muli %and3A_914, %mul3A_916 : vector<16xi32>
      %add3A_918 = arith.constant 96 : i32
      %add3A_919 = vector.broadcast %add3A_918 : i32 to vector<16xi32>
      %add3A_920 = arith.addi %iota3A, %add3A_919 : vector<16xi32>
      %add3A_921 = vector.broadcast %mul3A_22 : i32 to vector<16xi32>
      %add3A_922 = arith.addi %add3A_920, %add3A_921 : vector<16xi32>
      %rem3A_923 = arith.constant 10 : i32
      %rem3A_924 = vector.broadcast %rem3A_923 : i32 to vector<16xi32>
      %rem3A_925 = arith.remsi %add3A_922, %rem3A_924 : vector<16xi32>
      %mul3A_926 = arith.constant 16 : i32
      %mul3A_927 = vector.broadcast %mul3A_926 : i32 to vector<16xi32>
      %mul3A_928 = arith.muli %rem3A_925, %mul3A_927 : vector<16xi32>
      %div3A_929 = arith.constant 10 : i32
      %div3A_930 = vector.broadcast %div3A_929 : i32 to vector<16xi32>
      %div3A_931 = arith.divsi %add3A_922, %div3A_930 : vector<16xi32>
      %add3A_932 = arith.constant 0 : i32
      %add3A_933 = vector.broadcast %add3A_932 : i32 to vector<16xi32>
      %add3A_934 = arith.addi %mul3A_917, %add3A_933 : vector<16xi32>
      %gather3A_935 = tpu.vector_load_idx %arg11[%add3A_920, %add3A_934] : memref<128x128xf32, #tpu.memory_space<vmem>>[vector<16xi32>, vector<16xi32>], vector<16xf32>,
      %add3A_936 = arith.constant 0 : i32
      %add3A_937 = vector.broadcast %add3A_936 : i32 to vector<16xi32>
      %add3A_938 = arith.addi %mul3A_928, %add3A_937 : vector<16xi32>
      tpu.vector_store_idx %arg13[%add3A_938, %div3A_931], %gather3A_935 : memref<160x128xf32, #tpu.memory_space<vmem>>[vector<16xi32>, vector<16xi32>], vector<16xf32>,
      %add3A_939 = arith.constant 1 : i32
      %add3A_940 = vector.broadcast %add3A_939 : i32 to vector<16xi32>
      %add3A_941 = arith.addi %mul3A_917, %add3A_940 : vector<16xi32>
      %gather3A_942 = tpu.vector_load_idx %arg11[%add3A_920, %add3A_941] : memref<128x128xf32, #tpu.memory_space<vmem>>[vector<16xi32>, vector<16xi32>], vector<16xf32>,
      %add3A_943 = arith.constant 1 : i32
      %add3A_944 = vector.broadcast %add3A_943 : i32 to vector<16xi32>
      %add3A_945 = arith.addi %mul3A_928, %add3A_944 : vector<16xi32>
      tpu.vector_store_idx %arg13[%add3A_945, %div3A_931], %gather3A_942 : memref<160x128xf32, #tpu.memory_space<vmem>>[vector<16xi32>, vector<16xi32>], vector<16xf32>,
      %add3A_946 = arith.constant 2 : i32
      %add3A_947 = vector.broadcast %add3A_946 : i32 to vector<16xi32>
      %add3A_948 = arith.addi %mul3A_917, %add3A_947 : vector<16xi32>
      %gather3A_949 = tpu.vector_load_idx %arg11[%add3A_920, %add3A_948] : memref<128x128xf32, #tpu.memory_space<vmem>>[vector<16xi32>, vector<16xi32>], vector<16xf32>,
      %add3A_950 = arith.constant 2 : i32
      %add3A_951 = vector.broadcast %add3A_950 : i32 to vector<16xi32>
      %add3A_952 = arith.addi %mul3A_928, %add3A_951 : vector<16xi32>
      tpu.vector_store_idx %arg13[%add3A_952, %div3A_931], %gather3A_949 : memref<160x128xf32, #tpu.memory_space<vmem>>[vector<16xi32>, vector<16xi32>], vector<16xf32>,
      %add3A_953 = arith.constant 3 : i32
      %add3A_954 = vector.broadcast %add3A_953 : i32 to vector<16xi32>
      %add3A_955 = arith.addi %mul3A_917, %add3A_954 : vector<16xi32>
      %gather3A_956 = tpu.vector_load_idx %arg11[%add3A_920, %add3A_955] : memref<128x128xf32, #tpu.memory_space<vmem>>[vector<16xi32>, vector<16xi32>], vector<16xf32>,
      %add3A_957 = arith.constant 3 : i32
      %add3A_958 = vector.broadcast %add3A_957 : i32 to vector<16xi32>
      %add3A_959 = arith.addi %mul3A_928, %add3A_958 : vector<16xi32>
      tpu.vector_store_idx %arg13[%add3A_959, %div3A_931], %gather3A_956 : memref<160x128xf32, #tpu.memory_space<vmem>>[vector<16xi32>, vector<16xi32>], vector<16xf32>,
      %add3A_960 = arith.constant 4 : i32
      %add3A_961 = vector.broadcast %add3A_960 : i32 to vector<16xi32>
      %add3A_962 = arith.addi %mul3A_917, %add3A_961 : vector<16xi32>
      %gather3A_963 = tpu.vector_load_idx %arg11[%add3A_920, %add3A_962] : memref<128x128xf32, #tpu.memory_space<vmem>>[vector<16xi32>, vector<16xi32>], vector<16xf32>,
      %add3A_964 = arith.constant 4 : i32
      %add3A_965 = vector.broadcast %add3A_964 : i32 to vector<16xi32>
      %add3A_966 = arith.addi %mul3A_928, %add3A_965 : vector<16xi32>
      tpu.vector_store_idx %arg13[%add3A_966, %div3A_931], %gather3A_963 : memref<160x128xf32, #tpu.memory_space<vmem>>[vector<16xi32>, vector<16xi32>], vector<16xf32>,
      %add3A_967 = arith.constant 5 : i32
      %add3A_968 = vector.broadcast %add3A_967 : i32 to vector<16xi32>
      %add3A_969 = arith.addi %mul3A_917, %add3A_968 : vector<16xi32>
      %gather3A_970 = tpu.vector_load_idx %arg11[%add3A_920, %add3A_969] : memref<128x128xf32, #tpu.memory_space<vmem>>[vector<16xi32>, vector<16xi32>], vector<16xf32>,
      %add3A_971 = arith.constant 5 : i32
      %add3A_972 = vector.broadcast %add3A_971 : i32 to vector<16xi32>
      %add3A_973 = arith.addi %mul3A_928, %add3A_972 : vector<16xi32>
      tpu.vector_store_idx %arg13[%add3A_973, %div3A_931], %gather3A_970 : memref<160x128xf32, #tpu.memory_space<vmem>>[vector<16xi32>, vector<16xi32>], vector<16xf32>,
      %add3A_974 = arith.constant 6 : i32
      %add3A_975 = vector.broadcast %add3A_974 : i32 to vector<16xi32>
      %add3A_976 = arith.addi %mul3A_917, %add3A_975 : vector<16xi32>
      %gather3A_977 = tpu.vector_load_idx %arg11[%add3A_920, %add3A_976] : memref<128x128xf32, #tpu.memory_space<vmem>>[vector<16xi32>, vector<16xi32>], vector<16xf32>,
      %add3A_978 = arith.constant 6 : i32
      %add3A_979 = vector.broadcast %add3A_978 : i32 to vector<16xi32>
      %add3A_980 = arith.addi %mul3A_928, %add3A_979 : vector<16xi32>
      tpu.vector_store_idx %arg13[%add3A_980, %div3A_931], %gather3A_977 : memref<160x128xf32, #tpu.memory_space<vmem>>[vector<16xi32>, vector<16xi32>], vector<16xf32>,
      %add3A_981 = arith.constant 7 : i32
      %add3A_982 = vector.broadcast %add3A_981 : i32 to vector<16xi32>
      %add3A_983 = arith.addi %mul3A_917, %add3A_982 : vector<16xi32>
      %gather3A_984 = tpu.vector_load_idx %arg11[%add3A_920, %add3A_983] : memref<128x128xf32, #tpu.memory_space<vmem>>[vector<16xi32>, vector<16xi32>], vector<16xf32>,
      %add3A_985 = arith.constant 7 : i32
      %add3A_986 = vector.broadcast %add3A_985 : i32 to vector<16xi32>
      %add3A_987 = arith.addi %mul3A_928, %add3A_986 : vector<16xi32>
      tpu.vector_store_idx %arg13[%add3A_987, %div3A_931], %gather3A_984 : memref<160x128xf32, #tpu.memory_space<vmem>>[vector<16xi32>, vector<16xi32>], vector<16xf32>,
      %add3A_988 = arith.constant 8 : i32
      %add3A_989 = vector.broadcast %add3A_988 : i32 to vector<16xi32>
      %add3A_990 = arith.addi %mul3A_917, %add3A_989 : vector<16xi32>
      %gather3A_991 = tpu.vector_load_idx %arg11[%add3A_920, %add3A_990] : memref<128x128xf32, #tpu.memory_space<vmem>>[vector<16xi32>, vector<16xi32>], vector<16xf32>,
      %add3A_992 = arith.constant 8 : i32
      %add3A_993 = vector.broadcast %add3A_992 : i32 to vector<16xi32>
      %add3A_994 = arith.addi %mul3A_928, %add3A_993 : vector<16xi32>
      tpu.vector_store_idx %arg13[%add3A_994, %div3A_931], %gather3A_991 : memref<160x128xf32, #tpu.memory_space<vmem>>[vector<16xi32>, vector<16xi32>], vector<16xf32>,
      %add3A_995 = arith.constant 9 : i32
      %add3A_996 = vector.broadcast %add3A_995 : i32 to vector<16xi32>
      %add3A_997 = arith.addi %mul3A_917, %add3A_996 : vector<16xi32>
      %gather3A_998 = tpu.vector_load_idx %arg11[%add3A_920, %add3A_997] : memref<128x128xf32, #tpu.memory_space<vmem>>[vector<16xi32>, vector<16xi32>], vector<16xf32>,
      %add3A_999 = arith.constant 9 : i32
      %add3A_1000 = vector.broadcast %add3A_999 : i32 to vector<16xi32>
      %add3A_1001 = arith.addi %mul3A_928, %add3A_1000 : vector<16xi32>
      tpu.vector_store_idx %arg13[%add3A_1001, %div3A_931], %gather3A_998 : memref<160x128xf32, #tpu.memory_space<vmem>>[vector<16xi32>, vector<16xi32>], vector<16xf32>,
      %add3A_1002 = arith.constant 10 : i32
      %add3A_1003 = vector.broadcast %add3A_1002 : i32 to vector<16xi32>
      %add3A_1004 = arith.addi %mul3A_917, %add3A_1003 : vector<16xi32>
      %gather3A_1005 = tpu.vector_load_idx %arg11[%add3A_920, %add3A_1004] : memref<128x128xf32, #tpu.memory_space<vmem>>[vector<16xi32>, vector<16xi32>], vector<16xf32>,
      %add3A_1006 = arith.constant 10 : i32
      %add3A_1007 = vector.broadcast %add3A_1006 : i32 to vector<16xi32>
      %add3A_1008 = arith.addi %mul3A_928, %add3A_1007 : vector<16xi32>
      tpu.vector_store_idx %arg13[%add3A_1008, %div3A_931], %gather3A_1005 : memref<160x128xf32, #tpu.memory_space<vmem>>[vector<16xi32>, vector<16xi32>], vector<16xf32>,
      %add3A_1009 = arith.constant 11 : i32
      %add3A_1010 = vector.broadcast %add3A_1009 : i32 to vector<16xi32>
      %add3A_1011 = arith.addi %mul3A_917, %add3A_1010 : vector<16xi32>
      %gather3A_1012 = tpu.vector_load_idx %arg11[%add3A_920, %add3A_1011] : memref<128x128xf32, #tpu.memory_space<vmem>>[vector<16xi32>, vector<16xi32>], vector<16xf32>,
      %add3A_1013 = arith.constant 11 : i32
      %add3A_1014 = vector.broadcast %add3A_1013 : i32 to vector<16xi32>
      %add3A_1015 = arith.addi %mul3A_928, %add3A_1014 : vector<16xi32>
      tpu.vector_store_idx %arg13[%add3A_1015, %div3A_931], %gather3A_1012 : memref<160x128xf32, #tpu.memory_space<vmem>>[vector<16xi32>, vector<16xi32>], vector<16xf32>,
      %add3A_1016 = arith.constant 12 : i32
      %add3A_1017 = vector.broadcast %add3A_1016 : i32 to vector<16xi32>
      %add3A_1018 = arith.addi %mul3A_917, %add3A_1017 : vector<16xi32>
      %gather3A_1019 = tpu.vector_load_idx %arg11[%add3A_920, %add3A_1018] : memref<128x128xf32, #tpu.memory_space<vmem>>[vector<16xi32>, vector<16xi32>], vector<16xf32>,
      %add3A_1020 = arith.constant 12 : i32
      %add3A_1021 = vector.broadcast %add3A_1020 : i32 to vector<16xi32>
      %add3A_1022 = arith.addi %mul3A_928, %add3A_1021 : vector<16xi32>
      tpu.vector_store_idx %arg13[%add3A_1022, %div3A_931], %gather3A_1019 : memref<160x128xf32, #tpu.memory_space<vmem>>[vector<16xi32>, vector<16xi32>], vector<16xf32>,
      %add3A_1023 = arith.constant 13 : i32
      %add3A_1024 = vector.broadcast %add3A_1023 : i32 to vector<16xi32>
      %add3A_1025 = arith.addi %mul3A_917, %add3A_1024 : vector<16xi32>
      %gather3A_1026 = tpu.vector_load_idx %arg11[%add3A_920, %add3A_1025] : memref<128x128xf32, #tpu.memory_space<vmem>>[vector<16xi32>, vector<16xi32>], vector<16xf32>,
      %add3A_1027 = arith.constant 13 : i32
      %add3A_1028 = vector.broadcast %add3A_1027 : i32 to vector<16xi32>
      %add3A_1029 = arith.addi %mul3A_928, %add3A_1028 : vector<16xi32>
      tpu.vector_store_idx %arg13[%add3A_1029, %div3A_931], %gather3A_1026 : memref<160x128xf32, #tpu.memory_space<vmem>>[vector<16xi32>, vector<16xi32>], vector<16xf32>,
      %add3A_1030 = arith.constant 14 : i32
      %add3A_1031 = vector.broadcast %add3A_1030 : i32 to vector<16xi32>
      %add3A_1032 = arith.addi %mul3A_917, %add3A_1031 : vector<16xi32>
      %gather3A_1033 = tpu.vector_load_idx %arg11[%add3A_920, %add3A_1032] : memref<128x128xf32, #tpu.memory_space<vmem>>[vector<16xi32>, vector<16xi32>], vector<16xf32>,
      %add3A_1034 = arith.constant 14 : i32
      %add3A_1035 = vector.broadcast %add3A_1034 : i32 to vector<16xi32>
      %add3A_1036 = arith.addi %mul3A_928, %add3A_1035 : vector<16xi32>
      tpu.vector_store_idx %arg13[%add3A_1036, %div3A_931], %gather3A_1033 : memref<160x128xf32, #tpu.memory_space<vmem>>[vector<16xi32>, vector<16xi32>], vector<16xf32>,
      %add3A_1037 = arith.constant 15 : i32
      %add3A_1038 = vector.broadcast %add3A_1037 : i32 to vector<16xi32>
      %add3A_1039 = arith.addi %mul3A_917, %add3A_1038 : vector<16xi32>
      %gather3A_1040 = tpu.vector_load_idx %arg11[%add3A_920, %add3A_1039] : memref<128x128xf32, #tpu.memory_space<vmem>>[vector<16xi32>, vector<16xi32>], vector<16xf32>,
      %add3A_1041 = arith.constant 15 : i32
      %add3A_1042 = vector.broadcast %add3A_1041 : i32 to vector<16xi32>
      %add3A_1043 = arith.addi %mul3A_928, %add3A_1042 : vector<16xi32>
      tpu.vector_store_idx %arg13[%add3A_1043, %div3A_931], %gather3A_1040 : memref<160x128xf32, #tpu.memory_space<vmem>>[vector<16xi32>, vector<16xi32>], vector<16xf32>,
      %add3A_1044 = arith.constant 112 : i32
      %add3A_1045 = arith.addi %mul3A_22, %add3A_1044 : i32
      %get3A_1046 = arith.index_cast %add3A_1045 : i32 to index
      %get3A_1047 = tpu.vector_load %arg9[%get3A_1046] {strides = array<i32>} : memref<1280xi32, #tpu.memory_space<vmem>>, vector<16xi32>,
      %and3A_1048 = arith.constant 7 : i32
      %and3A_1049 = vector.broadcast %and3A_1048 : i32 to vector<16xi32>
      %and3A_1050 = arith.andi %get3A_1047, %and3A_1049 : vector<16xi32>
      %mul3A_1051 = arith.constant 16 : i32
      %mul3A_1052 = vector.broadcast %mul3A_1051 : i32 to vector<16xi32>
      %mul3A_1053 = arith.muli %and3A_1050, %mul3A_1052 : vector<16xi32>
      %add3A_1054 = arith.constant 112 : i32
      %add3A_1055 = vector.broadcast %add3A_1054 : i32 to vector<16xi32>
      %add3A_1056 = arith.addi %iota3A, %add3A_1055 : vector<16xi32>
      %add3A_1057 = vector.broadcast %mul3A_22 : i32 to vector<16xi32>
      %add3A_1058 = arith.addi %add3A_1056, %add3A_1057 : vector<16xi32>
      %rem3A_1059 = arith.constant 10 : i32
      %rem3A_1060 = vector.broadcast %rem3A_1059 : i32 to vector<16xi32>
      %rem3A_1061 = arith.remsi %add3A_1058, %rem3A_1060 : vector<16xi32>
      %mul3A_1062 = arith.constant 16 : i32
      %mul3A_1063 = vector.broadcast %mul3A_1062 : i32 to vector<16xi32>
      %mul3A_1064 = arith.muli %rem3A_1061, %mul3A_1063 : vector<16xi32>
      %div3A_1065 = arith.constant 10 : i32
      %div3A_1066 = vector.broadcast %div3A_1065 : i32 to vector<16xi32>
      %div3A_1067 = arith.divsi %add3A_1058, %div3A_1066 : vector<16xi32>
      %add3A_1068 = arith.constant 0 : i32
      %add3A_1069 = vector.broadcast %add3A_1068 : i32 to vector<16xi32>
      %add3A_1070 = arith.addi %mul3A_1053, %add3A_1069 : vector<16xi32>
      %gather3A_1071 = tpu.vector_load_idx %arg11[%add3A_1056, %add3A_1070] : memref<128x128xf32, #tpu.memory_space<vmem>>[vector<16xi32>, vector<16xi32>], vector<16xf32>,
      %add3A_1072 = arith.constant 0 : i32
      %add3A_1073 = vector.broadcast %add3A_1072 : i32 to vector<16xi32>
      %add3A_1074 = arith.addi %mul3A_1064, %add3A_1073 : vector<16xi32>
      tpu.vector_store_idx %arg13[%add3A_1074, %div3A_1067], %gather3A_1071 : memref<160x128xf32, #tpu.memory_space<vmem>>[vector<16xi32>, vector<16xi32>], vector<16xf32>,
      %add3A_1075 = arith.constant 1 : i32
      %add3A_1076 = vector.broadcast %add3A_1075 : i32 to vector<16xi32>
      %add3A_1077 = arith.addi %mul3A_1053, %add3A_1076 : vector<16xi32>
      %gather3A_1078 = tpu.vector_load_idx %arg11[%add3A_1056, %add3A_1077] : memref<128x128xf32, #tpu.memory_space<vmem>>[vector<16xi32>, vector<16xi32>], vector<16xf32>,
      %add3A_1079 = arith.constant 1 : i32
      %add3A_1080 = vector.broadcast %add3A_1079 : i32 to vector<16xi32>
      %add3A_1081 = arith.addi %mul3A_1064, %add3A_1080 : vector<16xi32>
      tpu.vector_store_idx %arg13[%add3A_1081, %div3A_1067], %gather3A_1078 : memref<160x128xf32, #tpu.memory_space<vmem>>[vector<16xi32>, vector<16xi32>], vector<16xf32>,
      %add3A_1082 = arith.constant 2 : i32
      %add3A_1083 = vector.broadcast %add3A_1082 : i32 to vector<16xi32>
      %add3A_1084 = arith.addi %mul3A_1053, %add3A_1083 : vector<16xi32>
      %gather3A_1085 = tpu.vector_load_idx %arg11[%add3A_1056, %add3A_1084] : memref<128x128xf32, #tpu.memory_space<vmem>>[vector<16xi32>, vector<16xi32>], vector<16xf32>,
      %add3A_1086 = arith.constant 2 : i32
      %add3A_1087 = vector.broadcast %add3A_1086 : i32 to vector<16xi32>
      %add3A_1088 = arith.addi %mul3A_1064, %add3A_1087 : vector<16xi32>
      tpu.vector_store_idx %arg13[%add3A_1088, %div3A_1067], %gather3A_1085 : memref<160x128xf32, #tpu.memory_space<vmem>>[vector<16xi32>, vector<16xi32>], vector<16xf32>,
      %add3A_1089 = arith.constant 3 : i32
      %add3A_1090 = vector.broadcast %add3A_1089 : i32 to vector<16xi32>
      %add3A_1091 = arith.addi %mul3A_1053, %add3A_1090 : vector<16xi32>
      %gather3A_1092 = tpu.vector_load_idx %arg11[%add3A_1056, %add3A_1091] : memref<128x128xf32, #tpu.memory_space<vmem>>[vector<16xi32>, vector<16xi32>], vector<16xf32>,
      %add3A_1093 = arith.constant 3 : i32
      %add3A_1094 = vector.broadcast %add3A_1093 : i32 to vector<16xi32>
      %add3A_1095 = arith.addi %mul3A_1064, %add3A_1094 : vector<16xi32>
      tpu.vector_store_idx %arg13[%add3A_1095, %div3A_1067], %gather3A_1092 : memref<160x128xf32, #tpu.memory_space<vmem>>[vector<16xi32>, vector<16xi32>], vector<16xf32>,
      %add3A_1096 = arith.constant 4 : i32
      %add3A_1097 = vector.broadcast %add3A_1096 : i32 to vector<16xi32>
      %add3A_1098 = arith.addi %mul3A_1053, %add3A_1097 : vector<16xi32>
      %gather3A_1099 = tpu.vector_load_idx %arg11[%add3A_1056, %add3A_1098] : memref<128x128xf32, #tpu.memory_space<vmem>>[vector<16xi32>, vector<16xi32>], vector<16xf32>,
      %add3A_1100 = arith.constant 4 : i32
      %add3A_1101 = vector.broadcast %add3A_1100 : i32 to vector<16xi32>
      %add3A_1102 = arith.addi %mul3A_1064, %add3A_1101 : vector<16xi32>
      tpu.vector_store_idx %arg13[%add3A_1102, %div3A_1067], %gather3A_1099 : memref<160x128xf32, #tpu.memory_space<vmem>>[vector<16xi32>, vector<16xi32>], vector<16xf32>,
      %add3A_1103 = arith.constant 5 : i32
      %add3A_1104 = vector.broadcast %add3A_1103 : i32 to vector<16xi32>
      %add3A_1105 = arith.addi %mul3A_1053, %add3A_1104 : vector<16xi32>
      %gather3A_1106 = tpu.vector_load_idx %arg11[%add3A_1056, %add3A_1105] : memref<128x128xf32, #tpu.memory_space<vmem>>[vector<16xi32>, vector<16xi32>], vector<16xf32>,
      %add3A_1107 = arith.constant 5 : i32
      %add3A_1108 = vector.broadcast %add3A_1107 : i32 to vector<16xi32>
      %add3A_1109 = arith.addi %mul3A_1064, %add3A_1108 : vector<16xi32>
      tpu.vector_store_idx %arg13[%add3A_1109, %div3A_1067], %gather3A_1106 : memref<160x128xf32, #tpu.memory_space<vmem>>[vector<16xi32>, vector<16xi32>], vector<16xf32>,
      %add3A_1110 = arith.constant 6 : i32
      %add3A_1111 = vector.broadcast %add3A_1110 : i32 to vector<16xi32>
      %add3A_1112 = arith.addi %mul3A_1053, %add3A_1111 : vector<16xi32>
      %gather3A_1113 = tpu.vector_load_idx %arg11[%add3A_1056, %add3A_1112] : memref<128x128xf32, #tpu.memory_space<vmem>>[vector<16xi32>, vector<16xi32>], vector<16xf32>,
      %add3A_1114 = arith.constant 6 : i32
      %add3A_1115 = vector.broadcast %add3A_1114 : i32 to vector<16xi32>
      %add3A_1116 = arith.addi %mul3A_1064, %add3A_1115 : vector<16xi32>
      tpu.vector_store_idx %arg13[%add3A_1116, %div3A_1067], %gather3A_1113 : memref<160x128xf32, #tpu.memory_space<vmem>>[vector<16xi32>, vector<16xi32>], vector<16xf32>,
      %add3A_1117 = arith.constant 7 : i32
      %add3A_1118 = vector.broadcast %add3A_1117 : i32 to vector<16xi32>
      %add3A_1119 = arith.addi %mul3A_1053, %add3A_1118 : vector<16xi32>
      %gather3A_1120 = tpu.vector_load_idx %arg11[%add3A_1056, %add3A_1119] : memref<128x128xf32, #tpu.memory_space<vmem>>[vector<16xi32>, vector<16xi32>], vector<16xf32>,
      %add3A_1121 = arith.constant 7 : i32
      %add3A_1122 = vector.broadcast %add3A_1121 : i32 to vector<16xi32>
      %add3A_1123 = arith.addi %mul3A_1064, %add3A_1122 : vector<16xi32>
      tpu.vector_store_idx %arg13[%add3A_1123, %div3A_1067], %gather3A_1120 : memref<160x128xf32, #tpu.memory_space<vmem>>[vector<16xi32>, vector<16xi32>], vector<16xf32>,
      %add3A_1124 = arith.constant 8 : i32
      %add3A_1125 = vector.broadcast %add3A_1124 : i32 to vector<16xi32>
      %add3A_1126 = arith.addi %mul3A_1053, %add3A_1125 : vector<16xi32>
      %gather3A_1127 = tpu.vector_load_idx %arg11[%add3A_1056, %add3A_1126] : memref<128x128xf32, #tpu.memory_space<vmem>>[vector<16xi32>, vector<16xi32>], vector<16xf32>,
      %add3A_1128 = arith.constant 8 : i32
      %add3A_1129 = vector.broadcast %add3A_1128 : i32 to vector<16xi32>
      %add3A_1130 = arith.addi %mul3A_1064, %add3A_1129 : vector<16xi32>
      tpu.vector_store_idx %arg13[%add3A_1130, %div3A_1067], %gather3A_1127 : memref<160x128xf32, #tpu.memory_space<vmem>>[vector<16xi32>, vector<16xi32>], vector<16xf32>,
      %add3A_1131 = arith.constant 9 : i32
      %add3A_1132 = vector.broadcast %add3A_1131 : i32 to vector<16xi32>
      %add3A_1133 = arith.addi %mul3A_1053, %add3A_1132 : vector<16xi32>
      %gather3A_1134 = tpu.vector_load_idx %arg11[%add3A_1056, %add3A_1133] : memref<128x128xf32, #tpu.memory_space<vmem>>[vector<16xi32>, vector<16xi32>], vector<16xf32>,
      %add3A_1135 = arith.constant 9 : i32
      %add3A_1136 = vector.broadcast %add3A_1135 : i32 to vector<16xi32>
      %add3A_1137 = arith.addi %mul3A_1064, %add3A_1136 : vector<16xi32>
      tpu.vector_store_idx %arg13[%add3A_1137, %div3A_1067], %gather3A_1134 : memref<160x128xf32, #tpu.memory_space<vmem>>[vector<16xi32>, vector<16xi32>], vector<16xf32>,
      %add3A_1138 = arith.constant 10 : i32
      %add3A_1139 = vector.broadcast %add3A_1138 : i32 to vector<16xi32>
      %add3A_1140 = arith.addi %mul3A_1053, %add3A_1139 : vector<16xi32>
      %gather3A_1141 = tpu.vector_load_idx %arg11[%add3A_1056, %add3A_1140] : memref<128x128xf32, #tpu.memory_space<vmem>>[vector<16xi32>, vector<16xi32>], vector<16xf32>,
      %add3A_1142 = arith.constant 10 : i32
      %add3A_1143 = vector.broadcast %add3A_1142 : i32 to vector<16xi32>
      %add3A_1144 = arith.addi %mul3A_1064, %add3A_1143 : vector<16xi32>
      tpu.vector_store_idx %arg13[%add3A_1144, %div3A_1067], %gather3A_1141 : memref<160x128xf32, #tpu.memory_space<vmem>>[vector<16xi32>, vector<16xi32>], vector<16xf32>,
      %add3A_1145 = arith.constant 11 : i32
      %add3A_1146 = vector.broadcast %add3A_1145 : i32 to vector<16xi32>
      %add3A_1147 = arith.addi %mul3A_1053, %add3A_1146 : vector<16xi32>
      %gather3A_1148 = tpu.vector_load_idx %arg11[%add3A_1056, %add3A_1147] : memref<128x128xf32, #tpu.memory_space<vmem>>[vector<16xi32>, vector<16xi32>], vector<16xf32>,
      %add3A_1149 = arith.constant 11 : i32
      %add3A_1150 = vector.broadcast %add3A_1149 : i32 to vector<16xi32>
      %add3A_1151 = arith.addi %mul3A_1064, %add3A_1150 : vector<16xi32>
      tpu.vector_store_idx %arg13[%add3A_1151, %div3A_1067], %gather3A_1148 : memref<160x128xf32, #tpu.memory_space<vmem>>[vector<16xi32>, vector<16xi32>], vector<16xf32>,
      %add3A_1152 = arith.constant 12 : i32
      %add3A_1153 = vector.broadcast %add3A_1152 : i32 to vector<16xi32>
      %add3A_1154 = arith.addi %mul3A_1053, %add3A_1153 : vector<16xi32>
      %gather3A_1155 = tpu.vector_load_idx %arg11[%add3A_1056, %add3A_1154] : memref<128x128xf32, #tpu.memory_space<vmem>>[vector<16xi32>, vector<16xi32>], vector<16xf32>,
      %add3A_1156 = arith.constant 12 : i32
      %add3A_1157 = vector.broadcast %add3A_1156 : i32 to vector<16xi32>
      %add3A_1158 = arith.addi %mul3A_1064, %add3A_1157 : vector<16xi32>
      tpu.vector_store_idx %arg13[%add3A_1158, %div3A_1067], %gather3A_1155 : memref<160x128xf32, #tpu.memory_space<vmem>>[vector<16xi32>, vector<16xi32>], vector<16xf32>,
      %add3A_1159 = arith.constant 13 : i32
      %add3A_1160 = vector.broadcast %add3A_1159 : i32 to vector<16xi32>
      %add3A_1161 = arith.addi %mul3A_1053, %add3A_1160 : vector<16xi32>
      %gather3A_1162 = tpu.vector_load_idx %arg11[%add3A_1056, %add3A_1161] : memref<128x128xf32, #tpu.memory_space<vmem>>[vector<16xi32>, vector<16xi32>], vector<16xf32>,
      %add3A_1163 = arith.constant 13 : i32
      %add3A_1164 = vector.broadcast %add3A_1163 : i32 to vector<16xi32>
      %add3A_1165 = arith.addi %mul3A_1064, %add3A_1164 : vector<16xi32>
      tpu.vector_store_idx %arg13[%add3A_1165, %div3A_1067], %gather3A_1162 : memref<160x128xf32, #tpu.memory_space<vmem>>[vector<16xi32>, vector<16xi32>], vector<16xf32>,
      %add3A_1166 = arith.constant 14 : i32
      %add3A_1167 = vector.broadcast %add3A_1166 : i32 to vector<16xi32>
      %add3A_1168 = arith.addi %mul3A_1053, %add3A_1167 : vector<16xi32>
      %gather3A_1169 = tpu.vector_load_idx %arg11[%add3A_1056, %add3A_1168] : memref<128x128xf32, #tpu.memory_space<vmem>>[vector<16xi32>, vector<16xi32>], vector<16xf32>,
      %add3A_1170 = arith.constant 14 : i32
      %add3A_1171 = vector.broadcast %add3A_1170 : i32 to vector<16xi32>
      %add3A_1172 = arith.addi %mul3A_1064, %add3A_1171 : vector<16xi32>
      tpu.vector_store_idx %arg13[%add3A_1172, %div3A_1067], %gather3A_1169 : memref<160x128xf32, #tpu.memory_space<vmem>>[vector<16xi32>, vector<16xi32>], vector<16xf32>,
      %add3A_1173 = arith.constant 15 : i32
      %add3A_1174 = vector.broadcast %add3A_1173 : i32 to vector<16xi32>
      %add3A_1175 = arith.addi %mul3A_1053, %add3A_1174 : vector<16xi32>
      %gather3A_1176 = tpu.vector_load_idx %arg11[%add3A_1056, %add3A_1175] : memref<128x128xf32, #tpu.memory_space<vmem>>[vector<16xi32>, vector<16xi32>], vector<16xf32>,
      %add3A_1177 = arith.constant 15 : i32
      %add3A_1178 = vector.broadcast %add3A_1177 : i32 to vector<16xi32>
      %add3A_1179 = arith.addi %mul3A_1064, %add3A_1178 : vector<16xi32>
      tpu.vector_store_idx %arg13[%add3A_1179, %div3A_1067], %gather3A_1176 : memref<160x128xf32, #tpu.memory_space<vmem>>[vector<16xi32>, vector<16xi32>], vector<16xf32>,
    }
    %scan3A_15 = arith.constant 10 : i32
    %mul3A_16 = arith.constant 128 : i32
    %mul3A_17 = arith.muli %add3A, %mul3A_16 : i32
    "tpu.region"() ({
      %run_scoped3A = tpu.sem_alloc : memref<!tpu.dma_semaphore, #tpu.memory_space<semaphore_mem>>
      %dma_start3A = arith.constant 0 : i32
      %dma_start3A_20 = tpu.memref_slice %arg6[%dma_start3A, %mul3A_17] : memref<32x4096xf32, #tpu.memory_space<hbm>> -> memref<32x128xf32, #tpu.memory_space<hbm>>
      %dma_start3A_21 = arith.constant 0 : i32
      %dma_start3A_22 = tpu.memref_slice %arg6[%dma_start3A_21, %mul3A_17] : memref<32x4096xf32, #tpu.memory_space<hbm>> -> memref<32x128xf32, #tpu.memory_space<hbm>>
      tpu.enqueue_dma source(%arg12 : memref<32x128xf32, #tpu.memory_space<vmem>>) target(%dma_start3A_22 : memref<32x128xf32, #tpu.memory_space<hbm>>) target_semaphore(%run_scoped3A : memref<!tpu.dma_semaphore, #tpu.memory_space<semaphore_mem>>)
      %dma_wait3A = arith.constant 0 : i32
      %dma_wait3A_23 = tpu.memref_slice %arg6[%dma_wait3A, %mul3A_17] : memref<32x4096xf32, #tpu.memory_space<hbm>> -> memref<32x128xf32, #tpu.memory_space<hbm>>
      %dma_wait3A_24 = arith.constant 0 : i32
      %dma_wait3A_25 = tpu.memref_slice %arg6[%dma_wait3A_24, %mul3A_17] : memref<32x4096xf32, #tpu.memory_space<hbm>> -> memref<32x128xf32, #tpu.memory_space<hbm>>
      tpu.wait_dma2 semaphore(%run_scoped3A : memref<!tpu.dma_semaphore, #tpu.memory_space<semaphore_mem>>) src(%arg12 : memref<32x128xf32, #tpu.memory_space<vmem>>) dst(%dma_wait3A_25 : memref<32x128xf32, #tpu.memory_space<hbm>>)
      tpu.yield
    }) : () -> ()
    %mul3A_18 = arith.constant 128 : i32
    %mul3A_19 = arith.muli %add3A, %mul3A_18 : i32
    "tpu.region"() ({
      %run_scoped3A = tpu.sem_alloc : memref<!tpu.dma_semaphore, #tpu.memory_space<semaphore_mem>>
      %dma_start3A = arith.constant 0 : i32
      %dma_start3A_20 = tpu.memref_slice %arg7[%dma_start3A, %mul3A_19] : memref<160x4096xf32, #tpu.memory_space<hbm>> -> memref<160x128xf32, #tpu.memory_space<hbm>>
      %dma_start3A_21 = arith.constant 0 : i32
      %dma_start3A_22 = tpu.memref_slice %arg7[%dma_start3A_21, %mul3A_19] : memref<160x4096xf32, #tpu.memory_space<hbm>> -> memref<160x128xf32, #tpu.memory_space<hbm>>
      tpu.enqueue_dma source(%arg13 : memref<160x128xf32, #tpu.memory_space<vmem>>) target(%dma_start3A_22 : memref<160x128xf32, #tpu.memory_space<hbm>>) target_semaphore(%run_scoped3A : memref<!tpu.dma_semaphore, #tpu.memory_space<semaphore_mem>>)
      %dma_wait3A = arith.constant 0 : i32
      %dma_wait3A_23 = tpu.memref_slice %arg7[%dma_wait3A, %mul3A_19] : memref<160x4096xf32, #tpu.memory_space<hbm>> -> memref<160x128xf32, #tpu.memory_space<hbm>>
      %dma_wait3A_24 = arith.constant 0 : i32
      %dma_wait3A_25 = tpu.memref_slice %arg7[%dma_wait3A_24, %mul3A_19] : memref<160x4096xf32, #tpu.memory_space<hbm>> -> memref<160x128xf32, #tpu.memory_space<hbm>>
      tpu.wait_dma2 semaphore(%run_scoped3A : memref<!tpu.dma_semaphore, #tpu.memory_space<semaphore_mem>>) src(%arg13 : memref<160x128xf32, #tpu.memory_space<vmem>>) dst(%dma_wait3A_25 : memref<160x128xf32, #tpu.memory_space<hbm>>)
      tpu.yield
    }) : () -> ()
    return
  }
}

module attributes {stable_mosaic.version = 14 : i64} {
  func.func @_g8_body(%arg0: i32, %arg1: memref<16x8192xf32, #tpu.memory_space<vmem>>, %arg2: memref<16x8192xf32, #tpu.memory_space<vmem>>, %arg3: memref<1024x128xf32, #tpu.memory_space<vmem>>, %arg4: memref<1024x128xf32, #tpu.memory_space<vmem>>) attributes {dimension_semantics = [#tpu.dimension_semantics<arbitrary>], iteration_bounds = array<i64: 123>, scalar_prefetch = 0 : i64, scratch_operands = 0 : i64, tpu.core_type = #tpu.core_type<tc>, window_params = [{transform_indices = @transform_0, window_bounds = array<i64: 16, 8192>}, {transform_indices = @transform_1, window_bounds = array<i64: 16, 8192>}, {transform_indices = @transform_2, window_bounds = array<i64: 1024, 128>}, {transform_indices = @transform_3, window_bounds = array<i64: 1024, 128>}]} {
    %get3A = arith.constant 0 : index
    %get3A_0 = arith.constant 0 : index
    %get3A_1 = vector.load %arg1[%get3A, %get3A_0] : memref<16x8192xf32, #tpu.memory_space<vmem>>, vector<16x8192xf32>
    %transpose3A = tpu.transpose %get3A_1, [1, 0] : vector<16x8192xf32> -> vector<8192x16xf32>
    %reshape3A = vector.shape_cast %transpose3A : vector<8192x16xf32> to vector<1024x8x16xf32>
    %slice3A = vector.extract_strided_slice %reshape3A {offsets = [0, 0, 0], sizes = [1024, 1, 16], strides = [1, 1, 1]} : vector<1024x8x16xf32> to vector<1024x1x16xf32>
    %squeeze3A = vector.shape_cast %slice3A : vector<1024x1x16xf32> to vector<1024x16xf32>
    %swap3A = arith.constant 0 : index
    %swap3A_2 = arith.constant 0 : index
    %swap3A_3 = vector.load %arg3[%swap3A, %swap3A_2] : memref<1024x128xf32, #tpu.memory_space<vmem>>, vector<1024x16xf32>
    tpu.vector_store %arg3[%swap3A, %swap3A_2], %squeeze3A {strides = array<i32>} : memref<1024x128xf32, #tpu.memory_space<vmem>>, vector<1024x16xf32>,
    %slice3A_4 = vector.extract_strided_slice %reshape3A {offsets = [0, 1, 0], sizes = [1024, 1, 16], strides = [1, 1, 1]} : vector<1024x8x16xf32> to vector<1024x1x16xf32>
    %squeeze3A_5 = vector.shape_cast %slice3A_4 : vector<1024x1x16xf32> to vector<1024x16xf32>
    %swap3A_6 = arith.constant 0 : index
    %swap3A_7 = arith.constant 16 : index
    %swap3A_8 = vector.load %arg3[%swap3A_6, %swap3A_7] : memref<1024x128xf32, #tpu.memory_space<vmem>>, vector<1024x16xf32>
    tpu.vector_store %arg3[%swap3A_6, %swap3A_7], %squeeze3A_5 {strides = array<i32>} : memref<1024x128xf32, #tpu.memory_space<vmem>>, vector<1024x16xf32>,
    %slice3A_9 = vector.extract_strided_slice %reshape3A {offsets = [0, 2, 0], sizes = [1024, 1, 16], strides = [1, 1, 1]} : vector<1024x8x16xf32> to vector<1024x1x16xf32>
    %squeeze3A_10 = vector.shape_cast %slice3A_9 : vector<1024x1x16xf32> to vector<1024x16xf32>
    %swap3A_11 = arith.constant 0 : index
    %swap3A_12 = arith.constant 32 : index
    %swap3A_13 = vector.load %arg3[%swap3A_11, %swap3A_12] : memref<1024x128xf32, #tpu.memory_space<vmem>>, vector<1024x16xf32>
    tpu.vector_store %arg3[%swap3A_11, %swap3A_12], %squeeze3A_10 {strides = array<i32>} : memref<1024x128xf32, #tpu.memory_space<vmem>>, vector<1024x16xf32>,
    %slice3A_14 = vector.extract_strided_slice %reshape3A {offsets = [0, 3, 0], sizes = [1024, 1, 16], strides = [1, 1, 1]} : vector<1024x8x16xf32> to vector<1024x1x16xf32>
    %squeeze3A_15 = vector.shape_cast %slice3A_14 : vector<1024x1x16xf32> to vector<1024x16xf32>
    %swap3A_16 = arith.constant 0 : index
    %swap3A_17 = arith.constant 48 : index
    %swap3A_18 = vector.load %arg3[%swap3A_16, %swap3A_17] : memref<1024x128xf32, #tpu.memory_space<vmem>>, vector<1024x16xf32>
    tpu.vector_store %arg3[%swap3A_16, %swap3A_17], %squeeze3A_15 {strides = array<i32>} : memref<1024x128xf32, #tpu.memory_space<vmem>>, vector<1024x16xf32>,
    %slice3A_19 = vector.extract_strided_slice %reshape3A {offsets = [0, 4, 0], sizes = [1024, 1, 16], strides = [1, 1, 1]} : vector<1024x8x16xf32> to vector<1024x1x16xf32>
    %squeeze3A_20 = vector.shape_cast %slice3A_19 : vector<1024x1x16xf32> to vector<1024x16xf32>
    %swap3A_21 = arith.constant 0 : index
    %swap3A_22 = arith.constant 64 : index
    %swap3A_23 = vector.load %arg3[%swap3A_21, %swap3A_22] : memref<1024x128xf32, #tpu.memory_space<vmem>>, vector<1024x16xf32>
    tpu.vector_store %arg3[%swap3A_21, %swap3A_22], %squeeze3A_20 {strides = array<i32>} : memref<1024x128xf32, #tpu.memory_space<vmem>>, vector<1024x16xf32>,
    %slice3A_24 = vector.extract_strided_slice %reshape3A {offsets = [0, 5, 0], sizes = [1024, 1, 16], strides = [1, 1, 1]} : vector<1024x8x16xf32> to vector<1024x1x16xf32>
    %squeeze3A_25 = vector.shape_cast %slice3A_24 : vector<1024x1x16xf32> to vector<1024x16xf32>
    %swap3A_26 = arith.constant 0 : index
    %swap3A_27 = arith.constant 80 : index
    %swap3A_28 = vector.load %arg3[%swap3A_26, %swap3A_27] : memref<1024x128xf32, #tpu.memory_space<vmem>>, vector<1024x16xf32>
    tpu.vector_store %arg3[%swap3A_26, %swap3A_27], %squeeze3A_25 {strides = array<i32>} : memref<1024x128xf32, #tpu.memory_space<vmem>>, vector<1024x16xf32>,
    %slice3A_29 = vector.extract_strided_slice %reshape3A {offsets = [0, 6, 0], sizes = [1024, 1, 16], strides = [1, 1, 1]} : vector<1024x8x16xf32> to vector<1024x1x16xf32>
    %squeeze3A_30 = vector.shape_cast %slice3A_29 : vector<1024x1x16xf32> to vector<1024x16xf32>
    %swap3A_31 = arith.constant 0 : index
    %swap3A_32 = arith.constant 96 : index
    %swap3A_33 = vector.load %arg3[%swap3A_31, %swap3A_32] : memref<1024x128xf32, #tpu.memory_space<vmem>>, vector<1024x16xf32>
    tpu.vector_store %arg3[%swap3A_31, %swap3A_32], %squeeze3A_30 {strides = array<i32>} : memref<1024x128xf32, #tpu.memory_space<vmem>>, vector<1024x16xf32>,
    %slice3A_34 = vector.extract_strided_slice %reshape3A {offsets = [0, 7, 0], sizes = [1024, 1, 16], strides = [1, 1, 1]} : vector<1024x8x16xf32> to vector<1024x1x16xf32>
    %squeeze3A_35 = vector.shape_cast %slice3A_34 : vector<1024x1x16xf32> to vector<1024x16xf32>
    %swap3A_36 = arith.constant 0 : index
    %swap3A_37 = arith.constant 112 : index
    %swap3A_38 = vector.load %arg3[%swap3A_36, %swap3A_37] : memref<1024x128xf32, #tpu.memory_space<vmem>>, vector<1024x16xf32>
    tpu.vector_store %arg3[%swap3A_36, %swap3A_37], %squeeze3A_35 {strides = array<i32>} : memref<1024x128xf32, #tpu.memory_space<vmem>>, vector<1024x16xf32>,
    %get3A_39 = arith.constant 0 : index
    %get3A_40 = arith.constant 0 : index
    %get3A_41 = vector.load %arg2[%get3A_39, %get3A_40] : memref<16x8192xf32, #tpu.memory_space<vmem>>, vector<16x8192xf32>
    %transpose3A_42 = tpu.transpose %get3A_41, [1, 0] : vector<16x8192xf32> -> vector<8192x16xf32>
    %reshape3A_43 = vector.shape_cast %transpose3A_42 : vector<8192x16xf32> to vector<1024x8x16xf32>
    %slice3A_44 = vector.extract_strided_slice %reshape3A_43 {offsets = [0, 0, 0], sizes = [1024, 1, 16], strides = [1, 1, 1]} : vector<1024x8x16xf32> to vector<1024x1x16xf32>
    %squeeze3A_45 = vector.shape_cast %slice3A_44 : vector<1024x1x16xf32> to vector<1024x16xf32>
    %swap3A_46 = arith.constant 0 : index
    %swap3A_47 = arith.constant 0 : index
    %swap3A_48 = vector.load %arg4[%swap3A_46, %swap3A_47] : memref<1024x128xf32, #tpu.memory_space<vmem>>, vector<1024x16xf32>
    tpu.vector_store %arg4[%swap3A_46, %swap3A_47], %squeeze3A_45 {strides = array<i32>} : memref<1024x128xf32, #tpu.memory_space<vmem>>, vector<1024x16xf32>,
    %slice3A_49 = vector.extract_strided_slice %reshape3A_43 {offsets = [0, 1, 0], sizes = [1024, 1, 16], strides = [1, 1, 1]} : vector<1024x8x16xf32> to vector<1024x1x16xf32>
    %squeeze3A_50 = vector.shape_cast %slice3A_49 : vector<1024x1x16xf32> to vector<1024x16xf32>
    %swap3A_51 = arith.constant 0 : index
    %swap3A_52 = arith.constant 16 : index
    %swap3A_53 = vector.load %arg4[%swap3A_51, %swap3A_52] : memref<1024x128xf32, #tpu.memory_space<vmem>>, vector<1024x16xf32>
    tpu.vector_store %arg4[%swap3A_51, %swap3A_52], %squeeze3A_50 {strides = array<i32>} : memref<1024x128xf32, #tpu.memory_space<vmem>>, vector<1024x16xf32>,
    %slice3A_54 = vector.extract_strided_slice %reshape3A_43 {offsets = [0, 2, 0], sizes = [1024, 1, 16], strides = [1, 1, 1]} : vector<1024x8x16xf32> to vector<1024x1x16xf32>
    %squeeze3A_55 = vector.shape_cast %slice3A_54 : vector<1024x1x16xf32> to vector<1024x16xf32>
    %swap3A_56 = arith.constant 0 : index
    %swap3A_57 = arith.constant 32 : index
    %swap3A_58 = vector.load %arg4[%swap3A_56, %swap3A_57] : memref<1024x128xf32, #tpu.memory_space<vmem>>, vector<1024x16xf32>
    tpu.vector_store %arg4[%swap3A_56, %swap3A_57], %squeeze3A_55 {strides = array<i32>} : memref<1024x128xf32, #tpu.memory_space<vmem>>, vector<1024x16xf32>,
    %slice3A_59 = vector.extract_strided_slice %reshape3A_43 {offsets = [0, 3, 0], sizes = [1024, 1, 16], strides = [1, 1, 1]} : vector<1024x8x16xf32> to vector<1024x1x16xf32>
    %squeeze3A_60 = vector.shape_cast %slice3A_59 : vector<1024x1x16xf32> to vector<1024x16xf32>
    %swap3A_61 = arith.constant 0 : index
    %swap3A_62 = arith.constant 48 : index
    %swap3A_63 = vector.load %arg4[%swap3A_61, %swap3A_62] : memref<1024x128xf32, #tpu.memory_space<vmem>>, vector<1024x16xf32>
    tpu.vector_store %arg4[%swap3A_61, %swap3A_62], %squeeze3A_60 {strides = array<i32>} : memref<1024x128xf32, #tpu.memory_space<vmem>>, vector<1024x16xf32>,
    %slice3A_64 = vector.extract_strided_slice %reshape3A_43 {offsets = [0, 4, 0], sizes = [1024, 1, 16], strides = [1, 1, 1]} : vector<1024x8x16xf32> to vector<1024x1x16xf32>
    %squeeze3A_65 = vector.shape_cast %slice3A_64 : vector<1024x1x16xf32> to vector<1024x16xf32>
    %swap3A_66 = arith.constant 0 : index
    %swap3A_67 = arith.constant 64 : index
    %swap3A_68 = vector.load %arg4[%swap3A_66, %swap3A_67] : memref<1024x128xf32, #tpu.memory_space<vmem>>, vector<1024x16xf32>
    tpu.vector_store %arg4[%swap3A_66, %swap3A_67], %squeeze3A_65 {strides = array<i32>} : memref<1024x128xf32, #tpu.memory_space<vmem>>, vector<1024x16xf32>,
    %slice3A_69 = vector.extract_strided_slice %reshape3A_43 {offsets = [0, 5, 0], sizes = [1024, 1, 16], strides = [1, 1, 1]} : vector<1024x8x16xf32> to vector<1024x1x16xf32>
    %squeeze3A_70 = vector.shape_cast %slice3A_69 : vector<1024x1x16xf32> to vector<1024x16xf32>
    %swap3A_71 = arith.constant 0 : index
    %swap3A_72 = arith.constant 80 : index
    %swap3A_73 = vector.load %arg4[%swap3A_71, %swap3A_72] : memref<1024x128xf32, #tpu.memory_space<vmem>>, vector<1024x16xf32>
    tpu.vector_store %arg4[%swap3A_71, %swap3A_72], %squeeze3A_70 {strides = array<i32>} : memref<1024x128xf32, #tpu.memory_space<vmem>>, vector<1024x16xf32>,
    %slice3A_74 = vector.extract_strided_slice %reshape3A_43 {offsets = [0, 6, 0], sizes = [1024, 1, 16], strides = [1, 1, 1]} : vector<1024x8x16xf32> to vector<1024x1x16xf32>
    %squeeze3A_75 = vector.shape_cast %slice3A_74 : vector<1024x1x16xf32> to vector<1024x16xf32>
    %swap3A_76 = arith.constant 0 : index
    %swap3A_77 = arith.constant 96 : index
    %swap3A_78 = vector.load %arg4[%swap3A_76, %swap3A_77] : memref<1024x128xf32, #tpu.memory_space<vmem>>, vector<1024x16xf32>
    tpu.vector_store %arg4[%swap3A_76, %swap3A_77], %squeeze3A_75 {strides = array<i32>} : memref<1024x128xf32, #tpu.memory_space<vmem>>, vector<1024x16xf32>,
    %slice3A_79 = vector.extract_strided_slice %reshape3A_43 {offsets = [0, 7, 0], sizes = [1024, 1, 16], strides = [1, 1, 1]} : vector<1024x8x16xf32> to vector<1024x1x16xf32>
    %squeeze3A_80 = vector.shape_cast %slice3A_79 : vector<1024x1x16xf32> to vector<1024x16xf32>
    %swap3A_81 = arith.constant 0 : index
    %swap3A_82 = arith.constant 112 : index
    %swap3A_83 = vector.load %arg4[%swap3A_81, %swap3A_82] : memref<1024x128xf32, #tpu.memory_space<vmem>>, vector<1024x16xf32>
    tpu.vector_store %arg4[%swap3A_81, %swap3A_82], %squeeze3A_80 {strides = array<i32>} : memref<1024x128xf32, #tpu.memory_space<vmem>>, vector<1024x16xf32>,
    return
  }
  func.func @transform_0(%arg0: i32) -> (i32, i32) {
    %c0_i32 = arith.constant 0 : i32
    %c0_i32_0 = arith.constant 0 : i32
    return %c0_i32, %arg0 : i32, i32
  }
  func.func @transform_1(%arg0: i32) -> (i32, i32) {
    %c0_i32 = arith.constant 0 : i32
    %c0_i32_0 = arith.constant 0 : i32
    return %c0_i32, %arg0 : i32, i32
  }
  func.func @transform_2(%arg0: i32) -> (i32, i32) {
    %c0_i32 = arith.constant 0 : i32
    %c0_i32_0 = arith.constant 0 : i32
    return %arg0, %c0_i32 : i32, i32
  }
  func.func @transform_3(%arg0: i32) -> (i32, i32) {
    %c0_i32 = arith.constant 0 : i32
    %c0_i32_0 = arith.constant 0 : i32
    return %arg0, %c0_i32 : i32, i32
  }
}

module attributes {stable_mosaic.version = 14 : i64} {
  func.func @_xw1_body(%arg0: i32, %arg1: memref<256x15448xf32, #tpu.memory_space<vmem>>, %arg2: memref<15640x256xf32, #tpu.memory_space<vmem>>, %arg3: memref<256x256xf32, #tpu.memory_space<vmem>>) attributes {dimension_semantics = [#tpu.dimension_semantics<arbitrary>], iteration_bounds = array<i64: 16>, scalar_prefetch = 0 : i64, scratch_operands = 0 : i64, tpu.core_type = #tpu.core_type<tc>, window_params = [{transform_indices = @transform_0, window_bounds = array<i64: 256, 15448>}, {pipeline_mode = #tpu.pipeline_mode<synchronous>, transform_indices = @transform_1, window_bounds = array<i64: 15640, 256>}, {transform_indices = @transform_2, window_bounds = array<i64: 256, 256>}]} {
    %get3A = arith.constant 0 : index
    %get3A_0 = arith.constant 0 : index
    %get3A_1 = vector.load %arg1[%get3A, %get3A_0] : memref<256x15448xf32, #tpu.memory_space<vmem>>, vector<256x15448xf32>
    %get3A_2 = arith.constant 192 : index
    %get3A_3 = arith.constant 0 : index
    %get3A_4 = vector.load %arg2[%get3A_2, %get3A_3] : memref<15640x256xf32, #tpu.memory_space<vmem>>, vector<15448x256xf32>
    %dot_general3A = arith.constant dense<0.000000e+00> : vector<256x256xf32>
    %dot_general3A_5 = tpu.matmul %get3A_1, %get3A_4, %dot_general3A {dimension_numbers = #tpu.dot_dimension_numbers<[1], [0], [0], [1], [0, 0, 1, 1], [], []>, transpose_lhs_hint = false} : vector<256x15448xf32>, vector<15448x256xf32>, vector<256x256xf32> -> vector<256x256xf32>
    %swap3A = arith.constant 0 : index
    %swap3A_6 = arith.constant 0 : index
    %swap3A_7 = vector.load %arg3[%swap3A, %swap3A_6] : memref<256x256xf32, #tpu.memory_space<vmem>>, vector<256x256xf32>
    tpu.vector_store %arg3[%swap3A, %swap3A_6], %dot_general3A_5 {strides = array<i32>} : memref<256x256xf32, #tpu.memory_space<vmem>>, vector<256x256xf32>,
    return
  }
  func.func @transform_0(%arg0: i32) -> (i32, i32) {
    %c0_i32 = arith.constant 0 : i32
    %c0_i32_0 = arith.constant 0 : i32
    return %arg0, %c0_i32 : i32, i32
  }
  func.func @transform_1(%arg0: i32) -> (i32, i32) {
    %c0_i32 = arith.constant 0 : i32
    %c0_i32_0 = arith.constant 0 : i32
    %c0_i32_1 = arith.constant 0 : i32
    return %c0_i32, %c0_i32_0 : i32, i32
  }
  func.func @transform_2(%arg0: i32) -> (i32, i32) {
    %c0_i32 = arith.constant 0 : i32
    %c0_i32_0 = arith.constant 0 : i32
    return %arg0, %c0_i32 : i32, i32
  }
}

module attributes {stable_mosaic.version = 14 : i64} {
  func.func @_head_body(%arg0: memref<4096x256xf32, #tpu.memory_space<vmem>>, %arg1: memref<32x4096xf32, #tpu.memory_space<vmem>>, %arg2: memref<160x4096xf32, #tpu.memory_space<vmem>>, %arg3: memref<192x256xf32, #tpu.memory_space<vmem>>, %arg4: memref<1x256xf32, #tpu.memory_space<vmem>>, %arg5: memref<1x256xf32, #tpu.memory_space<vmem>>, %arg6: memref<1x256xf32, #tpu.memory_space<vmem>>, %arg7: memref<256x256xf32, #tpu.memory_space<vmem>>, %arg8: memref<1x256xf32, #tpu.memory_space<vmem>>, %arg9: memref<1x256xf32, #tpu.memory_space<vmem>>, %arg10: memref<1x256xf32, #tpu.memory_space<vmem>>, %arg11: memref<256x10xf32, #tpu.memory_space<vmem>>, %arg12: memref<1x10xf32, #tpu.memory_space<vmem>>, %arg13: memref<4096x10xf32, #tpu.memory_space<vmem>>) attributes {dimension_semantics = [], scalar_prefetch = 0 : i64, scratch_operands = 0 : i64, tpu.core_type = #tpu.core_type<tc>} {
    %get3A = arith.constant 0 : index
    %get3A_0 = arith.constant 0 : index
    %get3A_1 = vector.load %arg0[%get3A, %get3A_0] : memref<4096x256xf32, #tpu.memory_space<vmem>>, vector<4096x256xf32>
    %get3A_2 = arith.constant 0 : index
    %get3A_3 = arith.constant 0 : index
    %get3A_4 = vector.load %arg1[%get3A_2, %get3A_3] : memref<32x4096xf32, #tpu.memory_space<vmem>>, vector<32x4096xf32>
    %get3A_5 = arith.constant 0 : index
    %get3A_6 = arith.constant 0 : index
    %get3A_7 = vector.load %arg3[%get3A_5, %get3A_6] : memref<192x256xf32, #tpu.memory_space<vmem>>, vector<32x256xf32>
    %dot_general3A = arith.constant dense<0.000000e+00> : vector<4096x256xf32>
    %dot_general3A_8 = tpu.matmul %get3A_4, %get3A_7, %dot_general3A {dimension_numbers = #tpu.dot_dimension_numbers<[0], [0], [1], [1], [0, 1, 1, 1], [], []>, transpose_lhs_hint = false} : vector<32x4096xf32>, vector<32x256xf32>, vector<4096x256xf32> -> vector<4096x256xf32>
    %add3A = arith.addf %get3A_1, %dot_general3A_8 : vector<4096x256xf32>
    %get3A_9 = arith.constant 0 : index
    %get3A_10 = arith.constant 0 : index
    %get3A_11 = vector.load %arg2[%get3A_9, %get3A_10] : memref<160x4096xf32, #tpu.memory_space<vmem>>, vector<160x4096xf32>
    %get3A_12 = arith.constant 32 : index
    %get3A_13 = arith.constant 0 : index
    %get3A_14 = vector.load %arg3[%get3A_12, %get3A_13] : memref<192x256xf32, #tpu.memory_space<vmem>>, vector<160x256xf32>
    %dot_general3A_15 = arith.constant dense<0.000000e+00> : vector<4096x256xf32>
    %dot_general3A_16 = tpu.matmul %get3A_11, %get3A_14, %dot_general3A_15 {dimension_numbers = #tpu.dot_dimension_numbers<[0], [0], [1], [1], [0, 1, 1, 1], [], []>, transpose_lhs_hint = false} : vector<160x4096xf32>, vector<160x256xf32>, vector<4096x256xf32> -> vector<4096x256xf32>
    %add3A_17 = arith.addf %add3A, %dot_general3A_16 : vector<4096x256xf32>
    %get3A_18 = arith.constant 0 : index
    %get3A_19 = arith.constant 0 : index
    %get3A_20 = vector.load %arg4[%get3A_18, %get3A_19] : memref<1x256xf32, #tpu.memory_space<vmem>>, vector<1x256xf32>
    %add3A_21 = vector.broadcast %get3A_20 : vector<1x256xf32> to vector<4096x256xf32>
    %add3A_22 = arith.addf %add3A_17, %add3A_21 : vector<4096x256xf32>
    %reduce_sum3A = arith.constant dense<0.000000e+00> : vector<256xf32>
    %reduce_sum3A_23 = vector.multi_reduction <add>, %add3A_22, %reduce_sum3A [0] : vector<4096x256xf32> to vector<256xf32>
    %broadcast_in_dim3A = vector.shape_cast %reduce_sum3A_23 : vector<256xf32> to vector<1x256xf32>
    %div3A = arith.constant 4.096000e+03 : f32
    %div3A_24 = vector.broadcast %div3A : f32 to vector<1x256xf32>
    %div3A_25 = arith.divf %broadcast_in_dim3A, %div3A_24 : vector<1x256xf32>
    %sub3A = vector.broadcast %div3A_25 : vector<1x256xf32> to vector<4096x256xf32>
    %sub3A_26 = arith.subf %add3A_22, %sub3A : vector<4096x256xf32>
    %integer_pow3A = arith.mulf %sub3A_26, %sub3A_26 : vector<4096x256xf32>
    %reduce_sum3A_27 = arith.constant dense<0.000000e+00> : vector<256xf32>
    %reduce_sum3A_28 = vector.multi_reduction <add>, %integer_pow3A, %reduce_sum3A_27 [0] : vector<4096x256xf32> to vector<256xf32>
    %broadcast_in_dim3A_29 = vector.shape_cast %reduce_sum3A_28 : vector<256xf32> to vector<1x256xf32>
    %div3A_30 = arith.constant 4.096000e+03 : f32
    %div3A_31 = vector.broadcast %div3A_30 : f32 to vector<1x256xf32>
    %div3A_32 = arith.divf %broadcast_in_dim3A_29, %div3A_31 : vector<1x256xf32>
    %sub3A_33 = vector.broadcast %div3A_25 : vector<1x256xf32> to vector<4096x256xf32>
    %sub3A_34 = arith.subf %add3A_22, %sub3A_33 : vector<4096x256xf32>
    %add3A_35 = arith.constant 9.99999974E-6 : f32
    %add3A_36 = vector.broadcast %add3A_35 : f32 to vector<1x256xf32>
    %add3A_37 = arith.addf %div3A_32, %add3A_36 : vector<1x256xf32>
    %rsqrt3A = math.rsqrt %add3A_37 : vector<1x256xf32>
    %mul3A = vector.broadcast %rsqrt3A : vector<1x256xf32> to vector<4096x256xf32>
    %mul3A_38 = arith.mulf %sub3A_34, %mul3A : vector<4096x256xf32>
    %get3A_39 = arith.constant 0 : index
    %get3A_40 = arith.constant 0 : index
    %get3A_41 = vector.load %arg5[%get3A_39, %get3A_40] : memref<1x256xf32, #tpu.memory_space<vmem>>, vector<1x256xf32>
    %mul3A_42 = vector.broadcast %get3A_41 : vector<1x256xf32> to vector<4096x256xf32>
    %mul3A_43 = arith.mulf %mul3A_38, %mul3A_42 : vector<4096x256xf32>
    %get3A_44 = arith.constant 0 : index
    %get3A_45 = arith.constant 0 : index
    %get3A_46 = vector.load %arg6[%get3A_44, %get3A_45] : memref<1x256xf32, #tpu.memory_space<vmem>>, vector<1x256xf32>
    %add3A_47 = vector.broadcast %get3A_46 : vector<1x256xf32> to vector<4096x256xf32>
    %add3A_48 = arith.addf %mul3A_43, %add3A_47 : vector<4096x256xf32>
    %max3A = arith.constant 0.000000e+00 : f32
    %max3A_49 = vector.broadcast %max3A : f32 to vector<4096x256xf32>
    %max3A_50 = arith.maximumf %add3A_48, %max3A_49 : vector<4096x256xf32>
    %get3A_51 = arith.constant 0 : index
    %get3A_52 = arith.constant 0 : index
    %get3A_53 = vector.load %arg7[%get3A_51, %get3A_52] : memref<256x256xf32, #tpu.memory_space<vmem>>, vector<256x256xf32>
    %dot_general3A_54 = arith.constant dense<0.000000e+00> : vector<4096x256xf32>
    %dot_general3A_55 = tpu.matmul %max3A_50, %get3A_53, %dot_general3A_54 {dimension_numbers = #tpu.dot_dimension_numbers<[1], [0], [0], [1], [0, 0, 1, 1], [], []>, transpose_lhs_hint = false} : vector<4096x256xf32>, vector<256x256xf32>, vector<4096x256xf32> -> vector<4096x256xf32>
    %get3A_56 = arith.constant 0 : index
    %get3A_57 = arith.constant 0 : index
    %get3A_58 = vector.load %arg8[%get3A_56, %get3A_57] : memref<1x256xf32, #tpu.memory_space<vmem>>, vector<1x256xf32>
    %add3A_59 = vector.broadcast %get3A_58 : vector<1x256xf32> to vector<4096x256xf32>
    %add3A_60 = arith.addf %dot_general3A_55, %add3A_59 : vector<4096x256xf32>
    %reduce_sum3A_61 = arith.constant dense<0.000000e+00> : vector<256xf32>
    %reduce_sum3A_62 = vector.multi_reduction <add>, %add3A_60, %reduce_sum3A_61 [0] : vector<4096x256xf32> to vector<256xf32>
    %broadcast_in_dim3A_63 = vector.shape_cast %reduce_sum3A_62 : vector<256xf32> to vector<1x256xf32>
    %div3A_64 = arith.constant 4.096000e+03 : f32
    %div3A_65 = vector.broadcast %div3A_64 : f32 to vector<1x256xf32>
    %div3A_66 = arith.divf %broadcast_in_dim3A_63, %div3A_65 : vector<1x256xf32>
    %sub3A_67 = vector.broadcast %div3A_66 : vector<1x256xf32> to vector<4096x256xf32>
    %sub3A_68 = arith.subf %add3A_60, %sub3A_67 : vector<4096x256xf32>
    %integer_pow3A_69 = arith.mulf %sub3A_68, %sub3A_68 : vector<4096x256xf32>
    %reduce_sum3A_70 = arith.constant dense<0.000000e+00> : vector<256xf32>
    %reduce_sum3A_71 = vector.multi_reduction <add>, %integer_pow3A_69, %reduce_sum3A_70 [0] : vector<4096x256xf32> to vector<256xf32>
    %broadcast_in_dim3A_72 = vector.shape_cast %reduce_sum3A_71 : vector<256xf32> to vector<1x256xf32>
    %div3A_73 = arith.constant 4.096000e+03 : f32
    %div3A_74 = vector.broadcast %div3A_73 : f32 to vector<1x256xf32>
    %div3A_75 = arith.divf %broadcast_in_dim3A_72, %div3A_74 : vector<1x256xf32>
    %sub3A_76 = vector.broadcast %div3A_66 : vector<1x256xf32> to vector<4096x256xf32>
    %sub3A_77 = arith.subf %add3A_60, %sub3A_76 : vector<4096x256xf32>
    %add3A_78 = arith.constant 9.99999974E-6 : f32
    %add3A_79 = vector.broadcast %add3A_78 : f32 to vector<1x256xf32>
    %add3A_80 = arith.addf %div3A_75, %add3A_79 : vector<1x256xf32>
    %rsqrt3A_81 = math.rsqrt %add3A_80 : vector<1x256xf32>
    %mul3A_82 = vector.broadcast %rsqrt3A_81 : vector<1x256xf32> to vector<4096x256xf32>
    %mul3A_83 = arith.mulf %sub3A_77, %mul3A_82 : vector<4096x256xf32>
    %get3A_84 = arith.constant 0 : index
    %get3A_85 = arith.constant 0 : index
    %get3A_86 = vector.load %arg9[%get3A_84, %get3A_85] : memref<1x256xf32, #tpu.memory_space<vmem>>, vector<1x256xf32>
    %mul3A_87 = vector.broadcast %get3A_86 : vector<1x256xf32> to vector<4096x256xf32>
    %mul3A_88 = arith.mulf %mul3A_83, %mul3A_87 : vector<4096x256xf32>
    %get3A_89 = arith.constant 0 : index
    %get3A_90 = arith.constant 0 : index
    %get3A_91 = vector.load %arg10[%get3A_89, %get3A_90] : memref<1x256xf32, #tpu.memory_space<vmem>>, vector<1x256xf32>
    %add3A_92 = vector.broadcast %get3A_91 : vector<1x256xf32> to vector<4096x256xf32>
    %add3A_93 = arith.addf %mul3A_88, %add3A_92 : vector<4096x256xf32>
    %max3A_94 = arith.constant 0.000000e+00 : f32
    %max3A_95 = vector.broadcast %max3A_94 : f32 to vector<4096x256xf32>
    %max3A_96 = arith.maximumf %add3A_93, %max3A_95 : vector<4096x256xf32>
    %get3A_97 = arith.constant 0 : index
    %get3A_98 = arith.constant 0 : index
    %get3A_99 = vector.load %arg11[%get3A_97, %get3A_98] : memref<256x10xf32, #tpu.memory_space<vmem>>, vector<256x10xf32>
    %dot_general3A_100 = arith.constant dense<0.000000e+00> : vector<4096x10xf32>
    %dot_general3A_101 = tpu.matmul %max3A_96, %get3A_99, %dot_general3A_100 {dimension_numbers = #tpu.dot_dimension_numbers<[1], [0], [0], [1], [0, 0, 1, 1], [], []>, transpose_lhs_hint = false} : vector<4096x256xf32>, vector<256x10xf32>, vector<4096x10xf32> -> vector<4096x10xf32>
    %get3A_102 = arith.constant 0 : index
    %get3A_103 = arith.constant 0 : index
    %get3A_104 = vector.load %arg12[%get3A_102, %get3A_103] : memref<1x10xf32, #tpu.memory_space<vmem>>, vector<1x10xf32>
    %add3A_105 = vector.broadcast %get3A_104 : vector<1x10xf32> to vector<4096x10xf32>
    %add3A_106 = arith.addf %dot_general3A_101, %add3A_105 : vector<4096x10xf32>
    %swap3A = arith.constant 0 : index
    %swap3A_107 = arith.constant 0 : index
    %swap3A_108 = vector.load %arg13[%swap3A, %swap3A_107] : memref<4096x10xf32, #tpu.memory_space<vmem>>, vector<4096x10xf32>
    tpu.vector_store %arg13[%swap3A, %swap3A_107], %add3A_106 {strides = array<i32>} : memref<4096x10xf32, #tpu.memory_space<vmem>>, vector<4096x10xf32>,
    return
  }
}

</mosaic_0001>

<sc_bundles>
// kernel: kernel.6.cloned.1.call-start
scs
__scs_entry_jumppad:
0x0: {  	(pc) =	sbr.rel $0x88, $3  }
0x1: {  	(tag) =	ssettag $0x0;
	lr =	simm.s32 $0x1  }
0x2: {  	[smem:$0x3F92] =	sst lr;
	_ =	strace $0xD0000000  }
0x3: {  	_ = 	snop  }
0x4: {  	_ = 	snop  }
0x5: {  	_ = 	snop  }
0x6: {  	_ = 	snop  }
0x7: {  	_ = 	snop  }
__scs_overlays_trampoline_lowered:
0x8: {  	[smem:$0x3FA1] =	sst s0  }
0x9: {  	[smem:$0x3FA2] =	sst s1  }
0xa: {  	[smem:$0x3FA3] =	sst s2  }
0xb: {  	[smem:$0x3FA4] =	sst s3  }
0xc: {  	[smem:$0x3FA5] =	sst s4  }
0xd: {  	[smem:$0x3FA6] =	sst s5  }
0xe: {  	[smem:$0x3FA7] =	sst s6  }
0xf: {  	[smem:$0x3FA8] =	sst s7  }
0x10: {  	[smem:$0x3FA9] =	sst s8  }
0x11: {  	[smem:$0x3FAA] =	sst s9;
	s0 =	simm.s32 @!p0 $0x0  }
0x12: {  	s1 =	sld [smem:$0x3F90];
	s0 =	simm.s32 @p0 $0x1  }
0x13: {  	[smem:$0x3FAB] =	sst s0;
	s0 =	simm.s32 @!p1 $0x0  }
0x14: {  	s2 =	sld [smem:$0x3F8F];
	s0 =	simm.s32 @p1 $0x1  }
0x15: {  	[smem:$0x3FAC] =	sst s0;
	s0 =	simm.s32 @!p2 $0x0  }
0x16: {  	s3 =	sld [smem:$0x3FDB];
	s0 =	simm.s32 @p2 $0x1  }
0x17: {  	s4 =	simm.s32 $0x1BF5;
	[smem:$0x3FAE] =	sst s0  }
0x18: {  	s0 =	sld [smem:$0x3F91];
	_ =	swait.ge [sflag:s4], $0x0  }
0x19: {  	s7 =	sld [smem:$0x3F92]  }
0x1a: {  	s8 =	sadd.s32 $0xFFFFE003, lr  }
0x1b: {  	s9 =	sadd.s32 $0xFFFFFEF7, lr;
	s5 =	simm.s32 $0xFFFFFFFF;
	p2 =	slt.u32 s8, $0xFFFFF086  }
0x1c: {  	p1 =	slt.u32 s9, $0xF7A;
	s5 =	simm.s32 @!p2 $0x0  }
0x1d: {  	s5 =	simm.s32 @p1 $0x1;
	p0 =	seq.s32 s7, s2  }
0x1e: {  	s7 =	smul.u32 @!p0 $0xF7A, s2;
	p2 =	seq.s32 @!p0 s5, $0x0  }
0x1f: {  	s9 =	smul.u32 $0xF7A, s1;
	s8 =	simm.s32 @!p0 $0x1BF5;
	p2 =	por !p2, p0  }
0x20: {  	[sflag:s8] =	ssyncset.s32 @!p0 $0xFFFFF086;
	s6 =	sadd.s32 @!p0 s3, s7;
	s7 =	simm.s32 @!p0 $0x108  }
0x21: {  	s3 =	sadd.s32 s3, s9;
	s6 =	sadd.s32 @!p0 $0x88, s6;
	s7 =	simm.s32 @p2 $0x1082  }
0x22: {  	[simem:s7], [sflag:s8] =	dma.local @!p0 [hbm:s6], $0xF7A  }
0x23: {  	s9 =	sor.u32 $0xD0000000, s2;
	s6 =	simm.s32 $0x108;
	_ =	swait.ge @!p0 [sflag:s8], $0x0  }
0x24: {  	s3 =	sadd.s32 $0x88, s3;
	s6 =	simm.s32 @!p1 $0x1082;
	[sflag:s4] =	ssyncset.s32 $0xFFFFF086  }
0x25: {  	[simem:s6], [sflag:s4] =	dma.local [hbm:s3], $0xF7A  }
0x26: {  	[smem:$0x3F92] =	sst s1;
	(tag) =	ssettag s2;
	_ =	strace s9  }
0x27: {  	s1 =	sld [smem:$0x3FA2]  }
0x28: {  	s2 =	sld [smem:$0x3FA3]  }
0x29: {  	s4 =	sld [smem:$0x3FA5]  }
0x2a: {  	p0 =	seq.s32 s5, $0x0;
	s5 =	sld [smem:$0x3FA6]  }
0x2b: {  	s6 =	sld [smem:$0x3FA7]  }
0x2c: {  	s7 =	sld [smem:$0x3FA8]  }
0x2d: {  	s3 =	simm.s32 $0x108;
	s8 =	sld [smem:$0x3FA9]  }
0x2e: {  	s3 =	simm.s32 @!p0 $0x1082;
	s9 =	sld [smem:$0x3FAA]  }
0x2f: {  	lr =	sadd.s32 s0, s3;
	s0 =	sld [smem:$0x3FA1]  }
0x30: {  	s3 =	sld [smem:$0x3FA4]  }
0x31: {  	[smem:$0x3FAD] =	sst s10  }
0x32: {  	s10 =	sld [smem:$0x3FAB];
	_ =	sdelay $0x3  }
0x33: {  	p0 =	seq.s32 s10, $0x1;
	s10 =	sld [smem:$0x3FAD];
	_ =	sdelay $0x3  }
0x34: {  	[smem:$0x3FAD] =	sst s10  }
0x35: {  	s10 =	sld [smem:$0x3FAC];
	_ =	sdelay $0x3  }
0x36: {  	p1 =	seq.s32 s10, $0x1;
	s10 =	sld [smem:$0x3FAD];
	_ =	sdelay $0x3  }
0x37: {  	[smem:$0x3FAD] =	sst s10  }
0x38: {  	s10 =	sld [smem:$0x3FAE]  }
0x39: {  	_ = 	snop;
	(pc) =	sbr.ind lr, $3  }
0x3a: {  	_ = 	snop  }
0x3b: {  	_ = 	snop  }
0x3c: {  	p2 =	seq.s32 s10, $0x1;
	s10 =	sld [smem:$0x3FAD]  }
0x3d: {  	_ =	shalt  }
0x3e: {  	_ =	shalt  }
0x3f: {  	_ =	shalt  }
0x40: {  	_ =	shalt  }
0x41: {  	_ =	shalt  }
0x42: {  	_ =	shalt  }
0x43: {  	_ =	shalt  }
0x44: {  	_ =	shalt  }
0x45: {  	_ =	shalt  }
0x46: {  	_ =	shalt  }
0x47: {  	_ =	shalt  }
0x48: {  	_ =	shalt  }
0x49: {  	_ =	shalt  }
0x4a: {  	_ =	shalt  }
0x4b: {  	_ =	shalt  }
0x4c: {  	_ =	shalt  }
0x4d: {  	_ =	shalt  }
0x4e: {  	_ =	shalt  }
0x4f: {  	_ =	shalt  }
0x50: {  	_ =	shalt  }
0x51: {  	_ =	shalt  }
0x52: {  	_ =	shalt  }
0x53: {  	_ =	shalt  }
0x54: {  	_ =	shalt  }
0x55: {  	_ =	shalt  }
0x56: {  	_ =	shalt  }
0x57: {  	_ =	shalt  }
0x58: {  	_ =	shalt  }
0x59: {  	_ =	shalt  }
0x5a: {  	_ =	shalt  }
0x5b: {  	_ =	shalt  }
0x5c: {  	_ =	shalt  }
0x5d: {  	_ =	shalt  }
0x5e: {  	_ =	shalt  }
0x5f: {  	_ =	shalt  }
0x60: {  	_ =	shalt  }
0x61: {  	_ =	shalt  }
0x62: {  	_ =	shalt  }
0x63: {  	_ =	shalt  }
0x64: {  	_ =	shalt  }
0x65: {  	_ =	shalt  }
0x66: {  	_ =	shalt  }
0x67: {  	_ =	shalt  }
0x68: {  	_ =	shalt  }
0x69: {  	_ =	shalt  }
0x6a: {  	_ =	shalt  }
0x6b: {  	_ =	shalt  }
0x6c: {  	_ =	shalt  }
0x6d: {  	_ =	shalt  }
0x6e: {  	_ =	shalt  }
0x6f: {  	_ =	shalt  }
0x70: {  	_ =	shalt  }
0x71: {  	_ =	shalt  }
0x72: {  	_ =	shalt  }
0x73: {  	_ =	shalt  }
0x74: {  	_ =	shalt  }
0x75: {  	_ =	shalt  }
0x76: {  	_ =	shalt  }
0x77: {  	_ =	shalt  }
0x78: {  	_ =	shalt  }
0x79: {  	_ =	shalt  }
0x7a: {  	_ =	shalt  }
0x7b: {  	_ =	shalt  }
0x7c: {  	_ =	shalt  }
0x7d: {  	_ =	shalt  }
0x7e: {  	_ =	shalt  }
0x7f: {  	_ =	shalt  }
0x80: {  	_ =	shalt  }
0x81: {  	_ =	shalt  }
0x82: {  	_ =	shalt  }
0x83: {  	_ =	shalt  }
0x84: {  	_ =	shalt  }
0x85: {  	_ =	shalt  }
0x86: {  	_ =	shalt  }
0x87: {  	_ =	shalt  }
.Lfunc_end0:
.L_simem_size_0:
called_computation_lowered:
.L_overlay_start_0:
0x88: {  	s2 =	sld [smem:$0x3FD9]  }
0x89: {  	s3 =	sld [smem:$0x3FFE];
	_ =	sdelay $0x1  }
0x8a: {  	s1 =	srdreg.scid  }
0x8b: {  	s0 =	sand.u32 $0x1, s1  }
0x8c: {  	s17 =	sshll.u32 s0, $0xA;
	s2 =	sadd.s32 s3, s2  }
0x8d: {  	s2 =	sadd.s32 s2, s17  }
0x8e: {  	[smem:$0x3FB9] =	sst s2  }
0x8f: {  	_ = 	snop  }
0x90: {  	s2 =	sld [smem:$0x3FD0];
	(tm) =	ssettm $0x1  }
0x91: {  	s18 =	sld [smem:$0x3FFB];
	_ =	sdelay $0x3  }
0x92: {  	_ =	strace s18  }
0x93: {  	s3 =	sld [smem:$0x3FFC];
	_ =	sdelay $0x3  }
0x94: {  	_ =	strace s3  }
0x95: {  	s3 =	sld [smem:$0x3FFD];
	_ =	sdelay $0x3  }
0x96: {  	_ =	strace s3  }
0x97: {  	_ =	strace $0x8FFFFFFF  }
0x98: {  	s19 =	sld [smem:$0x3FDB];
	_ =	sdelay $0x1  }
0x99: {  	s4 =	simm.s32 $_scs_section_size  }
0x9a: {  	s5 =	simm.s32 $_size__tile_overlayer_lowered;
	s6 =	simm.s32 $_tile_overlayer_lowered  }
0x9b: {  	s22 =	simm.s32 $0x1BFF;
	s21 =	sshll.u32 s6, $0x1;
	s3 =	sadd.s32 s4, s19  }
0x9c: {  	s7 =	simm.s32 $0x0;
	s20 =	sshll.u32 s5, $0x1;
	s5 =	sadd.s32 s21, s3  }
0x9d: {  	[timem:s7], [sflag:s22] =	dma.local [hbm:s5], s20  }
0x9e: {  	_ =	swait.ge [sflag:s22], s20  }
0x9f: {  	s4 =	ssub.s32 $0x0, s20;
	[sflag:s22] =	ssyncset.done $0x0  }
0xa0: {  	[sflag:s22] =	ssyncadd.s32 s4;
	_ =	sdelay $0x1  }
0xa1: {  	s23 =	simm.s32 $0x1B8B  }
0xa2: {  	_ =	swait.ge [sflag:s23], $0x1  }
0xa3: {  	[sflag:s23] =	ssyncset.done $0x0  }
0xa4: {  	s25 =	simm.s32 $0x1B8E;
	s24 =	sld [smem:$0x3FFE];
	[sflag:s23] =	ssyncadd.s32 $0xFFFFFFFF  }
0xa5: {  	s26 =	simm.s32 $execute0_lowered;
	[smem:$0x3FD2] =	sst s25  }
0xa6: {  	s5 =	sshll.u32 s26, $0x1;
	_ =	strace $0x80000046;
	[dreg:$0x1] =	wrdreg $0xFFFFFFFF  }
0xa7: {  	s28 =	simm.s32 $_size_execute0_lowered;
	s3 =	sadd.s32 s3, s5;
	[dreg:$0x0] =	wrdreg $0x0  }
0xa8: {  	s5 =	sshll.u32 s28, $0x1;
	[dreg:$0x2] =	wrdreg s3  }
0xa9: {  	[dreg:$0x3] =	wrdreg s5  }
0xaa: {  	[dreg:$0x4] =	wrdreg $0xC0  }
0xab: {  	_ =	task [dreg:s7], $0x5FFFF  }
0xac: {  	[dreg:$0x1] =	wrdreg $0xFFFFFFFF  }
0xad: {  	[dreg:$0x0] =	wrdreg $0x60  }
0xae: {  	[dreg:$0x2] =	wrdreg s24  }
0xaf: {  	[dreg:$0x3] =	wrdreg s2  }
0xb0: {  	[dreg:$0x4] =	wrdreg $0x9  }
0xb1: {  	_ =	task.clear_ibuf [dreg:s7], $0x5FFFF;
	_ =	strace $0x90000046  }
0xb2: {  	s29 =	simm.s32 $0x9;
	_ =	strace $0x80000048  }
0xb3: {  	_ =	swait.ge [sflag:s29], $0x1  }
0xb4: {  	[sflag:s29] =	ssyncadd.s32 $0xFFFFFFFF  }
0xb5: {  	_ =	strace $0x90000048  }
0xb6: {  	_ =	sfence  }
0xb7: {  	s30 =	sld [smem:$0x0];
	_ =	sdelay $0x2  }
0xb8: {  	s31 =	sshll.u32 s1, $0xD;
	s1 =	sshrl.u32 s1, $0x2  }
0xb9: {  	s3 =	sand.u32 $0x4000, s31;
	s1 =	sadd.s32 s1, s30  }
0xba: {  	s0 =	sor.u32 s3, s0;
	s1 =	sshll.u32 s1, $0x11  }
0xbb: {  	s0 =	sor.u32 s1, s0  }
0xbc: {  	s0 =	sadd.s32 $0x8F2B, s0  }
0xbd: {  	[sflag:s0] =	ssyncadd.remote.s32 $0x1  }
0xbe: {  	_ =	sfence.sel $0xFFFF  }
0xbf: {  	[dreg:$0x0] =	wrdreg $0xFFFFFFFF;
	(pc) =	sbr.abs _section_cstart, $3  }
0xc0: {  	[dreg:$0x1] =	wrdreg $0xFFFFFFFF  }
0xc1: {  	_ =	task.clear_ibuf [dreg:s7], $0x2FFFF;
	_ =	strace $0x9FFFFFFF  }
0xc2: {  	(tm) =	ssettm $0x7FFFFFFF  }
0xc3: {  	_ =	shalt  }
tec
execute0_lowered:
.L_overlay_start_1:
0x0: {  	(tag) =	ssettag $0x1  }
0x1: {  	v10 =	vlaneseq.u32  }
0x2: {  	v1 =	vmul.u32 $0x80, v10  }
0x3: {  	v0 =	vand.u32 $0x1, v10  }
0x4: {  	v0 =	vmul.u32 $0x800, v0;
	v2 =	vor.u32 $0x1, v1  }
0x5: {  	[tilespmem:$0x1FCD0] =	vst v2  }
0x6: {  	v2 =	vor.u32 $0x80, v0;
	[tilespmem:$0x1FE00] =	vst v0  }
0x7: {  	[tilespmem:$0x1FCE0] =	vst v2;
	v2 =	vor.u32 $0x2, v1  }
0x8: {  	v12 =	vor.u32 $0x280, v0;
	[tilespmem:$0x1FCF0] =	vst v2;
	v2 =	vor.u32 $0x100, v0  }
0x9: {  	v14 =	vor.u32 $0x300, v0;
	v16 =	vor.u32 $0x380, v0;
	[tilespmem:$0x1FD00] =	vst v2;
	v2 =	vor.u32 $0x3, v1  }
0xa: {  	v18 =	vor.u32 $0x400, v0;
	v20 =	vor.u32 $0x480, v0;
	[tilespmem:$0x1FD10] =	vst v2;
	v2 =	vor.u32 $0x180, v0  }
0xb: {  	v22 =	vor.u32 $0x500, v0;
	v24 =	vor.u32 $0x580, v0;
	[tilespmem:$0x1FD20] =	vst v2;
	v2 =	vor.u32 $0x4, v1  }
0xc: {  	v26 =	vor.u32 $0x600, v0;
	v28 =	vor.u32 $0x680, v0;
	[tilespmem:$0x1FD30] =	vst v2;
	v2 =	vor.u32 $0x200, v0  }
0xd: {  	v30 =	vor.u32 $0x700, v0;
	v32 =	vor.u32 $0x780, v0;
	v0 =	vor.u32 $0x10, v10;
	[tilespmem:$0x1FD40] =	vst v2  }
0xe: {  	v2 =	vor.u32 $0x5, v1;
	[tilespmem:$0x1FE10] =	vst v0  }
0xf: {  	v0 =	vor.u32 $0x800, v1;
	[tilespmem:$0x1FD50] =	vst v2  }
0x10: {  	v2 =	vor.u32 $0x6, v1;
	[tilespmem:$0x1FE20] =	vst v0  }
0x11: {  	v0 =	vor.u32 $0x801, v1;
	[tilespmem:$0x1FD60] =	vst v2  }
0x12: {  	v2 =	vor.u32 $0x7, v1;
	[tilespmem:$0x1FE30] =	vst v0  }
0x13: {  	v0 =	vor.u32 $0x802, v1;
	[tilespmem:$0x1FD70] =	vst v2  }
0x14: {  	v2 =	vor.u32 $0x8, v1;
	[tilespmem:$0x1FE40] =	vst v0  }
0x15: {  	[tilespmem:$0x1FD80] =	vst v2;
	v2 =	vor.u32 $0x9, v1  }
0x16: {  	[tilespmem:$0x1FD90] =	vst v2;
	v2 =	vor.u32 $0xA, v1  }
0x17: {  	[tilespmem:$0x1FDA0] =	vst v2;
	v2 =	vor.u32 $0xB, v1  }
0x18: {  	[tilespmem:$0x1FDB0] =	vst v2;
	v2 =	vor.u32 $0xC, v1  }
0x19: {  	[tilespmem:$0x1FDC0] =	vst v2;
	v2 =	vor.u32 $0xD, v1  }
0x1a: {  	s4 =	rddreg [dreg:$0x0];
	[tilespmem:$0x1FDD0] =	vst v2;
	v2 =	vor.u32 $0xE, v1  }
0x1b: {  	s7 =	rddreg [dreg:$0x1];
	s2 =	simm.s32 $0x0;
	[tilespmem:$0x1FDE0] =	vst v2;
	v2 =	vor.u32 $0xF, v1  }
0x1c: {  	s1 =	srdreg.scid;
	[smem:$0x7FF] =	sst s2;
	v0 =	vor.u32 $0x803, v1;
	[tilespmem:$0x1FDF0] =	vst v2  }
0x1d: {  	s5 =	sand.u32 $0x1, s1;
	s1 =	rddreg [dreg:$0x2];
	_ =	strace $0x80000047;
	[tilespmem:$0x1FE50] =	vst v0;
	v0 =	vor.u32 $0x804, v1  }
0x1e: {  	[tilespmem:$0x1FE60] =	vst v0;
	v0 =	vor.u32 $0x805, v1  }
0x1f: {  	[tilespmem:$0x1FE70] =	vst v0;
	v0 =	vor.u32 $0x806, v1  }
0x20: {  	[tilespmem:$0x1FE80] =	vst v0;
	v0 =	vor.u32 $0x807, v1  }
0x21: {  	[tilespmem:$0x1FE90] =	vst v0;
	v0 =	vor.u32 $0x808, v1  }
0x22: {  	[tilespmem:$0x1FEA0] =	vst v0;
	v0 =	vor.u32 $0x809, v1  }
0x23: {  	[tilespmem:$0x1FEB0] =	vst v0;
	v0 =	vor.u32 $0x80A, v1  }
0x24: {  	[tilespmem:$0x1FEC0] =	vst v0;
	v0 =	vor.u32 $0x80B, v1  }
0x25: {  	[tilespmem:$0x1FED0] =	vst v0;
	v0 =	vor.u32 $0x80C, v1  }
0x26: {  	[tilespmem:$0x1FEE0] =	vst v0;
	v0 =	vor.u32 $0x80D, v1  }
0x27: {  	[tilespmem:$0x1FEF0] =	vst v0;
	v0 =	vor.u32 $0x80E, v1  }
0x28: {  	[tilespmem:$0x1FF00] =	vst v0;
	v0 =	vor.u32 $0x80F, v1  }
0x29: {  	[tilespmem:$0x1FF10] =	vst v0;
	v0 =	vor.u32 $0x20, v10  }
0x2a: {  	[tilespmem:$0x1FF20] =	vst v0;
	v0 =	vor.u32 $0x1000, v1  }
0x2b: {  	[tilespmem:$0x1FF30] =	vst v0;
	v0 =	vor.u32 $0x1001, v1  }
0x2c: {  	[tilespmem:$0x1FF40] =	vst v0;
	v0 =	vor.u32 $0x1002, v1  }
0x2d: {  	[tilespmem:$0x1FF50] =	vst v0;
	v0 =	vor.u32 $0x1003, v1  }
0x2e: {  	s0 =	stileid.u32;
	s12 =	simm.s32 $0x80;
	[tilespmem:$0x1FF60] =	vst v0;
	v0 =	vor.u32 $0x1004, v1  }
0x2f: {  	s13 =	simm.s32 $0x600;
	s14 =	simm.s32 $0x680;
	s15 =	simm.s32 $0x4680;
	[tilespmem:$0x1FF70] =	vst v0;
	v0 =	vor.u32 $0x1005, v1  }
0x30: {  	s16 =	simm.s32 $0x1;
	s17 =	simm.s32 $0x5680;
	s3 =	sshll.u32 s0, $0x1;
	[tilespmem:$0x1FF80] =	vst v0;
	v0 =	vor.u32 $0x1006, v1  }
0x31: {  	s18 =	simm.s32 $0x400;
	s19 =	simm.s32 $0x8000;
	s6 =	sor.u32 s5, s3;
	[tilespmem:$0x1FF90] =	vst v0;
	v0 =	vor.u32 $0x1007, v1  }
0x32: {  	s20 =	simm.s32 $0x0;
	s5 =	ssub.s32 $0x2, s5;
	s3 =	sshll.u32 s6, $0x5;
	[tilespmem:$0x1FFA0] =	vst v0;
	v0 =	vor.u32 $0x1008, v1  }
0x33: {  	s9 =	sshll.u32 s6, $0x7;
	s10 =	sshrl.u32 s5, $0x1;
	s11 =	smul.u32 $0xA0, s6;
	[tilespmem:$0x1FFB0] =	vst v0;
	v0 =	vor.u32 $0x1009, v1  }
0x34: {  	s8 =	sadd.s32 s3, s4;
	s3 =	sadd.s32 $0x1EAC00, s4;
	s9 =	sadd.s32 s9, s4;
	[tilespmem:$0x1FFC0] =	vst v0;
	v0 =	vor.u32 $0x100A, v1  }
0x35: {  	s4 =	sadd.s32 $0x2600, s4;
	s10 =	ssub.s32 s5, s10;
	s5 =	sadd.s32 $0x3E7200, s9;
	[tilespmem:$0x1FFD0] =	vst v0;
	v0 =	vor.u32 $0x100B, v1  }
0x36: {  	s6 =	sadd.s32 $0x2200, s8;
	s7 =	sadd.s32 s7, s11;
	s8 =	sadd.s32 $0x3D3200, s9;
	[tilespmem:$0x1FFE0] =	vst v0;
	v0 =	vor.u32 $0x100C, v1  }
0x37: {  	s9 =	smax.u32 s10, $0x1;
	s10 =	simm.s32 $0x2;
	s11 =	simm.s32 $0x100;
	[tilespmem:$0x1FFF0] =	vst v0  }
.LBB2_1:
0x38: {  	[tilespmem:s2], [sflag:$0x2] =	stream.linear.gather [hbm4b:s6+s2], $0x100, $0x38;
	[tilespmem:$0xA680] =	vst v63  }
0x39: {  	_ =	swait.ge [sflag:s10], $0x100  }
0x3a: {  	[sflag:s10] =	ssyncset.done $0x0  }
0x3b: {  	[sflag:s10] =	ssyncadd.s32 $0xFFFFFF00  }
0x3c: {  	[tilespmem:s11], [sflag:$0x2] =	stream.linear.gather [hbm4b:s7+s2], $0x500, $0x38;
	[tilespmem:$0xA680] =	vst v63  }
0x3d: {  	_ =	swait.ge [sflag:s10], $0x500  }
0x3e: {  	[sflag:s10] =	ssyncset.done $0x0  }
0x3f: {  	p0 =	por $0x1, $0x1;
	s21 =	simm.s32 $0x0;
	[sflag:s10] =	ssyncadd.s32 $0xFFFFFB00  }
.LBB2_2:
0x40: {  	s22 =	sshll.u32 s21, $0x7  }
0x41: {  	s23 =	sand.u32 $0x3FFFFF80, s22  }
0x42: {  	v0 =	vld [tilespmem:s23+$0x0];
	_ =	sdelay $0x4  }
0x43: {  	v0 =	vshrl.u32 v0, $0x3  }
0x44: {  	[tilespmem:$0x600] =	vst v0  }
0x45: {  	v0 =	vld [tilespmem:s23+$0x10];
	_ =	sdelay $0x4  }
0x46: {  	v0 =	vshrl.u32 v0, $0x3  }
0x47: {  	[tilespmem:$0x610] =	vst v0  }
0x48: {  	v0 =	vld [tilespmem:s23+$0x20];
	_ =	sdelay $0x4  }
0x49: {  	v0 =	vshrl.u32 v0, $0x3  }
0x4a: {  	[tilespmem:$0x620] =	vst v0  }
0x4b: {  	v0 =	vld [tilespmem:s23+$0x30];
	_ =	sdelay $0x4  }
0x4c: {  	v0 =	vshrl.u32 v0, $0x3  }
0x4d: {  	[tilespmem:$0x630] =	vst v0  }
0x4e: {  	v0 =	vld [tilespmem:s23+$0x40];
	_ =	sdelay $0x4  }
0x4f: {  	v0 =	vshrl.u32 v0, $0x3  }
0x50: {  	[tilespmem:$0x640] =	vst v0  }
0x51: {  	v0 =	vld [tilespmem:s23+$0x50];
	_ =	sdelay $0x4  }
0x52: {  	v0 =	vshrl.u32 v0, $0x3  }
0x53: {  	[tilespmem:$0x650] =	vst v0  }
0x54: {  	v0 =	vld [tilespmem:s23+$0x60];
	_ =	sdelay $0x4  }
0x55: {  	v0 =	vshrl.u32 v0, $0x3  }
0x56: {  	[tilespmem:$0x660] =	vst v0  }
0x57: {  	v0 =	vld [tilespmem:s23+$0x70];
	_ =	sdelay $0x4  }
0x58: {  	v0 =	vshrl.u32 v0, $0x3  }
0x59: {  	s21 =	simm.s32 $0x1;
	[tilespmem:$0x670] =	vst v0  }
0x5a: {  	[tilespmem:s14], [sflag:$0x1] =	stream.indirect.gather [hbm4b:s4+s12], $0x80, s13, s12, $0xb8;
	[tilespmem:$0xA680] =	vst v63  }
0x5b: {  	_ =	swait.ge [sflag:s21], $0x4000  }
0x5c: {  	[sflag:s21] =	ssyncset.done $0x0  }
0x5d: {  	[sflag:s21] =	ssyncadd.s32 $0xFFFFC000  }
0x5e: {  	v0 =	vld [tilespmem:s23+$0x0];
	_ =	sdelay $0x4  }
0x5f: {  	v0 =	vshll.u32 v0, $0x4  }
0x60: {  	v0 =	vand.u32 $0x70, v0  }
0x61: {  	v6 =	vld [tilespmem:$0x1FE00];
	v3 =	vor.u32 v1, v0  }
0x62: {  	v2 =	vld [tilespmem:$0x1FCD0];
	_ =	sdelay $0x1  }
0x63: {  	v4 =	vor.u32 s22, v10  }
0x64: {  	v4 =	vshrl.u32 v4, $0x1  }
0x65: {  	v5 =	vor.u32 v6, v4;
	v3 =	vld.idx.msk [tilespmem:v3+s14+$0x0], $0xffff  }
0x66: {  	v8 =	vld [tilespmem:$0x1FCE0];
	v7 =	vor.u32 v2, v0  }
0x67: {  	v2 =	vld [tilespmem:$0x1FCF0];
	_ =	sdelay $0x2  }
0x68: {  	[tilespmem:v5+s15+$0x0] =	vst.idx.msk $0xffff, v3  }
0x69: {  	v5 =	vor.u32 v8, v4;
	v3 =	vld.idx.msk [tilespmem:v7+s14+$0x0], $0xffff  }
0x6a: {  	v48 =	vld [tilespmem:$0x1FD00];
	v7 =	vor.u32 v2, v0  }
0x6b: {  	v2 =	vld [tilespmem:$0x1FD10];
	_ =	sdelay $0x2  }
0x6c: {  	[tilespmem:v5+s15+$0x0] =	vst.idx.msk $0xffff, v3  }
0x6d: {  	v5 =	vor.u32 v48, v4;
	v3 =	vld.idx.msk [tilespmem:v7+s14+$0x0], $0xffff  }
0x6e: {  	v49 =	vld [tilespmem:$0x1FD20];
	v7 =	vor.u32 v2, v0  }
0x6f: {  	v2 =	vld [tilespmem:$0x1FD30];
	_ =	sdelay $0x2  }
0x70: {  	[tilespmem:v5+s15+$0x0] =	vst.idx.msk $0xffff, v3  }
0x71: {  	v5 =	vor.u32 v49, v4;
	v3 =	vld.idx.msk [tilespmem:v7+s14+$0x0], $0xffff  }
0x72: {  	v50 =	vld [tilespmem:$0x1FD40];
	v7 =	vor.u32 v2, v0  }
0x73: {  	v2 =	vld [tilespmem:$0x1FD50];
	_ =	sdelay $0x2  }
0x74: {  	[tilespmem:v5+s15+$0x0] =	vst.idx.msk $0xffff, v3  }
0x75: {  	v5 =	vor.u32 v50, v4;
	v3 =	vld.idx.msk [tilespmem:v7+s14+$0x0], $0xffff  }
0x76: {  	v7 =	vor.u32 v2, v0  }
0x77: {  	v2 =	vld [tilespmem:$0x1FD60];
	_ =	sdelay $0x2  }
0x78: {  	[tilespmem:v5+s15+$0x0] =	vst.idx.msk $0xffff, v3  }
0x79: {  	v5 =	vor.u32 v12, v4;
	v3 =	vld.idx.msk [tilespmem:v7+s14+$0x0], $0xffff  }
0x7a: {  	v7 =	vor.u32 v2, v0  }
0x7b: {  	v2 =	vld [tilespmem:$0x1FD70];
	_ =	sdelay $0x2  }
0x7c: {  	[tilespmem:v5+s15+$0x0] =	vst.idx.msk $0xffff, v3  }
0x7d: {  	v5 =	vor.u32 v14, v4;
	v3 =	vld.idx.msk [tilespmem:v7+s14+$0x0], $0xffff  }
0x7e: {  	v7 =	vor.u32 v2, v0  }
0x7f: {  	v2 =	vld [tilespmem:$0x1FD80];
	_ =	sdelay $0x2  }
0x80: {  	[tilespmem:v5+s15+$0x0] =	vst.idx.msk $0xffff, v3  }
0x81: {  	v5 =	vor.u32 v16, v4;
	v3 =	vld.idx.msk [tilespmem:v7+s14+$0x0], $0xffff  }
0x82: {  	v7 =	vor.u32 v2, v0  }
0x83: {  	v2 =	vld [tilespmem:$0x1FD90];
	_ =	sdelay $0x2  }
0x84: {  	[tilespmem:v5+s15+$0x0] =	vst.idx.msk $0xffff, v3  }
0x85: {  	v5 =	vor.u32 v18, v4;
	v3 =	vld.idx.msk [tilespmem:v7+s14+$0x0], $0xffff  }
0x86: {  	v7 =	vor.u32 v2, v0  }
0x87: {  	v2 =	vld [tilespmem:$0x1FDA0];
	_ =	sdelay $0x2  }
0x88: {  	[tilespmem:v5+s15+$0x0] =	vst.idx.msk $0xffff, v3  }
0x89: {  	v5 =	vor.u32 v20, v4;
	v3 =	vld.idx.msk [tilespmem:v7+s14+$0x0], $0xffff  }
0x8a: {  	v7 =	vor.u32 v2, v0  }
0x8b: {  	v2 =	vld [tilespmem:$0x1FDB0];
	_ =	sdelay $0x2  }
0x8c: {  	[tilespmem:v5+s15+$0x0] =	vst.idx.msk $0xffff, v3  }
0x8d: {  	v5 =	vor.u32 v22, v4;
	v3 =	vld.idx.msk [tilespmem:v7+s14+$0x0], $0xffff  }
0x8e: {  	v7 =	vor.u32 v2, v0  }
0x8f: {  	v2 =	vld [tilespmem:$0x1FDC0];
	_ =	sdelay $0x2  }
0x90: {  	[tilespmem:v5+s15+$0x0] =	vst.idx.msk $0xffff, v3  }
0x91: {  	v5 =	vor.u32 v24, v4;
	v3 =	vld.idx.msk [tilespmem:v7+s14+$0x0], $0xffff  }
0x92: {  	v7 =	vor.u32 v2, v0  }
0x93: {  	v2 =	vld [tilespmem:$0x1FDD0];
	_ =	sdelay $0x2  }
0x94: {  	[tilespmem:v5+s15+$0x0] =	vst.idx.msk $0xffff, v3  }
0x95: {  	v5 =	vor.u32 v26, v4;
	v3 =	vld.idx.msk [tilespmem:v7+s14+$0x0], $0xffff  }
0x96: {  	v7 =	vor.u32 v2, v0  }
0x97: {  	v2 =	vld [tilespmem:$0x1FDE0];
	_ =	sdelay $0x2  }
0x98: {  	[tilespmem:v5+s15+$0x0] =	vst.idx.msk $0xffff, v3  }
0x99: {  	v5 =	vor.u32 v28, v4;
	v3 =	vld.idx.msk [tilespmem:v7+s14+$0x0], $0xffff  }
0x9a: {  	v7 =	vor.u32 v2, v0  }
0x9b: {  	v2 =	vld [tilespmem:$0x1FDF0];
	_ =	sdelay $0x2  }
0x9c: {  	[tilespmem:v5+s15+$0x0] =	vst.idx.msk $0xffff, v3  }
0x9d: {  	v5 =	vor.u32 v30, v4;
	v3 =	vld.idx.msk [tilespmem:v7+s14+$0x0], $0xffff  }
0x9e: {  	v0 =	vor.u32 v2, v0;
	_ =	sdelay $0x3  }
0x9f: {  	[tilespmem:v5+s15+$0x0] =	vst.idx.msk $0xffff, v3  }
0xa0: {  	v3 =	vor.u32 v32, v4;
	v0 =	vld.idx.msk [tilespmem:v0+s14+$0x0], $0xffff;
	_ =	sdelay $0x4  }
0xa1: {  	[tilespmem:v3+s15+$0x0] =	vst.idx.msk $0xffff, v0  }
0xa2: {  	v0 =	vld [tilespmem:s23+$0x10];
	_ =	sdelay $0x1  }
0xa3: {  	v2 =	vld [tilespmem:$0x1FE20];
	_ =	sdelay $0x2  }
0xa4: {  	v0 =	vshll.u32 v0, $0x4  }
0xa5: {  	v0 =	vand.u32 $0x70, v0  }
0xa6: {  	v3 =	vor.u32 v2, v0;
	v2 =	vld [tilespmem:$0x1FE10];
	_ =	sdelay $0x4  }
0xa7: {  	v4 =	vor.u32 s22, v2;
	v2 =	vld [tilespmem:$0x1FE30];
	_ =	sdelay $0x2  }
0xa8: {  	v4 =	vshrl.u32 v4, $0x1  }
0xa9: {  	v3 =	vld.idx.msk [tilespmem:v3+s14+$0x0], $0xffff;
	v5 =	vor.u32 v6, v4  }
0xaa: {  	v7 =	vor.u32 v2, v0  }
0xab: {  	v2 =	vld [tilespmem:$0x1FE40];
	_ =	sdelay $0x2  }
0xac: {  	[tilespmem:v5+s15+$0x0] =	vst.idx.msk $0xffff, v3  }
0xad: {  	v5 =	vor.u32 v8, v4;
	v3 =	vld.idx.msk [tilespmem:v7+s14+$0x0], $0xffff  }
0xae: {  	v7 =	vor.u32 v2, v0  }
0xaf: {  	v2 =	vld [tilespmem:$0x1FE50];
	_ =	sdelay $0x2  }
0xb0: {  	[tilespmem:v5+s15+$0x0] =	vst.idx.msk $0xffff, v3  }
0xb1: {  	v5 =	vor.u32 v48, v4;
	v3 =	vld.idx.msk [tilespmem:v7+s14+$0x0], $0xffff  }
0xb2: {  	v7 =	vor.u32 v2, v0  }
0xb3: {  	v2 =	vld [tilespmem:$0x1FE60];
	_ =	sdelay $0x2  }
0xb4: {  	[tilespmem:v5+s15+$0x0] =	vst.idx.msk $0xffff, v3  }
0xb5: {  	v5 =	vor.u32 v49, v4;
	v3 =	vld.idx.msk [tilespmem:v7+s14+$0x0], $0xffff  }
0xb6: {  	v7 =	vor.u32 v2, v0  }
0xb7: {  	v2 =	vld [tilespmem:$0x1FE70];
	_ =	sdelay $0x2  }
0xb8: {  	[tilespmem:v5+s15+$0x0] =	vst.idx.msk $0xffff, v3  }
0xb9: {  	v5 =	vor.u32 v50, v4;
	v3 =	vld.idx.msk [tilespmem:v7+s14+$0x0], $0xffff  }
0xba: {  	v7 =	vor.u32 v2, v0  }
0xbb: {  	v2 =	vld [tilespmem:$0x1FE80];
	_ =	sdelay $0x2  }
0xbc: {  	[tilespmem:v5+s15+$0x0] =	vst.idx.msk $0xffff, v3  }
0xbd: {  	v5 =	vor.u32 v12, v4;
	v3 =	vld.idx.msk [tilespmem:v7+s14+$0x0], $0xffff  }
0xbe: {  	v7 =	vor.u32 v2, v0  }
0xbf: {  	v2 =	vld [tilespmem:$0x1FE90];
	_ =	sdelay $0x2  }
0xc0: {  	[tilespmem:v5+s15+$0x0] =	vst.idx.msk $0xffff, v3  }
0xc1: {  	v5 =	vor.u32 v14, v4;
	v3 =	vld.idx.msk [tilespmem:v7+s14+$0x0], $0xffff  }
0xc2: {  	v7 =	vor.u32 v2, v0  }
0xc3: {  	v2 =	vld [tilespmem:$0x1FEA0];
	_ =	sdelay $0x2  }
0xc4: {  	[tilespmem:v5+s15+$0x0] =	vst.idx.msk $0xffff, v3  }
0xc5: {  	v5 =	vor.u32 v16, v4;
	v3 =	vld.idx.msk [tilespmem:v7+s14+$0x0], $0xffff  }
0xc6: {  	v7 =	vor.u32 v2, v0  }
0xc7: {  	v2 =	vld [tilespmem:$0x1FEB0];
	_ =	sdelay $0x2  }
0xc8: {  	[tilespmem:v5+s15+$0x0] =	vst.idx.msk $0xffff, v3  }
0xc9: {  	v5 =	vor.u32 v18, v4;
	v3 =	vld.idx.msk [tilespmem:v7+s14+$0x0], $0xffff  }
0xca: {  	v7 =	vor.u32 v2, v0  }
0xcb: {  	v2 =	vld [tilespmem:$0x1FEC0];
	_ =	sdelay $0x2  }
0xcc: {  	[tilespmem:v5+s15+$0x0] =	vst.idx.msk $0xffff, v3  }
0xcd: {  	v5 =	vor.u32 v20, v4;
	v3 =	vld.idx.msk [tilespmem:v7+s14+$0x0], $0xffff  }
0xce: {  	v7 =	vor.u32 v2, v0  }
0xcf: {  	v2 =	vld [tilespmem:$0x1FED0];
	_ =	sdelay $0x2  }
0xd0: {  	[tilespmem:v5+s15+$0x0] =	vst.idx.msk $0xffff, v3  }
0xd1: {  	v5 =	vor.u32 v22, v4;
	v3 =	vld.idx.msk [tilespmem:v7+s14+$0x0], $0xffff  }
0xd2: {  	v7 =	vor.u32 v2, v0  }
0xd3: {  	v2 =	vld [tilespmem:$0x1FEE0];
	_ =	sdelay $0x2  }
0xd4: {  	[tilespmem:v5+s15+$0x0] =	vst.idx.msk $0xffff, v3  }
0xd5: {  	v5 =	vor.u32 v24, v4;
	v3 =	vld.idx.msk [tilespmem:v7+s14+$0x0], $0xffff  }
0xd6: {  	v7 =	vor.u32 v2, v0  }
0xd7: {  	v2 =	vld [tilespmem:$0x1FEF0];
	_ =	sdelay $0x2  }
0xd8: {  	[tilespmem:v5+s15+$0x0] =	vst.idx.msk $0xffff, v3  }
0xd9: {  	v5 =	vor.u32 v26, v4;
	v3 =	vld.idx.msk [tilespmem:v7+s14+$0x0], $0xffff  }
0xda: {  	v7 =	vor.u32 v2, v0  }
0xdb: {  	v2 =	vld [tilespmem:$0x1FF00];
	_ =	sdelay $0x2  }
0xdc: {  	[tilespmem:v5+s15+$0x0] =	vst.idx.msk $0xffff, v3  }
0xdd: {  	v5 =	vor.u32 v28, v4;
	v3 =	vld.idx.msk [tilespmem:v7+s14+$0x0], $0xffff  }
0xde: {  	v7 =	vor.u32 v2, v0  }
0xdf: {  	v2 =	vld [tilespmem:$0x1FF10];
	_ =	sdelay $0x2  }
0xe0: {  	[tilespmem:v5+s15+$0x0] =	vst.idx.msk $0xffff, v3  }
0xe1: {  	v5 =	vor.u32 v30, v4;
	v3 =	vld.idx.msk [tilespmem:v7+s14+$0x0], $0xffff  }
0xe2: {  	v0 =	vor.u32 v2, v0;
	_ =	sdelay $0x3  }
0xe3: {  	[tilespmem:v5+s15+$0x0] =	vst.idx.msk $0xffff, v3  }
0xe4: {  	v3 =	vor.u32 v32, v4;
	v0 =	vld.idx.msk [tilespmem:v0+s14+$0x0], $0xffff;
	_ =	sdelay $0x4  }
0xe5: {  	[tilespmem:v3+s15+$0x0] =	vst.idx.msk $0xffff, v0  }
0xe6: {  	v0 =	vld [tilespmem:s23+$0x20];
	_ =	sdelay $0x1  }
0xe7: {  	v2 =	vld [tilespmem:$0x1FF30];
	_ =	sdelay $0x2  }
0xe8: {  	v0 =	vshll.u32 v0, $0x4  }
0xe9: {  	v0 =	vand.u32 $0x70, v0  }
0xea: {  	v3 =	vor.u32 v2, v0;
	v2 =	vld [tilespmem:$0x1FF20];
	_ =	sdelay $0x4  }
0xeb: {  	v4 =	vor.u32 s22, v2;
	v2 =	vld [tilespmem:$0x1FF40];
	_ =	sdelay $0x2  }
0xec: {  	v4 =	vshrl.u32 v4, $0x1  }
0xed: {  	v3 =	vld.idx.msk [tilespmem:v3+s14+$0x0], $0xffff;
	v5 =	vor.u32 v6, v4  }
0xee: {  	v7 =	vor.u32 v2, v0  }
0xef: {  	v2 =	vld [tilespmem:$0x1FF50];
	_ =	sdelay $0x2  }
0xf0: {  	[tilespmem:v5+s15+$0x0] =	vst.idx.msk $0xffff, v3  }
0xf1: {  	v5 =	vor.u32 v8, v4;
	v3 =	vld.idx.msk [tilespmem:v7+s14+$0x0], $0xffff  }
0xf2: {  	v7 =	vor.u32 v2, v0  }
0xf3: {  	v2 =	vld [tilespmem:$0x1FF60];
	_ =	sdelay $0x2  }
0xf4: {  	[tilespmem:v5+s15+$0x0] =	vst.idx.msk $0xffff, v3  }
0xf5: {  	v5 =	vor.u32 v48, v4;
	v3 =	vld.idx.msk [tilespmem:v7+s14+$0x0], $0xffff  }
0xf6: {  	v7 =	vor.u32 v2, v0  }
0xf7: {  	v2 =	vld [tilespmem:$0x1FF70];
	_ =	sdelay $0x2  }
0xf8: {  	[tilespmem:v5+s15+$0x0] =	vst.idx.msk $0xffff, v3  }
0xf9: {  	v5 =	vor.u32 v49, v4;
	v3 =	vld.idx.msk [tilespmem:v7+s14+$0x0], $0xffff  }
0xfa: {  	v7 =	vor.u32 v2, v0  }
0xfb: {  	v2 =	vld [tilespmem:$0x1FF80];
	_ =	sdelay $0x2  }
0xfc: {  	[tilespmem:v5+s15+$0x0] =	vst.idx.msk $0xffff, v3  }
0xfd: {  	v5 =	vor.u32 v50, v4;
	v3 =	vld.idx.msk [tilespmem:v7+s14+$0x0], $0xffff  }
0xfe: {  	v7 =	vor.u32 v2, v0  }
0xff: {  	v2 =	vld [tilespmem:$0x1FF90];
	_ =	sdelay $0x2  }
0x100: {  	[tilespmem:v5+s15+$0x0] =	vst.idx.msk $0xffff, v3  }
0x101: {  	v5 =	vor.u32 v12, v4;
	v3 =	vld.idx.msk [tilespmem:v7+s14+$0x0], $0xffff  }
0x102: {  	v7 =	vor.u32 v2, v0  }
0x103: {  	v2 =	vld [tilespmem:$0x1FFA0];
	_ =	sdelay $0x2  }
0x104: {  	[tilespmem:v5+s15+$0x0] =	vst.idx.msk $0xffff, v3  }
0x105: {  	v5 =	vor.u32 v14, v4;
	v3 =	vld.idx.msk [tilespmem:v7+s14+$0x0], $0xffff  }
0x106: {  	v7 =	vor.u32 v2, v0  }
0x107: {  	v2 =	vld [tilespmem:$0x1FFB0];
	_ =	sdelay $0x2  }
0x108: {  	[tilespmem:v5+s15+$0x0] =	vst.idx.msk $0xffff, v3  }
0x109: {  	v5 =	vor.u32 v16, v4;
	v3 =	vld.idx.msk [tilespmem:v7+s14+$0x0], $0xffff  }
0x10a: {  	v7 =	vor.u32 v2, v0  }
0x10b: {  	v2 =	vld [tilespmem:$0x1FFC0];
	_ =	sdelay $0x2  }
0x10c: {  	[tilespmem:v5+s15+$0x0] =	vst.idx.msk $0xffff, v3  }
0x10d: {  	v5 =	vor.u32 v18, v4;
	v3 =	vld.idx.msk [tilespmem:v7+s14+$0x0], $0xffff  }
0x10e: {  	v7 =	vor.u32 v2, v0  }
0x10f: {  	v2 =	vld [tilespmem:$0x1FFD0];
	_ =	sdelay $0x2  }
0x110: {  	[tilespmem:v5+s15+$0x0] =	vst.idx.msk $0xffff, v3  }
0x111: {  	v5 =	vor.u32 v20, v4;
	v3 =	vld.idx.msk [tilespmem:v7+s14+$0x0], $0xffff  }
0x112: {  	v7 =	vor.u32 v2, v0  }
0x113: {  	v2 =	vld [tilespmem:$0x1FFE0];
	_ =	sdelay $0x2  }
0x114: {  	[tilespmem:v5+s15+$0x0] =	vst.idx.msk $0xffff, v3  }
0x115: {  	v5 =	vor.u32 v22, v4;
	v3 =	vld.idx.msk [tilespmem:v7+s14+$0x0], $0xffff  }
0x116: {  	v7 =	vor.u32 v2, v0  }
0x117: {  	v2 =	vld [tilespmem:$0x1FFF0];
	_ =	sdelay $0x2  }
0x118: {  	[tilespmem:v5+s15+$0x0] =	vst.idx.msk $0xffff, v3  }
0x119: {  	v5 =	vor.u32 v24, v4;
	v3 =	vld.idx.msk [tilespmem:v7+s14+$0x0], $0xffff  }
0x11a: {  	v7 =	vor.u32 v2, v0;
	_ =	sdelay $0x3  }
0x11b: {  	[tilespmem:v5+s15+$0x0] =	vst.idx.msk $0xffff, v3  }
0x11c: {  	v2 =	vor.u32 $0x100D, v1;
	v5 =	vor.u32 v26, v4;
	v3 =	vld.idx.msk [tilespmem:v7+s14+$0x0], $0xffff  }
0x11d: {  	v7 =	vor.u32 v2, v0;
	_ =	sdelay $0x3  }
0x11e: {  	[tilespmem:v5+s15+$0x0] =	vst.idx.msk $0xffff, v3  }
0x11f: {  	[tilespmem:$0x1FA40] =	vst v2;
	v2 =	vor.u32 $0x100E, v1;
	v5 =	vor.u32 v28, v4;
	v3 =	vld.idx.msk [tilespmem:v7+s14+$0x0], $0xffff  }
0x120: {  	v7 =	vor.u32 v2, v0;
	_ =	sdelay $0x3  }
0x121: {  	[tilespmem:v5+s15+$0x0] =	vst.idx.msk $0xffff, v3  }
0x122: {  	[tilespmem:$0x1FA50] =	vst v2;
	v2 =	vor.u32 $0x100F, v1;
	v5 =	vor.u32 v30, v4;
	v3 =	vld.idx.msk [tilespmem:v7+s14+$0x0], $0xffff  }
0x123: {  	v0 =	vor.u32 v2, v0;
	_ =	sdelay $0x3  }
0x124: {  	[tilespmem:v5+s15+$0x0] =	vst.idx.msk $0xffff, v3  }
0x125: {  	v3 =	vor.u32 v32, v4;
	v0 =	vld.idx.msk [tilespmem:v0+s14+$0x0], $0xffff;
	_ =	sdelay $0x4  }
0x126: {  	[tilespmem:v3+s15+$0x0] =	vst.idx.msk $0xffff, v0  }
0x127: {  	v0 =	vld [tilespmem:s23+$0x30];
	_ =	sdelay $0x4  }
0x128: {  	v0 =	vshll.u32 v0, $0x4  }
0x129: {  	[tilespmem:$0x1FA60] =	vst v2;
	v2 =	vor.u32 $0x1800, v1;
	v0 =	vand.u32 $0x70, v0  }
0x12a: {  	v3 =	vor.u32 v2, v0;
	_ =	sdelay $0x1  }
0x12b: {  	[tilespmem:$0x1FA70] =	vst v2;
	v2 =	vor.u32 $0x30, v10  }
0x12c: {  	v4 =	vor.u32 s22, v2  }
0x12d: {  	v4 =	vshrl.u32 v4, $0x1  }
0x12e: {  	[tilespmem:$0x1FA80] =	vst v2;
	v2 =	vor.u32 $0x1801, v1;
	v5 =	vor.u32 v6, v4;
	v3 =	vld.idx.msk [tilespmem:v3+s14+$0x0], $0xffff  }
0x12f: {  	v7 =	vor.u32 v2, v0;
	_ =	sdelay $0x3  }
0x130: {  	[tilespmem:v5+s15+$0x0] =	vst.idx.msk $0xffff, v3  }
0x131: {  	[tilespmem:$0x1FA90] =	vst v2;
	v2 =	vor.u32 $0x1802, v1;
	v5 =	vor.u32 v8, v4;
	v3 =	vld.idx.msk [tilespmem:v7+s14+$0x0], $0xffff  }
0x132: {  	v7 =	vor.u32 v2, v0;
	_ =	sdelay $0x3  }
0x133: {  	[tilespmem:v5+s15+$0x0] =	vst.idx.msk $0xffff, v3  }
0x134: {  	[tilespmem:$0x1FAA0] =	vst v2;
	v2 =	vor.u32 $0x1803, v1;
	v5 =	vor.u32 v48, v4;
	v3 =	vld.idx.msk [tilespmem:v7+s14+$0x0], $0xffff  }
0x135: {  	v7 =	vor.u32 v2, v0;
	_ =	sdelay $0x3  }
0x136: {  	[tilespmem:v5+s15+$0x0] =	vst.idx.msk $0xffff, v3  }
0x137: {  	[tilespmem:$0x1FAB0] =	vst v2;
	v2 =	vor.u32 $0x1804, v1;
	v5 =	vor.u32 v49, v4;
	v3 =	vld.idx.msk [tilespmem:v7+s14+$0x0], $0xffff  }
0x138: {  	v7 =	vor.u32 v2, v0;
	_ =	sdelay $0x3  }
0x139: {  	[tilespmem:v5+s15+$0x0] =	vst.idx.msk $0xffff, v3  }
0x13a: {  	[tilespmem:$0x1FAC0] =	vst v2;
	v2 =	vor.u32 $0x1805, v1;
	v5 =	vor.u32 v50, v4;
	v3 =	vld.idx.msk [tilespmem:v7+s14+$0x0], $0xffff  }
0x13b: {  	v7 =	vor.u32 v2, v0;
	_ =	sdelay $0x3  }
0x13c: {  	[tilespmem:v5+s15+$0x0] =	vst.idx.msk $0xffff, v3  }
0x13d: {  	[tilespmem:$0x1FAD0] =	vst v2;
	v2 =	vor.u32 $0x1806, v1;
	v5 =	vor.u32 v12, v4;
	v3 =	vld.idx.msk [tilespmem:v7+s14+$0x0], $0xffff  }
0x13e: {  	v7 =	vor.u32 v2, v0;
	_ =	sdelay $0x3  }
0x13f: {  	[tilespmem:v5+s15+$0x0] =	vst.idx.msk $0xffff, v3  }
0x140: {  	[tilespmem:$0x1FAE0] =	vst v2;
	v2 =	vor.u32 $0x1807, v1;
	v5 =	vor.u32 v14, v4;
	v3 =	vld.idx.msk [tilespmem:v7+s14+$0x0], $0xffff  }
0x141: {  	v7 =	vor.u32 v2, v0;
	_ =	sdelay $0x3  }
0x142: {  	[tilespmem:v5+s15+$0x0] =	vst.idx.msk $0xffff, v3  }
0x143: {  	[tilespmem:$0x1FAF0] =	vst v2;
	v2 =	vor.u32 $0x1808, v1;
	v5 =	vor.u32 v16, v4;
	v3 =	vld.idx.msk [tilespmem:v7+s14+$0x0], $0xffff  }
0x144: {  	v7 =	vor.u32 v2, v0;
	_ =	sdelay $0x3  }
0x145: {  	[tilespmem:v5+s15+$0x0] =	vst.idx.msk $0xffff, v3  }
0x146: {  	[tilespmem:$0x1FB00] =	vst v2;
	v2 =	vor.u32 $0x1809, v1;
	v5 =	vor.u32 v18, v4;
	v3 =	vld.idx.msk [tilespmem:v7+s14+$0x0], $0xffff  }
0x147: {  	v7 =	vor.u32 v2, v0;
	_ =	sdelay $0x3  }
0x148: {  	[tilespmem:v5+s15+$0x0] =	vst.idx.msk $0xffff, v3  }
0x149: {  	[tilespmem:$0x1FB10] =	vst v2;
	v2 =	vor.u32 $0x180A, v1;
	v5 =	vor.u32 v20, v4;
	v3 =	vld.idx.msk [tilespmem:v7+s14+$0x0], $0xffff  }
0x14a: {  	v7 =	vor.u32 v2, v0;
	_ =	sdelay $0x3  }
0x14b: {  	[tilespmem:v5+s15+$0x0] =	vst.idx.msk $0xffff, v3  }
0x14c: {  	[tilespmem:$0x1FB20] =	vst v2;
	v2 =	vor.u32 $0x180B, v1;
	v5 =	vor.u32 v22, v4;
	v3 =	vld.idx.msk [tilespmem:v7+s14+$0x0], $0xffff  }
0x14d: {  	v7 =	vor.u32 v2, v0;
	_ =	sdelay $0x3  }
0x14e: {  	[tilespmem:v5+s15+$0x0] =	vst.idx.msk $0xffff, v3  }
0x14f: {  	[tilespmem:$0x1FB30] =	vst v2;
	v2 =	vor.u32 $0x180C, v1;
	v5 =	vor.u32 v24, v4;
	v3 =	vld.idx.msk [tilespmem:v7+s14+$0x0], $0xffff  }
0x150: {  	v7 =	vor.u32 v2, v0;
	_ =	sdelay $0x3  }
0x151: {  	[tilespmem:v5+s15+$0x0] =	vst.idx.msk $0xffff, v3  }
0x152: {  	[tilespmem:$0x1FB40] =	vst v2;
	v2 =	vor.u32 $0x180D, v1;
	v5 =	vor.u32 v26, v4;
	v3 =	vld.idx.msk [tilespmem:v7+s14+$0x0], $0xffff  }
0x153: {  	v7 =	vor.u32 v2, v0;
	_ =	sdelay $0x3  }
0x154: {  	[tilespmem:v5+s15+$0x0] =	vst.idx.msk $0xffff, v3  }
0x155: {  	[tilespmem:$0x1FB50] =	vst v2;
	v2 =	vor.u32 $0x180E, v1;
	v5 =	vor.u32 v28, v4;
	v3 =	vld.idx.msk [tilespmem:v7+s14+$0x0], $0xffff  }
0x156: {  	v7 =	vor.u32 v2, v0;
	_ =	sdelay $0x3  }
0x157: {  	[tilespmem:v5+s15+$0x0] =	vst.idx.msk $0xffff, v3  }
0x158: {  	[tilespmem:$0x1FB60] =	vst v2;
	v2 =	vor.u32 $0x180F, v1;
	v5 =	vor.u32 v30, v4;
	v3 =	vld.idx.msk [tilespmem:v7+s14+$0x0], $0xffff  }
0x159: {  	v0 =	vor.u32 v2, v0;
	_ =	sdelay $0x3  }
0x15a: {  	[tilespmem:v5+s15+$0x0] =	vst.idx.msk $0xffff, v3  }
0x15b: {  	v3 =	vor.u32 v32, v4;
	v0 =	vld.idx.msk [tilespmem:v0+s14+$0x0], $0xffff;
	_ =	sdelay $0x4  }
0x15c: {  	[tilespmem:v3+s15+$0x0] =	vst.idx.msk $0xffff, v0  }
0x15d: {  	v0 =	vld [tilespmem:s23+$0x40];
	_ =	sdelay $0x4  }
0x15e: {  	v0 =	vshll.u32 v0, $0x4  }
0x15f: {  	[tilespmem:$0x1FB70] =	vst v2;
	v2 =	vor.u32 $0x2000, v1;
	v0 =	vand.u32 $0x70, v0  }
0x160: {  	v3 =	vor.u32 v2, v0;
	_ =	sdelay $0x1  }
0x161: {  	[tilespmem:$0x1FB80] =	vst v2;
	v2 =	vor.u32 $0x40, v10  }
0x162: {  	v4 =	vor.u32 s22, v2  }
0x163: {  	v4 =	vshrl.u32 v4, $0x1  }
0x164: {  	[tilespmem:$0x1FB90] =	vst v2;
	v2 =	vor.u32 $0x2001, v1;
	v5 =	vor.u32 v6, v4;
	v3 =	vld.idx.msk [tilespmem:v3+s14+$0x0], $0xffff  }
0x165: {  	v7 =	vor.u32 v2, v0;
	_ =	sdelay $0x3  }
0x166: {  	[tilespmem:v5+s15+$0x0] =	vst.idx.msk $0xffff, v3  }
0x167: {  	[tilespmem:$0x1FBA0] =	vst v2;
	v2 =	vor.u32 $0x2002, v1;
	v5 =	vor.u32 v8, v4;
	v3 =	vld.idx.msk [tilespmem:v7+s14+$0x0], $0xffff  }
0x168: {  	v7 =	vor.u32 v2, v0;
	_ =	sdelay $0x3  }
0x169: {  	[tilespmem:v5+s15+$0x0] =	vst.idx.msk $0xffff, v3  }
0x16a: {  	[tilespmem:$0x1FBB0] =	vst v2;
	v2 =	vor.u32 $0x2003, v1;
	v5 =	vor.u32 v48, v4;
	v3 =	vld.idx.msk [tilespmem:v7+s14+$0x0], $0xffff  }
0x16b: {  	v7 =	vor.u32 v2, v0;
	_ =	sdelay $0x3  }
0x16c: {  	[tilespmem:v5+s15+$0x0] =	vst.idx.msk $0xffff, v3  }
0x16d: {  	[tilespmem:$0x1FBC0] =	vst v2;
	v2 =	vor.u32 $0x2004, v1;
	v5 =	vor.u32 v49, v4;
	v3 =	vld.idx.msk [tilespmem:v7+s14+$0x0], $0xffff  }
0x16e: {  	v7 =	vor.u32 v2, v0;
	_ =	sdelay $0x3  }
0x16f: {  	[tilespmem:v5+s15+$0x0] =	vst.idx.msk $0xffff, v3  }
0x170: {  	[tilespmem:$0x1FBD0] =	vst v2;
	v2 =	vor.u32 $0x2005, v1;
	v5 =	vor.u32 v50, v4;
	v3 =	vld.idx.msk [tilespmem:v7+s14+$0x0], $0xffff  }
0x171: {  	v7 =	vor.u32 v2, v0;
	_ =	sdelay $0x3  }
0x172: {  	[tilespmem:v5+s15+$0x0] =	vst.idx.msk $0xffff, v3  }
0x173: {  	[tilespmem:$0x1FBE0] =	vst v2;
	v2 =	vor.u32 $0x2006, v1;
	v5 =	vor.u32 v12, v4;
	v3 =	vld.idx.msk [tilespmem:v7+s14+$0x0], $0xffff  }
0x174: {  	v7 =	vor.u32 v2, v0;
	_ =	sdelay $0x3  }
0x175: {  	[tilespmem:v5+s15+$0x0] =	vst.idx.msk $0xffff, v3  }
0x176: {  	[tilespmem:$0x1FBF0] =	vst v2;
	v2 =	vor.u32 $0x2007, v1;
	v5 =	vor.u32 v14, v4;
	v3 =	vld.idx.msk [tilespmem:v7+s14+$0x0], $0xffff  }
0x177: {  	v7 =	vor.u32 v2, v0;
	_ =	sdelay $0x3  }
0x178: {  	[tilespmem:v5+s15+$0x0] =	vst.idx.msk $0xffff, v3  }
0x179: {  	[tilespmem:$0x1FC00] =	vst v2;
	v2 =	vor.u32 $0x2008, v1;
	v5 =	vor.u32 v16, v4;
	v3 =	vld.idx.msk [tilespmem:v7+s14+$0x0], $0xffff  }
0x17a: {  	v7 =	vor.u32 v2, v0;
	_ =	sdelay $0x3  }
0x17b: {  	[tilespmem:v5+s15+$0x0] =	vst.idx.msk $0xffff, v3  }
0x17c: {  	[tilespmem:$0x1FC10] =	vst v2;
	v2 =	vor.u32 $0x2009, v1;
	v5 =	vor.u32 v18, v4;
	v3 =	vld.idx.msk [tilespmem:v7+s14+$0x0], $0xffff  }
0x17d: {  	v7 =	vor.u32 v2, v0;
	_ =	sdelay $0x3  }
0x17e: {  	[tilespmem:v5+s15+$0x0] =	vst.idx.msk $0xffff, v3  }
0x17f: {  	[tilespmem:$0x1FC20] =	vst v2;
	v2 =	vor.u32 $0x200A, v1;
	v5 =	vor.u32 v20, v4;
	v3 =	vld.idx.msk [tilespmem:v7+s14+$0x0], $0xffff  }
0x180: {  	v7 =	vor.u32 v2, v0;
	_ =	sdelay $0x3  }
0x181: {  	[tilespmem:v5+s15+$0x0] =	vst.idx.msk $0xffff, v3  }
0x182: {  	[tilespmem:$0x1FC30] =	vst v2;
	v2 =	vor.u32 $0x200B, v1;
	v5 =	vor.u32 v22, v4;
	v3 =	vld.idx.msk [tilespmem:v7+s14+$0x0], $0xffff  }
0x183: {  	v7 =	vor.u32 v2, v0;
	_ =	sdelay $0x3  }
0x184: {  	[tilespmem:v5+s15+$0x0] =	vst.idx.msk $0xffff, v3  }
0x185: {  	[tilespmem:$0x1FC40] =	vst v2;
	v2 =	vor.u32 $0x200C, v1;
	v5 =	vor.u32 v24, v4;
	v3 =	vld.idx.msk [tilespmem:v7+s14+$0x0], $0xffff  }
0x186: {  	v7 =	vor.u32 v2, v0;
	_ =	sdelay $0x3  }
0x187: {  	[tilespmem:v5+s15+$0x0] =	vst.idx.msk $0xffff, v3  }
0x188: {  	[tilespmem:$0x1FC50] =	vst v2;
	v2 =	vor.u32 $0x200D, v1;
	v5 =	vor.u32 v26, v4;
	v3 =	vld.idx.msk [tilespmem:v7+s14+$0x0], $0xffff  }
0x189: {  	v7 =	vor.u32 v2, v0;
	_ =	sdelay $0x3  }
0x18a: {  	[tilespmem:v5+s15+$0x0] =	vst.idx.msk $0xffff, v3  }
0x18b: {  	[tilespmem:$0x1FC60] =	vst v2;
	v2 =	vor.u32 $0x200E, v1;
	v5 =	vor.u32 v28, v4;
	v3 =	vld.idx.msk [tilespmem:v7+s14+$0x0], $0xffff  }
0x18c: {  	v7 =	vor.u32 v2, v0;
	_ =	sdelay $0x3  }
0x18d: {  	[tilespmem:v5+s15+$0x0] =	vst.idx.msk $0xffff, v3  }
0x18e: {  	[tilespmem:$0x1FC70] =	vst v2;
	v2 =	vor.u32 $0x200F, v1;
	v5 =	vor.u32 v30, v4;
	v3 =	vld.idx.msk [tilespmem:v7+s14+$0x0], $0xffff  }
0x18f: {  	v0 =	vor.u32 v2, v0;
	_ =	sdelay $0x3  }
0x190: {  	[tilespmem:v5+s15+$0x0] =	vst.idx.msk $0xffff, v3  }
0x191: {  	v3 =	vor.u32 v32, v4;
	v0 =	vld.idx.msk [tilespmem:v0+s14+$0x0], $0xffff;
	_ =	sdelay $0x4  }
0x192: {  	[tilespmem:v3+s15+$0x0] =	vst.idx.msk $0xffff, v0  }
0x193: {  	v0 =	vld [tilespmem:s23+$0x50];
	_ =	sdelay $0x4  }
0x194: {  	v0 =	vshll.u32 v0, $0x4  }
0x195: {  	v4 =	vand.u32 $0x70, v0;
	v0 =	vor.u32 $0x2800, v1  }
0x196: {  	[tilespmem:$0x1FC90] =	vst v0;
	v0 =	vor.u32 v0, v4;
	_ =	sdelay $0x1  }
0x197: {  	[tilespmem:$0x1FC80] =	vst v2;
	v2 =	vor.u32 $0x50, v10  }
0x198: {  	v3 =	vor.u32 s22, v2  }
0x199: {  	v17 =	vshrl.u32 v3, $0x1  }
0x19a: {  	[tilespmem:$0x1FCA0] =	vst v2;
	v2 =	vor.u32 $0x2801, v1;
	v3 =	vor.u32 v6, v17;
	v0 =	vld.idx.msk [tilespmem:v0+s14+$0x0], $0xffff  }
0x19b: {  	v5 =	vor.u32 v2, v4;
	_ =	sdelay $0x3  }
0x19c: {  	[tilespmem:v3+s15+$0x0] =	vst.idx.msk $0xffff, v0  }
0x19d: {  	[tilespmem:$0x1FCB0] =	vst v2;
	v2 =	vor.u32 $0x2802, v1;
	v3 =	vor.u32 v8, v17;
	v0 =	vld.idx.msk [tilespmem:v5+s14+$0x0], $0xffff  }
0x19e: {  	v5 =	vor.u32 v2, v4;
	_ =	sdelay $0x3  }
0x19f: {  	[tilespmem:v3+s15+$0x0] =	vst.idx.msk $0xffff, v0  }
0x1a0: {  	v59 =	vor.u32 $0x2803, v1;
	v3 =	vor.u32 v48, v17;
	v0 =	vld.idx.msk [tilespmem:v5+s14+$0x0], $0xffff  }
0x1a1: {  	v5 =	vor.u32 v59, v4;
	_ =	sdelay $0x3  }
0x1a2: {  	[tilespmem:v3+s15+$0x0] =	vst.idx.msk $0xffff, v0  }
0x1a3: {  	v60 =	vor.u32 $0x2804, v1;
	v3 =	vor.u32 v49, v17;
	v0 =	vld.idx.msk [tilespmem:v5+s14+$0x0], $0xffff  }
0x1a4: {  	v5 =	vor.u32 v60, v4;
	_ =	sdelay $0x3  }
0x1a5: {  	[tilespmem:v3+s15+$0x0] =	vst.idx.msk $0xffff, v0  }
0x1a6: {  	v61 =	vor.u32 $0x2805, v1;
	v3 =	vor.u32 v50, v17;
	v0 =	vld.idx.msk [tilespmem:v5+s14+$0x0], $0xffff  }
0x1a7: {  	v5 =	vor.u32 v61, v4;
	_ =	sdelay $0x3  }
0x1a8: {  	[tilespmem:v3+s15+$0x0] =	vst.idx.msk $0xffff, v0  }
0x1a9: {  	v62 =	vor.u32 $0x2806, v1;
	v3 =	vor.u32 v12, v17;
	v0 =	vld.idx.msk [tilespmem:v5+s14+$0x0], $0xffff  }
0x1aa: {  	v5 =	vor.u32 v62, v4;
	_ =	sdelay $0x3  }
0x1ab: {  	[tilespmem:v3+s15+$0x0] =	vst.idx.msk $0xffff, v0  }
0x1ac: {  	v63 =	vor.u32 $0x2807, v1;
	v3 =	vor.u32 v14, v17;
	v0 =	vld.idx.msk [tilespmem:v5+s14+$0x0], $0xffff  }
0x1ad: {  	v5 =	vor.u32 v63, v4;
	_ =	sdelay $0x3  }
0x1ae: {  	[tilespmem:v3+s15+$0x0] =	vst.idx.msk $0xffff, v0  }
0x1af: {  	v0 =	vor.u32 $0x2808, v1;
	v3 =	vld.idx.msk [tilespmem:v5+s14+$0x0], $0xffff;
	v5 =	vor.u32 v16, v17  }
0x1b0: {  	v7 =	vor.u32 v0, v4;
	_ =	sdelay $0x3  }
0x1b1: {  	[tilespmem:v5+s15+$0x0] =	vst.idx.msk $0xffff, v3  }
0x1b2: {  	v3 =	vor.u32 $0x2809, v1;
	v5 =	vld.idx.msk [tilespmem:v7+s14+$0x0], $0xffff;
	v7 =	vor.u32 v18, v17  }
0x1b3: {  	v9 =	vor.u32 v3, v4;
	_ =	sdelay $0x3  }
0x1b4: {  	[tilespmem:v7+s15+$0x0] =	vst.idx.msk $0xffff, v5  }
0x1b5: {  	v5 =	vor.u32 $0x280A, v1;
	v7 =	vld.idx.msk [tilespmem:v9+s14+$0x0], $0xffff;
	v9 =	vor.u32 v20, v17  }
0x1b6: {  	v11 =	vor.u32 v5, v4;
	_ =	sdelay $0x3  }
0x1b7: {  	[tilespmem:v9+s15+$0x0] =	vst.idx.msk $0xffff, v7  }
0x1b8: {  	v7 =	vor.u32 $0x280B, v1;
	v9 =	vld.idx.msk [tilespmem:v11+s14+$0x0], $0xffff;
	v11 =	vor.u32 v22, v17  }
0x1b9: {  	v13 =	vor.u32 v7, v4;
	_ =	sdelay $0x3  }
0x1ba: {  	[tilespmem:v11+s15+$0x0] =	vst.idx.msk $0xffff, v9  }
0x1bb: {  	v9 =	vor.u32 $0x280C, v1;
	v11 =	vld.idx.msk [tilespmem:v13+s14+$0x0], $0xffff;
	v13 =	vor.u32 v24, v17  }
0x1bc: {  	v15 =	vor.u32 v9, v4;
	_ =	sdelay $0x3  }
0x1bd: {  	[tilespmem:v13+s15+$0x0] =	vst.idx.msk $0xffff, v11  }
0x1be: {  	v11 =	vor.u32 $0x280D, v1;
	v13 =	vld.idx.msk [tilespmem:v15+s14+$0x0], $0xffff;
	v15 =	vor.u32 v26, v17  }
0x1bf: {  	v19 =	vor.u32 v11, v4;
	_ =	sdelay $0x3  }
0x1c0: {  	[tilespmem:v15+s15+$0x0] =	vst.idx.msk $0xffff, v13  }
0x1c1: {  	v13 =	vor.u32 $0x280E, v1;
	v15 =	vld.idx.msk [tilespmem:v19+s14+$0x0], $0xffff;
	v19 =	vor.u32 v28, v17  }
0x1c2: {  	v21 =	vor.u32 v13, v4;
	_ =	sdelay $0x3  }
0x1c3: {  	[tilespmem:v19+s15+$0x0] =	vst.idx.msk $0xffff, v15  }
0x1c4: {  	v15 =	vor.u32 $0x280F, v1;
	v19 =	vld.idx.msk [tilespmem:v21+s14+$0x0], $0xffff;
	v21 =	vor.u32 v30, v17  }
0x1c5: {  	v4 =	vor.u32 v15, v4;
	_ =	sdelay $0x3  }
0x1c6: {  	[tilespmem:v21+s15+$0x0] =	vst.idx.msk $0xffff, v19  }
0x1c7: {  	v17 =	vor.u32 v32, v17;
	v4 =	vld.idx.msk [tilespmem:v4+s14+$0x0], $0xffff;
	_ =	sdelay $0x4  }
0x1c8: {  	[tilespmem:v17+s15+$0x0] =	vst.idx.msk $0xffff, v4  }
0x1c9: {  	v4 =	vld [tilespmem:s23+$0x60];
	_ =	sdelay $0x4  }
0x1ca: {  	v4 =	vshll.u32 v4, $0x4  }
0x1cb: {  	v17 =	vor.u32 $0x3000, v1;
	v4 =	vand.u32 $0x70, v4  }
0x1cc: {  	v21 =	vor.u32 v17, v4;
	_ =	sdelay $0x1  }
0x1cd: {  	v19 =	vor.u32 $0x60, v10  }
0x1ce: {  	v23 =	vor.u32 s22, v19  }
0x1cf: {  	v42 =	vshrl.u32 v23, $0x1  }
0x1d0: {  	v25 =	vor.u32 v6, v42;
	v23 =	vld.idx.msk [tilespmem:v21+s14+$0x0], $0xffff;
	v21 =	vor.u32 $0x3001, v1  }
0x1d1: {  	v27 =	vor.u32 v21, v4;
	_ =	sdelay $0x3  }
0x1d2: {  	[tilespmem:v25+s15+$0x0] =	vst.idx.msk $0xffff, v23  }
0x1d3: {  	v23 =	vor.u32 $0x3002, v1;
	v25 =	vld.idx.msk [tilespmem:v27+s14+$0x0], $0xffff;
	v27 =	vor.u32 v8, v42  }
0x1d4: {  	v29 =	vor.u32 v23, v4;
	_ =	sdelay $0x3  }
0x1d5: {  	[tilespmem:v27+s15+$0x0] =	vst.idx.msk $0xffff, v25  }
0x1d6: {  	v25 =	vor.u32 $0x3003, v1;
	v27 =	vld.idx.msk [tilespmem:v29+s14+$0x0], $0xffff;
	v29 =	vor.u32 v48, v42  }
0x1d7: {  	v31 =	vor.u32 v25, v4;
	_ =	sdelay $0x3  }
0x1d8: {  	[tilespmem:v29+s15+$0x0] =	vst.idx.msk $0xffff, v27  }
0x1d9: {  	v27 =	vor.u32 $0x3004, v1;
	v29 =	vld.idx.msk [tilespmem:v31+s14+$0x0], $0xffff;
	v31 =	vor.u32 v49, v42  }
0x1da: {  	v33 =	vor.u32 v27, v4;
	_ =	sdelay $0x3  }
0x1db: {  	[tilespmem:v31+s15+$0x0] =	vst.idx.msk $0xffff, v29  }
0x1dc: {  	v39 =	vor.u32 v50, v42;
	v29 =	vor.u32 $0x3005, v1;
	v31 =	vld.idx.msk [tilespmem:v33+s14+$0x0], $0xffff  }
0x1dd: {  	v34 =	vor.u32 v29, v4;
	_ =	sdelay $0x3  }
0x1de: {  	[tilespmem:v39+s15+$0x0] =	vst.idx.msk $0xffff, v31  }
0x1df: {  	v40 =	vor.u32 v12, v42;
	v31 =	vor.u32 $0x3006, v1;
	v33 =	vld.idx.msk [tilespmem:v34+s14+$0x0], $0xffff  }
0x1e0: {  	v35 =	vor.u32 v31, v4;
	_ =	sdelay $0x3  }
0x1e1: {  	[tilespmem:v40+s15+$0x0] =	vst.idx.msk $0xffff, v33  }
0x1e2: {  	v41 =	vor.u32 v14, v42;
	v33 =	vor.u32 $0x3007, v1;
	v34 =	vld.idx.msk [tilespmem:v35+s14+$0x0], $0xffff  }
0x1e3: {  	v36 =	vor.u32 v33, v4;
	_ =	sdelay $0x3  }
0x1e4: {  	[tilespmem:v41+s15+$0x0] =	vst.idx.msk $0xffff, v34  }
0x1e5: {  	v43 =	vor.u32 v16, v42;
	v34 =	vor.u32 $0x3008, v1;
	v35 =	vld.idx.msk [tilespmem:v36+s14+$0x0], $0xffff  }
0x1e6: {  	v37 =	vor.u32 v34, v4;
	_ =	sdelay $0x3  }
0x1e7: {  	[tilespmem:v43+s15+$0x0] =	vst.idx.msk $0xffff, v35  }
0x1e8: {  	v44 =	vor.u32 v18, v42;
	v35 =	vor.u32 $0x3009, v1;
	v36 =	vld.idx.msk [tilespmem:v37+s14+$0x0], $0xffff  }
0x1e9: {  	v38 =	vor.u32 v35, v4;
	_ =	sdelay $0x3  }
0x1ea: {  	[tilespmem:v44+s15+$0x0] =	vst.idx.msk $0xffff, v36  }
0x1eb: {  	v45 =	vor.u32 v20, v42;
	v36 =	vor.u32 $0x300A, v1;
	v37 =	vld.idx.msk [tilespmem:v38+s14+$0x0], $0xffff  }
0x1ec: {  	v39 =	vor.u32 v36, v4;
	_ =	sdelay $0x3  }
0x1ed: {  	[tilespmem:v45+s15+$0x0] =	vst.idx.msk $0xffff, v37  }
0x1ee: {  	v46 =	vor.u32 v22, v42;
	v37 =	vor.u32 $0x300B, v1;
	v38 =	vld.idx.msk [tilespmem:v39+s14+$0x0], $0xffff  }
0x1ef: {  	v40 =	vor.u32 v37, v4;
	_ =	sdelay $0x3  }
0x1f0: {  	[tilespmem:v46+s15+$0x0] =	vst.idx.msk $0xffff, v38  }
0x1f1: {  	v47 =	vor.u32 v24, v42;
	v38 =	vor.u32 $0x300C, v1;
	v39 =	vld.idx.msk [tilespmem:v40+s14+$0x0], $0xffff  }
0x1f2: {  	v41 =	vor.u32 v38, v4;
	_ =	sdelay $0x3  }
0x1f3: {  	[tilespmem:v47+s15+$0x0] =	vst.idx.msk $0xffff, v39  }
0x1f4: {  	v51 =	vor.u32 v26, v42;
	v39 =	vor.u32 $0x300D, v1;
	v40 =	vld.idx.msk [tilespmem:v41+s14+$0x0], $0xffff  }
0x1f5: {  	v43 =	vor.u32 v39, v4;
	_ =	sdelay $0x3  }
0x1f6: {  	[tilespmem:v51+s15+$0x0] =	vst.idx.msk $0xffff, v40  }
0x1f7: {  	v52 =	vor.u32 v28, v42;
	v40 =	vor.u32 $0x300E, v1;
	v41 =	vld.idx.msk [tilespmem:v43+s14+$0x0], $0xffff  }
0x1f8: {  	v44 =	vor.u32 v40, v4;
	_ =	sdelay $0x3  }
0x1f9: {  	[tilespmem:v52+s15+$0x0] =	vst.idx.msk $0xffff, v41  }
0x1fa: {  	v53 =	vor.u32 v30, v42;
	v41 =	vor.u32 $0x300F, v1;
	v43 =	vld.idx.msk [tilespmem:v44+s14+$0x0], $0xffff  }
0x1fb: {  	v4 =	vor.u32 v41, v4;
	_ =	sdelay $0x3  }
0x1fc: {  	[tilespmem:v53+s15+$0x0] =	vst.idx.msk $0xffff, v43  }
0x1fd: {  	v42 =	vor.u32 v32, v42;
	v4 =	vld.idx.msk [tilespmem:v4+s14+$0x0], $0xffff;
	_ =	sdelay $0x4  }
0x1fe: {  	[tilespmem:v42+s15+$0x0] =	vst.idx.msk $0xffff, v4  }
0x1ff: {  	v4 =	vld [tilespmem:s23+$0x70];
	_ =	sdelay $0x4  }
0x200: {  	v4 =	vshll.u32 v4, $0x4  }
0x201: {  	v42 =	vor.u32 $0x3800, v1;
	v58 =	vand.u32 $0x70, v4  }
0x202: {  	v4 =	vor.u32 v42, v58;
	_ =	sdelay $0x1  }
0x203: {  	v43 =	vor.u32 $0x70, v10  }
0x204: {  	v54 =	vor.u32 s22, v43  }
0x205: {  	[tilespmem:$0x1FCC0] =	vst v2;
	v2 =	vshrl.u32 v54, $0x1  }
0x206: {  	v44 =	vor.u32 $0x3801, v1;
	v45 =	vor.u32 v6, v2;
	v4 =	vld.idx.msk [tilespmem:v4+s14+$0x0], $0xffff  }
0x207: {  	v46 =	vor.u32 v44, v58;
	_ =	sdelay $0x3  }
0x208: {  	[tilespmem:v45+s15+$0x0] =	vst.idx.msk $0xffff, v4  }
0x209: {  	v55 =	vor.u32 v8, v2;
	v45 =	vor.u32 $0x3802, v1;
	v4 =	vld.idx.msk [tilespmem:v46+s14+$0x0], $0xffff  }
0x20a: {  	v47 =	vor.u32 v45, v58;
	_ =	sdelay $0x3  }
0x20b: {  	[tilespmem:v55+s15+$0x0] =	vst.idx.msk $0xffff, v4  }
0x20c: {  	v56 =	vor.u32 v48, v2;
	v46 =	vor.u32 $0x3803, v1;
	v4 =	vld.idx.msk [tilespmem:v47+s14+$0x0], $0xffff  }
0x20d: {  	v57 =	vor.u32 v46, v58;
	_ =	sdelay $0x3  }
0x20e: {  	[tilespmem:v56+s15+$0x0] =	vst.idx.msk $0xffff, v4  }
0x20f: {  	v52 =	vor.u32 v49, v2;
	v47 =	vor.u32 $0x3804, v1;
	v4 =	vld.idx.msk [tilespmem:v57+s14+$0x0], $0xffff  }
0x210: {  	v53 =	vor.u32 v47, v58;
	_ =	sdelay $0x3  }
0x211: {  	[tilespmem:v52+s15+$0x0] =	vst.idx.msk $0xffff, v4  }
0x212: {  	v54 =	vor.u32 v50, v2;
	v48 =	vor.u32 $0x3805, v1;
	v4 =	vld.idx.msk [tilespmem:v53+s14+$0x0], $0xffff  }
0x213: {  	v55 =	vor.u32 v48, v58;
	_ =	sdelay $0x3  }
0x214: {  	[tilespmem:v54+s15+$0x0] =	vst.idx.msk $0xffff, v4  }
0x215: {  	v49 =	vor.u32 $0x3806, v1;
	v56 =	vor.u32 v12, v2;
	v4 =	vld.idx.msk [tilespmem:v55+s14+$0x0], $0xffff  }
0x216: {  	v51 =	vor.u32 v49, v58;
	_ =	sdelay $0x3  }
0x217: {  	[tilespmem:v56+s15+$0x0] =	vst.idx.msk $0xffff, v4  }
0x218: {  	v50 =	vor.u32 $0x3807, v1;
	v57 =	vor.u32 v14, v2;
	v4 =	vld.idx.msk [tilespmem:v51+s14+$0x0], $0xffff  }
0x219: {  	v52 =	vor.u32 v50, v58;
	_ =	sdelay $0x3  }
0x21a: {  	[tilespmem:v57+s15+$0x0] =	vst.idx.msk $0xffff, v4  }
0x21b: {  	v56 =	vor.u32 v16, v2;
	v51 =	vor.u32 $0x3808, v1;
	v4 =	vld.idx.msk [tilespmem:v52+s14+$0x0], $0xffff  }
0x21c: {  	v53 =	vor.u32 v51, v58;
	_ =	sdelay $0x3  }
0x21d: {  	[tilespmem:v56+s15+$0x0] =	vst.idx.msk $0xffff, v4  }
0x21e: {  	v57 =	vor.u32 v18, v2;
	v52 =	vor.u32 $0x3809, v1;
	v4 =	vld.idx.msk [tilespmem:v53+s14+$0x0], $0xffff  }
0x21f: {  	v54 =	vor.u32 v52, v58;
	_ =	sdelay $0x3  }
0x220: {  	[tilespmem:v57+s15+$0x0] =	vst.idx.msk $0xffff, v4  }
0x221: {  	v53 =	vor.u32 $0x380A, v1;
	v57 =	vor.u32 v20, v2;
	v4 =	vld.idx.msk [tilespmem:v54+s14+$0x0], $0xffff  }
0x222: {  	v55 =	vor.u32 v53, v58;
	_ =	sdelay $0x3  }
0x223: {  	[tilespmem:v57+s15+$0x0] =	vst.idx.msk $0xffff, v4  }
0x224: {  	v54 =	vor.u32 $0x380B, v1;
	v4 =	vld.idx.msk [tilespmem:v55+s14+$0x0], $0xffff;
	v55 =	vor.u32 v22, v2  }
0x225: {  	v56 =	vor.u32 v54, v58;
	_ =	sdelay $0x3  }
0x226: {  	[tilespmem:v55+s15+$0x0] =	vst.idx.msk $0xffff, v4  }
0x227: {  	v55 =	vor.u32 $0x380C, v1;
	v4 =	vld.idx.msk [tilespmem:v56+s14+$0x0], $0xffff;
	v56 =	vor.u32 v24, v2  }
0x228: {  	v57 =	vor.u32 v55, v58;
	_ =	sdelay $0x3  }
0x229: {  	[tilespmem:v56+s15+$0x0] =	vst.idx.msk $0xffff, v4  }
0x22a: {  	v56 =	vor.u32 $0x380D, v1;
	v4 =	vld.idx.msk [tilespmem:v57+s14+$0x0], $0xffff;
	v57 =	vor.u32 v26, v2  }
0x22b: {  	v6 =	vor.u32 v56, v58;
	_ =	sdelay $0x3  }
0x22c: {  	[tilespmem:v57+s15+$0x0] =	vst.idx.msk $0xffff, v4  }
0x22d: {  	v57 =	vor.u32 $0x380E, v1;
	v4 =	vld.idx.msk [tilespmem:v6+s14+$0x0], $0xffff;
	v6 =	vor.u32 v28, v2  }
0x22e: {  	v8 =	vor.u32 v57, v58;
	_ =	sdelay $0x3  }
0x22f: {  	[tilespmem:v6+s15+$0x0] =	vst.idx.msk $0xffff, v4  }
0x230: {  	v4 =	vor.u32 $0x380F, v1;
	v6 =	vld.idx.msk [tilespmem:v8+s14+$0x0], $0xffff;
	v8 =	vor.u32 v30, v2  }
0x231: {  	v58 =	vor.u32 v4, v58;
	_ =	sdelay $0x3  }
0x232: {  	[tilespmem:v8+s15+$0x0] =	vst.idx.msk $0xffff, v6  }
0x233: {  	p1 =	por p0, p0;
	v2 =	vor.u32 v32, v2;
	v6 =	vld.idx.msk [tilespmem:v58+s14+$0x0], $0xffff  }
.Ltmp0:
0x234: {  	_ = 	snop;
	(pc) =	sbr.rel @p1 .LBB2_2-.Ltmp0, $2  }
0x235: {  	_ =	sdelay $0x2  }
0x236: {  	p0 =	por $0x0, $0x0;
	s22 =	simm.s32 $0x0;
	s23 =	simm.s32 $0x140;
	[tilespmem:v2+s15+$0x0] =	vst.idx.msk $0xffff, v6  }
.LBB2_3:
0x237: {  	v2 =	vld [tilespmem:s23+$0xFFFFFFC0];
	_ =	sdelay $0x4  }
0x238: {  	v2 =	vshrl.u32 v2, $0x3  }
0x239: {  	[tilespmem:$0x600] =	vst v2  }
0x23a: {  	v2 =	vld [tilespmem:s23+$0xFFFFFFD0];
	_ =	sdelay $0x4  }
0x23b: {  	v2 =	vshrl.u32 v2, $0x3  }
0x23c: {  	[tilespmem:$0x610] =	vst v2  }
0x23d: {  	v2 =	vld [tilespmem:s23+$0xFFFFFFE0];
	_ =	sdelay $0x4  }
0x23e: {  	v2 =	vshrl.u32 v2, $0x3  }
0x23f: {  	[tilespmem:$0x620] =	vst v2  }
0x240: {  	v2 =	vld [tilespmem:s23+$0xFFFFFFF0];
	_ =	sdelay $0x4  }
0x241: {  	v2 =	vshrl.u32 v2, $0x3  }
0x242: {  	[tilespmem:$0x630] =	vst v2  }
0x243: {  	v2 =	vld [tilespmem:s23+$0x0];
	_ =	sdelay $0x4  }
0x244: {  	v2 =	vshrl.u32 v2, $0x3  }
0x245: {  	[tilespmem:$0x640] =	vst v2  }
0x246: {  	v2 =	vld [tilespmem:s23+$0x10];
	_ =	sdelay $0x4  }
0x247: {  	v2 =	vshrl.u32 v2, $0x3  }
0x248: {  	[tilespmem:$0x650] =	vst v2  }
0x249: {  	v2 =	vld [tilespmem:s23+$0x20];
	_ =	sdelay $0x4  }
0x24a: {  	v2 =	vshrl.u32 v2, $0x3  }
0x24b: {  	[tilespmem:$0x660] =	vst v2  }
0x24c: {  	v2 =	vld [tilespmem:s23+$0x30];
	_ =	sdelay $0x4  }
0x24d: {  	v2 =	vshrl.u32 v2, $0x3  }
0x24e: {  	[tilespmem:$0x670] =	vst v2  }
0x24f: {  	[tilespmem:s14], [sflag:$0x1] =	stream.indirect.gather [hbm4b:s3+s12], $0x80, s13, s12, $0xb8;
	[tilespmem:$0xA680] =	vst v63  }
0x250: {  	_ =	swait.ge [sflag:s16], $0x4000  }
0x251: {  	[sflag:s16] =	ssyncset.done $0x0  }
0x252: {  	v6 =	vor.u32 s22, v10;
	[sflag:s16] =	ssyncadd.s32 $0xFFFFC000  }
0x253: {  	v8 =	vmulhi.u32 $0xCCCCCCCD, v6;
	v2 =	vld [tilespmem:s23+$0xFFFFFFC0];
	_ =	sdelay $0x1  }
0x254: {  	v8 =	vshrl.u32 v8, $0x3  }
0x255: {  	v58 =	vmul.u32 $0xFFFFFFF6, v8;
	_ =	sdelay $0x1  }
0x256: {  	v6 =	vadd.s32 v6, v58;
	v2 =	vshll.u32 v2, $0x4  }
0x257: {  	v58 =	vand.u32 $0x80, v8;
	v6 =	vshll.u32 v6, $0xB;
	v2 =	vand.u32 $0x70, v2  }
0x258: {  	v8 =	vand.u32 $0x7F, v8;
	v6 =	vor.u32 v58, v6;
	v10 =	vor.u32 v1, v2  }
0x259: {  	v6 =	vor.u32 v8, v6;
	v8 =	vld [tilespmem:$0x1FCD0];
	_ =	sdelay $0x3  }
0x25a: {  	v10 =	vld.idx.msk [tilespmem:v10+s14+$0x0], $0xffff  }
0x25b: {  	v8 =	vor.u32 v8, v2  }
0x25c: {  	v58 =	vld [tilespmem:$0x1FCF0];
	_ =	sdelay $0x2  }
0x25d: {  	[tilespmem:v6+s17+$0x0] =	vst.idx.msk $0xffff, v10  }
0x25e: {  	v10 =	vadd.s32 $0x80, v6;
	v8 =	vld.idx.msk [tilespmem:v8+s14+$0x0], $0xffff  }
0x25f: {  	v58 =	vor.u32 v58, v2;
	_ =	sdelay $0x3  }
0x260: {  	[tilespmem:v10+s17+$0x0] =	vst.idx.msk $0xffff, v8  }
0x261: {  	v8 =	vld.idx.msk [tilespmem:v58+s14+$0x0], $0xffff  }
0x262: {  	v58 =	vld [tilespmem:$0x1FD10];
	_ =	sdelay $0x3  }
0x263: {  	v10 =	vor.u32 $0x100, v6  }
0x264: {  	v58 =	vor.u32 v58, v2;
	_ =	sdelay $0x3  }
0x265: {  	[tilespmem:v10+s17+$0x0] =	vst.idx.msk $0xffff, v8  }
0x266: {  	v8 =	vld.idx.msk [tilespmem:v58+s14+$0x0], $0xffff  }
0x267: {  	v58 =	vld [tilespmem:$0x1FD30];
	_ =	sdelay $0x3  }
0x268: {  	v10 =	vadd.s32 $0x180, v6  }
0x269: {  	v58 =	vor.u32 v58, v2;
	_ =	sdelay $0x3  }
0x26a: {  	[tilespmem:v10+s17+$0x0] =	vst.idx.msk $0xffff, v8  }
0x26b: {  	v8 =	vld.idx.msk [tilespmem:v58+s14+$0x0], $0xffff  }
0x26c: {  	v58 =	vld [tilespmem:$0x1FD50];
	_ =	sdelay $0x3  }
0x26d: {  	v10 =	vor.u32 $0x200, v6  }
0x26e: {  	v58 =	vor.u32 v58, v2;
	_ =	sdelay $0x3  }
0x26f: {  	[tilespmem:v10+s17+$0x0] =	vst.idx.msk $0xffff, v8  }
0x270: {  	v8 =	vld.idx.msk [tilespmem:v58+s14+$0x0], $0xffff  }
0x271: {  	v58 =	vld [tilespmem:$0x1FD60];
	_ =	sdelay $0x3  }
0x272: {  	v10 =	vadd.s32 $0x280, v6  }
0x273: {  	v58 =	vor.u32 v58, v2;
	_ =	sdelay $0x3  }
0x274: {  	[tilespmem:v10+s17+$0x0] =	vst.idx.msk $0xffff, v8  }
0x275: {  	v8 =	vld.idx.msk [tilespmem:v58+s14+$0x0], $0xffff  }
0x276: {  	v58 =	vld [tilespmem:$0x1FD70];
	_ =	sdelay $0x3  }
0x277: {  	v10 =	vor.u32 $0x300, v6  }
0x278: {  	v58 =	vor.u32 v58, v2;
	_ =	sdelay $0x3  }
0x279: {  	[tilespmem:v10+s17+$0x0] =	vst.idx.msk $0xffff, v8  }
0x27a: {  	v8 =	vld.idx.msk [tilespmem:v58+s14+$0x0], $0xffff  }
0x27b: {  	v58 =	vld [tilespmem:$0x1FD80];
	_ =	sdelay $0x3  }
0x27c: {  	v10 =	vadd.s32 $0x380, v6  }
0x27d: {  	v58 =	vor.u32 v58, v2;
	_ =	sdelay $0x3  }
0x27e: {  	[tilespmem:v10+s17+$0x0] =	vst.idx.msk $0xffff, v8  }
0x27f: {  	v8 =	vld.idx.msk [tilespmem:v58+s14+$0x0], $0xffff  }
0x280: {  	v58 =	vld [tilespmem:$0x1FD90];
	_ =	sdelay $0x3  }
0x281: {  	v10 =	vor.u32 $0x400, v6  }
0x282: {  	v58 =	vor.u32 v58, v2;
	_ =	sdelay $0x3  }
0x283: {  	[tilespmem:v10+s17+$0x0] =	vst.idx.msk $0xffff, v8  }
0x284: {  	v8 =	vld.idx.msk [tilespmem:v58+s14+$0x0], $0xffff  }
0x285: {  	v58 =	vld [tilespmem:$0x1FDA0];
	_ =	sdelay $0x3  }
0x286: {  	v10 =	vadd.s32 $0x480, v6  }
0x287: {  	v58 =	vor.u32 v58, v2;
	_ =	sdelay $0x3  }
0x288: {  	[tilespmem:v10+s17+$0x0] =	vst.idx.msk $0xffff, v8  }
0x289: {  	v8 =	vld.idx.msk [tilespmem:v58+s14+$0x0], $0xffff  }
0x28a: {  	v58 =	vld [tilespmem:$0x1FDB0];
	_ =	sdelay $0x3  }
0x28b: {  	v10 =	vor.u32 $0x500, v6  }
0x28c: {  	v58 =	vor.u32 v58, v2;
	_ =	sdelay $0x3  }
0x28d: {  	[tilespmem:v10+s17+$0x0] =	vst.idx.msk $0xffff, v8  }
0x28e: {  	v8 =	vld.idx.msk [tilespmem:v58+s14+$0x0], $0xffff  }
0x28f: {  	v58 =	vld [tilespmem:$0x1FDC0];
	_ =	sdelay $0x3  }
0x290: {  	v10 =	vadd.s32 $0x580, v6  }
0x291: {  	v58 =	vor.u32 v58, v2;
	_ =	sdelay $0x3  }
0x292: {  	[tilespmem:v10+s17+$0x0] =	vst.idx.msk $0xffff, v8  }
0x293: {  	v8 =	vld.idx.msk [tilespmem:v58+s14+$0x0], $0xffff  }
0x294: {  	v58 =	vld [tilespmem:$0x1FDD0];
	_ =	sdelay $0x3  }
0x295: {  	v10 =	vor.u32 $0x600, v6  }
0x296: {  	v58 =	vor.u32 v58, v2;
	_ =	sdelay $0x3  }
0x297: {  	[tilespmem:v10+s17+$0x0] =	vst.idx.msk $0xffff, v8  }
0x298: {  	v8 =	vld.idx.msk [tilespmem:v58+s14+$0x0], $0xffff  }
0x299: {  	v58 =	vld [tilespmem:$0x1FDE0];
	_ =	sdelay $0x3  }
0x29a: {  	v10 =	vadd.s32 $0x680, v6  }
0x29b: {  	v58 =	vor.u32 v58, v2;
	_ =	sdelay $0x3  }
0x29c: {  	[tilespmem:v10+s17+$0x0] =	vst.idx.msk $0xffff, v8  }
0x29d: {  	v8 =	vld.idx.msk [tilespmem:v58+s14+$0x0], $0xffff  }
0x29e: {  	v58 =	vld [tilespmem:$0x1FDF0];
	_ =	sdelay $0x3  }
0x29f: {  	v10 =	vor.u32 $0x700, v6  }
0x2a0: {  	v2 =	vor.u32 v58, v2;
	_ =	sdelay $0x3  }
0x2a1: {  	[tilespmem:v10+s17+$0x0] =	vst.idx.msk $0xffff, v8  }
0x2a2: {  	v6 =	vadd.s32 $0x780, v6;
	v2 =	vld.idx.msk [tilespmem:v2+s14+$0x0], $0xffff;
	_ =	sdelay $0x4  }
0x2a3: {  	[tilespmem:v6+s17+$0x0] =	vst.idx.msk $0xffff, v2;
	v6 =	vld [tilespmem:$0x1FE10];
	_ =	sdelay $0x4  }
0x2a4: {  	v6 =	vor.u32 s22, v6  }
0x2a5: {  	v2 =	vld [tilespmem:s23+$0xFFFFFFD0];
	v8 =	vmulhi.u32 $0xCCCCCCCD, v6;
	_ =	sdelay $0x1  }
0x2a6: {  	v58 =	vld [tilespmem:$0x1FE20];
	v8 =	vshrl.u32 v8, $0x3  }
0x2a7: {  	v10 =	vmul.u32 $0xFFFFFFF6, v8;
	_ =	sdelay $0x1  }
0x2a8: {  	v2 =	vshll.u32 v2, $0x4;
	v6 =	vadd.s32 v6, v10  }
0x2a9: {  	v2 =	vand.u32 $0x70, v2;
	v10 =	vand.u32 $0x80, v8;
	v6 =	vshll.u32 v6, $0xB  }
0x2aa: {  	v58 =	vor.u32 v58, v2;
	v8 =	vand.u32 $0x7F, v8;
	v6 =	vor.u32 v10, v6  }
0x2ab: {  	v6 =	vor.u32 v8, v6;
	v8 =	vld [tilespmem:$0x1FE30];
	_ =	sdelay $0x3  }
0x2ac: {  	v10 =	vld.idx.msk [tilespmem:v58+s14+$0x0], $0xffff  }
0x2ad: {  	v8 =	vor.u32 v8, v2  }
0x2ae: {  	v58 =	vld [tilespmem:$0x1FE40];
	_ =	sdelay $0x2  }
0x2af: {  	[tilespmem:v6+s17+$0x0] =	vst.idx.msk $0xffff, v10  }
0x2b0: {  	v10 =	vadd.s32 $0x80, v6;
	v8 =	vld.idx.msk [tilespmem:v8+s14+$0x0], $0xffff  }
0x2b1: {  	v58 =	vor.u32 v58, v2;
	_ =	sdelay $0x3  }
0x2b2: {  	[tilespmem:v10+s17+$0x0] =	vst.idx.msk $0xffff, v8  }
0x2b3: {  	v8 =	vld.idx.msk [tilespmem:v58+s14+$0x0], $0xffff  }
0x2b4: {  	v58 =	vld [tilespmem:$0x1FE50];
	_ =	sdelay $0x3  }
0x2b5: {  	v10 =	vor.u32 $0x100, v6  }
0x2b6: {  	v58 =	vor.u32 v58, v2;
	_ =	sdelay $0x3  }
0x2b7: {  	[tilespmem:v10+s17+$0x0] =	vst.idx.msk $0xffff, v8  }
0x2b8: {  	v8 =	vld.idx.msk [tilespmem:v58+s14+$0x0], $0xffff  }
0x2b9: {  	v58 =	vld [tilespmem:$0x1FE60];
	_ =	sdelay $0x3  }
0x2ba: {  	v10 =	vadd.s32 $0x180, v6  }
0x2bb: {  	v58 =	vor.u32 v58, v2;
	_ =	sdelay $0x3  }
0x2bc: {  	[tilespmem:v10+s17+$0x0] =	vst.idx.msk $0xffff, v8  }
0x2bd: {  	v8 =	vld.idx.msk [tilespmem:v58+s14+$0x0], $0xffff  }
0x2be: {  	v58 =	vld [tilespmem:$0x1FE70];
	_ =	sdelay $0x3  }
0x2bf: {  	v10 =	vor.u32 $0x200, v6  }
0x2c0: {  	v58 =	vor.u32 v58, v2;
	_ =	sdelay $0x3  }
0x2c1: {  	[tilespmem:v10+s17+$0x0] =	vst.idx.msk $0xffff, v8  }
0x2c2: {  	v8 =	vld.idx.msk [tilespmem:v58+s14+$0x0], $0xffff  }
0x2c3: {  	v58 =	vld [tilespmem:$0x1FE80];
	_ =	sdelay $0x3  }
0x2c4: {  	v10 =	vadd.s32 $0x280, v6  }
0x2c5: {  	v58 =	vor.u32 v58, v2;
	_ =	sdelay $0x3  }
0x2c6: {  	[tilespmem:v10+s17+$0x0] =	vst.idx.msk $0xffff, v8  }
0x2c7: {  	v8 =	vld.idx.msk [tilespmem:v58+s14+$0x0], $0xffff  }
0x2c8: {  	v58 =	vld [tilespmem:$0x1FE90];
	_ =	sdelay $0x3  }
0x2c9: {  	v10 =	vor.u32 $0x300, v6  }
0x2ca: {  	v58 =	vor.u32 v58, v2;
	_ =	sdelay $0x3  }
0x2cb: {  	[tilespmem:v10+s17+$0x0] =	vst.idx.msk $0xffff, v8  }
0x2cc: {  	v8 =	vld.idx.msk [tilespmem:v58+s14+$0x0], $0xffff  }
0x2cd: {  	v58 =	vld [tilespmem:$0x1FEA0];
	_ =	sdelay $0x3  }
0x2ce: {  	v10 =	vadd.s32 $0x380, v6  }
0x2cf: {  	v58 =	vor.u32 v58, v2;
	_ =	sdelay $0x3  }
0x2d0: {  	[tilespmem:v10+s17+$0x0] =	vst.idx.msk $0xffff, v8  }
0x2d1: {  	v8 =	vld.idx.msk [tilespmem:v58+s14+$0x0], $0xffff  }
0x2d2: {  	v58 =	vld [tilespmem:$0x1FEB0];
	_ =	sdelay $0x3  }
0x2d3: {  	v10 =	vor.u32 $0x400, v6  }
0x2d4: {  	v58 =	vor.u32 v58, v2;
	_ =	sdelay $0x3  }
0x2d5: {  	[tilespmem:v10+s17+$0x0] =	vst.idx.msk $0xffff, v8  }
0x2d6: {  	v8 =	vld.idx.msk [tilespmem:v58+s14+$0x0], $0xffff  }
0x2d7: {  	v58 =	vld [tilespmem:$0x1FEC0];
	_ =	sdelay $0x3  }
0x2d8: {  	v10 =	vadd.s32 $0x480, v6  }
0x2d9: {  	v58 =	vor.u32 v58, v2;
	_ =	sdelay $0x3  }
0x2da: {  	[tilespmem:v10+s17+$0x0] =	vst.idx.msk $0xffff, v8  }
0x2db: {  	v8 =	vld.idx.msk [tilespmem:v58+s14+$0x0], $0xffff  }
0x2dc: {  	v58 =	vld [tilespmem:$0x1FED0];
	_ =	sdelay $0x3  }
0x2dd: {  	v10 =	vor.u32 $0x500, v6  }
0x2de: {  	v58 =	vor.u32 v58, v2;
	_ =	sdelay $0x3  }
0x2df: {  	[tilespmem:v10+s17+$0x0] =	vst.idx.msk $0xffff, v8  }
0x2e0: {  	v8 =	vld.idx.msk [tilespmem:v58+s14+$0x0], $0xffff  }
0x2e1: {  	v58 =	vld [tilespmem:$0x1FEE0];
	_ =	sdelay $0x3  }
0x2e2: {  	v10 =	vadd.s32 $0x580, v6  }
0x2e3: {  	v58 =	vor.u32 v58, v2;
	_ =	sdelay $0x3  }
0x2e4: {  	[tilespmem:v10+s17+$0x0] =	vst.idx.msk $0xffff, v8  }
0x2e5: {  	v8 =	vld.idx.msk [tilespmem:v58+s14+$0x0], $0xffff  }
0x2e6: {  	v58 =	vld [tilespmem:$0x1FEF0];
	_ =	sdelay $0x3  }
0x2e7: {  	v10 =	vor.u32 $0x600, v6  }
0x2e8: {  	v58 =	vor.u32 v58, v2;
	_ =	sdelay $0x3  }
0x2e9: {  	[tilespmem:v10+s17+$0x0] =	vst.idx.msk $0xffff, v8  }
0x2ea: {  	v8 =	vld.idx.msk [tilespmem:v58+s14+$0x0], $0xffff  }
0x2eb: {  	v58 =	vld [tilespmem:$0x1FF00];
	_ =	sdelay $0x3  }
0x2ec: {  	v10 =	vadd.s32 $0x680, v6  }
0x2ed: {  	v58 =	vor.u32 v58, v2;
	_ =	sdelay $0x3  }
0x2ee: {  	[tilespmem:v10+s17+$0x0] =	vst.idx.msk $0xffff, v8  }
0x2ef: {  	v8 =	vld.idx.msk [tilespmem:v58+s14+$0x0], $0xffff  }
0x2f0: {  	v58 =	vld [tilespmem:$0x1FF10];
	_ =	sdelay $0x3  }
0x2f1: {  	v10 =	vor.u32 $0x700, v6  }
0x2f2: {  	v2 =	vor.u32 v58, v2;
	_ =	sdelay $0x3  }
0x2f3: {  	[tilespmem:v10+s17+$0x0] =	vst.idx.msk $0xffff, v8  }
0x2f4: {  	v6 =	vadd.s32 $0x780, v6;
	v2 =	vld.idx.msk [tilespmem:v2+s14+$0x0], $0xffff;
	_ =	sdelay $0x4  }
0x2f5: {  	[tilespmem:v6+s17+$0x0] =	vst.idx.msk $0xffff, v2;
	v6 =	vld [tilespmem:$0x1FF20];
	_ =	sdelay $0x4  }
0x2f6: {  	v6 =	vor.u32 s22, v6  }
0x2f7: {  	v2 =	vld [tilespmem:s23+$0xFFFFFFE0];
	v8 =	vmulhi.u32 $0xCCCCCCCD, v6;
	_ =	sdelay $0x1  }
0x2f8: {  	v58 =	vld [tilespmem:$0x1FF30];
	v8 =	vshrl.u32 v8, $0x3  }
0x2f9: {  	v10 =	vmul.u32 $0xFFFFFFF6, v8;
	_ =	sdelay $0x1  }
0x2fa: {  	v2 =	vshll.u32 v2, $0x4;
	v6 =	vadd.s32 v6, v10  }
0x2fb: {  	v2 =	vand.u32 $0x70, v2;
	v10 =	vand.u32 $0x80, v8;
	v6 =	vshll.u32 v6, $0xB  }
0x2fc: {  	v58 =	vor.u32 v58, v2;
	v8 =	vand.u32 $0x7F, v8;
	v6 =	vor.u32 v10, v6  }
0x2fd: {  	v6 =	vor.u32 v8, v6;
	v8 =	vld [tilespmem:$0x1FF40];
	_ =	sdelay $0x3  }
0x2fe: {  	v10 =	vld.idx.msk [tilespmem:v58+s14+$0x0], $0xffff  }
0x2ff: {  	v8 =	vor.u32 v8, v2  }
0x300: {  	v58 =	vld [tilespmem:$0x1FF50];
	_ =	sdelay $0x2  }
0x301: {  	[tilespmem:v6+s17+$0x0] =	vst.idx.msk $0xffff, v10  }
0x302: {  	v10 =	vadd.s32 $0x80, v6;
	v8 =	vld.idx.msk [tilespmem:v8+s14+$0x0], $0xffff  }
0x303: {  	v58 =	vor.u32 v58, v2;
	_ =	sdelay $0x3  }
0x304: {  	[tilespmem:v10+s17+$0x0] =	vst.idx.msk $0xffff, v8  }
0x305: {  	v8 =	vld.idx.msk [tilespmem:v58+s14+$0x0], $0xffff  }
0x306: {  	v58 =	vld [tilespmem:$0x1FF60];
	_ =	sdelay $0x3  }
0x307: {  	v10 =	vor.u32 $0x100, v6  }
0x308: {  	v58 =	vor.u32 v58, v2;
	_ =	sdelay $0x3  }
0x309: {  	[tilespmem:v10+s17+$0x0] =	vst.idx.msk $0xffff, v8  }
0x30a: {  	v8 =	vld.idx.msk [tilespmem:v58+s14+$0x0], $0xffff  }
0x30b: {  	v58 =	vld [tilespmem:$0x1FF70];
	_ =	sdelay $0x3  }
0x30c: {  	v10 =	vadd.s32 $0x180, v6  }
0x30d: {  	v58 =	vor.u32 v58, v2;
	_ =	sdelay $0x3  }
0x30e: {  	[tilespmem:v10+s17+$0x0] =	vst.idx.msk $0xffff, v8  }
0x30f: {  	v8 =	vld.idx.msk [tilespmem:v58+s14+$0x0], $0xffff  }
0x310: {  	v58 =	vld [tilespmem:$0x1FF80];
	_ =	sdelay $0x3  }
0x311: {  	v10 =	vor.u32 $0x200, v6  }
0x312: {  	v58 =	vor.u32 v58, v2;
	_ =	sdelay $0x3  }
0x313: {  	[tilespmem:v10+s17+$0x0] =	vst.idx.msk $0xffff, v8  }
0x314: {  	v8 =	vld.idx.msk [tilespmem:v58+s14+$0x0], $0xffff  }
0x315: {  	v58 =	vld [tilespmem:$0x1FF90];
	_ =	sdelay $0x3  }
0x316: {  	v10 =	vadd.s32 $0x280, v6  }
0x317: {  	v58 =	vor.u32 v58, v2;
	_ =	sdelay $0x3  }
0x318: {  	[tilespmem:v10+s17+$0x0] =	vst.idx.msk $0xffff, v8  }
0x319: {  	v8 =	vld.idx.msk [tilespmem:v58+s14+$0x0], $0xffff  }
0x31a: {  	v58 =	vld [tilespmem:$0x1FFA0];
	_ =	sdelay $0x3  }
0x31b: {  	v10 =	vor.u32 $0x300, v6  }
0x31c: {  	v58 =	vor.u32 v58, v2;
	_ =	sdelay $0x3  }
0x31d: {  	[tilespmem:v10+s17+$0x0] =	vst.idx.msk $0xffff, v8  }
0x31e: {  	v8 =	vld.idx.msk [tilespmem:v58+s14+$0x0], $0xffff  }
0x31f: {  	v58 =	vld [tilespmem:$0x1FFB0];
	_ =	sdelay $0x3  }
0x320: {  	v10 =	vadd.s32 $0x380, v6  }
0x321: {  	v58 =	vor.u32 v58, v2;
	_ =	sdelay $0x3  }
0x322: {  	[tilespmem:v10+s17+$0x0] =	vst.idx.msk $0xffff, v8  }
0x323: {  	v8 =	vld.idx.msk [tilespmem:v58+s14+$0x0], $0xffff  }
0x324: {  	v58 =	vld [tilespmem:$0x1FFC0];
	_ =	sdelay $0x3  }
0x325: {  	v10 =	vor.u32 $0x400, v6  }
0x326: {  	v58 =	vor.u32 v58, v2;
	_ =	sdelay $0x3  }
0x327: {  	[tilespmem:v10+s17+$0x0] =	vst.idx.msk $0xffff, v8  }
0x328: {  	v8 =	vld.idx.msk [tilespmem:v58+s14+$0x0], $0xffff  }
0x329: {  	v58 =	vld [tilespmem:$0x1FFD0];
	_ =	sdelay $0x3  }
0x32a: {  	v10 =	vadd.s32 $0x480, v6  }
0x32b: {  	v58 =	vor.u32 v58, v2;
	_ =	sdelay $0x3  }
0x32c: {  	[tilespmem:v10+s17+$0x0] =	vst.idx.msk $0xffff, v8  }
0x32d: {  	v8 =	vld.idx.msk [tilespmem:v58+s14+$0x0], $0xffff  }
0x32e: {  	v58 =	vld [tilespmem:$0x1FFE0];
	_ =	sdelay $0x3  }
0x32f: {  	v10 =	vor.u32 $0x500, v6  }
0x330: {  	v58 =	vor.u32 v58, v2;
	_ =	sdelay $0x3  }
0x331: {  	[tilespmem:v10+s17+$0x0] =	vst.idx.msk $0xffff, v8  }
0x332: {  	v8 =	vld.idx.msk [tilespmem:v58+s14+$0x0], $0xffff  }
0x333: {  	v58 =	vld [tilespmem:$0x1FFF0];
	_ =	sdelay $0x3  }
0x334: {  	v10 =	vadd.s32 $0x580, v6  }
0x335: {  	v58 =	vor.u32 v58, v2;
	_ =	sdelay $0x3  }
0x336: {  	[tilespmem:v10+s17+$0x0] =	vst.idx.msk $0xffff, v8  }
0x337: {  	v8 =	vld.idx.msk [tilespmem:v58+s14+$0x0], $0xffff  }
0x338: {  	v58 =	vld [tilespmem:$0x1FA40];
	_ =	sdelay $0x3  }
0x339: {  	v10 =	vor.u32 $0x600, v6  }
0x33a: {  	v58 =	vor.u32 v58, v2;
	_ =	sdelay $0x3  }
0x33b: {  	[tilespmem:v10+s17+$0x0] =	vst.idx.msk $0xffff, v8  }
0x33c: {  	v8 =	vld.idx.msk [tilespmem:v58+s14+$0x0], $0xffff  }
0x33d: {  	v58 =	vld [tilespmem:$0x1FA50];
	_ =	sdelay $0x3  }
0x33e: {  	v10 =	vadd.s32 $0x680, v6  }
0x33f: {  	v58 =	vor.u32 v58, v2;
	_ =	sdelay $0x3  }
0x340: {  	[tilespmem:v10+s17+$0x0] =	vst.idx.msk $0xffff, v8  }
0x341: {  	v8 =	vld.idx.msk [tilespmem:v58+s14+$0x0], $0xffff  }
0x342: {  	v58 =	vld [tilespmem:$0x1FA60];
	_ =	sdelay $0x3  }
0x343: {  	v10 =	vor.u32 $0x700, v6  }
0x344: {  	v2 =	vor.u32 v58, v2;
	_ =	sdelay $0x3  }
0x345: {  	[tilespmem:v10+s17+$0x0] =	vst.idx.msk $0xffff, v8  }
0x346: {  	v6 =	vadd.s32 $0x780, v6;
	v2 =	vld.idx.msk [tilespmem:v2+s14+$0x0], $0xffff;
	_ =	sdelay $0x4  }
0x347: {  	[tilespmem:v6+s17+$0x0] =	vst.idx.msk $0xffff, v2;
	v6 =	vld [tilespmem:$0x1FA80];
	_ =	sdelay $0x4  }
0x348: {  	v6 =	vor.u32 s22, v6  }
0x349: {  	v2 =	vld [tilespmem:s23+$0xFFFFFFF0];
	v8 =	vmulhi.u32 $0xCCCCCCCD, v6;
	_ =	sdelay $0x1  }
0x34a: {  	v58 =	vld [tilespmem:$0x1FA70];
	v8 =	vshrl.u32 v8, $0x3  }
0x34b: {  	v10 =	vmul.u32 $0xFFFFFFF6, v8;
	_ =	sdelay $0x1  }
0x34c: {  	v2 =	vshll.u32 v2, $0x4;
	v6 =	vadd.s32 v6, v10  }
0x34d: {  	v2 =	vand.u32 $0x70, v2;
	v10 =	vand.u32 $0x80, v8;
	v6 =	vshll.u32 v6, $0xB  }
0x34e: {  	v58 =	vor.u32 v58, v2;
	v8 =	vand.u32 $0x7F, v8;
	v6 =	vor.u32 v10, v6  }
0x34f: {  	v6 =	vor.u32 v8, v6;
	v8 =	vld [tilespmem:$0x1FA90];
	_ =	sdelay $0x3  }
0x350: {  	v10 =	vld.idx.msk [tilespmem:v58+s14+$0x0], $0xffff  }
0x351: {  	v8 =	vor.u32 v8, v2  }
0x352: {  	v58 =	vld [tilespmem:$0x1FAA0];
	_ =	sdelay $0x2  }
0x353: {  	[tilespmem:v6+s17+$0x0] =	vst.idx.msk $0xffff, v10  }
0x354: {  	v10 =	vadd.s32 $0x80, v6;
	v8 =	vld.idx.msk [tilespmem:v8+s14+$0x0], $0xffff  }
0x355: {  	v58 =	vor.u32 v58, v2;
	_ =	sdelay $0x3  }
0x356: {  	[tilespmem:v10+s17+$0x0] =	vst.idx.msk $0xffff, v8  }
0x357: {  	v8 =	vld.idx.msk [tilespmem:v58+s14+$0x0], $0xffff  }
0x358: {  	v58 =	vld [tilespmem:$0x1FAB0];
	_ =	sdelay $0x3  }
0x359: {  	v10 =	vor.u32 $0x100, v6  }
0x35a: {  	v58 =	vor.u32 v58, v2;
	_ =	sdelay $0x3  }
0x35b: {  	[tilespmem:v10+s17+$0x0] =	vst.idx.msk $0xffff, v8  }
0x35c: {  	v8 =	vld.idx.msk [tilespmem:v58+s14+$0x0], $0xffff  }
0x35d: {  	v58 =	vld [tilespmem:$0x1FAC0];
	_ =	sdelay $0x3  }
0x35e: {  	v10 =	vadd.s32 $0x180, v6  }
0x35f: {  	v58 =	vor.u32 v58, v2;
	_ =	sdelay $0x3  }
0x360: {  	[tilespmem:v10+s17+$0x0] =	vst.idx.msk $0xffff, v8  }
0x361: {  	v8 =	vld.idx.msk [tilespmem:v58+s14+$0x0], $0xffff  }
0x362: {  	v58 =	vld [tilespmem:$0x1FAD0];
	_ =	sdelay $0x3  }
0x363: {  	v10 =	vor.u32 $0x200, v6  }
0x364: {  	v58 =	vor.u32 v58, v2;
	_ =	sdelay $0x3  }
0x365: {  	[tilespmem:v10+s17+$0x0] =	vst.idx.msk $0xffff, v8  }
0x366: {  	v8 =	vld.idx.msk [tilespmem:v58+s14+$0x0], $0xffff  }
0x367: {  	v58 =	vld [tilespmem:$0x1FAE0];
	_ =	sdelay $0x3  }
0x368: {  	v10 =	vadd.s32 $0x280, v6  }
0x369: {  	v58 =	vor.u32 v58, v2;
	_ =	sdelay $0x3  }
0x36a: {  	[tilespmem:v10+s17+$0x0] =	vst.idx.msk $0xffff, v8  }
0x36b: {  	v8 =	vld.idx.msk [tilespmem:v58+s14+$0x0], $0xffff  }
0x36c: {  	v58 =	vld [tilespmem:$0x1FAF0];
	_ =	sdelay $0x3  }
0x36d: {  	v10 =	vor.u32 $0x300, v6  }
0x36e: {  	v58 =	vor.u32 v58, v2;
	_ =	sdelay $0x3  }
0x36f: {  	[tilespmem:v10+s17+$0x0] =	vst.idx.msk $0xffff, v8  }
0x370: {  	v8 =	vld.idx.msk [tilespmem:v58+s14+$0x0], $0xffff  }
0x371: {  	v58 =	vld [tilespmem:$0x1FB00];
	_ =	sdelay $0x3  }
0x372: {  	v10 =	vadd.s32 $0x380, v6  }
0x373: {  	v58 =	vor.u32 v58, v2;
	_ =	sdelay $0x3  }
0x374: {  	[tilespmem:v10+s17+$0x0] =	vst.idx.msk $0xffff, v8  }
0x375: {  	v8 =	vld.idx.msk [tilespmem:v58+s14+$0x0], $0xffff  }
0x376: {  	v58 =	vld [tilespmem:$0x1FB10];
	_ =	sdelay $0x3  }
0x377: {  	v10 =	vor.u32 $0x400, v6  }
0x378: {  	v58 =	vor.u32 v58, v2;
	_ =	sdelay $0x3  }
0x379: {  	[tilespmem:v10+s17+$0x0] =	vst.idx.msk $0xffff, v8  }
0x37a: {  	v8 =	vld.idx.msk [tilespmem:v58+s14+$0x0], $0xffff  }
0x37b: {  	v58 =	vld [tilespmem:$0x1FB20];
	_ =	sdelay $0x3  }
0x37c: {  	v10 =	vadd.s32 $0x480, v6  }
0x37d: {  	v58 =	vor.u32 v58, v2;
	_ =	sdelay $0x3  }
0x37e: {  	[tilespmem:v10+s17+$0x0] =	vst.idx.msk $0xffff, v8  }
0x37f: {  	v8 =	vld.idx.msk [tilespmem:v58+s14+$0x0], $0xffff  }
0x380: {  	v58 =	vld [tilespmem:$0x1FB30];
	_ =	sdelay $0x3  }
0x381: {  	v10 =	vor.u32 $0x500, v6  }
0x382: {  	v58 =	vor.u32 v58, v2;
	_ =	sdelay $0x3  }
0x383: {  	[tilespmem:v10+s17+$0x0] =	vst.idx.msk $0xffff, v8  }
0x384: {  	v8 =	vld.idx.msk [tilespmem:v58+s14+$0x0], $0xffff  }
0x385: {  	v58 =	vld [tilespmem:$0x1FB40];
	_ =	sdelay $0x3  }
0x386: {  	v10 =	vadd.s32 $0x580, v6  }
0x387: {  	v58 =	vor.u32 v58, v2;
	_ =	sdelay $0x3  }
0x388: {  	[tilespmem:v10+s17+$0x0] =	vst.idx.msk $0xffff, v8  }
0x389: {  	v8 =	vld.idx.msk [tilespmem:v58+s14+$0x0], $0xffff  }
0x38a: {  	v58 =	vld [tilespmem:$0x1FB50];
	_ =	sdelay $0x3  }
0x38b: {  	v10 =	vor.u32 $0x600, v6  }
0x38c: {  	v58 =	vor.u32 v58, v2;
	_ =	sdelay $0x3  }
0x38d: {  	[tilespmem:v10+s17+$0x0] =	vst.idx.msk $0xffff, v8  }
0x38e: {  	v8 =	vld.idx.msk [tilespmem:v58+s14+$0x0], $0xffff  }
0x38f: {  	v58 =	vld [tilespmem:$0x1FB60];
	_ =	sdelay $0x3  }
0x390: {  	v10 =	vadd.s32 $0x680, v6  }
0x391: {  	v58 =	vor.u32 v58, v2;
	_ =	sdelay $0x3  }
0x392: {  	[tilespmem:v10+s17+$0x0] =	vst.idx.msk $0xffff, v8  }
0x393: {  	v8 =	vld.idx.msk [tilespmem:v58+s14+$0x0], $0xffff  }
0x394: {  	v58 =	vld [tilespmem:$0x1FB70];
	_ =	sdelay $0x3  }
0x395: {  	v10 =	vor.u32 $0x700, v6  }
0x396: {  	v2 =	vor.u32 v58, v2;
	_ =	sdelay $0x3  }
0x397: {  	[tilespmem:v10+s17+$0x0] =	vst.idx.msk $0xffff, v8  }
0x398: {  	v6 =	vadd.s32 $0x780, v6;
	v2 =	vld.idx.msk [tilespmem:v2+s14+$0x0], $0xffff;
	_ =	sdelay $0x4  }
0x399: {  	[tilespmem:v6+s17+$0x0] =	vst.idx.msk $0xffff, v2;
	v6 =	vld [tilespmem:$0x1FB90];
	_ =	sdelay $0x4  }
0x39a: {  	v6 =	vor.u32 s22, v6  }
0x39b: {  	v2 =	vld [tilespmem:s23+$0x0];
	v8 =	vmulhi.u32 $0xCCCCCCCD, v6;
	_ =	sdelay $0x1  }
0x39c: {  	v58 =	vld [tilespmem:$0x1FB80];
	v8 =	vshrl.u32 v8, $0x3  }
0x39d: {  	v10 =	vmul.u32 $0xFFFFFFF6, v8;
	_ =	sdelay $0x1  }
0x39e: {  	v2 =	vshll.u32 v2, $0x4;
	v6 =	vadd.s32 v6, v10  }
0x39f: {  	v2 =	vand.u32 $0x70, v2;
	v10 =	vand.u32 $0x80, v8;
	v6 =	vshll.u32 v6, $0xB  }
0x3a0: {  	v58 =	vor.u32 v58, v2;
	v8 =	vand.u32 $0x7F, v8;
	v6 =	vor.u32 v10, v6  }
0x3a1: {  	v6 =	vor.u32 v8, v6;
	v8 =	vld [tilespmem:$0x1FBA0];
	_ =	sdelay $0x3  }
0x3a2: {  	v10 =	vld.idx.msk [tilespmem:v58+s14+$0x0], $0xffff  }
0x3a3: {  	v8 =	vor.u32 v8, v2  }
0x3a4: {  	v58 =	vld [tilespmem:$0x1FBB0];
	_ =	sdelay $0x2  }
0x3a5: {  	[tilespmem:v6+s17+$0x0] =	vst.idx.msk $0xffff, v10  }
0x3a6: {  	v10 =	vadd.s32 $0x80, v6;
	v8 =	vld.idx.msk [tilespmem:v8+s14+$0x0], $0xffff  }
0x3a7: {  	v58 =	vor.u32 v58, v2;
	_ =	sdelay $0x3  }
0x3a8: {  	[tilespmem:v10+s17+$0x0] =	vst.idx.msk $0xffff, v8  }
0x3a9: {  	v8 =	vld.idx.msk [tilespmem:v58+s14+$0x0], $0xffff  }
0x3aa: {  	v58 =	vld [tilespmem:$0x1FBC0];
	_ =	sdelay $0x3  }
0x3ab: {  	v10 =	vor.u32 $0x100, v6  }
0x3ac: {  	v58 =	vor.u32 v58, v2;
	_ =	sdelay $0x3  }
0x3ad: {  	[tilespmem:v10+s17+$0x0] =	vst.idx.msk $0xffff, v8  }
0x3ae: {  	v8 =	vld.idx.msk [tilespmem:v58+s14+$0x0], $0xffff  }
0x3af: {  	v58 =	vld [tilespmem:$0x1FBD0];
	_ =	sdelay $0x3  }
0x3b0: {  	v10 =	vadd.s32 $0x180, v6  }
0x3b1: {  	v58 =	vor.u32 v58, v2;
	_ =	sdelay $0x3  }
0x3b2: {  	[tilespmem:v10+s17+$0x0] =	vst.idx.msk $0xffff, v8  }
0x3b3: {  	v8 =	vld.idx.msk [tilespmem:v58+s14+$0x0], $0xffff  }
0x3b4: {  	v58 =	vld [tilespmem:$0x1FBE0];
	_ =	sdelay $0x3  }
0x3b5: {  	v10 =	vor.u32 $0x200, v6  }
0x3b6: {  	v58 =	vor.u32 v58, v2;
	_ =	sdelay $0x3  }
0x3b7: {  	[tilespmem:v10+s17+$0x0] =	vst.idx.msk $0xffff, v8  }
0x3b8: {  	v8 =	vld.idx.msk [tilespmem:v58+s14+$0x0], $0xffff  }
0x3b9: {  	v58 =	vld [tilespmem:$0x1FBF0];
	_ =	sdelay $0x3  }
0x3ba: {  	v10 =	vadd.s32 $0x280, v6  }
0x3bb: {  	v58 =	vor.u32 v58, v2;
	_ =	sdelay $0x3  }
0x3bc: {  	[tilespmem:v10+s17+$0x0] =	vst.idx.msk $0xffff, v8  }
0x3bd: {  	v8 =	vld.idx.msk [tilespmem:v58+s14+$0x0], $0xffff  }
0x3be: {  	v58 =	vld [tilespmem:$0x1FC00];
	_ =	sdelay $0x3  }
0x3bf: {  	v10 =	vor.u32 $0x300, v6  }
0x3c0: {  	v58 =	vor.u32 v58, v2;
	_ =	sdelay $0x3  }
0x3c1: {  	[tilespmem:v10+s17+$0x0] =	vst.idx.msk $0xffff, v8  }
0x3c2: {  	v8 =	vld.idx.msk [tilespmem:v58+s14+$0x0], $0xffff  }
0x3c3: {  	v58 =	vld [tilespmem:$0x1FC10];
	_ =	sdelay $0x3  }
0x3c4: {  	v10 =	vadd.s32 $0x380, v6  }
0x3c5: {  	v58 =	vor.u32 v58, v2;
	_ =	sdelay $0x3  }
0x3c6: {  	[tilespmem:v10+s17+$0x0] =	vst.idx.msk $0xffff, v8  }
0x3c7: {  	v8 =	vld.idx.msk [tilespmem:v58+s14+$0x0], $0xffff  }
0x3c8: {  	v58 =	vld [tilespmem:$0x1FC20];
	_ =	sdelay $0x3  }
0x3c9: {  	v10 =	vor.u32 $0x400, v6  }
0x3ca: {  	v58 =	vor.u32 v58, v2;
	_ =	sdelay $0x3  }
0x3cb: {  	[tilespmem:v10+s17+$0x0] =	vst.idx.msk $0xffff, v8  }
0x3cc: {  	v8 =	vld.idx.msk [tilespmem:v58+s14+$0x0], $0xffff  }
0x3cd: {  	v58 =	vld [tilespmem:$0x1FC30];
	_ =	sdelay $0x3  }
0x3ce: {  	v10 =	vadd.s32 $0x480, v6  }
0x3cf: {  	v58 =	vor.u32 v58, v2;
	_ =	sdelay $0x3  }
0x3d0: {  	[tilespmem:v10+s17+$0x0] =	vst.idx.msk $0xffff, v8  }
0x3d1: {  	v8 =	vld.idx.msk [tilespmem:v58+s14+$0x0], $0xffff  }
0x3d2: {  	v58 =	vld [tilespmem:$0x1FC40];
	_ =	sdelay $0x3  }
0x3d3: {  	v10 =	vor.u32 $0x500, v6  }
0x3d4: {  	v58 =	vor.u32 v58, v2;
	_ =	sdelay $0x3  }
0x3d5: {  	[tilespmem:v10+s17+$0x0] =	vst.idx.msk $0xffff, v8  }
0x3d6: {  	v8 =	vld.idx.msk [tilespmem:v58+s14+$0x0], $0xffff  }
0x3d7: {  	v58 =	vld [tilespmem:$0x1FC50];
	_ =	sdelay $0x3  }
0x3d8: {  	v10 =	vadd.s32 $0x580, v6  }
0x3d9: {  	v58 =	vor.u32 v58, v2;
	_ =	sdelay $0x3  }
0x3da: {  	[tilespmem:v10+s17+$0x0] =	vst.idx.msk $0xffff, v8  }
0x3db: {  	v8 =	vld.idx.msk [tilespmem:v58+s14+$0x0], $0xffff  }
0x3dc: {  	v58 =	vld [tilespmem:$0x1FC60];
	_ =	sdelay $0x3  }
0x3dd: {  	v10 =	vor.u32 $0x600, v6  }
0x3de: {  	v58 =	vor.u32 v58, v2;
	_ =	sdelay $0x3  }
0x3df: {  	[tilespmem:v10+s17+$0x0] =	vst.idx.msk $0xffff, v8  }
0x3e0: {  	v8 =	vld.idx.msk [tilespmem:v58+s14+$0x0], $0xffff  }
0x3e1: {  	v58 =	vld [tilespmem:$0x1FC70];
	_ =	sdelay $0x3  }
0x3e2: {  	v10 =	vadd.s32 $0x680, v6  }
0x3e3: {  	v58 =	vor.u32 v58, v2;
	_ =	sdelay $0x3  }
0x3e4: {  	[tilespmem:v10+s17+$0x0] =	vst.idx.msk $0xffff, v8  }
0x3e5: {  	v8 =	vld.idx.msk [tilespmem:v58+s14+$0x0], $0xffff  }
0x3e6: {  	v58 =	vld [tilespmem:$0x1FC80];
	_ =	sdelay $0x3  }
0x3e7: {  	v10 =	vor.u32 $0x700, v6  }
0x3e8: {  	v2 =	vor.u32 v58, v2;
	_ =	sdelay $0x3  }
0x3e9: {  	[tilespmem:v10+s17+$0x0] =	vst.idx.msk $0xffff, v8  }
0x3ea: {  	v6 =	vadd.s32 $0x780, v6;
	v2 =	vld.idx.msk [tilespmem:v2+s14+$0x0], $0xffff;
	_ =	sdelay $0x4  }
0x3eb: {  	[tilespmem:v6+s17+$0x0] =	vst.idx.msk $0xffff, v2;
	v6 =	vld [tilespmem:$0x1FCA0];
	_ =	sdelay $0x4  }
0x3ec: {  	v6 =	vor.u32 s22, v6  }
0x3ed: {  	v2 =	vld [tilespmem:s23+$0x10];
	v8 =	vmulhi.u32 $0xCCCCCCCD, v6;
	_ =	sdelay $0x1  }
0x3ee: {  	v58 =	vld [tilespmem:$0x1FC90];
	v8 =	vshrl.u32 v8, $0x3  }
0x3ef: {  	v10 =	vmul.u32 $0xFFFFFFF6, v8;
	_ =	sdelay $0x1  }
0x3f0: {  	v2 =	vshll.u32 v2, $0x4;
	v6 =	vadd.s32 v6, v10  }
0x3f1: {  	v2 =	vand.u32 $0x70, v2;
	v10 =	vand.u32 $0x80, v8;
	v6 =	vshll.u32 v6, $0xB  }
0x3f2: {  	v58 =	vor.u32 v58, v2;
	v8 =	vand.u32 $0x7F, v8;
	v6 =	vor.u32 v10, v6  }
0x3f3: {  	v6 =	vor.u32 v8, v6;
	v8 =	vld [tilespmem:$0x1FCB0];
	_ =	sdelay $0x3  }
0x3f4: {  	v10 =	vld.idx.msk [tilespmem:v58+s14+$0x0], $0xffff  }
0x3f5: {  	v8 =	vor.u32 v8, v2  }
0x3f6: {  	v58 =	vld [tilespmem:$0x1FCC0];
	_ =	sdelay $0x2  }
0x3f7: {  	[tilespmem:v6+s17+$0x0] =	vst.idx.msk $0xffff, v10  }
0x3f8: {  	v10 =	vadd.s32 $0x80, v6;
	v8 =	vld.idx.msk [tilespmem:v8+s14+$0x0], $0xffff  }
0x3f9: {  	v58 =	vor.u32 v58, v2;
	_ =	sdelay $0x3  }
0x3fa: {  	[tilespmem:v10+s17+$0x0] =	vst.idx.msk $0xffff, v8  }
0x3fb: {  	v10 =	vor.u32 $0x100, v6;
	v8 =	vld.idx.msk [tilespmem:v58+s14+$0x0], $0xffff  }
0x3fc: {  	v58 =	vor.u32 v59, v2;
	_ =	sdelay $0x3  }
0x3fd: {  	[tilespmem:v10+s17+$0x0] =	vst.idx.msk $0xffff, v8  }
0x3fe: {  	v10 =	vadd.s32 $0x180, v6;
	v8 =	vld.idx.msk [tilespmem:v58+s14+$0x0], $0xffff  }
0x3ff: {  	v58 =	vor.u32 v60, v2;
	_ =	sdelay $0x3  }
0x400: {  	[tilespmem:v10+s17+$0x0] =	vst.idx.msk $0xffff, v8  }
0x401: {  	v10 =	vor.u32 $0x200, v6;
	v8 =	vld.idx.msk [tilespmem:v58+s14+$0x0], $0xffff  }
0x402: {  	v58 =	vor.u32 v61, v2;
	_ =	sdelay $0x3  }
0x403: {  	[tilespmem:v10+s17+$0x0] =	vst.idx.msk $0xffff, v8  }
0x404: {  	v10 =	vadd.s32 $0x280, v6;
	v8 =	vld.idx.msk [tilespmem:v58+s14+$0x0], $0xffff  }
0x405: {  	v58 =	vor.u32 v62, v2;
	_ =	sdelay $0x3  }
0x406: {  	[tilespmem:v10+s17+$0x0] =	vst.idx.msk $0xffff, v8  }
0x407: {  	v10 =	vor.u32 $0x300, v6;
	v8 =	vld.idx.msk [tilespmem:v58+s14+$0x0], $0xffff  }
0x408: {  	v58 =	vor.u32 v63, v2;
	_ =	sdelay $0x3  }
0x409: {  	[tilespmem:v10+s17+$0x0] =	vst.idx.msk $0xffff, v8  }
0x40a: {  	v10 =	vadd.s32 $0x380, v6;
	v8 =	vld.idx.msk [tilespmem:v58+s14+$0x0], $0xffff  }
0x40b: {  	v58 =	vor.u32 v0, v2;
	_ =	sdelay $0x3  }
0x40c: {  	[tilespmem:v10+s17+$0x0] =	vst.idx.msk $0xffff, v8  }
0x40d: {  	v10 =	vor.u32 $0x400, v6;
	v8 =	vld.idx.msk [tilespmem:v58+s14+$0x0], $0xffff  }
0x40e: {  	v58 =	vor.u32 v3, v2;
	_ =	sdelay $0x3  }
0x40f: {  	[tilespmem:v10+s17+$0x0] =	vst.idx.msk $0xffff, v8  }
0x410: {  	v10 =	vadd.s32 $0x480, v6;
	v8 =	vld.idx.msk [tilespmem:v58+s14+$0x0], $0xffff  }
0x411: {  	v58 =	vor.u32 v5, v2;
	_ =	sdelay $0x3  }
0x412: {  	[tilespmem:v10+s17+$0x0] =	vst.idx.msk $0xffff, v8  }
0x413: {  	v10 =	vor.u32 $0x500, v6;
	v8 =	vld.idx.msk [tilespmem:v58+s14+$0x0], $0xffff  }
0x414: {  	v58 =	vor.u32 v7, v2;
	_ =	sdelay $0x3  }
0x415: {  	[tilespmem:v10+s17+$0x0] =	vst.idx.msk $0xffff, v8  }
0x416: {  	v10 =	vadd.s32 $0x580, v6;
	v8 =	vld.idx.msk [tilespmem:v58+s14+$0x0], $0xffff  }
0x417: {  	v58 =	vor.u32 v9, v2;
	_ =	sdelay $0x3  }
0x418: {  	[tilespmem:v10+s17+$0x0] =	vst.idx.msk $0xffff, v8  }
0x419: {  	v10 =	vor.u32 $0x600, v6;
	v8 =	vld.idx.msk [tilespmem:v58+s14+$0x0], $0xffff  }
0x41a: {  	v58 =	vor.u32 v11, v2;
	_ =	sdelay $0x3  }
0x41b: {  	[tilespmem:v10+s17+$0x0] =	vst.idx.msk $0xffff, v8  }
0x41c: {  	v10 =	vadd.s32 $0x680, v6;
	v8 =	vld.idx.msk [tilespmem:v58+s14+$0x0], $0xffff  }
0x41d: {  	v58 =	vor.u32 v13, v2;
	_ =	sdelay $0x3  }
0x41e: {  	[tilespmem:v10+s17+$0x0] =	vst.idx.msk $0xffff, v8  }
0x41f: {  	v10 =	vor.u32 $0x700, v6;
	v8 =	vld.idx.msk [tilespmem:v58+s14+$0x0], $0xffff  }
0x420: {  	v2 =	vor.u32 v15, v2;
	_ =	sdelay $0x3  }
0x421: {  	[tilespmem:v10+s17+$0x0] =	vst.idx.msk $0xffff, v8  }
0x422: {  	v6 =	vadd.s32 $0x780, v6;
	v2 =	vld.idx.msk [tilespmem:v2+s14+$0x0], $0xffff;
	_ =	sdelay $0x4  }
0x423: {  	[tilespmem:v6+s17+$0x0] =	vst.idx.msk $0xffff, v2  }
0x424: {  	v2 =	vld [tilespmem:s23+$0x20];
	_ =	sdelay $0x2  }
0x425: {  	v6 =	vor.u32 s22, v19  }
0x426: {  	v8 =	vmulhi.u32 $0xCCCCCCCD, v6  }
0x427: {  	v2 =	vshll.u32 v2, $0x4  }
0x428: {  	v8 =	vshrl.u32 v8, $0x3;
	v2 =	vand.u32 $0x70, v2  }
0x429: {  	v10 =	vmul.u32 $0xFFFFFFF6, v8;
	v58 =	vor.u32 v17, v2;
	_ =	sdelay $0x1  }
0x42a: {  	v6 =	vadd.s32 v6, v10  }
0x42b: {  	v10 =	vand.u32 $0x80, v8;
	v6 =	vshll.u32 v6, $0xB  }
0x42c: {  	v8 =	vand.u32 $0x7F, v8;
	v6 =	vor.u32 v10, v6  }
0x42d: {  	v6 =	vor.u32 v8, v6;
	v10 =	vld.idx.msk [tilespmem:v58+s14+$0x0], $0xffff  }
0x42e: {  	v8 =	vor.u32 v21, v2;
	_ =	sdelay $0x3  }
0x42f: {  	[tilespmem:v6+s17+$0x0] =	vst.idx.msk $0xffff, v10  }
0x430: {  	v10 =	vadd.s32 $0x80, v6;
	v8 =	vld.idx.msk [tilespmem:v8+s14+$0x0], $0xffff  }
0x431: {  	v58 =	vor.u32 v23, v2;
	_ =	sdelay $0x3  }
0x432: {  	[tilespmem:v10+s17+$0x0] =	vst.idx.msk $0xffff, v8  }
0x433: {  	v10 =	vor.u32 $0x100, v6;
	v8 =	vld.idx.msk [tilespmem:v58+s14+$0x0], $0xffff  }
0x434: {  	v58 =	vor.u32 v25, v2;
	_ =	sdelay $0x3  }
0x435: {  	[tilespmem:v10+s17+$0x0] =	vst.idx.msk $0xffff, v8  }
0x436: {  	v10 =	vadd.s32 $0x180, v6;
	v8 =	vld.idx.msk [tilespmem:v58+s14+$0x0], $0xffff  }
0x437: {  	v58 =	vor.u32 v27, v2;
	_ =	sdelay $0x3  }
0x438: {  	[tilespmem:v10+s17+$0x0] =	vst.idx.msk $0xffff, v8  }
0x439: {  	v10 =	vor.u32 $0x200, v6;
	v8 =	vld.idx.msk [tilespmem:v58+s14+$0x0], $0xffff  }
0x43a: {  	v58 =	vor.u32 v29, v2;
	_ =	sdelay $0x3  }
0x43b: {  	[tilespmem:v10+s17+$0x0] =	vst.idx.msk $0xffff, v8  }
0x43c: {  	v10 =	vadd.s32 $0x280, v6;
	v8 =	vld.idx.msk [tilespmem:v58+s14+$0x0], $0xffff  }
0x43d: {  	v58 =	vor.u32 v31, v2;
	_ =	sdelay $0x3  }
0x43e: {  	[tilespmem:v10+s17+$0x0] =	vst.idx.msk $0xffff, v8  }
0x43f: {  	v10 =	vor.u32 $0x300, v6;
	v8 =	vld.idx.msk [tilespmem:v58+s14+$0x0], $0xffff  }
0x440: {  	v58 =	vor.u32 v33, v2;
	_ =	sdelay $0x3  }
0x441: {  	[tilespmem:v10+s17+$0x0] =	vst.idx.msk $0xffff, v8  }
0x442: {  	v10 =	vadd.s32 $0x380, v6;
	v8 =	vld.idx.msk [tilespmem:v58+s14+$0x0], $0xffff  }
0x443: {  	v58 =	vor.u32 v34, v2;
	_ =	sdelay $0x3  }
0x444: {  	[tilespmem:v10+s17+$0x0] =	vst.idx.msk $0xffff, v8  }
0x445: {  	v10 =	vor.u32 $0x400, v6;
	v8 =	vld.idx.msk [tilespmem:v58+s14+$0x0], $0xffff  }
0x446: {  	v58 =	vor.u32 v35, v2;
	_ =	sdelay $0x3  }
0x447: {  	[tilespmem:v10+s17+$0x0] =	vst.idx.msk $0xffff, v8  }
0x448: {  	v10 =	vadd.s32 $0x480, v6;
	v8 =	vld.idx.msk [tilespmem:v58+s14+$0x0], $0xffff  }
0x449: {  	v58 =	vor.u32 v36, v2;
	_ =	sdelay $0x3  }
0x44a: {  	[tilespmem:v10+s17+$0x0] =	vst.idx.msk $0xffff, v8  }
0x44b: {  	v10 =	vor.u32 $0x500, v6;
	v8 =	vld.idx.msk [tilespmem:v58+s14+$0x0], $0xffff  }
0x44c: {  	v58 =	vor.u32 v37, v2;
	_ =	sdelay $0x3  }
0x44d: {  	[tilespmem:v10+s17+$0x0] =	vst.idx.msk $0xffff, v8  }
0x44e: {  	v10 =	vadd.s32 $0x580, v6;
	v8 =	vld.idx.msk [tilespmem:v58+s14+$0x0], $0xffff  }
0x44f: {  	v58 =	vor.u32 v38, v2;
	_ =	sdelay $0x3  }
0x450: {  	[tilespmem:v10+s17+$0x0] =	vst.idx.msk $0xffff, v8  }
0x451: {  	v10 =	vor.u32 $0x600, v6;
	v8 =	vld.idx.msk [tilespmem:v58+s14+$0x0], $0xffff  }
0x452: {  	v58 =	vor.u32 v39, v2;
	_ =	sdelay $0x3  }
0x453: {  	[tilespmem:v10+s17+$0x0] =	vst.idx.msk $0xffff, v8  }
0x454: {  	v10 =	vadd.s32 $0x680, v6;
	v8 =	vld.idx.msk [tilespmem:v58+s14+$0x0], $0xffff  }
0x455: {  	v58 =	vor.u32 v40, v2;
	_ =	sdelay $0x3  }
0x456: {  	[tilespmem:v10+s17+$0x0] =	vst.idx.msk $0xffff, v8  }
0x457: {  	v10 =	vor.u32 $0x700, v6;
	v8 =	vld.idx.msk [tilespmem:v58+s14+$0x0], $0xffff  }
0x458: {  	v2 =	vor.u32 v41, v2;
	_ =	sdelay $0x3  }
0x459: {  	[tilespmem:v10+s17+$0x0] =	vst.idx.msk $0xffff, v8  }
0x45a: {  	v6 =	vadd.s32 $0x780, v6;
	v2 =	vld.idx.msk [tilespmem:v2+s14+$0x0], $0xffff;
	_ =	sdelay $0x4  }
0x45b: {  	[tilespmem:v6+s17+$0x0] =	vst.idx.msk $0xffff, v2  }
0x45c: {  	v2 =	vld [tilespmem:s23+$0x30];
	_ =	sdelay $0x2  }
0x45d: {  	v6 =	vor.u32 s22, v43  }
0x45e: {  	v8 =	vmulhi.u32 $0xCCCCCCCD, v6  }
0x45f: {  	v2 =	vshll.u32 v2, $0x4  }
0x460: {  	v8 =	vshrl.u32 v8, $0x3;
	v2 =	vand.u32 $0x70, v2  }
0x461: {  	v10 =	vmul.u32 $0xFFFFFFF6, v8;
	v58 =	vor.u32 v42, v2;
	_ =	sdelay $0x1  }
0x462: {  	v6 =	vadd.s32 v6, v10  }
0x463: {  	v10 =	vand.u32 $0x80, v8;
	v6 =	vshll.u32 v6, $0xB  }
0x464: {  	v8 =	vand.u32 $0x7F, v8;
	v6 =	vor.u32 v10, v6  }
0x465: {  	v6 =	vor.u32 v8, v6;
	v10 =	vld.idx.msk [tilespmem:v58+s14+$0x0], $0xffff  }
0x466: {  	v8 =	vor.u32 v44, v2;
	_ =	sdelay $0x3  }
0x467: {  	[tilespmem:v6+s17+$0x0] =	vst.idx.msk $0xffff, v10  }
0x468: {  	v10 =	vadd.s32 $0x80, v6;
	v8 =	vld.idx.msk [tilespmem:v8+s14+$0x0], $0xffff  }
0x469: {  	v58 =	vor.u32 v45, v2;
	_ =	sdelay $0x3  }
0x46a: {  	[tilespmem:v10+s17+$0x0] =	vst.idx.msk $0xffff, v8  }
0x46b: {  	v10 =	vor.u32 $0x100, v6;
	v8 =	vld.idx.msk [tilespmem:v58+s14+$0x0], $0xffff  }
0x46c: {  	v58 =	vor.u32 v46, v2;
	_ =	sdelay $0x3  }
0x46d: {  	[tilespmem:v10+s17+$0x0] =	vst.idx.msk $0xffff, v8  }
0x46e: {  	v10 =	vadd.s32 $0x180, v6;
	v8 =	vld.idx.msk [tilespmem:v58+s14+$0x0], $0xffff  }
0x46f: {  	v58 =	vor.u32 v47, v2;
	_ =	sdelay $0x3  }
0x470: {  	[tilespmem:v10+s17+$0x0] =	vst.idx.msk $0xffff, v8  }
0x471: {  	v10 =	vor.u32 $0x200, v6;
	v8 =	vld.idx.msk [tilespmem:v58+s14+$0x0], $0xffff  }
0x472: {  	v58 =	vor.u32 v48, v2;
	_ =	sdelay $0x3  }
0x473: {  	[tilespmem:v10+s17+$0x0] =	vst.idx.msk $0xffff, v8  }
0x474: {  	v10 =	vadd.s32 $0x280, v6;
	v8 =	vld.idx.msk [tilespmem:v58+s14+$0x0], $0xffff  }
0x475: {  	v58 =	vor.u32 v49, v2;
	_ =	sdelay $0x3  }
0x476: {  	[tilespmem:v10+s17+$0x0] =	vst.idx.msk $0xffff, v8  }
0x477: {  	v10 =	vor.u32 $0x300, v6;
	v8 =	vld.idx.msk [tilespmem:v58+s14+$0x0], $0xffff  }
0x478: {  	v58 =	vor.u32 v50, v2;
	_ =	sdelay $0x3  }
0x479: {  	[tilespmem:v10+s17+$0x0] =	vst.idx.msk $0xffff, v8  }
0x47a: {  	v10 =	vadd.s32 $0x380, v6;
	v8 =	vld.idx.msk [tilespmem:v58+s14+$0x0], $0xffff  }
0x47b: {  	v58 =	vor.u32 v51, v2;
	_ =	sdelay $0x3  }
0x47c: {  	[tilespmem:v10+s17+$0x0] =	vst.idx.msk $0xffff, v8  }
0x47d: {  	v10 =	vor.u32 $0x400, v6;
	v8 =	vld.idx.msk [tilespmem:v58+s14+$0x0], $0xffff  }
0x47e: {  	v58 =	vor.u32 v52, v2;
	_ =	sdelay $0x3  }
0x47f: {  	[tilespmem:v10+s17+$0x0] =	vst.idx.msk $0xffff, v8  }
0x480: {  	v10 =	vadd.s32 $0x480, v6;
	v8 =	vld.idx.msk [tilespmem:v58+s14+$0x0], $0xffff  }
0x481: {  	v58 =	vor.u32 v53, v2;
	_ =	sdelay $0x3  }
0x482: {  	[tilespmem:v10+s17+$0x0] =	vst.idx.msk $0xffff, v8  }
0x483: {  	v10 =	vor.u32 $0x500, v6;
	v8 =	vld.idx.msk [tilespmem:v58+s14+$0x0], $0xffff  }
0x484: {  	v58 =	vor.u32 v54, v2;
	_ =	sdelay $0x3  }
0x485: {  	[tilespmem:v10+s17+$0x0] =	vst.idx.msk $0xffff, v8  }
0x486: {  	v10 =	vadd.s32 $0x580, v6;
	v8 =	vld.idx.msk [tilespmem:v58+s14+$0x0], $0xffff  }
0x487: {  	v58 =	vor.u32 v55, v2;
	_ =	sdelay $0x3  }
0x488: {  	[tilespmem:v10+s17+$0x0] =	vst.idx.msk $0xffff, v8  }
0x489: {  	v10 =	vor.u32 $0x600, v6;
	v8 =	vld.idx.msk [tilespmem:v58+s14+$0x0], $0xffff  }
0x48a: {  	v58 =	vor.u32 v56, v2;
	_ =	sdelay $0x3  }
0x48b: {  	[tilespmem:v10+s17+$0x0] =	vst.idx.msk $0xffff, v8  }
0x48c: {  	v10 =	vadd.s32 $0x680, v6;
	v8 =	vld.idx.msk [tilespmem:v58+s14+$0x0], $0xffff  }
0x48d: {  	v58 =	vor.u32 v57, v2;
	_ =	sdelay $0x3  }
0x48e: {  	[tilespmem:v10+s17+$0x0] =	vst.idx.msk $0xffff, v8  }
0x48f: {  	v10 =	vor.u32 $0x700, v6;
	v8 =	vld.idx.msk [tilespmem:v58+s14+$0x0], $0xffff  }
0x490: {  	v2 =	vor.u32 v4, v2;
	_ =	sdelay $0x3  }
0x491: {  	[tilespmem:v10+s17+$0x0] =	vst.idx.msk $0xffff, v8  }
0x492: {  	p0 =	sne.s32 s22, $0x480;
	v6 =	vadd.s32 $0x780, v6;
	v2 =	vld.idx.msk [tilespmem:v2+s14+$0x0], $0xffff  }
.Ltmp1:
0x493: {  	_ = 	snop;
	(pc) =	sbr.rel @p0 .LBB2_3-.Ltmp1, $2  }
0x494: {  	_ =	sdelay $0x2  }
0x495: {  	s22 =	sadd.s32 $0x80, s22;
	s23 =	sadd.s32 $0x80, s23;
	v10 =	vlaneseq.u32;
	[tilespmem:v6+s17+$0x0] =	vst.idx.msk $0xffff, v2  }
0x496: {  	[hbm4b:s5+s18] =	stream.strided.scatter [tilespmem:s15], [sflag:$0x2], $0x1000, s19, s18, $0x38;
	[tilespmem:$0xA680] =	vst v63  }
0x497: {  	s20 =	sadd.s32 $0x1, s20;
	_ =	swait.ge [sflag:s10], $0x1000  }
0x498: {  	p0 =	sne.s32 s20, s9;
	[sflag:s10] =	ssyncset.done $0x0  }
.Ltmp2:
0x499: {  	[sflag:s10] =	ssyncadd.s32 $0xFFFFF000;
	(pc) =	sbr.rel @p0 .LBB2_1-.Ltmp2, $4  }
0x49a: {  	[hbm4b:s8+s18] =	stream.strided.scatter [tilespmem:s17], [sflag:$0x2], $0x5000, s19, s18, $0x38;
	[tilespmem:$0xA680] =	vst v63  }
0x49b: {  	_ =	swait.ge [sflag:s10], $0x5000  }
0x49c: {  	[sflag:s10] =	ssyncset.done $0x0  }
0x49d: {  	[sflag:s10] =	ssyncadd.s32 $0xFFFFB000  }
0x49e: {  	_ =	sfence.sel $0x180000  }
0x49f: {  	[bflag:$0x0] =	sbarrier.arrive $0xFFFF  }
0x4a0: {  	p0 =	sne.s32 s0, $0x0;
	_ =	strace $0x90000047  }
0x4a1: {  	s0 =	sadd.s32 @!p0 $0x100000, s1;
	[bflag:$0x2] =	sbarrier.arrive $0xFFFF  }
0x4a2: {  	[sflag:s0] =	ssyncadd.tile.s32 @!p0 $0x1;
	_ =	shalt  }
.Lfunc_end2:
_tile_overlayer_lowered:
.L_overlay_start_2:
0x4a3: {  	(tag) =	ssettag $0x2  }
0x4a4: {  	s0 =	rddreg [dreg:$0x0];
	s2 =	stileid.u32  }
0x4a5: {  	s1 =	rddreg [dreg:$0x1];
	p0 =	sne.s32 s2, $0x0  }
0x4a6: {  	s3 =	rddreg [dreg:$0x2];
	[bflag:$0x3] =	sbarrier.arrive $0xFFFF;
	s2 =	simm.s32 @!p0 $0x1C02  }
0x4a7: {  	[timem:s3], [sflag:s2] =	dma.local @!p0 [hbm:s0], s1  }
0x4a8: {  	s0 =	simm.s32 @!p0 $0x2  }
0x4a9: {  	_ =	swait.ge @!p0 [sflag:s0], s1  }
0x4aa: {  	s1 =	ssub.s32 @!p0 $0x0, s1;
	[sflag:s0] =	ssyncset.done @!p0 $0x0  }
0x4ab: {  	[sflag:s0] =	ssyncadd.s32 @!p0 s1  }
0x4ac: {  	[bflag:$0x3] =	sbarrier.arrive $0xFFFF  }
0x4ad: {  	_ =	shalt  }

</sc_bundles>
